<compile_context>
chip_gen: v7x
topology: tpu7x:2x2x1
jax: 0.10.2.dev20260603
libtpu: 0.0.44.dev20260713+nightly
codegen_flags: <defaults>
</compile_context>

<pallas_src>
import jax
import jax.numpy as jnp
from jax import lax
from jax.experimental import pallas as pl
from jax.experimental.pallas import tpu as pltpu
from jax.experimental.pallas import tpu_sc as plsc

NC = 2
NS = 16
NW = NC * NS

L = 16
NB = 32
XW = 128
_SLICES = (0, 16, 32, 48, 64, 80, 84)


def _sc_body(x_hbm, tab_hbm, out_hbm, xv, idx_v, rows_v, off_v, rid_v,
             tab_sh, sem):
    wid = lax.axis_index("s") * NC + lax.axis_index("c")
    n_total = x_hbm.shape[0]
    n_genes = out_hbm.shape[1]
    nb_w = n_total // NW
    n_chunks = nb_w // NB

    @pl.when(lax.axis_index("s") == 0)
    def _stage():
        pltpu.sync_copy(tab_hbm, tab_sh)

    iota = lax.iota(jnp.int32, L)
    for st in _SLICES:
        off_v[pl.ds(st, L)] = (iota + st) * 3

    plsc.subcore_barrier()

    def chunk(i, carry):
        nb0 = wid * nb_w + i * NB
        rid_v[pl.ds(0, L)] = nb0 + iota
        rid_v[pl.ds(L, L)] = nb0 + L + iota
        pltpu.async_copy(x_hbm.at[rid_v], xv, sem).wait()
        for r in range(NB):
            for st in _SLICES:
                sl = pl.ds(st, L)
                idx_v[r, sl] = xv[r, sl] + off_v[sl]
        cps = [
            pltpu.async_copy(tab_sh.at[idx_v.at[r]], rows_v.at[r], sem)
            for r in range(NB)
        ]
        for c in cps:
            c.wait()
        pltpu.sync_copy(rows_v, out_hbm.at[pl.ds(nb0, NB)])
        return carry

    lax.fori_loop(0, n_chunks, chunk, 0)


def _pad_body(x_ref, o_ref):
    blk = x_ref[...]
    z = jnp.zeros((blk.shape[0], XW - blk.shape[1]), blk.dtype)
    o_ref[...] = jnp.concatenate([blk, z], axis=1)


def kernel(x, emb_tables):
    n, g = x.shape
    _, cat, h = emb_tables.shape
    rows = n * g
    blk = 2048
    xp = pl.pallas_call(
        _pad_body,
        grid=(n // blk,),
        in_specs=[pl.BlockSpec((blk, g), lambda i: (i, 0))],
        out_specs=pl.BlockSpec((blk, XW), lambda i: (i, 0)),
        out_shape=jax.ShapeDtypeStruct((n, XW), jnp.int32),
    )(x)
    tab = emb_tables.reshape(g * cat, h)

    mesh = plsc.VectorSubcoreMesh(core_axis_name="c", subcore_axis_name="s")
    out = pl.kernel(
        _sc_body,
        out_type=jax.ShapeDtypeStruct((n, g, h), jnp.float32),
        mesh=mesh,
        scratch_types=[
            pltpu.VMEM((NB, XW), jnp.int32),
            pltpu.VMEM((NB, g), jnp.int32),
            pltpu.VMEM((NB, g, h), jnp.float32),
            pltpu.VMEM((g,), jnp.int32),
            pltpu.VMEM((NB,), jnp.int32),
            pltpu.VMEM_SHARED((g * cat, h), jnp.float32),
            pltpu.SemaphoreType.DMA,
        ],
        compiler_params=pltpu.CompilerParams(use_tc_tiling_on_sc=False),
    )(xp, tab)
    return out

# --- scband reference (transcript-rebuilt; emitter-appended) ---
"""Pipeline reference for scband-gene-encoder-21792664060253 (READ-ONLY COPY).

The authoritative reference and input builder live on the scoring server;
editing this copy changes nothing except your own understanding.
"""

import jax, jax.numpy as jnp
import numpy as np

NB_GENES = 100
HIDDEN = 16
BATCH = 16384
CAT_SIZE = 3  # cat_sizes = [3] * nb_genes


def setup_inputs(seed: int = 0) -> dict:
    key = jax.random.key(seed)
    k1, k2 = jax.random.split(key)
    # categorical gene values in {0,1,2}; genes_idx covers all 100 columns in order
    x = jax.random.randint(k1, (BATCH, NB_GENES), 0, CAT_SIZE, dtype=jnp.int32)
    # one entity-embedding table per gene (genes_emb_sharing=False):
    # stacked as (NB_GENES, CAT_SIZE, HIDDEN)
    emb_tables = jax.random.normal(k2, (NB_GENES, CAT_SIZE, HIDDEN), dtype=jnp.float32) * 0.05
    return {"x": x, "emb_tables": emb_tables}


def reference(x, emb_tables):
    # EntityEmbeddingBlock: for each gene g, look up embedding emb_tables[g, x[:, genes_idx[g]], :]
    # then concatenate along the feature axis -> (N, NB_GENES * HIDDEN)
    n = x.shape[0]
    gene_ids = jnp.arange(NB_GENES, dtype=jnp.int32)[None, :]  # (1, G)
    h = emb_tables[gene_ids, x]  # gather -> (N, G, H)
    h = h.reshape(n, NB_GENES * HIDDEN)  # concat of per-gene embeddings
    # GeneEncoder._compute_genes_emb: reshape to (N, NB_GENES, HIDDEN)
    h = h.reshape(n, NB_GENES, HIDDEN)
    return h

if __name__ == "__main__":
    import jax
    _d = setup_inputs()
    print(jax.jit(kernel)(*tuple(_d.values())))

</pallas_src>

<mosaic_0001>
#map = affine_map<(d0, d1) -> (0, 0)>
#map1 = affine_map<(d0, d1) -> (0, 0, 0)>
module attributes {stable_mosaic.version = 14 : i64} {
  func.func @_sc_body(%arg0: i32, %arg1: i32, %arg2: memref<16384x128xi32, #tpu.memory_space<hbm>>, %arg3: memref<300x16xf32, #tpu.memory_space<hbm>>, %arg4: memref<16384x100x16xf32, #tpu.memory_space<hbm>>, %arg5: memref<32x128xi32, #tpu.memory_space<vmem>>, %arg6: memref<32x100xi32, #tpu.memory_space<vmem>>, %arg7: memref<32x100x16xf32, #tpu.memory_space<vmem>>, %arg8: memref<100xi32, #tpu.memory_space<vmem>>, %arg9: memref<32xi32, #tpu.memory_space<vmem>>, %arg10: memref<300x16xf32, #tpu.memory_space<vmem_shared>>, %arg11: memref<!tpu.dma_semaphore, #tpu.memory_space<semaphore_mem>>) attributes {dimension_semantics = [#tpu.dimension_semantics<core_parallel>, #tpu.dimension_semantics<subcore_parallel>], iteration_bounds = array<i64: 2, 16>, scalar_prefetch = 0 : i64, scratch_operands = 7 : i64, tpu.core_type = #tpu.core_type<sc_vector_subcore>, window_params = [{transform_indices = #map}, {transform_indices = #map}, {transform_indices = #map1}]} {
    %mul3A = arith.constant 2 : i32
    %mul3A_0 = arith.muli %arg1, %mul3A : i32
    %add3A = arith.addi %mul3A_0, %arg0 : i32
    %eq3A = arith.constant 0 : i32
    %eq3A_1 = arith.cmpi eq, %arg1, %eq3A : i32
    %convert_element_type3A = arith.extui %eq3A_1 : i1 to i32
    %cond3A = arith.constant 0 : i32
    %cond3A_2 = arith.cmpi ne, %convert_element_type3A, %cond3A : i32
    scf.if %cond3A_2 {
      "tpu.region"() ({
        %run_scoped3A = tpu.sem_alloc : memref<!tpu.dma_semaphore, #tpu.memory_space<semaphore_mem>>
        tpu.enqueue_dma source(%arg3 : memref<300x16xf32, #tpu.memory_space<hbm>>) target(%arg10 : memref<300x16xf32, #tpu.memory_space<vmem_shared>>) target_semaphore(%run_scoped3A : memref<!tpu.dma_semaphore, #tpu.memory_space<semaphore_mem>>)
        tpu.wait_dma2 semaphore(%run_scoped3A : memref<!tpu.dma_semaphore, #tpu.memory_space<semaphore_mem>>) src(%arg3 : memref<300x16xf32, #tpu.memory_space<hbm>>) dst(%arg10 : memref<300x16xf32, #tpu.memory_space<vmem_shared>>)
        tpu.yield
      }) : () -> ()
    } else {
    }
    %iota3A = tpu.iota {dimensions = array<i32: 0>} : vector<16xi32>
    %add3A_3 = arith.constant 0 : i32
    %add3A_4 = vector.broadcast %add3A_3 : i32 to vector<16xi32>
    %add3A_5 = arith.addi %iota3A, %add3A_4 : vector<16xi32>
    %mul3A_6 = arith.constant 3 : i32
    %mul3A_7 = vector.broadcast %mul3A_6 : i32 to vector<16xi32>
    %mul3A_8 = arith.muli %add3A_5, %mul3A_7 : vector<16xi32>
    %swap3A = arith.constant 0 : index
    %swap3A_9 = tpu.vector_load %arg8[%swap3A] {strides = array<i32>} : memref<100xi32, #tpu.memory_space<vmem>>, vector<16xi32>,
    %swap3A_10 = vector.shape_cast %swap3A_9 : vector<16xi32> to vector<16xi32>
    %swap3A_11 = vector.shape_cast %mul3A_8 : vector<16xi32> to vector<16xi32>
    tpu.vector_store %arg8[%swap3A], %swap3A_11 {strides = array<i32>} : memref<100xi32, #tpu.memory_space<vmem>>, vector<16xi32>,
    %add3A_12 = arith.constant 16 : i32
    %add3A_13 = vector.broadcast %add3A_12 : i32 to vector<16xi32>
    %add3A_14 = arith.addi %iota3A, %add3A_13 : vector<16xi32>
    %mul3A_15 = arith.constant 3 : i32
    %mul3A_16 = vector.broadcast %mul3A_15 : i32 to vector<16xi32>
    %mul3A_17 = arith.muli %add3A_14, %mul3A_16 : vector<16xi32>
    %swap3A_18 = arith.constant 16 : index
    %swap3A_19 = tpu.vector_load %arg8[%swap3A_18] {strides = array<i32>} : memref<100xi32, #tpu.memory_space<vmem>>, vector<16xi32>,
    %swap3A_20 = vector.shape_cast %swap3A_19 : vector<16xi32> to vector<16xi32>
    %swap3A_21 = vector.shape_cast %mul3A_17 : vector<16xi32> to vector<16xi32>
    tpu.vector_store %arg8[%swap3A_18], %swap3A_21 {strides = array<i32>} : memref<100xi32, #tpu.memory_space<vmem>>, vector<16xi32>,
    %add3A_22 = arith.constant 32 : i32
    %add3A_23 = vector.broadcast %add3A_22 : i32 to vector<16xi32>
    %add3A_24 = arith.addi %iota3A, %add3A_23 : vector<16xi32>
    %mul3A_25 = arith.constant 3 : i32
    %mul3A_26 = vector.broadcast %mul3A_25 : i32 to vector<16xi32>
    %mul3A_27 = arith.muli %add3A_24, %mul3A_26 : vector<16xi32>
    %swap3A_28 = arith.constant 32 : index
    %swap3A_29 = tpu.vector_load %arg8[%swap3A_28] {strides = array<i32>} : memref<100xi32, #tpu.memory_space<vmem>>, vector<16xi32>,
    %swap3A_30 = vector.shape_cast %swap3A_29 : vector<16xi32> to vector<16xi32>
    %swap3A_31 = vector.shape_cast %mul3A_27 : vector<16xi32> to vector<16xi32>
    tpu.vector_store %arg8[%swap3A_28], %swap3A_31 {strides = array<i32>} : memref<100xi32, #tpu.memory_space<vmem>>, vector<16xi32>,
    %add3A_32 = arith.constant 48 : i32
    %add3A_33 = vector.broadcast %add3A_32 : i32 to vector<16xi32>
    %add3A_34 = arith.addi %iota3A, %add3A_33 : vector<16xi32>
    %mul3A_35 = arith.constant 3 : i32
    %mul3A_36 = vector.broadcast %mul3A_35 : i32 to vector<16xi32>
    %mul3A_37 = arith.muli %add3A_34, %mul3A_36 : vector<16xi32>
    %swap3A_38 = arith.constant 48 : index
    %swap3A_39 = tpu.vector_load %arg8[%swap3A_38] {strides = array<i32>} : memref<100xi32, #tpu.memory_space<vmem>>, vector<16xi32>,
    %swap3A_40 = vector.shape_cast %swap3A_39 : vector<16xi32> to vector<16xi32>
    %swap3A_41 = vector.shape_cast %mul3A_37 : vector<16xi32> to vector<16xi32>
    tpu.vector_store %arg8[%swap3A_38], %swap3A_41 {strides = array<i32>} : memref<100xi32, #tpu.memory_space<vmem>>, vector<16xi32>,
    %add3A_42 = arith.constant 64 : i32
    %add3A_43 = vector.broadcast %add3A_42 : i32 to vector<16xi32>
    %add3A_44 = arith.addi %iota3A, %add3A_43 : vector<16xi32>
    %mul3A_45 = arith.constant 3 : i32
    %mul3A_46 = vector.broadcast %mul3A_45 : i32 to vector<16xi32>
    %mul3A_47 = arith.muli %add3A_44, %mul3A_46 : vector<16xi32>
    %swap3A_48 = arith.constant 64 : index
    %swap3A_49 = tpu.vector_load %arg8[%swap3A_48] {strides = array<i32>} : memref<100xi32, #tpu.memory_space<vmem>>, vector<16xi32>,
    %swap3A_50 = vector.shape_cast %swap3A_49 : vector<16xi32> to vector<16xi32>
    %swap3A_51 = vector.shape_cast %mul3A_47 : vector<16xi32> to vector<16xi32>
    tpu.vector_store %arg8[%swap3A_48], %swap3A_51 {strides = array<i32>} : memref<100xi32, #tpu.memory_space<vmem>>, vector<16xi32>,
    %add3A_52 = arith.constant 80 : i32
    %add3A_53 = vector.broadcast %add3A_52 : i32 to vector<16xi32>
    %add3A_54 = arith.addi %iota3A, %add3A_53 : vector<16xi32>
    %mul3A_55 = arith.constant 3 : i32
    %mul3A_56 = vector.broadcast %mul3A_55 : i32 to vector<16xi32>
    %mul3A_57 = arith.muli %add3A_54, %mul3A_56 : vector<16xi32>
    %swap3A_58 = arith.constant 80 : index
    %swap3A_59 = tpu.vector_load %arg8[%swap3A_58] {strides = array<i32>} : memref<100xi32, #tpu.memory_space<vmem>>, vector<16xi32>,
    %swap3A_60 = vector.shape_cast %swap3A_59 : vector<16xi32> to vector<16xi32>
    %swap3A_61 = vector.shape_cast %mul3A_57 : vector<16xi32> to vector<16xi32>
    tpu.vector_store %arg8[%swap3A_58], %swap3A_61 {strides = array<i32>} : memref<100xi32, #tpu.memory_space<vmem>>, vector<16xi32>,
    %add3A_62 = arith.constant 84 : i32
    %add3A_63 = vector.broadcast %add3A_62 : i32 to vector<16xi32>
    %add3A_64 = arith.addi %iota3A, %add3A_63 : vector<16xi32>
    %mul3A_65 = arith.constant 3 : i32
    %mul3A_66 = vector.broadcast %mul3A_65 : i32 to vector<16xi32>
    %mul3A_67 = arith.muli %add3A_64, %mul3A_66 : vector<16xi32>
    %swap3A_68 = arith.constant 84 : index
    %swap3A_69 = tpu.vector_load %arg8[%swap3A_68] {strides = array<i32>} : memref<100xi32, #tpu.memory_space<vmem>>, vector<16xi32>,
    %swap3A_70 = vector.shape_cast %swap3A_69 : vector<16xi32> to vector<16xi32>
    %swap3A_71 = vector.shape_cast %mul3A_67 : vector<16xi32> to vector<16xi32>
    tpu.vector_store %arg8[%swap3A_68], %swap3A_71 {strides = array<i32>} : memref<100xi32, #tpu.memory_space<vmem>>, vector<16xi32>,
    %barrier3A = arith.constant 0 : index
    tpu.barrier barrier_id(%barrier3A)
    %scan3A = arith.constant 0 : i32
    %scan3A_72 = arith.constant 0 : i32
    %scan3A_73 = arith.constant 16 : i32
    %scan3A_74 = arith.addi %scan3A_72, %scan3A_73 : i32
    %scan3A_75 = arith.constant 1 : i32
    scf.for %scan3A_77 = %scan3A_72 to %scan3A_74 step %scan3A_75  : i32 {
      %mul3A_78 = arith.constant 512 : i32
      %mul3A_79 = arith.muli %add3A, %mul3A_78 : i32
      %mul3A_80 = arith.constant 32 : i32
      %mul3A_81 = arith.muli %scan3A_77, %mul3A_80 : i32
      %add3A_82 = arith.addi %mul3A_79, %mul3A_81 : i32
      %add3A_83 = vector.broadcast %add3A_82 : i32 to vector<16xi32>
      %add3A_84 = arith.addi %add3A_83, %iota3A : vector<16xi32>
      %swap3A_85 = arith.constant 0 : index
      %swap3A_86 = tpu.vector_load %arg9[%swap3A_85] {strides = array<i32>} : memref<32xi32, #tpu.memory_space<vmem>>, vector<16xi32>,
      %swap3A_87 = vector.shape_cast %swap3A_86 : vector<16xi32> to vector<16xi32>
      %swap3A_88 = vector.shape_cast %add3A_84 : vector<16xi32> to vector<16xi32>
      tpu.vector_store %arg9[%swap3A_85], %swap3A_88 {strides = array<i32>} : memref<32xi32, #tpu.memory_space<vmem>>, vector<16xi32>,
      %add3A_89 = arith.constant 16 : i32
      %add3A_90 = arith.addi %add3A_82, %add3A_89 : i32
      %add3A_91 = vector.broadcast %add3A_90 : i32 to vector<16xi32>
      %add3A_92 = arith.addi %add3A_91, %iota3A : vector<16xi32>
      %swap3A_93 = arith.constant 16 : index
      %swap3A_94 = tpu.vector_load %arg9[%swap3A_93] {strides = array<i32>} : memref<32xi32, #tpu.memory_space<vmem>>, vector<16xi32>,
      %swap3A_95 = vector.shape_cast %swap3A_94 : vector<16xi32> to vector<16xi32>
      %swap3A_96 = vector.shape_cast %add3A_92 : vector<16xi32> to vector<16xi32>
      tpu.vector_store %arg9[%swap3A_93], %swap3A_96 {strides = array<i32>} : memref<32xi32, #tpu.memory_space<vmem>>, vector<16xi32>,
      %dma_start3A = arith.constant 0 : i32
      %dma_start3A_97 = arith.constant 0 : i32
      %dma_start3A_98 = tpu.memref_slice %arg2[%dma_start3A, %dma_start3A_97] : memref<16384x128xi32, #tpu.memory_space<hbm>> -> memref<16384x128xi32, #tpu.memory_space<hbm>>
      tpu.enqueue_indirect_dma source(%dma_start3A_98 : memref<16384x128xi32, #tpu.memory_space<hbm>>) target(%arg5 : memref<32x128xi32, #tpu.memory_space<vmem>>) offsets(%arg9 : memref<32xi32, #tpu.memory_space<vmem>>) semaphore(%arg11 : memref<!tpu.dma_semaphore, #tpu.memory_space<semaphore_mem>>)
      %dma_wait3A = arith.constant 0 : i32
      %dma_wait3A_99 = arith.constant 0 : i32
      %dma_wait3A_100 = tpu.memref_slice %arg2[%dma_wait3A, %dma_wait3A_99] : memref<16384x128xi32, #tpu.memory_space<hbm>> -> memref<16384x128xi32, #tpu.memory_space<hbm>>
      tpu.wait_indirect_dma semaphore(%arg11 : memref<!tpu.dma_semaphore, #tpu.memory_space<semaphore_mem>>) src(%dma_wait3A_100 : memref<16384x128xi32, #tpu.memory_space<hbm>>) dst(%arg5 : memref<32x128xi32, #tpu.memory_space<vmem>>)
      %get3A = arith.constant 0 : i32
      %get3A_101 = arith.index_cast %get3A : i32 to index
      %get3A_102 = arith.constant 0 : index
      %get3A_103 = tpu.vector_load %arg5[%get3A_101, %get3A_102] {strides = array<i32>} : memref<32x128xi32, #tpu.memory_space<vmem>>, vector<1x16xi32>,
      %get3A_104 = vector.shape_cast %get3A_103 : vector<1x16xi32> to vector<16xi32>
      %get3A_105 = arith.constant 0 : index
      %get3A_106 = tpu.vector_load %arg8[%get3A_105] {strides = array<i32>} : memref<100xi32, #tpu.memory_space<vmem>>, vector<16xi32>,
      %get3A_107 = vector.shape_cast %get3A_106 : vector<16xi32> to vector<16xi32>
      %add3A_108 = arith.addi %get3A_104, %get3A_107 : vector<16xi32>
      %swap3A_109 = arith.constant 0 : i32
      %swap3A_110 = arith.index_cast %swap3A_109 : i32 to index
      %swap3A_111 = arith.constant 0 : index
      %swap3A_112 = tpu.vector_load %arg6[%swap3A_110, %swap3A_111] {strides = array<i32>} : memref<32x100xi32, #tpu.memory_space<vmem>>, vector<1x16xi32>,
      %swap3A_113 = vector.shape_cast %swap3A_112 : vector<1x16xi32> to vector<16xi32>
      %swap3A_114 = vector.shape_cast %add3A_108 : vector<16xi32> to vector<1x16xi32>
      tpu.vector_store %arg6[%swap3A_110, %swap3A_111], %swap3A_114 {strides = array<i32>} : memref<32x100xi32, #tpu.memory_space<vmem>>, vector<1x16xi32>,
      %get3A_115 = arith.constant 0 : i32
      %get3A_116 = arith.index_cast %get3A_115 : i32 to index
      %get3A_117 = arith.constant 16 : index
      %get3A_118 = tpu.vector_load %arg5[%get3A_116, %get3A_117] {strides = array<i32>} : memref<32x128xi32, #tpu.memory_space<vmem>>, vector<1x16xi32>,
      %get3A_119 = vector.shape_cast %get3A_118 : vector<1x16xi32> to vector<16xi32>
      %get3A_120 = arith.constant 16 : index
      %get3A_121 = tpu.vector_load %arg8[%get3A_120] {strides = array<i32>} : memref<100xi32, #tpu.memory_space<vmem>>, vector<16xi32>,
      %get3A_122 = vector.shape_cast %get3A_121 : vector<16xi32> to vector<16xi32>
      %add3A_123 = arith.addi %get3A_119, %get3A_122 : vector<16xi32>
      %swap3A_124 = arith.constant 0 : i32
      %swap3A_125 = arith.index_cast %swap3A_124 : i32 to index
      %swap3A_126 = arith.constant 16 : index
      %swap3A_127 = tpu.vector_load %arg6[%swap3A_125, %swap3A_126] {strides = array<i32>} : memref<32x100xi32, #tpu.memory_space<vmem>>, vector<1x16xi32>,
      %swap3A_128 = vector.shape_cast %swap3A_127 : vector<1x16xi32> to vector<16xi32>
      %swap3A_129 = vector.shape_cast %add3A_123 : vector<16xi32> to vector<1x16xi32>
      tpu.vector_store %arg6[%swap3A_125, %swap3A_126], %swap3A_129 {strides = array<i32>} : memref<32x100xi32, #tpu.memory_space<vmem>>, vector<1x16xi32>,
      %get3A_130 = arith.constant 0 : i32
      %get3A_131 = arith.index_cast %get3A_130 : i32 to index
      %get3A_132 = arith.constant 32 : index
      %get3A_133 = tpu.vector_load %arg5[%get3A_131, %get3A_132] {strides = array<i32>} : memref<32x128xi32, #tpu.memory_space<vmem>>, vector<1x16xi32>,
      %get3A_134 = vector.shape_cast %get3A_133 : vector<1x16xi32> to vector<16xi32>
      %get3A_135 = arith.constant 32 : index
      %get3A_136 = tpu.vector_load %arg8[%get3A_135] {strides = array<i32>} : memref<100xi32, #tpu.memory_space<vmem>>, vector<16xi32>,
      %get3A_137 = vector.shape_cast %get3A_136 : vector<16xi32> to vector<16xi32>
      %add3A_138 = arith.addi %get3A_134, %get3A_137 : vector<16xi32>
      %swap3A_139 = arith.constant 0 : i32
      %swap3A_140 = arith.index_cast %swap3A_139 : i32 to index
      %swap3A_141 = arith.constant 32 : index
      %swap3A_142 = tpu.vector_load %arg6[%swap3A_140, %swap3A_141] {strides = array<i32>} : memref<32x100xi32, #tpu.memory_space<vmem>>, vector<1x16xi32>,
      %swap3A_143 = vector.shape_cast %swap3A_142 : vector<1x16xi32> to vector<16xi32>
      %swap3A_144 = vector.shape_cast %add3A_138 : vector<16xi32> to vector<1x16xi32>
      tpu.vector_store %arg6[%swap3A_140, %swap3A_141], %swap3A_144 {strides = array<i32>} : memref<32x100xi32, #tpu.memory_space<vmem>>, vector<1x16xi32>,
      %get3A_145 = arith.constant 0 : i32
      %get3A_146 = arith.index_cast %get3A_145 : i32 to index
      %get3A_147 = arith.constant 48 : index
      %get3A_148 = tpu.vector_load %arg5[%get3A_146, %get3A_147] {strides = array<i32>} : memref<32x128xi32, #tpu.memory_space<vmem>>, vector<1x16xi32>,
      %get3A_149 = vector.shape_cast %get3A_148 : vector<1x16xi32> to vector<16xi32>
      %get3A_150 = arith.constant 48 : index
      %get3A_151 = tpu.vector_load %arg8[%get3A_150] {strides = array<i32>} : memref<100xi32, #tpu.memory_space<vmem>>, vector<16xi32>,
      %get3A_152 = vector.shape_cast %get3A_151 : vector<16xi32> to vector<16xi32>
      %add3A_153 = arith.addi %get3A_149, %get3A_152 : vector<16xi32>
      %swap3A_154 = arith.constant 0 : i32
      %swap3A_155 = arith.index_cast %swap3A_154 : i32 to index
      %swap3A_156 = arith.constant 48 : index
      %swap3A_157 = tpu.vector_load %arg6[%swap3A_155, %swap3A_156] {strides = array<i32>} : memref<32x100xi32, #tpu.memory_space<vmem>>, vector<1x16xi32>,
      %swap3A_158 = vector.shape_cast %swap3A_157 : vector<1x16xi32> to vector<16xi32>
      %swap3A_159 = vector.shape_cast %add3A_153 : vector<16xi32> to vector<1x16xi32>
      tpu.vector_store %arg6[%swap3A_155, %swap3A_156], %swap3A_159 {strides = array<i32>} : memref<32x100xi32, #tpu.memory_space<vmem>>, vector<1x16xi32>,
      %get3A_160 = arith.constant 0 : i32
      %get3A_161 = arith.index_cast %get3A_160 : i32 to index
      %get3A_162 = arith.constant 64 : index
      %get3A_163 = tpu.vector_load %arg5[%get3A_161, %get3A_162] {strides = array<i32>} : memref<32x128xi32, #tpu.memory_space<vmem>>, vector<1x16xi32>,
      %get3A_164 = vector.shape_cast %get3A_163 : vector<1x16xi32> to vector<16xi32>
      %get3A_165 = arith.constant 64 : index
      %get3A_166 = tpu.vector_load %arg8[%get3A_165] {strides = array<i32>} : memref<100xi32, #tpu.memory_space<vmem>>, vector<16xi32>,
      %get3A_167 = vector.shape_cast %get3A_166 : vector<16xi32> to vector<16xi32>
      %add3A_168 = arith.addi %get3A_164, %get3A_167 : vector<16xi32>
      %swap3A_169 = arith.constant 0 : i32
      %swap3A_170 = arith.index_cast %swap3A_169 : i32 to index
      %swap3A_171 = arith.constant 64 : index
      %swap3A_172 = tpu.vector_load %arg6[%swap3A_170, %swap3A_171] {strides = array<i32>} : memref<32x100xi32, #tpu.memory_space<vmem>>, vector<1x16xi32>,
      %swap3A_173 = vector.shape_cast %swap3A_172 : vector<1x16xi32> to vector<16xi32>
      %swap3A_174 = vector.shape_cast %add3A_168 : vector<16xi32> to vector<1x16xi32>
      tpu.vector_store %arg6[%swap3A_170, %swap3A_171], %swap3A_174 {strides = array<i32>} : memref<32x100xi32, #tpu.memory_space<vmem>>, vector<1x16xi32>,
      %get3A_175 = arith.constant 0 : i32
      %get3A_176 = arith.index_cast %get3A_175 : i32 to index
      %get3A_177 = arith.constant 80 : index
      %get3A_178 = tpu.vector_load %arg5[%get3A_176, %get3A_177] {strides = array<i32>} : memref<32x128xi32, #tpu.memory_space<vmem>>, vector<1x16xi32>,
      %get3A_179 = vector.shape_cast %get3A_178 : vector<1x16xi32> to vector<16xi32>
      %get3A_180 = arith.constant 80 : index
      %get3A_181 = tpu.vector_load %arg8[%get3A_180] {strides = array<i32>} : memref<100xi32, #tpu.memory_space<vmem>>, vector<16xi32>,
      %get3A_182 = vector.shape_cast %get3A_181 : vector<16xi32> to vector<16xi32>
      %add3A_183 = arith.addi %get3A_179, %get3A_182 : vector<16xi32>
      %swap3A_184 = arith.constant 0 : i32
      %swap3A_185 = arith.index_cast %swap3A_184 : i32 to index
      %swap3A_186 = arith.constant 80 : index
      %swap3A_187 = tpu.vector_load %arg6[%swap3A_185, %swap3A_186] {strides = array<i32>} : memref<32x100xi32, #tpu.memory_space<vmem>>, vector<1x16xi32>,
      %swap3A_188 = vector.shape_cast %swap3A_187 : vector<1x16xi32> to vector<16xi32>
      %swap3A_189 = vector.shape_cast %add3A_183 : vector<16xi32> to vector<1x16xi32>
      tpu.vector_store %arg6[%swap3A_185, %swap3A_186], %swap3A_189 {strides = array<i32>} : memref<32x100xi32, #tpu.memory_space<vmem>>, vector<1x16xi32>,
      %get3A_190 = arith.constant 0 : i32
      %get3A_191 = arith.index_cast %get3A_190 : i32 to index
      %get3A_192 = arith.constant 84 : index
      %get3A_193 = tpu.vector_load %arg5[%get3A_191, %get3A_192] {strides = array<i32>} : memref<32x128xi32, #tpu.memory_space<vmem>>, vector<1x16xi32>,
      %get3A_194 = vector.shape_cast %get3A_193 : vector<1x16xi32> to vector<16xi32>
      %get3A_195 = arith.constant 84 : index
      %get3A_196 = tpu.vector_load %arg8[%get3A_195] {strides = array<i32>} : memref<100xi32, #tpu.memory_space<vmem>>, vector<16xi32>,
      %get3A_197 = vector.shape_cast %get3A_196 : vector<16xi32> to vector<16xi32>
      %add3A_198 = arith.addi %get3A_194, %get3A_197 : vector<16xi32>
      %swap3A_199 = arith.constant 0 : i32
      %swap3A_200 = arith.index_cast %swap3A_199 : i32 to index
      %swap3A_201 = arith.constant 84 : index
      %swap3A_202 = tpu.vector_load %arg6[%swap3A_200, %swap3A_201] {strides = array<i32>} : memref<32x100xi32, #tpu.memory_space<vmem>>, vector<1x16xi32>,
      %swap3A_203 = vector.shape_cast %swap3A_202 : vector<1x16xi32> to vector<16xi32>
      %swap3A_204 = vector.shape_cast %add3A_198 : vector<16xi32> to vector<1x16xi32>
      tpu.vector_store %arg6[%swap3A_200, %swap3A_201], %swap3A_204 {strides = array<i32>} : memref<32x100xi32, #tpu.memory_space<vmem>>, vector<1x16xi32>,
      %get3A_205 = arith.constant 1 : i32
      %get3A_206 = arith.index_cast %get3A_205 : i32 to index
      %get3A_207 = arith.constant 0 : index
      %get3A_208 = tpu.vector_load %arg5[%get3A_206, %get3A_207] {strides = array<i32>} : memref<32x128xi32, #tpu.memory_space<vmem>>, vector<1x16xi32>,
      %get3A_209 = vector.shape_cast %get3A_208 : vector<1x16xi32> to vector<16xi32>
      %get3A_210 = arith.constant 0 : index
      %get3A_211 = tpu.vector_load %arg8[%get3A_210] {strides = array<i32>} : memref<100xi32, #tpu.memory_space<vmem>>, vector<16xi32>,
      %get3A_212 = vector.shape_cast %get3A_211 : vector<16xi32> to vector<16xi32>
      %add3A_213 = arith.addi %get3A_209, %get3A_212 : vector<16xi32>
      %swap3A_214 = arith.constant 1 : i32
      %swap3A_215 = arith.index_cast %swap3A_214 : i32 to index
      %swap3A_216 = arith.constant 0 : index
      %swap3A_217 = tpu.vector_load %arg6[%swap3A_215, %swap3A_216] {strides = array<i32>} : memref<32x100xi32, #tpu.memory_space<vmem>>, vector<1x16xi32>,
      %swap3A_218 = vector.shape_cast %swap3A_217 : vector<1x16xi32> to vector<16xi32>
      %swap3A_219 = vector.shape_cast %add3A_213 : vector<16xi32> to vector<1x16xi32>
      tpu.vector_store %arg6[%swap3A_215, %swap3A_216], %swap3A_219 {strides = array<i32>} : memref<32x100xi32, #tpu.memory_space<vmem>>, vector<1x16xi32>,
      %get3A_220 = arith.constant 1 : i32
      %get3A_221 = arith.index_cast %get3A_220 : i32 to index
      %get3A_222 = arith.constant 16 : index
      %get3A_223 = tpu.vector_load %arg5[%get3A_221, %get3A_222] {strides = array<i32>} : memref<32x128xi32, #tpu.memory_space<vmem>>, vector<1x16xi32>,
      %get3A_224 = vector.shape_cast %get3A_223 : vector<1x16xi32> to vector<16xi32>
      %get3A_225 = arith.constant 16 : index
      %get3A_226 = tpu.vector_load %arg8[%get3A_225] {strides = array<i32>} : memref<100xi32, #tpu.memory_space<vmem>>, vector<16xi32>,
      %get3A_227 = vector.shape_cast %get3A_226 : vector<16xi32> to vector<16xi32>
      %add3A_228 = arith.addi %get3A_224, %get3A_227 : vector<16xi32>
      %swap3A_229 = arith.constant 1 : i32
      %swap3A_230 = arith.index_cast %swap3A_229 : i32 to index
      %swap3A_231 = arith.constant 16 : index
      %swap3A_232 = tpu.vector_load %arg6[%swap3A_230, %swap3A_231] {strides = array<i32>} : memref<32x100xi32, #tpu.memory_space<vmem>>, vector<1x16xi32>,
      %swap3A_233 = vector.shape_cast %swap3A_232 : vector<1x16xi32> to vector<16xi32>
      %swap3A_234 = vector.shape_cast %add3A_228 : vector<16xi32> to vector<1x16xi32>
      tpu.vector_store %arg6[%swap3A_230, %swap3A_231], %swap3A_234 {strides = array<i32>} : memref<32x100xi32, #tpu.memory_space<vmem>>, vector<1x16xi32>,
      %get3A_235 = arith.constant 1 : i32
      %get3A_236 = arith.index_cast %get3A_235 : i32 to index
      %get3A_237 = arith.constant 32 : index
      %get3A_238 = tpu.vector_load %arg5[%get3A_236, %get3A_237] {strides = array<i32>} : memref<32x128xi32, #tpu.memory_space<vmem>>, vector<1x16xi32>,
      %get3A_239 = vector.shape_cast %get3A_238 : vector<1x16xi32> to vector<16xi32>
      %get3A_240 = arith.constant 32 : index
      %get3A_241 = tpu.vector_load %arg8[%get3A_240] {strides = array<i32>} : memref<100xi32, #tpu.memory_space<vmem>>, vector<16xi32>,
      %get3A_242 = vector.shape_cast %get3A_241 : vector<16xi32> to vector<16xi32>
      %add3A_243 = arith.addi %get3A_239, %get3A_242 : vector<16xi32>
      %swap3A_244 = arith.constant 1 : i32
      %swap3A_245 = arith.index_cast %swap3A_244 : i32 to index
      %swap3A_246 = arith.constant 32 : index
      %swap3A_247 = tpu.vector_load %arg6[%swap3A_245, %swap3A_246] {strides = array<i32>} : memref<32x100xi32, #tpu.memory_space<vmem>>, vector<1x16xi32>,
      %swap3A_248 = vector.shape_cast %swap3A_247 : vector<1x16xi32> to vector<16xi32>
      %swap3A_249 = vector.shape_cast %add3A_243 : vector<16xi32> to vector<1x16xi32>
      tpu.vector_store %arg6[%swap3A_245, %swap3A_246], %swap3A_249 {strides = array<i32>} : memref<32x100xi32, #tpu.memory_space<vmem>>, vector<1x16xi32>,
      %get3A_250 = arith.constant 1 : i32
      %get3A_251 = arith.index_cast %get3A_250 : i32 to index
      %get3A_252 = arith.constant 48 : index
      %get3A_253 = tpu.vector_load %arg5[%get3A_251, %get3A_252] {strides = array<i32>} : memref<32x128xi32, #tpu.memory_space<vmem>>, vector<1x16xi32>,
      %get3A_254 = vector.shape_cast %get3A_253 : vector<1x16xi32> to vector<16xi32>
      %get3A_255 = arith.constant 48 : index
      %get3A_256 = tpu.vector_load %arg8[%get3A_255] {strides = array<i32>} : memref<100xi32, #tpu.memory_space<vmem>>, vector<16xi32>,
      %get3A_257 = vector.shape_cast %get3A_256 : vector<16xi32> to vector<16xi32>
      %add3A_258 = arith.addi %get3A_254, %get3A_257 : vector<16xi32>
      %swap3A_259 = arith.constant 1 : i32
      %swap3A_260 = arith.index_cast %swap3A_259 : i32 to index
      %swap3A_261 = arith.constant 48 : index
      %swap3A_262 = tpu.vector_load %arg6[%swap3A_260, %swap3A_261] {strides = array<i32>} : memref<32x100xi32, #tpu.memory_space<vmem>>, vector<1x16xi32>,
      %swap3A_263 = vector.shape_cast %swap3A_262 : vector<1x16xi32> to vector<16xi32>
      %swap3A_264 = vector.shape_cast %add3A_258 : vector<16xi32> to vector<1x16xi32>
      tpu.vector_store %arg6[%swap3A_260, %swap3A_261], %swap3A_264 {strides = array<i32>} : memref<32x100xi32, #tpu.memory_space<vmem>>, vector<1x16xi32>,
      %get3A_265 = arith.constant 1 : i32
      %get3A_266 = arith.index_cast %get3A_265 : i32 to index
      %get3A_267 = arith.constant 64 : index
      %get3A_268 = tpu.vector_load %arg5[%get3A_266, %get3A_267] {strides = array<i32>} : memref<32x128xi32, #tpu.memory_space<vmem>>, vector<1x16xi32>,
      %get3A_269 = vector.shape_cast %get3A_268 : vector<1x16xi32> to vector<16xi32>
      %get3A_270 = arith.constant 64 : index
      %get3A_271 = tpu.vector_load %arg8[%get3A_270] {strides = array<i32>} : memref<100xi32, #tpu.memory_space<vmem>>, vector<16xi32>,
      %get3A_272 = vector.shape_cast %get3A_271 : vector<16xi32> to vector<16xi32>
      %add3A_273 = arith.addi %get3A_269, %get3A_272 : vector<16xi32>
      %swap3A_274 = arith.constant 1 : i32
      %swap3A_275 = arith.index_cast %swap3A_274 : i32 to index
      %swap3A_276 = arith.constant 64 : index
      %swap3A_277 = tpu.vector_load %arg6[%swap3A_275, %swap3A_276] {strides = array<i32>} : memref<32x100xi32, #tpu.memory_space<vmem>>, vector<1x16xi32>,
      %swap3A_278 = vector.shape_cast %swap3A_277 : vector<1x16xi32> to vector<16xi32>
      %swap3A_279 = vector.shape_cast %add3A_273 : vector<16xi32> to vector<1x16xi32>
      tpu.vector_store %arg6[%swap3A_275, %swap3A_276], %swap3A_279 {strides = array<i32>} : memref<32x100xi32, #tpu.memory_space<vmem>>, vector<1x16xi32>,
      %get3A_280 = arith.constant 1 : i32
      %get3A_281 = arith.index_cast %get3A_280 : i32 to index
      %get3A_282 = arith.constant 80 : index
      %get3A_283 = tpu.vector_load %arg5[%get3A_281, %get3A_282] {strides = array<i32>} : memref<32x128xi32, #tpu.memory_space<vmem>>, vector<1x16xi32>,
      %get3A_284 = vector.shape_cast %get3A_283 : vector<1x16xi32> to vector<16xi32>
      %get3A_285 = arith.constant 80 : index
      %get3A_286 = tpu.vector_load %arg8[%get3A_285] {strides = array<i32>} : memref<100xi32, #tpu.memory_space<vmem>>, vector<16xi32>,
      %get3A_287 = vector.shape_cast %get3A_286 : vector<16xi32> to vector<16xi32>
      %add3A_288 = arith.addi %get3A_284, %get3A_287 : vector<16xi32>
      %swap3A_289 = arith.constant 1 : i32
      %swap3A_290 = arith.index_cast %swap3A_289 : i32 to index
      %swap3A_291 = arith.constant 80 : index
      %swap3A_292 = tpu.vector_load %arg6[%swap3A_290, %swap3A_291] {strides = array<i32>} : memref<32x100xi32, #tpu.memory_space<vmem>>, vector<1x16xi32>,
      %swap3A_293 = vector.shape_cast %swap3A_292 : vector<1x16xi32> to vector<16xi32>
      %swap3A_294 = vector.shape_cast %add3A_288 : vector<16xi32> to vector<1x16xi32>
      tpu.vector_store %arg6[%swap3A_290, %swap3A_291], %swap3A_294 {strides = array<i32>} : memref<32x100xi32, #tpu.memory_space<vmem>>, vector<1x16xi32>,
      %get3A_295 = arith.constant 1 : i32
      %get3A_296 = arith.index_cast %get3A_295 : i32 to index
      %get3A_297 = arith.constant 84 : index
      %get3A_298 = tpu.vector_load %arg5[%get3A_296, %get3A_297] {strides = array<i32>} : memref<32x128xi32, #tpu.memory_space<vmem>>, vector<1x16xi32>,
      %get3A_299 = vector.shape_cast %get3A_298 : vector<1x16xi32> to vector<16xi32>
      %get3A_300 = arith.constant 84 : index
      %get3A_301 = tpu.vector_load %arg8[%get3A_300] {strides = array<i32>} : memref<100xi32, #tpu.memory_space<vmem>>, vector<16xi32>,
      %get3A_302 = vector.shape_cast %get3A_301 : vector<16xi32> to vector<16xi32>
      %add3A_303 = arith.addi %get3A_299, %get3A_302 : vector<16xi32>
      %swap3A_304 = arith.constant 1 : i32
      %swap3A_305 = arith.index_cast %swap3A_304 : i32 to index
      %swap3A_306 = arith.constant 84 : index
      %swap3A_307 = tpu.vector_load %arg6[%swap3A_305, %swap3A_306] {strides = array<i32>} : memref<32x100xi32, #tpu.memory_space<vmem>>, vector<1x16xi32>,
      %swap3A_308 = vector.shape_cast %swap3A_307 : vector<1x16xi32> to vector<16xi32>
      %swap3A_309 = vector.shape_cast %add3A_303 : vector<16xi32> to vector<1x16xi32>
      tpu.vector_store %arg6[%swap3A_305, %swap3A_306], %swap3A_309 {strides = array<i32>} : memref<32x100xi32, #tpu.memory_space<vmem>>, vector<1x16xi32>,
      %get3A_310 = arith.constant 2 : i32
      %get3A_311 = arith.index_cast %get3A_310 : i32 to index
      %get3A_312 = arith.constant 0 : index
      %get3A_313 = tpu.vector_load %arg5[%get3A_311, %get3A_312] {strides = array<i32>} : memref<32x128xi32, #tpu.memory_space<vmem>>, vector<1x16xi32>,
      %get3A_314 = vector.shape_cast %get3A_313 : vector<1x16xi32> to vector<16xi32>
      %get3A_315 = arith.constant 0 : index
      %get3A_316 = tpu.vector_load %arg8[%get3A_315] {strides = array<i32>} : memref<100xi32, #tpu.memory_space<vmem>>, vector<16xi32>,
      %get3A_317 = vector.shape_cast %get3A_316 : vector<16xi32> to vector<16xi32>
      %add3A_318 = arith.addi %get3A_314, %get3A_317 : vector<16xi32>
      %swap3A_319 = arith.constant 2 : i32
      %swap3A_320 = arith.index_cast %swap3A_319 : i32 to index
      %swap3A_321 = arith.constant 0 : index
      %swap3A_322 = tpu.vector_load %arg6[%swap3A_320, %swap3A_321] {strides = array<i32>} : memref<32x100xi32, #tpu.memory_space<vmem>>, vector<1x16xi32>,
      %swap3A_323 = vector.shape_cast %swap3A_322 : vector<1x16xi32> to vector<16xi32>
      %swap3A_324 = vector.shape_cast %add3A_318 : vector<16xi32> to vector<1x16xi32>
      tpu.vector_store %arg6[%swap3A_320, %swap3A_321], %swap3A_324 {strides = array<i32>} : memref<32x100xi32, #tpu.memory_space<vmem>>, vector<1x16xi32>,
      %get3A_325 = arith.constant 2 : i32
      %get3A_326 = arith.index_cast %get3A_325 : i32 to index
      %get3A_327 = arith.constant 16 : index
      %get3A_328 = tpu.vector_load %arg5[%get3A_326, %get3A_327] {strides = array<i32>} : memref<32x128xi32, #tpu.memory_space<vmem>>, vector<1x16xi32>,
      %get3A_329 = vector.shape_cast %get3A_328 : vector<1x16xi32> to vector<16xi32>
      %get3A_330 = arith.constant 16 : index
      %get3A_331 = tpu.vector_load %arg8[%get3A_330] {strides = array<i32>} : memref<100xi32, #tpu.memory_space<vmem>>, vector<16xi32>,
      %get3A_332 = vector.shape_cast %get3A_331 : vector<16xi32> to vector<16xi32>
      %add3A_333 = arith.addi %get3A_329, %get3A_332 : vector<16xi32>
      %swap3A_334 = arith.constant 2 : i32
      %swap3A_335 = arith.index_cast %swap3A_334 : i32 to index
      %swap3A_336 = arith.constant 16 : index
      %swap3A_337 = tpu.vector_load %arg6[%swap3A_335, %swap3A_336] {strides = array<i32>} : memref<32x100xi32, #tpu.memory_space<vmem>>, vector<1x16xi32>,
      %swap3A_338 = vector.shape_cast %swap3A_337 : vector<1x16xi32> to vector<16xi32>
      %swap3A_339 = vector.shape_cast %add3A_333 : vector<16xi32> to vector<1x16xi32>
      tpu.vector_store %arg6[%swap3A_335, %swap3A_336], %swap3A_339 {strides = array<i32>} : memref<32x100xi32, #tpu.memory_space<vmem>>, vector<1x16xi32>,
      %get3A_340 = arith.constant 2 : i32
      %get3A_341 = arith.index_cast %get3A_340 : i32 to index
      %get3A_342 = arith.constant 32 : index
      %get3A_343 = tpu.vector_load %arg5[%get3A_341, %get3A_342] {strides = array<i32>} : memref<32x128xi32, #tpu.memory_space<vmem>>, vector<1x16xi32>,
      %get3A_344 = vector.shape_cast %get3A_343 : vector<1x16xi32> to vector<16xi32>
      %get3A_345 = arith.constant 32 : index
      %get3A_346 = tpu.vector_load %arg8[%get3A_345] {strides = array<i32>} : memref<100xi32, #tpu.memory_space<vmem>>, vector<16xi32>,
      %get3A_347 = vector.shape_cast %get3A_346 : vector<16xi32> to vector<16xi32>
      %add3A_348 = arith.addi %get3A_344, %get3A_347 : vector<16xi32>
      %swap3A_349 = arith.constant 2 : i32
      %swap3A_350 = arith.index_cast %swap3A_349 : i32 to index
      %swap3A_351 = arith.constant 32 : index
      %swap3A_352 = tpu.vector_load %arg6[%swap3A_350, %swap3A_351] {strides = array<i32>} : memref<32x100xi32, #tpu.memory_space<vmem>>, vector<1x16xi32>,
      %swap3A_353 = vector.shape_cast %swap3A_352 : vector<1x16xi32> to vector<16xi32>
      %swap3A_354 = vector.shape_cast %add3A_348 : vector<16xi32> to vector<1x16xi32>
      tpu.vector_store %arg6[%swap3A_350, %swap3A_351], %swap3A_354 {strides = array<i32>} : memref<32x100xi32, #tpu.memory_space<vmem>>, vector<1x16xi32>,
      %get3A_355 = arith.constant 2 : i32
      %get3A_356 = arith.index_cast %get3A_355 : i32 to index
      %get3A_357 = arith.constant 48 : index
      %get3A_358 = tpu.vector_load %arg5[%get3A_356, %get3A_357] {strides = array<i32>} : memref<32x128xi32, #tpu.memory_space<vmem>>, vector<1x16xi32>,
      %get3A_359 = vector.shape_cast %get3A_358 : vector<1x16xi32> to vector<16xi32>
      %get3A_360 = arith.constant 48 : index
      %get3A_361 = tpu.vector_load %arg8[%get3A_360] {strides = array<i32>} : memref<100xi32, #tpu.memory_space<vmem>>, vector<16xi32>,
      %get3A_362 = vector.shape_cast %get3A_361 : vector<16xi32> to vector<16xi32>
      %add3A_363 = arith.addi %get3A_359, %get3A_362 : vector<16xi32>
      %swap3A_364 = arith.constant 2 : i32
      %swap3A_365 = arith.index_cast %swap3A_364 : i32 to index
      %swap3A_366 = arith.constant 48 : index
      %swap3A_367 = tpu.vector_load %arg6[%swap3A_365, %swap3A_366] {strides = array<i32>} : memref<32x100xi32, #tpu.memory_space<vmem>>, vector<1x16xi32>,
      %swap3A_368 = vector.shape_cast %swap3A_367 : vector<1x16xi32> to vector<16xi32>
      %swap3A_369 = vector.shape_cast %add3A_363 : vector<16xi32> to vector<1x16xi32>
      tpu.vector_store %arg6[%swap3A_365, %swap3A_366], %swap3A_369 {strides = array<i32>} : memref<32x100xi32, #tpu.memory_space<vmem>>, vector<1x16xi32>,
      %get3A_370 = arith.constant 2 : i32
      %get3A_371 = arith.index_cast %get3A_370 : i32 to index
      %get3A_372 = arith.constant 64 : index
      %get3A_373 = tpu.vector_load %arg5[%get3A_371, %get3A_372] {strides = array<i32>} : memref<32x128xi32, #tpu.memory_space<vmem>>, vector<1x16xi32>,
      %get3A_374 = vector.shape_cast %get3A_373 : vector<1x16xi32> to vector<16xi32>
      %get3A_375 = arith.constant 64 : index
      %get3A_376 = tpu.vector_load %arg8[%get3A_375] {strides = array<i32>} : memref<100xi32, #tpu.memory_space<vmem>>, vector<16xi32>,
      %get3A_377 = vector.shape_cast %get3A_376 : vector<16xi32> to vector<16xi32>
      %add3A_378 = arith.addi %get3A_374, %get3A_377 : vector<16xi32>
      %swap3A_379 = arith.constant 2 : i32
      %swap3A_380 = arith.index_cast %swap3A_379 : i32 to index
      %swap3A_381 = arith.constant 64 : index
      %swap3A_382 = tpu.vector_load %arg6[%swap3A_380, %swap3A_381] {strides = array<i32>} : memref<32x100xi32, #tpu.memory_space<vmem>>, vector<1x16xi32>,
      %swap3A_383 = vector.shape_cast %swap3A_382 : vector<1x16xi32> to vector<16xi32>
      %swap3A_384 = vector.shape_cast %add3A_378 : vector<16xi32> to vector<1x16xi32>
      tpu.vector_store %arg6[%swap3A_380, %swap3A_381], %swap3A_384 {strides = array<i32>} : memref<32x100xi32, #tpu.memory_space<vmem>>, vector<1x16xi32>,
      %get3A_385 = arith.constant 2 : i32
      %get3A_386 = arith.index_cast %get3A_385 : i32 to index
      %get3A_387 = arith.constant 80 : index
      %get3A_388 = tpu.vector_load %arg5[%get3A_386, %get3A_387] {strides = array<i32>} : memref<32x128xi32, #tpu.memory_space<vmem>>, vector<1x16xi32>,
      %get3A_389 = vector.shape_cast %get3A_388 : vector<1x16xi32> to vector<16xi32>
      %get3A_390 = arith.constant 80 : index
      %get3A_391 = tpu.vector_load %arg8[%get3A_390] {strides = array<i32>} : memref<100xi32, #tpu.memory_space<vmem>>, vector<16xi32>,
      %get3A_392 = vector.shape_cast %get3A_391 : vector<16xi32> to vector<16xi32>
      %add3A_393 = arith.addi %get3A_389, %get3A_392 : vector<16xi32>
      %swap3A_394 = arith.constant 2 : i32
      %swap3A_395 = arith.index_cast %swap3A_394 : i32 to index
      %swap3A_396 = arith.constant 80 : index
      %swap3A_397 = tpu.vector_load %arg6[%swap3A_395, %swap3A_396] {strides = array<i32>} : memref<32x100xi32, #tpu.memory_space<vmem>>, vector<1x16xi32>,
      %swap3A_398 = vector.shape_cast %swap3A_397 : vector<1x16xi32> to vector<16xi32>
      %swap3A_399 = vector.shape_cast %add3A_393 : vector<16xi32> to vector<1x16xi32>
      tpu.vector_store %arg6[%swap3A_395, %swap3A_396], %swap3A_399 {strides = array<i32>} : memref<32x100xi32, #tpu.memory_space<vmem>>, vector<1x16xi32>,
      %get3A_400 = arith.constant 2 : i32
      %get3A_401 = arith.index_cast %get3A_400 : i32 to index
      %get3A_402 = arith.constant 84 : index
      %get3A_403 = tpu.vector_load %arg5[%get3A_401, %get3A_402] {strides = array<i32>} : memref<32x128xi32, #tpu.memory_space<vmem>>, vector<1x16xi32>,
      %get3A_404 = vector.shape_cast %get3A_403 : vector<1x16xi32> to vector<16xi32>
      %get3A_405 = arith.constant 84 : index
      %get3A_406 = tpu.vector_load %arg8[%get3A_405] {strides = array<i32>} : memref<100xi32, #tpu.memory_space<vmem>>, vector<16xi32>,
      %get3A_407 = vector.shape_cast %get3A_406 : vector<16xi32> to vector<16xi32>
      %add3A_408 = arith.addi %get3A_404, %get3A_407 : vector<16xi32>
      %swap3A_409 = arith.constant 2 : i32
      %swap3A_410 = arith.index_cast %swap3A_409 : i32 to index
      %swap3A_411 = arith.constant 84 : index
      %swap3A_412 = tpu.vector_load %arg6[%swap3A_410, %swap3A_411] {strides = array<i32>} : memref<32x100xi32, #tpu.memory_space<vmem>>, vector<1x16xi32>,
      %swap3A_413 = vector.shape_cast %swap3A_412 : vector<1x16xi32> to vector<16xi32>
      %swap3A_414 = vector.shape_cast %add3A_408 : vector<16xi32> to vector<1x16xi32>
      tpu.vector_store %arg6[%swap3A_410, %swap3A_411], %swap3A_414 {strides = array<i32>} : memref<32x100xi32, #tpu.memory_space<vmem>>, vector<1x16xi32>,
      %get3A_415 = arith.constant 3 : i32
      %get3A_416 = arith.index_cast %get3A_415 : i32 to index
      %get3A_417 = arith.constant 0 : index
      %get3A_418 = tpu.vector_load %arg5[%get3A_416, %get3A_417] {strides = array<i32>} : memref<32x128xi32, #tpu.memory_space<vmem>>, vector<1x16xi32>,
      %get3A_419 = vector.shape_cast %get3A_418 : vector<1x16xi32> to vector<16xi32>
      %get3A_420 = arith.constant 0 : index
      %get3A_421 = tpu.vector_load %arg8[%get3A_420] {strides = array<i32>} : memref<100xi32, #tpu.memory_space<vmem>>, vector<16xi32>,
      %get3A_422 = vector.shape_cast %get3A_421 : vector<16xi32> to vector<16xi32>
      %add3A_423 = arith.addi %get3A_419, %get3A_422 : vector<16xi32>
      %swap3A_424 = arith.constant 3 : i32
      %swap3A_425 = arith.index_cast %swap3A_424 : i32 to index
      %swap3A_426 = arith.constant 0 : index
      %swap3A_427 = tpu.vector_load %arg6[%swap3A_425, %swap3A_426] {strides = array<i32>} : memref<32x100xi32, #tpu.memory_space<vmem>>, vector<1x16xi32>,
      %swap3A_428 = vector.shape_cast %swap3A_427 : vector<1x16xi32> to vector<16xi32>
      %swap3A_429 = vector.shape_cast %add3A_423 : vector<16xi32> to vector<1x16xi32>
      tpu.vector_store %arg6[%swap3A_425, %swap3A_426], %swap3A_429 {strides = array<i32>} : memref<32x100xi32, #tpu.memory_space<vmem>>, vector<1x16xi32>,
      %get3A_430 = arith.constant 3 : i32
      %get3A_431 = arith.index_cast %get3A_430 : i32 to index
      %get3A_432 = arith.constant 16 : index
      %get3A_433 = tpu.vector_load %arg5[%get3A_431, %get3A_432] {strides = array<i32>} : memref<32x128xi32, #tpu.memory_space<vmem>>, vector<1x16xi32>,
      %get3A_434 = vector.shape_cast %get3A_433 : vector<1x16xi32> to vector<16xi32>
      %get3A_435 = arith.constant 16 : index
      %get3A_436 = tpu.vector_load %arg8[%get3A_435] {strides = array<i32>} : memref<100xi32, #tpu.memory_space<vmem>>, vector<16xi32>,
      %get3A_437 = vector.shape_cast %get3A_436 : vector<16xi32> to vector<16xi32>
      %add3A_438 = arith.addi %get3A_434, %get3A_437 : vector<16xi32>
      %swap3A_439 = arith.constant 3 : i32
      %swap3A_440 = arith.index_cast %swap3A_439 : i32 to index
      %swap3A_441 = arith.constant 16 : index
      %swap3A_442 = tpu.vector_load %arg6[%swap3A_440, %swap3A_441] {strides = array<i32>} : memref<32x100xi32, #tpu.memory_space<vmem>>, vector<1x16xi32>,
      %swap3A_443 = vector.shape_cast %swap3A_442 : vector<1x16xi32> to vector<16xi32>
      %swap3A_444 = vector.shape_cast %add3A_438 : vector<16xi32> to vector<1x16xi32>
      tpu.vector_store %arg6[%swap3A_440, %swap3A_441], %swap3A_444 {strides = array<i32>} : memref<32x100xi32, #tpu.memory_space<vmem>>, vector<1x16xi32>,
      %get3A_445 = arith.constant 3 : i32
      %get3A_446 = arith.index_cast %get3A_445 : i32 to index
      %get3A_447 = arith.constant 32 : index
      %get3A_448 = tpu.vector_load %arg5[%get3A_446, %get3A_447] {strides = array<i32>} : memref<32x128xi32, #tpu.memory_space<vmem>>, vector<1x16xi32>,
      %get3A_449 = vector.shape_cast %get3A_448 : vector<1x16xi32> to vector<16xi32>
      %get3A_450 = arith.constant 32 : index
      %get3A_451 = tpu.vector_load %arg8[%get3A_450] {strides = array<i32>} : memref<100xi32, #tpu.memory_space<vmem>>, vector<16xi32>,
      %get3A_452 = vector.shape_cast %get3A_451 : vector<16xi32> to vector<16xi32>
      %add3A_453 = arith.addi %get3A_449, %get3A_452 : vector<16xi32>
      %swap3A_454 = arith.constant 3 : i32
      %swap3A_455 = arith.index_cast %swap3A_454 : i32 to index
      %swap3A_456 = arith.constant 32 : index
      %swap3A_457 = tpu.vector_load %arg6[%swap3A_455, %swap3A_456] {strides = array<i32>} : memref<32x100xi32, #tpu.memory_space<vmem>>, vector<1x16xi32>,
      %swap3A_458 = vector.shape_cast %swap3A_457 : vector<1x16xi32> to vector<16xi32>
      %swap3A_459 = vector.shape_cast %add3A_453 : vector<16xi32> to vector<1x16xi32>
      tpu.vector_store %arg6[%swap3A_455, %swap3A_456], %swap3A_459 {strides = array<i32>} : memref<32x100xi32, #tpu.memory_space<vmem>>, vector<1x16xi32>,
      %get3A_460 = arith.constant 3 : i32
      %get3A_461 = arith.index_cast %get3A_460 : i32 to index
      %get3A_462 = arith.constant 48 : index
      %get3A_463 = tpu.vector_load %arg5[%get3A_461, %get3A_462] {strides = array<i32>} : memref<32x128xi32, #tpu.memory_space<vmem>>, vector<1x16xi32>,
      %get3A_464 = vector.shape_cast %get3A_463 : vector<1x16xi32> to vector<16xi32>
      %get3A_465 = arith.constant 48 : index
      %get3A_466 = tpu.vector_load %arg8[%get3A_465] {strides = array<i32>} : memref<100xi32, #tpu.memory_space<vmem>>, vector<16xi32>,
      %get3A_467 = vector.shape_cast %get3A_466 : vector<16xi32> to vector<16xi32>
      %add3A_468 = arith.addi %get3A_464, %get3A_467 : vector<16xi32>
      %swap3A_469 = arith.constant 3 : i32
      %swap3A_470 = arith.index_cast %swap3A_469 : i32 to index
      %swap3A_471 = arith.constant 48 : index
      %swap3A_472 = tpu.vector_load %arg6[%swap3A_470, %swap3A_471] {strides = array<i32>} : memref<32x100xi32, #tpu.memory_space<vmem>>, vector<1x16xi32>,
      %swap3A_473 = vector.shape_cast %swap3A_472 : vector<1x16xi32> to vector<16xi32>
      %swap3A_474 = vector.shape_cast %add3A_468 : vector<16xi32> to vector<1x16xi32>
      tpu.vector_store %arg6[%swap3A_470, %swap3A_471], %swap3A_474 {strides = array<i32>} : memref<32x100xi32, #tpu.memory_space<vmem>>, vector<1x16xi32>,
      %get3A_475 = arith.constant 3 : i32
      %get3A_476 = arith.index_cast %get3A_475 : i32 to index
      %get3A_477 = arith.constant 64 : index
      %get3A_478 = tpu.vector_load %arg5[%get3A_476, %get3A_477] {strides = array<i32>} : memref<32x128xi32, #tpu.memory_space<vmem>>, vector<1x16xi32>,
      %get3A_479 = vector.shape_cast %get3A_478 : vector<1x16xi32> to vector<16xi32>
      %get3A_480 = arith.constant 64 : index
      %get3A_481 = tpu.vector_load %arg8[%get3A_480] {strides = array<i32>} : memref<100xi32, #tpu.memory_space<vmem>>, vector<16xi32>,
      %get3A_482 = vector.shape_cast %get3A_481 : vector<16xi32> to vector<16xi32>
      %add3A_483 = arith.addi %get3A_479, %get3A_482 : vector<16xi32>
      %swap3A_484 = arith.constant 3 : i32
      %swap3A_485 = arith.index_cast %swap3A_484 : i32 to index
      %swap3A_486 = arith.constant 64 : index
      %swap3A_487 = tpu.vector_load %arg6[%swap3A_485, %swap3A_486] {strides = array<i32>} : memref<32x100xi32, #tpu.memory_space<vmem>>, vector<1x16xi32>,
      %swap3A_488 = vector.shape_cast %swap3A_487 : vector<1x16xi32> to vector<16xi32>
      %swap3A_489 = vector.shape_cast %add3A_483 : vector<16xi32> to vector<1x16xi32>
      tpu.vector_store %arg6[%swap3A_485, %swap3A_486], %swap3A_489 {strides = array<i32>} : memref<32x100xi32, #tpu.memory_space<vmem>>, vector<1x16xi32>,
      %get3A_490 = arith.constant 3 : i32
      %get3A_491 = arith.index_cast %get3A_490 : i32 to index
      %get3A_492 = arith.constant 80 : index
      %get3A_493 = tpu.vector_load %arg5[%get3A_491, %get3A_492] {strides = array<i32>} : memref<32x128xi32, #tpu.memory_space<vmem>>, vector<1x16xi32>,
      %get3A_494 = vector.shape_cast %get3A_493 : vector<1x16xi32> to vector<16xi32>
      %get3A_495 = arith.constant 80 : index
      %get3A_496 = tpu.vector_load %arg8[%get3A_495] {strides = array<i32>} : memref<100xi32, #tpu.memory_space<vmem>>, vector<16xi32>,
      %get3A_497 = vector.shape_cast %get3A_496 : vector<16xi32> to vector<16xi32>
      %add3A_498 = arith.addi %get3A_494, %get3A_497 : vector<16xi32>
      %swap3A_499 = arith.constant 3 : i32
      %swap3A_500 = arith.index_cast %swap3A_499 : i32 to index
      %swap3A_501 = arith.constant 80 : index
      %swap3A_502 = tpu.vector_load %arg6[%swap3A_500, %swap3A_501] {strides = array<i32>} : memref<32x100xi32, #tpu.memory_space<vmem>>, vector<1x16xi32>,
      %swap3A_503 = vector.shape_cast %swap3A_502 : vector<1x16xi32> to vector<16xi32>
      %swap3A_504 = vector.shape_cast %add3A_498 : vector<16xi32> to vector<1x16xi32>
      tpu.vector_store %arg6[%swap3A_500, %swap3A_501], %swap3A_504 {strides = array<i32>} : memref<32x100xi32, #tpu.memory_space<vmem>>, vector<1x16xi32>,
      %get3A_505 = arith.constant 3 : i32
      %get3A_506 = arith.index_cast %get3A_505 : i32 to index
      %get3A_507 = arith.constant 84 : index
      %get3A_508 = tpu.vector_load %arg5[%get3A_506, %get3A_507] {strides = array<i32>} : memref<32x128xi32, #tpu.memory_space<vmem>>, vector<1x16xi32>,
      %get3A_509 = vector.shape_cast %get3A_508 : vector<1x16xi32> to vector<16xi32>
      %get3A_510 = arith.constant 84 : index
      %get3A_511 = tpu.vector_load %arg8[%get3A_510] {strides = array<i32>} : memref<100xi32, #tpu.memory_space<vmem>>, vector<16xi32>,
      %get3A_512 = vector.shape_cast %get3A_511 : vector<16xi32> to vector<16xi32>
      %add3A_513 = arith.addi %get3A_509, %get3A_512 : vector<16xi32>
      %swap3A_514 = arith.constant 3 : i32
      %swap3A_515 = arith.index_cast %swap3A_514 : i32 to index
      %swap3A_516 = arith.constant 84 : index
      %swap3A_517 = tpu.vector_load %arg6[%swap3A_515, %swap3A_516] {strides = array<i32>} : memref<32x100xi32, #tpu.memory_space<vmem>>, vector<1x16xi32>,
      %swap3A_518 = vector.shape_cast %swap3A_517 : vector<1x16xi32> to vector<16xi32>
      %swap3A_519 = vector.shape_cast %add3A_513 : vector<16xi32> to vector<1x16xi32>
      tpu.vector_store %arg6[%swap3A_515, %swap3A_516], %swap3A_519 {strides = array<i32>} : memref<32x100xi32, #tpu.memory_space<vmem>>, vector<1x16xi32>,
      %get3A_520 = arith.constant 4 : i32
      %get3A_521 = arith.index_cast %get3A_520 : i32 to index
      %get3A_522 = arith.constant 0 : index
      %get3A_523 = tpu.vector_load %arg5[%get3A_521, %get3A_522] {strides = array<i32>} : memref<32x128xi32, #tpu.memory_space<vmem>>, vector<1x16xi32>,
      %get3A_524 = vector.shape_cast %get3A_523 : vector<1x16xi32> to vector<16xi32>
      %get3A_525 = arith.constant 0 : index
      %get3A_526 = tpu.vector_load %arg8[%get3A_525] {strides = array<i32>} : memref<100xi32, #tpu.memory_space<vmem>>, vector<16xi32>,
      %get3A_527 = vector.shape_cast %get3A_526 : vector<16xi32> to vector<16xi32>
      %add3A_528 = arith.addi %get3A_524, %get3A_527 : vector<16xi32>
      %swap3A_529 = arith.constant 4 : i32
      %swap3A_530 = arith.index_cast %swap3A_529 : i32 to index
      %swap3A_531 = arith.constant 0 : index
      %swap3A_532 = tpu.vector_load %arg6[%swap3A_530, %swap3A_531] {strides = array<i32>} : memref<32x100xi32, #tpu.memory_space<vmem>>, vector<1x16xi32>,
      %swap3A_533 = vector.shape_cast %swap3A_532 : vector<1x16xi32> to vector<16xi32>
      %swap3A_534 = vector.shape_cast %add3A_528 : vector<16xi32> to vector<1x16xi32>
      tpu.vector_store %arg6[%swap3A_530, %swap3A_531], %swap3A_534 {strides = array<i32>} : memref<32x100xi32, #tpu.memory_space<vmem>>, vector<1x16xi32>,
      %get3A_535 = arith.constant 4 : i32
      %get3A_536 = arith.index_cast %get3A_535 : i32 to index
      %get3A_537 = arith.constant 16 : index
      %get3A_538 = tpu.vector_load %arg5[%get3A_536, %get3A_537] {strides = array<i32>} : memref<32x128xi32, #tpu.memory_space<vmem>>, vector<1x16xi32>,
      %get3A_539 = vector.shape_cast %get3A_538 : vector<1x16xi32> to vector<16xi32>
      %get3A_540 = arith.constant 16 : index
      %get3A_541 = tpu.vector_load %arg8[%get3A_540] {strides = array<i32>} : memref<100xi32, #tpu.memory_space<vmem>>, vector<16xi32>,
      %get3A_542 = vector.shape_cast %get3A_541 : vector<16xi32> to vector<16xi32>
      %add3A_543 = arith.addi %get3A_539, %get3A_542 : vector<16xi32>
      %swap3A_544 = arith.constant 4 : i32
      %swap3A_545 = arith.index_cast %swap3A_544 : i32 to index
      %swap3A_546 = arith.constant 16 : index
      %swap3A_547 = tpu.vector_load %arg6[%swap3A_545, %swap3A_546] {strides = array<i32>} : memref<32x100xi32, #tpu.memory_space<vmem>>, vector<1x16xi32>,
      %swap3A_548 = vector.shape_cast %swap3A_547 : vector<1x16xi32> to vector<16xi32>
      %swap3A_549 = vector.shape_cast %add3A_543 : vector<16xi32> to vector<1x16xi32>
      tpu.vector_store %arg6[%swap3A_545, %swap3A_546], %swap3A_549 {strides = array<i32>} : memref<32x100xi32, #tpu.memory_space<vmem>>, vector<1x16xi32>,
      %get3A_550 = arith.constant 4 : i32
      %get3A_551 = arith.index_cast %get3A_550 : i32 to index
      %get3A_552 = arith.constant 32 : index
      %get3A_553 = tpu.vector_load %arg5[%get3A_551, %get3A_552] {strides = array<i32>} : memref<32x128xi32, #tpu.memory_space<vmem>>, vector<1x16xi32>,
      %get3A_554 = vector.shape_cast %get3A_553 : vector<1x16xi32> to vector<16xi32>
      %get3A_555 = arith.constant 32 : index
      %get3A_556 = tpu.vector_load %arg8[%get3A_555] {strides = array<i32>} : memref<100xi32, #tpu.memory_space<vmem>>, vector<16xi32>,
      %get3A_557 = vector.shape_cast %get3A_556 : vector<16xi32> to vector<16xi32>
      %add3A_558 = arith.addi %get3A_554, %get3A_557 : vector<16xi32>
      %swap3A_559 = arith.constant 4 : i32
      %swap3A_560 = arith.index_cast %swap3A_559 : i32 to index
      %swap3A_561 = arith.constant 32 : index
      %swap3A_562 = tpu.vector_load %arg6[%swap3A_560, %swap3A_561] {strides = array<i32>} : memref<32x100xi32, #tpu.memory_space<vmem>>, vector<1x16xi32>,
      %swap3A_563 = vector.shape_cast %swap3A_562 : vector<1x16xi32> to vector<16xi32>
      %swap3A_564 = vector.shape_cast %add3A_558 : vector<16xi32> to vector<1x16xi32>
      tpu.vector_store %arg6[%swap3A_560, %swap3A_561], %swap3A_564 {strides = array<i32>} : memref<32x100xi32, #tpu.memory_space<vmem>>, vector<1x16xi32>,
      %get3A_565 = arith.constant 4 : i32
      %get3A_566 = arith.index_cast %get3A_565 : i32 to index
      %get3A_567 = arith.constant 48 : index
      %get3A_568 = tpu.vector_load %arg5[%get3A_566, %get3A_567] {strides = array<i32>} : memref<32x128xi32, #tpu.memory_space<vmem>>, vector<1x16xi32>,
      %get3A_569 = vector.shape_cast %get3A_568 : vector<1x16xi32> to vector<16xi32>
      %get3A_570 = arith.constant 48 : index
      %get3A_571 = tpu.vector_load %arg8[%get3A_570] {strides = array<i32>} : memref<100xi32, #tpu.memory_space<vmem>>, vector<16xi32>,
      %get3A_572 = vector.shape_cast %get3A_571 : vector<16xi32> to vector<16xi32>
      %add3A_573 = arith.addi %get3A_569, %get3A_572 : vector<16xi32>
      %swap3A_574 = arith.constant 4 : i32
      %swap3A_575 = arith.index_cast %swap3A_574 : i32 to index
      %swap3A_576 = arith.constant 48 : index
      %swap3A_577 = tpu.vector_load %arg6[%swap3A_575, %swap3A_576] {strides = array<i32>} : memref<32x100xi32, #tpu.memory_space<vmem>>, vector<1x16xi32>,
      %swap3A_578 = vector.shape_cast %swap3A_577 : vector<1x16xi32> to vector<16xi32>
      %swap3A_579 = vector.shape_cast %add3A_573 : vector<16xi32> to vector<1x16xi32>
      tpu.vector_store %arg6[%swap3A_575, %swap3A_576], %swap3A_579 {strides = array<i32>} : memref<32x100xi32, #tpu.memory_space<vmem>>, vector<1x16xi32>,
      %get3A_580 = arith.constant 4 : i32
      %get3A_581 = arith.index_cast %get3A_580 : i32 to index
      %get3A_582 = arith.constant 64 : index
      %get3A_583 = tpu.vector_load %arg5[%get3A_581, %get3A_582] {strides = array<i32>} : memref<32x128xi32, #tpu.memory_space<vmem>>, vector<1x16xi32>,
      %get3A_584 = vector.shape_cast %get3A_583 : vector<1x16xi32> to vector<16xi32>
      %get3A_585 = arith.constant 64 : index
      %get3A_586 = tpu.vector_load %arg8[%get3A_585] {strides = array<i32>} : memref<100xi32, #tpu.memory_space<vmem>>, vector<16xi32>,
      %get3A_587 = vector.shape_cast %get3A_586 : vector<16xi32> to vector<16xi32>
      %add3A_588 = arith.addi %get3A_584, %get3A_587 : vector<16xi32>
      %swap3A_589 = arith.constant 4 : i32
      %swap3A_590 = arith.index_cast %swap3A_589 : i32 to index
      %swap3A_591 = arith.constant 64 : index
      %swap3A_592 = tpu.vector_load %arg6[%swap3A_590, %swap3A_591] {strides = array<i32>} : memref<32x100xi32, #tpu.memory_space<vmem>>, vector<1x16xi32>,
      %swap3A_593 = vector.shape_cast %swap3A_592 : vector<1x16xi32> to vector<16xi32>
      %swap3A_594 = vector.shape_cast %add3A_588 : vector<16xi32> to vector<1x16xi32>
      tpu.vector_store %arg6[%swap3A_590, %swap3A_591], %swap3A_594 {strides = array<i32>} : memref<32x100xi32, #tpu.memory_space<vmem>>, vector<1x16xi32>,
      %get3A_595 = arith.constant 4 : i32
      %get3A_596 = arith.index_cast %get3A_595 : i32 to index
      %get3A_597 = arith.constant 80 : index
      %get3A_598 = tpu.vector_load %arg5[%get3A_596, %get3A_597] {strides = array<i32>} : memref<32x128xi32, #tpu.memory_space<vmem>>, vector<1x16xi32>,
      %get3A_599 = vector.shape_cast %get3A_598 : vector<1x16xi32> to vector<16xi32>
      %get3A_600 = arith.constant 80 : index
      %get3A_601 = tpu.vector_load %arg8[%get3A_600] {strides = array<i32>} : memref<100xi32, #tpu.memory_space<vmem>>, vector<16xi32>,
      %get3A_602 = vector.shape_cast %get3A_601 : vector<16xi32> to vector<16xi32>
      %add3A_603 = arith.addi %get3A_599, %get3A_602 : vector<16xi32>
      %swap3A_604 = arith.constant 4 : i32
      %swap3A_605 = arith.index_cast %swap3A_604 : i32 to index
      %swap3A_606 = arith.constant 80 : index
      %swap3A_607 = tpu.vector_load %arg6[%swap3A_605, %swap3A_606] {strides = array<i32>} : memref<32x100xi32, #tpu.memory_space<vmem>>, vector<1x16xi32>,
      %swap3A_608 = vector.shape_cast %swap3A_607 : vector<1x16xi32> to vector<16xi32>
      %swap3A_609 = vector.shape_cast %add3A_603 : vector<16xi32> to vector<1x16xi32>
      tpu.vector_store %arg6[%swap3A_605, %swap3A_606], %swap3A_609 {strides = array<i32>} : memref<32x100xi32, #tpu.memory_space<vmem>>, vector<1x16xi32>,
      %get3A_610 = arith.constant 4 : i32
      %get3A_611 = arith.index_cast %get3A_610 : i32 to index
      %get3A_612 = arith.constant 84 : index
      %get3A_613 = tpu.vector_load %arg5[%get3A_611, %get3A_612] {strides = array<i32>} : memref<32x128xi32, #tpu.memory_space<vmem>>, vector<1x16xi32>,
      %get3A_614 = vector.shape_cast %get3A_613 : vector<1x16xi32> to vector<16xi32>
      %get3A_615 = arith.constant 84 : index
      %get3A_616 = tpu.vector_load %arg8[%get3A_615] {strides = array<i32>} : memref<100xi32, #tpu.memory_space<vmem>>, vector<16xi32>,
      %get3A_617 = vector.shape_cast %get3A_616 : vector<16xi32> to vector<16xi32>
      %add3A_618 = arith.addi %get3A_614, %get3A_617 : vector<16xi32>
      %swap3A_619 = arith.constant 4 : i32
      %swap3A_620 = arith.index_cast %swap3A_619 : i32 to index
      %swap3A_621 = arith.constant 84 : index
      %swap3A_622 = tpu.vector_load %arg6[%swap3A_620, %swap3A_621] {strides = array<i32>} : memref<32x100xi32, #tpu.memory_space<vmem>>, vector<1x16xi32>,
      %swap3A_623 = vector.shape_cast %swap3A_622 : vector<1x16xi32> to vector<16xi32>
      %swap3A_624 = vector.shape_cast %add3A_618 : vector<16xi32> to vector<1x16xi32>
      tpu.vector_store %arg6[%swap3A_620, %swap3A_621], %swap3A_624 {strides = array<i32>} : memref<32x100xi32, #tpu.memory_space<vmem>>, vector<1x16xi32>,
      %get3A_625 = arith.constant 5 : i32
      %get3A_626 = arith.index_cast %get3A_625 : i32 to index
      %get3A_627 = arith.constant 0 : index
      %get3A_628 = tpu.vector_load %arg5[%get3A_626, %get3A_627] {strides = array<i32>} : memref<32x128xi32, #tpu.memory_space<vmem>>, vector<1x16xi32>,
      %get3A_629 = vector.shape_cast %get3A_628 : vector<1x16xi32> to vector<16xi32>
      %get3A_630 = arith.constant 0 : index
      %get3A_631 = tpu.vector_load %arg8[%get3A_630] {strides = array<i32>} : memref<100xi32, #tpu.memory_space<vmem>>, vector<16xi32>,
      %get3A_632 = vector.shape_cast %get3A_631 : vector<16xi32> to vector<16xi32>
      %add3A_633 = arith.addi %get3A_629, %get3A_632 : vector<16xi32>
      %swap3A_634 = arith.constant 5 : i32
      %swap3A_635 = arith.index_cast %swap3A_634 : i32 to index
      %swap3A_636 = arith.constant 0 : index
      %swap3A_637 = tpu.vector_load %arg6[%swap3A_635, %swap3A_636] {strides = array<i32>} : memref<32x100xi32, #tpu.memory_space<vmem>>, vector<1x16xi32>,
      %swap3A_638 = vector.shape_cast %swap3A_637 : vector<1x16xi32> to vector<16xi32>
      %swap3A_639 = vector.shape_cast %add3A_633 : vector<16xi32> to vector<1x16xi32>
      tpu.vector_store %arg6[%swap3A_635, %swap3A_636], %swap3A_639 {strides = array<i32>} : memref<32x100xi32, #tpu.memory_space<vmem>>, vector<1x16xi32>,
      %get3A_640 = arith.constant 5 : i32
      %get3A_641 = arith.index_cast %get3A_640 : i32 to index
      %get3A_642 = arith.constant 16 : index
      %get3A_643 = tpu.vector_load %arg5[%get3A_641, %get3A_642] {strides = array<i32>} : memref<32x128xi32, #tpu.memory_space<vmem>>, vector<1x16xi32>,
      %get3A_644 = vector.shape_cast %get3A_643 : vector<1x16xi32> to vector<16xi32>
      %get3A_645 = arith.constant 16 : index
      %get3A_646 = tpu.vector_load %arg8[%get3A_645] {strides = array<i32>} : memref<100xi32, #tpu.memory_space<vmem>>, vector<16xi32>,
      %get3A_647 = vector.shape_cast %get3A_646 : vector<16xi32> to vector<16xi32>
      %add3A_648 = arith.addi %get3A_644, %get3A_647 : vector<16xi32>
      %swap3A_649 = arith.constant 5 : i32
      %swap3A_650 = arith.index_cast %swap3A_649 : i32 to index
      %swap3A_651 = arith.constant 16 : index
      %swap3A_652 = tpu.vector_load %arg6[%swap3A_650, %swap3A_651] {strides = array<i32>} : memref<32x100xi32, #tpu.memory_space<vmem>>, vector<1x16xi32>,
      %swap3A_653 = vector.shape_cast %swap3A_652 : vector<1x16xi32> to vector<16xi32>
      %swap3A_654 = vector.shape_cast %add3A_648 : vector<16xi32> to vector<1x16xi32>
      tpu.vector_store %arg6[%swap3A_650, %swap3A_651], %swap3A_654 {strides = array<i32>} : memref<32x100xi32, #tpu.memory_space<vmem>>, vector<1x16xi32>,
      %get3A_655 = arith.constant 5 : i32
      %get3A_656 = arith.index_cast %get3A_655 : i32 to index
      %get3A_657 = arith.constant 32 : index
      %get3A_658 = tpu.vector_load %arg5[%get3A_656, %get3A_657] {strides = array<i32>} : memref<32x128xi32, #tpu.memory_space<vmem>>, vector<1x16xi32>,
      %get3A_659 = vector.shape_cast %get3A_658 : vector<1x16xi32> to vector<16xi32>
      %get3A_660 = arith.constant 32 : index
      %get3A_661 = tpu.vector_load %arg8[%get3A_660] {strides = array<i32>} : memref<100xi32, #tpu.memory_space<vmem>>, vector<16xi32>,
      %get3A_662 = vector.shape_cast %get3A_661 : vector<16xi32> to vector<16xi32>
      %add3A_663 = arith.addi %get3A_659, %get3A_662 : vector<16xi32>
      %swap3A_664 = arith.constant 5 : i32
      %swap3A_665 = arith.index_cast %swap3A_664 : i32 to index
      %swap3A_666 = arith.constant 32 : index
      %swap3A_667 = tpu.vector_load %arg6[%swap3A_665, %swap3A_666] {strides = array<i32>} : memref<32x100xi32, #tpu.memory_space<vmem>>, vector<1x16xi32>,
      %swap3A_668 = vector.shape_cast %swap3A_667 : vector<1x16xi32> to vector<16xi32>
      %swap3A_669 = vector.shape_cast %add3A_663 : vector<16xi32> to vector<1x16xi32>
      tpu.vector_store %arg6[%swap3A_665, %swap3A_666], %swap3A_669 {strides = array<i32>} : memref<32x100xi32, #tpu.memory_space<vmem>>, vector<1x16xi32>,
      %get3A_670 = arith.constant 5 : i32
      %get3A_671 = arith.index_cast %get3A_670 : i32 to index
      %get3A_672 = arith.constant 48 : index
      %get3A_673 = tpu.vector_load %arg5[%get3A_671, %get3A_672] {strides = array<i32>} : memref<32x128xi32, #tpu.memory_space<vmem>>, vector<1x16xi32>,
      %get3A_674 = vector.shape_cast %get3A_673 : vector<1x16xi32> to vector<16xi32>
      %get3A_675 = arith.constant 48 : index
      %get3A_676 = tpu.vector_load %arg8[%get3A_675] {strides = array<i32>} : memref<100xi32, #tpu.memory_space<vmem>>, vector<16xi32>,
      %get3A_677 = vector.shape_cast %get3A_676 : vector<16xi32> to vector<16xi32>
      %add3A_678 = arith.addi %get3A_674, %get3A_677 : vector<16xi32>
      %swap3A_679 = arith.constant 5 : i32
      %swap3A_680 = arith.index_cast %swap3A_679 : i32 to index
      %swap3A_681 = arith.constant 48 : index
      %swap3A_682 = tpu.vector_load %arg6[%swap3A_680, %swap3A_681] {strides = array<i32>} : memref<32x100xi32, #tpu.memory_space<vmem>>, vector<1x16xi32>,
      %swap3A_683 = vector.shape_cast %swap3A_682 : vector<1x16xi32> to vector<16xi32>
      %swap3A_684 = vector.shape_cast %add3A_678 : vector<16xi32> to vector<1x16xi32>
      tpu.vector_store %arg6[%swap3A_680, %swap3A_681], %swap3A_684 {strides = array<i32>} : memref<32x100xi32, #tpu.memory_space<vmem>>, vector<1x16xi32>,
      %get3A_685 = arith.constant 5 : i32
      %get3A_686 = arith.index_cast %get3A_685 : i32 to index
      %get3A_687 = arith.constant 64 : index
      %get3A_688 = tpu.vector_load %arg5[%get3A_686, %get3A_687] {strides = array<i32>} : memref<32x128xi32, #tpu.memory_space<vmem>>, vector<1x16xi32>,
      %get3A_689 = vector.shape_cast %get3A_688 : vector<1x16xi32> to vector<16xi32>
      %get3A_690 = arith.constant 64 : index
      %get3A_691 = tpu.vector_load %arg8[%get3A_690] {strides = array<i32>} : memref<100xi32, #tpu.memory_space<vmem>>, vector<16xi32>,
      %get3A_692 = vector.shape_cast %get3A_691 : vector<16xi32> to vector<16xi32>
      %add3A_693 = arith.addi %get3A_689, %get3A_692 : vector<16xi32>
      %swap3A_694 = arith.constant 5 : i32
      %swap3A_695 = arith.index_cast %swap3A_694 : i32 to index
      %swap3A_696 = arith.constant 64 : index
      %swap3A_697 = tpu.vector_load %arg6[%swap3A_695, %swap3A_696] {strides = array<i32>} : memref<32x100xi32, #tpu.memory_space<vmem>>, vector<1x16xi32>,
      %swap3A_698 = vector.shape_cast %swap3A_697 : vector<1x16xi32> to vector<16xi32>
      %swap3A_699 = vector.shape_cast %add3A_693 : vector<16xi32> to vector<1x16xi32>
      tpu.vector_store %arg6[%swap3A_695, %swap3A_696], %swap3A_699 {strides = array<i32>} : memref<32x100xi32, #tpu.memory_space<vmem>>, vector<1x16xi32>,
      %get3A_700 = arith.constant 5 : i32
      %get3A_701 = arith.index_cast %get3A_700 : i32 to index
      %get3A_702 = arith.constant 80 : index
      %get3A_703 = tpu.vector_load %arg5[%get3A_701, %get3A_702] {strides = array<i32>} : memref<32x128xi32, #tpu.memory_space<vmem>>, vector<1x16xi32>,
      %get3A_704 = vector.shape_cast %get3A_703 : vector<1x16xi32> to vector<16xi32>
      %get3A_705 = arith.constant 80 : index
      %get3A_706 = tpu.vector_load %arg8[%get3A_705] {strides = array<i32>} : memref<100xi32, #tpu.memory_space<vmem>>, vector<16xi32>,
      %get3A_707 = vector.shape_cast %get3A_706 : vector<16xi32> to vector<16xi32>
      %add3A_708 = arith.addi %get3A_704, %get3A_707 : vector<16xi32>
      %swap3A_709 = arith.constant 5 : i32
      %swap3A_710 = arith.index_cast %swap3A_709 : i32 to index
      %swap3A_711 = arith.constant 80 : index
      %swap3A_712 = tpu.vector_load %arg6[%swap3A_710, %swap3A_711] {strides = array<i32>} : memref<32x100xi32, #tpu.memory_space<vmem>>, vector<1x16xi32>,
      %swap3A_713 = vector.shape_cast %swap3A_712 : vector<1x16xi32> to vector<16xi32>
      %swap3A_714 = vector.shape_cast %add3A_708 : vector<16xi32> to vector<1x16xi32>
      tpu.vector_store %arg6[%swap3A_710, %swap3A_711], %swap3A_714 {strides = array<i32>} : memref<32x100xi32, #tpu.memory_space<vmem>>, vector<1x16xi32>,
      %get3A_715 = arith.constant 5 : i32
      %get3A_716 = arith.index_cast %get3A_715 : i32 to index
      %get3A_717 = arith.constant 84 : index
      %get3A_718 = tpu.vector_load %arg5[%get3A_716, %get3A_717] {strides = array<i32>} : memref<32x128xi32, #tpu.memory_space<vmem>>, vector<1x16xi32>,
      %get3A_719 = vector.shape_cast %get3A_718 : vector<1x16xi32> to vector<16xi32>
      %get3A_720 = arith.constant 84 : index
      %get3A_721 = tpu.vector_load %arg8[%get3A_720] {strides = array<i32>} : memref<100xi32, #tpu.memory_space<vmem>>, vector<16xi32>,
      %get3A_722 = vector.shape_cast %get3A_721 : vector<16xi32> to vector<16xi32>
      %add3A_723 = arith.addi %get3A_719, %get3A_722 : vector<16xi32>
      %swap3A_724 = arith.constant 5 : i32
      %swap3A_725 = arith.index_cast %swap3A_724 : i32 to index
      %swap3A_726 = arith.constant 84 : index
      %swap3A_727 = tpu.vector_load %arg6[%swap3A_725, %swap3A_726] {strides = array<i32>} : memref<32x100xi32, #tpu.memory_space<vmem>>, vector<1x16xi32>,
      %swap3A_728 = vector.shape_cast %swap3A_727 : vector<1x16xi32> to vector<16xi32>
      %swap3A_729 = vector.shape_cast %add3A_723 : vector<16xi32> to vector<1x16xi32>
      tpu.vector_store %arg6[%swap3A_725, %swap3A_726], %swap3A_729 {strides = array<i32>} : memref<32x100xi32, #tpu.memory_space<vmem>>, vector<1x16xi32>,
      %get3A_730 = arith.constant 6 : i32
      %get3A_731 = arith.index_cast %get3A_730 : i32 to index
      %get3A_732 = arith.constant 0 : index
      %get3A_733 = tpu.vector_load %arg5[%get3A_731, %get3A_732] {strides = array<i32>} : memref<32x128xi32, #tpu.memory_space<vmem>>, vector<1x16xi32>,
      %get3A_734 = vector.shape_cast %get3A_733 : vector<1x16xi32> to vector<16xi32>
      %get3A_735 = arith.constant 0 : index
      %get3A_736 = tpu.vector_load %arg8[%get3A_735] {strides = array<i32>} : memref<100xi32, #tpu.memory_space<vmem>>, vector<16xi32>,
      %get3A_737 = vector.shape_cast %get3A_736 : vector<16xi32> to vector<16xi32>
      %add3A_738 = arith.addi %get3A_734, %get3A_737 : vector<16xi32>
      %swap3A_739 = arith.constant 6 : i32
      %swap3A_740 = arith.index_cast %swap3A_739 : i32 to index
      %swap3A_741 = arith.constant 0 : index
      %swap3A_742 = tpu.vector_load %arg6[%swap3A_740, %swap3A_741] {strides = array<i32>} : memref<32x100xi32, #tpu.memory_space<vmem>>, vector<1x16xi32>,
      %swap3A_743 = vector.shape_cast %swap3A_742 : vector<1x16xi32> to vector<16xi32>
      %swap3A_744 = vector.shape_cast %add3A_738 : vector<16xi32> to vector<1x16xi32>
      tpu.vector_store %arg6[%swap3A_740, %swap3A_741], %swap3A_744 {strides = array<i32>} : memref<32x100xi32, #tpu.memory_space<vmem>>, vector<1x16xi32>,
      %get3A_745 = arith.constant 6 : i32
      %get3A_746 = arith.index_cast %get3A_745 : i32 to index
      %get3A_747 = arith.constant 16 : index
      %get3A_748 = tpu.vector_load %arg5[%get3A_746, %get3A_747] {strides = array<i32>} : memref<32x128xi32, #tpu.memory_space<vmem>>, vector<1x16xi32>,
      %get3A_749 = vector.shape_cast %get3A_748 : vector<1x16xi32> to vector<16xi32>
      %get3A_750 = arith.constant 16 : index
      %get3A_751 = tpu.vector_load %arg8[%get3A_750] {strides = array<i32>} : memref<100xi32, #tpu.memory_space<vmem>>, vector<16xi32>,
      %get3A_752 = vector.shape_cast %get3A_751 : vector<16xi32> to vector<16xi32>
      %add3A_753 = arith.addi %get3A_749, %get3A_752 : vector<16xi32>
      %swap3A_754 = arith.constant 6 : i32
      %swap3A_755 = arith.index_cast %swap3A_754 : i32 to index
      %swap3A_756 = arith.constant 16 : index
      %swap3A_757 = tpu.vector_load %arg6[%swap3A_755, %swap3A_756] {strides = array<i32>} : memref<32x100xi32, #tpu.memory_space<vmem>>, vector<1x16xi32>,
      %swap3A_758 = vector.shape_cast %swap3A_757 : vector<1x16xi32> to vector<16xi32>
      %swap3A_759 = vector.shape_cast %add3A_753 : vector<16xi32> to vector<1x16xi32>
      tpu.vector_store %arg6[%swap3A_755, %swap3A_756], %swap3A_759 {strides = array<i32>} : memref<32x100xi32, #tpu.memory_space<vmem>>, vector<1x16xi32>,
      %get3A_760 = arith.constant 6 : i32
      %get3A_761 = arith.index_cast %get3A_760 : i32 to index
      %get3A_762 = arith.constant 32 : index
      %get3A_763 = tpu.vector_load %arg5[%get3A_761, %get3A_762] {strides = array<i32>} : memref<32x128xi32, #tpu.memory_space<vmem>>, vector<1x16xi32>,
      %get3A_764 = vector.shape_cast %get3A_763 : vector<1x16xi32> to vector<16xi32>
      %get3A_765 = arith.constant 32 : index
      %get3A_766 = tpu.vector_load %arg8[%get3A_765] {strides = array<i32>} : memref<100xi32, #tpu.memory_space<vmem>>, vector<16xi32>,
      %get3A_767 = vector.shape_cast %get3A_766 : vector<16xi32> to vector<16xi32>
      %add3A_768 = arith.addi %get3A_764, %get3A_767 : vector<16xi32>
      %swap3A_769 = arith.constant 6 : i32
      %swap3A_770 = arith.index_cast %swap3A_769 : i32 to index
      %swap3A_771 = arith.constant 32 : index
      %swap3A_772 = tpu.vector_load %arg6[%swap3A_770, %swap3A_771] {strides = array<i32>} : memref<32x100xi32, #tpu.memory_space<vmem>>, vector<1x16xi32>,
      %swap3A_773 = vector.shape_cast %swap3A_772 : vector<1x16xi32> to vector<16xi32>
      %swap3A_774 = vector.shape_cast %add3A_768 : vector<16xi32> to vector<1x16xi32>
      tpu.vector_store %arg6[%swap3A_770, %swap3A_771], %swap3A_774 {strides = array<i32>} : memref<32x100xi32, #tpu.memory_space<vmem>>, vector<1x16xi32>,
      %get3A_775 = arith.constant 6 : i32
      %get3A_776 = arith.index_cast %get3A_775 : i32 to index
      %get3A_777 = arith.constant 48 : index
      %get3A_778 = tpu.vector_load %arg5[%get3A_776, %get3A_777] {strides = array<i32>} : memref<32x128xi32, #tpu.memory_space<vmem>>, vector<1x16xi32>,
      %get3A_779 = vector.shape_cast %get3A_778 : vector<1x16xi32> to vector<16xi32>
      %get3A_780 = arith.constant 48 : index
      %get3A_781 = tpu.vector_load %arg8[%get3A_780] {strides = array<i32>} : memref<100xi32, #tpu.memory_space<vmem>>, vector<16xi32>,
      %get3A_782 = vector.shape_cast %get3A_781 : vector<16xi32> to vector<16xi32>
      %add3A_783 = arith.addi %get3A_779, %get3A_782 : vector<16xi32>
      %swap3A_784 = arith.constant 6 : i32
      %swap3A_785 = arith.index_cast %swap3A_784 : i32 to index
      %swap3A_786 = arith.constant 48 : index
      %swap3A_787 = tpu.vector_load %arg6[%swap3A_785, %swap3A_786] {strides = array<i32>} : memref<32x100xi32, #tpu.memory_space<vmem>>, vector<1x16xi32>,
      %swap3A_788 = vector.shape_cast %swap3A_787 : vector<1x16xi32> to vector<16xi32>
      %swap3A_789 = vector.shape_cast %add3A_783 : vector<16xi32> to vector<1x16xi32>
      tpu.vector_store %arg6[%swap3A_785, %swap3A_786], %swap3A_789 {strides = array<i32>} : memref<32x100xi32, #tpu.memory_space<vmem>>, vector<1x16xi32>,
      %get3A_790 = arith.constant 6 : i32
      %get3A_791 = arith.index_cast %get3A_790 : i32 to index
      %get3A_792 = arith.constant 64 : index
      %get3A_793 = tpu.vector_load %arg5[%get3A_791, %get3A_792] {strides = array<i32>} : memref<32x128xi32, #tpu.memory_space<vmem>>, vector<1x16xi32>,
      %get3A_794 = vector.shape_cast %get3A_793 : vector<1x16xi32> to vector<16xi32>
      %get3A_795 = arith.constant 64 : index
      %get3A_796 = tpu.vector_load %arg8[%get3A_795] {strides = array<i32>} : memref<100xi32, #tpu.memory_space<vmem>>, vector<16xi32>,
      %get3A_797 = vector.shape_cast %get3A_796 : vector<16xi32> to vector<16xi32>
      %add3A_798 = arith.addi %get3A_794, %get3A_797 : vector<16xi32>
      %swap3A_799 = arith.constant 6 : i32
      %swap3A_800 = arith.index_cast %swap3A_799 : i32 to index
      %swap3A_801 = arith.constant 64 : index
      %swap3A_802 = tpu.vector_load %arg6[%swap3A_800, %swap3A_801] {strides = array<i32>} : memref<32x100xi32, #tpu.memory_space<vmem>>, vector<1x16xi32>,
      %swap3A_803 = vector.shape_cast %swap3A_802 : vector<1x16xi32> to vector<16xi32>
      %swap3A_804 = vector.shape_cast %add3A_798 : vector<16xi32> to vector<1x16xi32>
      tpu.vector_store %arg6[%swap3A_800, %swap3A_801], %swap3A_804 {strides = array<i32>} : memref<32x100xi32, #tpu.memory_space<vmem>>, vector<1x16xi32>,
      %get3A_805 = arith.constant 6 : i32
      %get3A_806 = arith.index_cast %get3A_805 : i32 to index
      %get3A_807 = arith.constant 80 : index
      %get3A_808 = tpu.vector_load %arg5[%get3A_806, %get3A_807] {strides = array<i32>} : memref<32x128xi32, #tpu.memory_space<vmem>>, vector<1x16xi32>,
      %get3A_809 = vector.shape_cast %get3A_808 : vector<1x16xi32> to vector<16xi32>
      %get3A_810 = arith.constant 80 : index
      %get3A_811 = tpu.vector_load %arg8[%get3A_810] {strides = array<i32>} : memref<100xi32, #tpu.memory_space<vmem>>, vector<16xi32>,
      %get3A_812 = vector.shape_cast %get3A_811 : vector<16xi32> to vector<16xi32>
      %add3A_813 = arith.addi %get3A_809, %get3A_812 : vector<16xi32>
      %swap3A_814 = arith.constant 6 : i32
      %swap3A_815 = arith.index_cast %swap3A_814 : i32 to index
      %swap3A_816 = arith.constant 80 : index
      %swap3A_817 = tpu.vector_load %arg6[%swap3A_815, %swap3A_816] {strides = array<i32>} : memref<32x100xi32, #tpu.memory_space<vmem>>, vector<1x16xi32>,
      %swap3A_818 = vector.shape_cast %swap3A_817 : vector<1x16xi32> to vector<16xi32>
      %swap3A_819 = vector.shape_cast %add3A_813 : vector<16xi32> to vector<1x16xi32>
      tpu.vector_store %arg6[%swap3A_815, %swap3A_816], %swap3A_819 {strides = array<i32>} : memref<32x100xi32, #tpu.memory_space<vmem>>, vector<1x16xi32>,
      %get3A_820 = arith.constant 6 : i32
      %get3A_821 = arith.index_cast %get3A_820 : i32 to index
      %get3A_822 = arith.constant 84 : index
      %get3A_823 = tpu.vector_load %arg5[%get3A_821, %get3A_822] {strides = array<i32>} : memref<32x128xi32, #tpu.memory_space<vmem>>, vector<1x16xi32>,
      %get3A_824 = vector.shape_cast %get3A_823 : vector<1x16xi32> to vector<16xi32>
      %get3A_825 = arith.constant 84 : index
      %get3A_826 = tpu.vector_load %arg8[%get3A_825] {strides = array<i32>} : memref<100xi32, #tpu.memory_space<vmem>>, vector<16xi32>,
      %get3A_827 = vector.shape_cast %get3A_826 : vector<16xi32> to vector<16xi32>
      %add3A_828 = arith.addi %get3A_824, %get3A_827 : vector<16xi32>
      %swap3A_829 = arith.constant 6 : i32
      %swap3A_830 = arith.index_cast %swap3A_829 : i32 to index
      %swap3A_831 = arith.constant 84 : index
      %swap3A_832 = tpu.vector_load %arg6[%swap3A_830, %swap3A_831] {strides = array<i32>} : memref<32x100xi32, #tpu.memory_space<vmem>>, vector<1x16xi32>,
      %swap3A_833 = vector.shape_cast %swap3A_832 : vector<1x16xi32> to vector<16xi32>
      %swap3A_834 = vector.shape_cast %add3A_828 : vector<16xi32> to vector<1x16xi32>
      tpu.vector_store %arg6[%swap3A_830, %swap3A_831], %swap3A_834 {strides = array<i32>} : memref<32x100xi32, #tpu.memory_space<vmem>>, vector<1x16xi32>,
      %get3A_835 = arith.constant 7 : i32
      %get3A_836 = arith.index_cast %get3A_835 : i32 to index
      %get3A_837 = arith.constant 0 : index
      %get3A_838 = tpu.vector_load %arg5[%get3A_836, %get3A_837] {strides = array<i32>} : memref<32x128xi32, #tpu.memory_space<vmem>>, vector<1x16xi32>,
      %get3A_839 = vector.shape_cast %get3A_838 : vector<1x16xi32> to vector<16xi32>
      %get3A_840 = arith.constant 0 : index
      %get3A_841 = tpu.vector_load %arg8[%get3A_840] {strides = array<i32>} : memref<100xi32, #tpu.memory_space<vmem>>, vector<16xi32>,
      %get3A_842 = vector.shape_cast %get3A_841 : vector<16xi32> to vector<16xi32>
      %add3A_843 = arith.addi %get3A_839, %get3A_842 : vector<16xi32>
      %swap3A_844 = arith.constant 7 : i32
      %swap3A_845 = arith.index_cast %swap3A_844 : i32 to index
      %swap3A_846 = arith.constant 0 : index
      %swap3A_847 = tpu.vector_load %arg6[%swap3A_845, %swap3A_846] {strides = array<i32>} : memref<32x100xi32, #tpu.memory_space<vmem>>, vector<1x16xi32>,
      %swap3A_848 = vector.shape_cast %swap3A_847 : vector<1x16xi32> to vector<16xi32>
      %swap3A_849 = vector.shape_cast %add3A_843 : vector<16xi32> to vector<1x16xi32>
      tpu.vector_store %arg6[%swap3A_845, %swap3A_846], %swap3A_849 {strides = array<i32>} : memref<32x100xi32, #tpu.memory_space<vmem>>, vector<1x16xi32>,
      %get3A_850 = arith.constant 7 : i32
      %get3A_851 = arith.index_cast %get3A_850 : i32 to index
      %get3A_852 = arith.constant 16 : index
      %get3A_853 = tpu.vector_load %arg5[%get3A_851, %get3A_852] {strides = array<i32>} : memref<32x128xi32, #tpu.memory_space<vmem>>, vector<1x16xi32>,
      %get3A_854 = vector.shape_cast %get3A_853 : vector<1x16xi32> to vector<16xi32>
      %get3A_855 = arith.constant 16 : index
      %get3A_856 = tpu.vector_load %arg8[%get3A_855] {strides = array<i32>} : memref<100xi32, #tpu.memory_space<vmem>>, vector<16xi32>,
      %get3A_857 = vector.shape_cast %get3A_856 : vector<16xi32> to vector<16xi32>
      %add3A_858 = arith.addi %get3A_854, %get3A_857 : vector<16xi32>
      %swap3A_859 = arith.constant 7 : i32
      %swap3A_860 = arith.index_cast %swap3A_859 : i32 to index
      %swap3A_861 = arith.constant 16 : index
      %swap3A_862 = tpu.vector_load %arg6[%swap3A_860, %swap3A_861] {strides = array<i32>} : memref<32x100xi32, #tpu.memory_space<vmem>>, vector<1x16xi32>,
      %swap3A_863 = vector.shape_cast %swap3A_862 : vector<1x16xi32> to vector<16xi32>
      %swap3A_864 = vector.shape_cast %add3A_858 : vector<16xi32> to vector<1x16xi32>
      tpu.vector_store %arg6[%swap3A_860, %swap3A_861], %swap3A_864 {strides = array<i32>} : memref<32x100xi32, #tpu.memory_space<vmem>>, vector<1x16xi32>,
      %get3A_865 = arith.constant 7 : i32
      %get3A_866 = arith.index_cast %get3A_865 : i32 to index
      %get3A_867 = arith.constant 32 : index
      %get3A_868 = tpu.vector_load %arg5[%get3A_866, %get3A_867] {strides = array<i32>} : memref<32x128xi32, #tpu.memory_space<vmem>>, vector<1x16xi32>,
      %get3A_869 = vector.shape_cast %get3A_868 : vector<1x16xi32> to vector<16xi32>
      %get3A_870 = arith.constant 32 : index
      %get3A_871 = tpu.vector_load %arg8[%get3A_870] {strides = array<i32>} : memref<100xi32, #tpu.memory_space<vmem>>, vector<16xi32>,
      %get3A_872 = vector.shape_cast %get3A_871 : vector<16xi32> to vector<16xi32>
      %add3A_873 = arith.addi %get3A_869, %get3A_872 : vector<16xi32>
      %swap3A_874 = arith.constant 7 : i32
      %swap3A_875 = arith.index_cast %swap3A_874 : i32 to index
      %swap3A_876 = arith.constant 32 : index
      %swap3A_877 = tpu.vector_load %arg6[%swap3A_875, %swap3A_876] {strides = array<i32>} : memref<32x100xi32, #tpu.memory_space<vmem>>, vector<1x16xi32>,
      %swap3A_878 = vector.shape_cast %swap3A_877 : vector<1x16xi32> to vector<16xi32>
      %swap3A_879 = vector.shape_cast %add3A_873 : vector<16xi32> to vector<1x16xi32>
      tpu.vector_store %arg6[%swap3A_875, %swap3A_876], %swap3A_879 {strides = array<i32>} : memref<32x100xi32, #tpu.memory_space<vmem>>, vector<1x16xi32>,
      %get3A_880 = arith.constant 7 : i32
      %get3A_881 = arith.index_cast %get3A_880 : i32 to index
      %get3A_882 = arith.constant 48 : index
      %get3A_883 = tpu.vector_load %arg5[%get3A_881, %get3A_882] {strides = array<i32>} : memref<32x128xi32, #tpu.memory_space<vmem>>, vector<1x16xi32>,
      %get3A_884 = vector.shape_cast %get3A_883 : vector<1x16xi32> to vector<16xi32>
      %get3A_885 = arith.constant 48 : index
      %get3A_886 = tpu.vector_load %arg8[%get3A_885] {strides = array<i32>} : memref<100xi32, #tpu.memory_space<vmem>>, vector<16xi32>,
      %get3A_887 = vector.shape_cast %get3A_886 : vector<16xi32> to vector<16xi32>
      %add3A_888 = arith.addi %get3A_884, %get3A_887 : vector<16xi32>
      %swap3A_889 = arith.constant 7 : i32
      %swap3A_890 = arith.index_cast %swap3A_889 : i32 to index
      %swap3A_891 = arith.constant 48 : index
      %swap3A_892 = tpu.vector_load %arg6[%swap3A_890, %swap3A_891] {strides = array<i32>} : memref<32x100xi32, #tpu.memory_space<vmem>>, vector<1x16xi32>,
      %swap3A_893 = vector.shape_cast %swap3A_892 : vector<1x16xi32> to vector<16xi32>
      %swap3A_894 = vector.shape_cast %add3A_888 : vector<16xi32> to vector<1x16xi32>
      tpu.vector_store %arg6[%swap3A_890, %swap3A_891], %swap3A_894 {strides = array<i32>} : memref<32x100xi32, #tpu.memory_space<vmem>>, vector<1x16xi32>,
      %get3A_895 = arith.constant 7 : i32
      %get3A_896 = arith.index_cast %get3A_895 : i32 to index
      %get3A_897 = arith.constant 64 : index
      %get3A_898 = tpu.vector_load %arg5[%get3A_896, %get3A_897] {strides = array<i32>} : memref<32x128xi32, #tpu.memory_space<vmem>>, vector<1x16xi32>,
      %get3A_899 = vector.shape_cast %get3A_898 : vector<1x16xi32> to vector<16xi32>
      %get3A_900 = arith.constant 64 : index
      %get3A_901 = tpu.vector_load %arg8[%get3A_900] {strides = array<i32>} : memref<100xi32, #tpu.memory_space<vmem>>, vector<16xi32>,
      %get3A_902 = vector.shape_cast %get3A_901 : vector<16xi32> to vector<16xi32>
      %add3A_903 = arith.addi %get3A_899, %get3A_902 : vector<16xi32>
      %swap3A_904 = arith.constant 7 : i32
      %swap3A_905 = arith.index_cast %swap3A_904 : i32 to index
      %swap3A_906 = arith.constant 64 : index
      %swap3A_907 = tpu.vector_load %arg6[%swap3A_905, %swap3A_906] {strides = array<i32>} : memref<32x100xi32, #tpu.memory_space<vmem>>, vector<1x16xi32>,
      %swap3A_908 = vector.shape_cast %swap3A_907 : vector<1x16xi32> to vector<16xi32>
      %swap3A_909 = vector.shape_cast %add3A_903 : vector<16xi32> to vector<1x16xi32>
      tpu.vector_store %arg6[%swap3A_905, %swap3A_906], %swap3A_909 {strides = array<i32>} : memref<32x100xi32, #tpu.memory_space<vmem>>, vector<1x16xi32>,
      %get3A_910 = arith.constant 7 : i32
      %get3A_911 = arith.index_cast %get3A_910 : i32 to index
      %get3A_912 = arith.constant 80 : index
      %get3A_913 = tpu.vector_load %arg5[%get3A_911, %get3A_912] {strides = array<i32>} : memref<32x128xi32, #tpu.memory_space<vmem>>, vector<1x16xi32>,
      %get3A_914 = vector.shape_cast %get3A_913 : vector<1x16xi32> to vector<16xi32>
      %get3A_915 = arith.constant 80 : index
      %get3A_916 = tpu.vector_load %arg8[%get3A_915] {strides = array<i32>} : memref<100xi32, #tpu.memory_space<vmem>>, vector<16xi32>,
      %get3A_917 = vector.shape_cast %get3A_916 : vector<16xi32> to vector<16xi32>
      %add3A_918 = arith.addi %get3A_914, %get3A_917 : vector<16xi32>
      %swap3A_919 = arith.constant 7 : i32
      %swap3A_920 = arith.index_cast %swap3A_919 : i32 to index
      %swap3A_921 = arith.constant 80 : index
      %swap3A_922 = tpu.vector_load %arg6[%swap3A_920, %swap3A_921] {strides = array<i32>} : memref<32x100xi32, #tpu.memory_space<vmem>>, vector<1x16xi32>,
      %swap3A_923 = vector.shape_cast %swap3A_922 : vector<1x16xi32> to vector<16xi32>
      %swap3A_924 = vector.shape_cast %add3A_918 : vector<16xi32> to vector<1x16xi32>
      tpu.vector_store %arg6[%swap3A_920, %swap3A_921], %swap3A_924 {strides = array<i32>} : memref<32x100xi32, #tpu.memory_space<vmem>>, vector<1x16xi32>,
      %get3A_925 = arith.constant 7 : i32
      %get3A_926 = arith.index_cast %get3A_925 : i32 to index
      %get3A_927 = arith.constant 84 : index
      %get3A_928 = tpu.vector_load %arg5[%get3A_926, %get3A_927] {strides = array<i32>} : memref<32x128xi32, #tpu.memory_space<vmem>>, vector<1x16xi32>,
      %get3A_929 = vector.shape_cast %get3A_928 : vector<1x16xi32> to vector<16xi32>
      %get3A_930 = arith.constant 84 : index
      %get3A_931 = tpu.vector_load %arg8[%get3A_930] {strides = array<i32>} : memref<100xi32, #tpu.memory_space<vmem>>, vector<16xi32>,
      %get3A_932 = vector.shape_cast %get3A_931 : vector<16xi32> to vector<16xi32>
      %add3A_933 = arith.addi %get3A_929, %get3A_932 : vector<16xi32>
      %swap3A_934 = arith.constant 7 : i32
      %swap3A_935 = arith.index_cast %swap3A_934 : i32 to index
      %swap3A_936 = arith.constant 84 : index
      %swap3A_937 = tpu.vector_load %arg6[%swap3A_935, %swap3A_936] {strides = array<i32>} : memref<32x100xi32, #tpu.memory_space<vmem>>, vector<1x16xi32>,
      %swap3A_938 = vector.shape_cast %swap3A_937 : vector<1x16xi32> to vector<16xi32>
      %swap3A_939 = vector.shape_cast %add3A_933 : vector<16xi32> to vector<1x16xi32>
      tpu.vector_store %arg6[%swap3A_935, %swap3A_936], %swap3A_939 {strides = array<i32>} : memref<32x100xi32, #tpu.memory_space<vmem>>, vector<1x16xi32>,
      %get3A_940 = arith.constant 8 : i32
      %get3A_941 = arith.index_cast %get3A_940 : i32 to index
      %get3A_942 = arith.constant 0 : index
      %get3A_943 = tpu.vector_load %arg5[%get3A_941, %get3A_942] {strides = array<i32>} : memref<32x128xi32, #tpu.memory_space<vmem>>, vector<1x16xi32>,
      %get3A_944 = vector.shape_cast %get3A_943 : vector<1x16xi32> to vector<16xi32>
      %get3A_945 = arith.constant 0 : index
      %get3A_946 = tpu.vector_load %arg8[%get3A_945] {strides = array<i32>} : memref<100xi32, #tpu.memory_space<vmem>>, vector<16xi32>,
      %get3A_947 = vector.shape_cast %get3A_946 : vector<16xi32> to vector<16xi32>
      %add3A_948 = arith.addi %get3A_944, %get3A_947 : vector<16xi32>
      %swap3A_949 = arith.constant 8 : i32
      %swap3A_950 = arith.index_cast %swap3A_949 : i32 to index
      %swap3A_951 = arith.constant 0 : index
      %swap3A_952 = tpu.vector_load %arg6[%swap3A_950, %swap3A_951] {strides = array<i32>} : memref<32x100xi32, #tpu.memory_space<vmem>>, vector<1x16xi32>,
      %swap3A_953 = vector.shape_cast %swap3A_952 : vector<1x16xi32> to vector<16xi32>
      %swap3A_954 = vector.shape_cast %add3A_948 : vector<16xi32> to vector<1x16xi32>
      tpu.vector_store %arg6[%swap3A_950, %swap3A_951], %swap3A_954 {strides = array<i32>} : memref<32x100xi32, #tpu.memory_space<vmem>>, vector<1x16xi32>,
      %get3A_955 = arith.constant 8 : i32
      %get3A_956 = arith.index_cast %get3A_955 : i32 to index
      %get3A_957 = arith.constant 16 : index
      %get3A_958 = tpu.vector_load %arg5[%get3A_956, %get3A_957] {strides = array<i32>} : memref<32x128xi32, #tpu.memory_space<vmem>>, vector<1x16xi32>,
      %get3A_959 = vector.shape_cast %get3A_958 : vector<1x16xi32> to vector<16xi32>
      %get3A_960 = arith.constant 16 : index
      %get3A_961 = tpu.vector_load %arg8[%get3A_960] {strides = array<i32>} : memref<100xi32, #tpu.memory_space<vmem>>, vector<16xi32>,
      %get3A_962 = vector.shape_cast %get3A_961 : vector<16xi32> to vector<16xi32>
      %add3A_963 = arith.addi %get3A_959, %get3A_962 : vector<16xi32>
      %swap3A_964 = arith.constant 8 : i32
      %swap3A_965 = arith.index_cast %swap3A_964 : i32 to index
      %swap3A_966 = arith.constant 16 : index
      %swap3A_967 = tpu.vector_load %arg6[%swap3A_965, %swap3A_966] {strides = array<i32>} : memref<32x100xi32, #tpu.memory_space<vmem>>, vector<1x16xi32>,
      %swap3A_968 = vector.shape_cast %swap3A_967 : vector<1x16xi32> to vector<16xi32>
      %swap3A_969 = vector.shape_cast %add3A_963 : vector<16xi32> to vector<1x16xi32>
      tpu.vector_store %arg6[%swap3A_965, %swap3A_966], %swap3A_969 {strides = array<i32>} : memref<32x100xi32, #tpu.memory_space<vmem>>, vector<1x16xi32>,
      %get3A_970 = arith.constant 8 : i32
      %get3A_971 = arith.index_cast %get3A_970 : i32 to index
      %get3A_972 = arith.constant 32 : index
      %get3A_973 = tpu.vector_load %arg5[%get3A_971, %get3A_972] {strides = array<i32>} : memref<32x128xi32, #tpu.memory_space<vmem>>, vector<1x16xi32>,
      %get3A_974 = vector.shape_cast %get3A_973 : vector<1x16xi32> to vector<16xi32>
      %get3A_975 = arith.constant 32 : index
      %get3A_976 = tpu.vector_load %arg8[%get3A_975] {strides = array<i32>} : memref<100xi32, #tpu.memory_space<vmem>>, vector<16xi32>,
      %get3A_977 = vector.shape_cast %get3A_976 : vector<16xi32> to vector<16xi32>
      %add3A_978 = arith.addi %get3A_974, %get3A_977 : vector<16xi32>
      %swap3A_979 = arith.constant 8 : i32
      %swap3A_980 = arith.index_cast %swap3A_979 : i32 to index
      %swap3A_981 = arith.constant 32 : index
      %swap3A_982 = tpu.vector_load %arg6[%swap3A_980, %swap3A_981] {strides = array<i32>} : memref<32x100xi32, #tpu.memory_space<vmem>>, vector<1x16xi32>,
      %swap3A_983 = vector.shape_cast %swap3A_982 : vector<1x16xi32> to vector<16xi32>
      %swap3A_984 = vector.shape_cast %add3A_978 : vector<16xi32> to vector<1x16xi32>
      tpu.vector_store %arg6[%swap3A_980, %swap3A_981], %swap3A_984 {strides = array<i32>} : memref<32x100xi32, #tpu.memory_space<vmem>>, vector<1x16xi32>,
      %get3A_985 = arith.constant 8 : i32
      %get3A_986 = arith.index_cast %get3A_985 : i32 to index
      %get3A_987 = arith.constant 48 : index
      %get3A_988 = tpu.vector_load %arg5[%get3A_986, %get3A_987] {strides = array<i32>} : memref<32x128xi32, #tpu.memory_space<vmem>>, vector<1x16xi32>,
      %get3A_989 = vector.shape_cast %get3A_988 : vector<1x16xi32> to vector<16xi32>
      %get3A_990 = arith.constant 48 : index
      %get3A_991 = tpu.vector_load %arg8[%get3A_990] {strides = array<i32>} : memref<100xi32, #tpu.memory_space<vmem>>, vector<16xi32>,
      %get3A_992 = vector.shape_cast %get3A_991 : vector<16xi32> to vector<16xi32>
      %add3A_993 = arith.addi %get3A_989, %get3A_992 : vector<16xi32>
      %swap3A_994 = arith.constant 8 : i32
      %swap3A_995 = arith.index_cast %swap3A_994 : i32 to index
      %swap3A_996 = arith.constant 48 : index
      %swap3A_997 = tpu.vector_load %arg6[%swap3A_995, %swap3A_996] {strides = array<i32>} : memref<32x100xi32, #tpu.memory_space<vmem>>, vector<1x16xi32>,
      %swap3A_998 = vector.shape_cast %swap3A_997 : vector<1x16xi32> to vector<16xi32>
      %swap3A_999 = vector.shape_cast %add3A_993 : vector<16xi32> to vector<1x16xi32>
      tpu.vector_store %arg6[%swap3A_995, %swap3A_996], %swap3A_999 {strides = array<i32>} : memref<32x100xi32, #tpu.memory_space<vmem>>, vector<1x16xi32>,
      %get3A_1000 = arith.constant 8 : i32
      %get3A_1001 = arith.index_cast %get3A_1000 : i32 to index
      %get3A_1002 = arith.constant 64 : index
      %get3A_1003 = tpu.vector_load %arg5[%get3A_1001, %get3A_1002] {strides = array<i32>} : memref<32x128xi32, #tpu.memory_space<vmem>>, vector<1x16xi32>,
      %get3A_1004 = vector.shape_cast %get3A_1003 : vector<1x16xi32> to vector<16xi32>
      %get3A_1005 = arith.constant 64 : index
      %get3A_1006 = tpu.vector_load %arg8[%get3A_1005] {strides = array<i32>} : memref<100xi32, #tpu.memory_space<vmem>>, vector<16xi32>,
      %get3A_1007 = vector.shape_cast %get3A_1006 : vector<16xi32> to vector<16xi32>
      %add3A_1008 = arith.addi %get3A_1004, %get3A_1007 : vector<16xi32>
      %swap3A_1009 = arith.constant 8 : i32
      %swap3A_1010 = arith.index_cast %swap3A_1009 : i32 to index
      %swap3A_1011 = arith.constant 64 : index
      %swap3A_1012 = tpu.vector_load %arg6[%swap3A_1010, %swap3A_1011] {strides = array<i32>} : memref<32x100xi32, #tpu.memory_space<vmem>>, vector<1x16xi32>,
      %swap3A_1013 = vector.shape_cast %swap3A_1012 : vector<1x16xi32> to vector<16xi32>
      %swap3A_1014 = vector.shape_cast %add3A_1008 : vector<16xi32> to vector<1x16xi32>
      tpu.vector_store %arg6[%swap3A_1010, %swap3A_1011], %swap3A_1014 {strides = array<i32>} : memref<32x100xi32, #tpu.memory_space<vmem>>, vector<1x16xi32>,
      %get3A_1015 = arith.constant 8 : i32
      %get3A_1016 = arith.index_cast %get3A_1015 : i32 to index
      %get3A_1017 = arith.constant 80 : index
      %get3A_1018 = tpu.vector_load %arg5[%get3A_1016, %get3A_1017] {strides = array<i32>} : memref<32x128xi32, #tpu.memory_space<vmem>>, vector<1x16xi32>,
      %get3A_1019 = vector.shape_cast %get3A_1018 : vector<1x16xi32> to vector<16xi32>
      %get3A_1020 = arith.constant 80 : index
      %get3A_1021 = tpu.vector_load %arg8[%get3A_1020] {strides = array<i32>} : memref<100xi32, #tpu.memory_space<vmem>>, vector<16xi32>,
      %get3A_1022 = vector.shape_cast %get3A_1021 : vector<16xi32> to vector<16xi32>
      %add3A_1023 = arith.addi %get3A_1019, %get3A_1022 : vector<16xi32>
      %swap3A_1024 = arith.constant 8 : i32
      %swap3A_1025 = arith.index_cast %swap3A_1024 : i32 to index
      %swap3A_1026 = arith.constant 80 : index
      %swap3A_1027 = tpu.vector_load %arg6[%swap3A_1025, %swap3A_1026] {strides = array<i32>} : memref<32x100xi32, #tpu.memory_space<vmem>>, vector<1x16xi32>,
      %swap3A_1028 = vector.shape_cast %swap3A_1027 : vector<1x16xi32> to vector<16xi32>
      %swap3A_1029 = vector.shape_cast %add3A_1023 : vector<16xi32> to vector<1x16xi32>
      tpu.vector_store %arg6[%swap3A_1025, %swap3A_1026], %swap3A_1029 {strides = array<i32>} : memref<32x100xi32, #tpu.memory_space<vmem>>, vector<1x16xi32>,
      %get3A_1030 = arith.constant 8 : i32
      %get3A_1031 = arith.index_cast %get3A_1030 : i32 to index
      %get3A_1032 = arith.constant 84 : index
      %get3A_1033 = tpu.vector_load %arg5[%get3A_1031, %get3A_1032] {strides = array<i32>} : memref<32x128xi32, #tpu.memory_space<vmem>>, vector<1x16xi32>,
      %get3A_1034 = vector.shape_cast %get3A_1033 : vector<1x16xi32> to vector<16xi32>
      %get3A_1035 = arith.constant 84 : index
      %get3A_1036 = tpu.vector_load %arg8[%get3A_1035] {strides = array<i32>} : memref<100xi32, #tpu.memory_space<vmem>>, vector<16xi32>,
      %get3A_1037 = vector.shape_cast %get3A_1036 : vector<16xi32> to vector<16xi32>
      %add3A_1038 = arith.addi %get3A_1034, %get3A_1037 : vector<16xi32>
      %swap3A_1039 = arith.constant 8 : i32
      %swap3A_1040 = arith.index_cast %swap3A_1039 : i32 to index
      %swap3A_1041 = arith.constant 84 : index
      %swap3A_1042 = tpu.vector_load %arg6[%swap3A_1040, %swap3A_1041] {strides = array<i32>} : memref<32x100xi32, #tpu.memory_space<vmem>>, vector<1x16xi32>,
      %swap3A_1043 = vector.shape_cast %swap3A_1042 : vector<1x16xi32> to vector<16xi32>
      %swap3A_1044 = vector.shape_cast %add3A_1038 : vector<16xi32> to vector<1x16xi32>
      tpu.vector_store %arg6[%swap3A_1040, %swap3A_1041], %swap3A_1044 {strides = array<i32>} : memref<32x100xi32, #tpu.memory_space<vmem>>, vector<1x16xi32>,
      %get3A_1045 = arith.constant 9 : i32
      %get3A_1046 = arith.index_cast %get3A_1045 : i32 to index
      %get3A_1047 = arith.constant 0 : index
      %get3A_1048 = tpu.vector_load %arg5[%get3A_1046, %get3A_1047] {strides = array<i32>} : memref<32x128xi32, #tpu.memory_space<vmem>>, vector<1x16xi32>,
      %get3A_1049 = vector.shape_cast %get3A_1048 : vector<1x16xi32> to vector<16xi32>
      %get3A_1050 = arith.constant 0 : index
      %get3A_1051 = tpu.vector_load %arg8[%get3A_1050] {strides = array<i32>} : memref<100xi32, #tpu.memory_space<vmem>>, vector<16xi32>,
      %get3A_1052 = vector.shape_cast %get3A_1051 : vector<16xi32> to vector<16xi32>
      %add3A_1053 = arith.addi %get3A_1049, %get3A_1052 : vector<16xi32>
      %swap3A_1054 = arith.constant 9 : i32
      %swap3A_1055 = arith.index_cast %swap3A_1054 : i32 to index
      %swap3A_1056 = arith.constant 0 : index
      %swap3A_1057 = tpu.vector_load %arg6[%swap3A_1055, %swap3A_1056] {strides = array<i32>} : memref<32x100xi32, #tpu.memory_space<vmem>>, vector<1x16xi32>,
      %swap3A_1058 = vector.shape_cast %swap3A_1057 : vector<1x16xi32> to vector<16xi32>
      %swap3A_1059 = vector.shape_cast %add3A_1053 : vector<16xi32> to vector<1x16xi32>
      tpu.vector_store %arg6[%swap3A_1055, %swap3A_1056], %swap3A_1059 {strides = array<i32>} : memref<32x100xi32, #tpu.memory_space<vmem>>, vector<1x16xi32>,
      %get3A_1060 = arith.constant 9 : i32
      %get3A_1061 = arith.index_cast %get3A_1060 : i32 to index
      %get3A_1062 = arith.constant 16 : index
      %get3A_1063 = tpu.vector_load %arg5[%get3A_1061, %get3A_1062] {strides = array<i32>} : memref<32x128xi32, #tpu.memory_space<vmem>>, vector<1x16xi32>,
      %get3A_1064 = vector.shape_cast %get3A_1063 : vector<1x16xi32> to vector<16xi32>
      %get3A_1065 = arith.constant 16 : index
      %get3A_1066 = tpu.vector_load %arg8[%get3A_1065] {strides = array<i32>} : memref<100xi32, #tpu.memory_space<vmem>>, vector<16xi32>,
      %get3A_1067 = vector.shape_cast %get3A_1066 : vector<16xi32> to vector<16xi32>
      %add3A_1068 = arith.addi %get3A_1064, %get3A_1067 : vector<16xi32>
      %swap3A_1069 = arith.constant 9 : i32
      %swap3A_1070 = arith.index_cast %swap3A_1069 : i32 to index
      %swap3A_1071 = arith.constant 16 : index
      %swap3A_1072 = tpu.vector_load %arg6[%swap3A_1070, %swap3A_1071] {strides = array<i32>} : memref<32x100xi32, #tpu.memory_space<vmem>>, vector<1x16xi32>,
      %swap3A_1073 = vector.shape_cast %swap3A_1072 : vector<1x16xi32> to vector<16xi32>
      %swap3A_1074 = vector.shape_cast %add3A_1068 : vector<16xi32> to vector<1x16xi32>
      tpu.vector_store %arg6[%swap3A_1070, %swap3A_1071], %swap3A_1074 {strides = array<i32>} : memref<32x100xi32, #tpu.memory_space<vmem>>, vector<1x16xi32>,
      %get3A_1075 = arith.constant 9 : i32
      %get3A_1076 = arith.index_cast %get3A_1075 : i32 to index
      %get3A_1077 = arith.constant 32 : index
      %get3A_1078 = tpu.vector_load %arg5[%get3A_1076, %get3A_1077] {strides = array<i32>} : memref<32x128xi32, #tpu.memory_space<vmem>>, vector<1x16xi32>,
      %get3A_1079 = vector.shape_cast %get3A_1078 : vector<1x16xi32> to vector<16xi32>
      %get3A_1080 = arith.constant 32 : index
      %get3A_1081 = tpu.vector_load %arg8[%get3A_1080] {strides = array<i32>} : memref<100xi32, #tpu.memory_space<vmem>>, vector<16xi32>,
      %get3A_1082 = vector.shape_cast %get3A_1081 : vector<16xi32> to vector<16xi32>
      %add3A_1083 = arith.addi %get3A_1079, %get3A_1082 : vector<16xi32>
      %swap3A_1084 = arith.constant 9 : i32
      %swap3A_1085 = arith.index_cast %swap3A_1084 : i32 to index
      %swap3A_1086 = arith.constant 32 : index
      %swap3A_1087 = tpu.vector_load %arg6[%swap3A_1085, %swap3A_1086] {strides = array<i32>} : memref<32x100xi32, #tpu.memory_space<vmem>>, vector<1x16xi32>,
      %swap3A_1088 = vector.shape_cast %swap3A_1087 : vector<1x16xi32> to vector<16xi32>
      %swap3A_1089 = vector.shape_cast %add3A_1083 : vector<16xi32> to vector<1x16xi32>
      tpu.vector_store %arg6[%swap3A_1085, %swap3A_1086], %swap3A_1089 {strides = array<i32>} : memref<32x100xi32, #tpu.memory_space<vmem>>, vector<1x16xi32>,
      %get3A_1090 = arith.constant 9 : i32
      %get3A_1091 = arith.index_cast %get3A_1090 : i32 to index
      %get3A_1092 = arith.constant 48 : index
      %get3A_1093 = tpu.vector_load %arg5[%get3A_1091, %get3A_1092] {strides = array<i32>} : memref<32x128xi32, #tpu.memory_space<vmem>>, vector<1x16xi32>,
      %get3A_1094 = vector.shape_cast %get3A_1093 : vector<1x16xi32> to vector<16xi32>
      %get3A_1095 = arith.constant 48 : index
      %get3A_1096 = tpu.vector_load %arg8[%get3A_1095] {strides = array<i32>} : memref<100xi32, #tpu.memory_space<vmem>>, vector<16xi32>,
      %get3A_1097 = vector.shape_cast %get3A_1096 : vector<16xi32> to vector<16xi32>
      %add3A_1098 = arith.addi %get3A_1094, %get3A_1097 : vector<16xi32>
      %swap3A_1099 = arith.constant 9 : i32
      %swap3A_1100 = arith.index_cast %swap3A_1099 : i32 to index
      %swap3A_1101 = arith.constant 48 : index
      %swap3A_1102 = tpu.vector_load %arg6[%swap3A_1100, %swap3A_1101] {strides = array<i32>} : memref<32x100xi32, #tpu.memory_space<vmem>>, vector<1x16xi32>,
      %swap3A_1103 = vector.shape_cast %swap3A_1102 : vector<1x16xi32> to vector<16xi32>
      %swap3A_1104 = vector.shape_cast %add3A_1098 : vector<16xi32> to vector<1x16xi32>
      tpu.vector_store %arg6[%swap3A_1100, %swap3A_1101], %swap3A_1104 {strides = array<i32>} : memref<32x100xi32, #tpu.memory_space<vmem>>, vector<1x16xi32>,
      %get3A_1105 = arith.constant 9 : i32
      %get3A_1106 = arith.index_cast %get3A_1105 : i32 to index
      %get3A_1107 = arith.constant 64 : index
      %get3A_1108 = tpu.vector_load %arg5[%get3A_1106, %get3A_1107] {strides = array<i32>} : memref<32x128xi32, #tpu.memory_space<vmem>>, vector<1x16xi32>,
      %get3A_1109 = vector.shape_cast %get3A_1108 : vector<1x16xi32> to vector<16xi32>
      %get3A_1110 = arith.constant 64 : index
      %get3A_1111 = tpu.vector_load %arg8[%get3A_1110] {strides = array<i32>} : memref<100xi32, #tpu.memory_space<vmem>>, vector<16xi32>,
      %get3A_1112 = vector.shape_cast %get3A_1111 : vector<16xi32> to vector<16xi32>
      %add3A_1113 = arith.addi %get3A_1109, %get3A_1112 : vector<16xi32>
      %swap3A_1114 = arith.constant 9 : i32
      %swap3A_1115 = arith.index_cast %swap3A_1114 : i32 to index
      %swap3A_1116 = arith.constant 64 : index
      %swap3A_1117 = tpu.vector_load %arg6[%swap3A_1115, %swap3A_1116] {strides = array<i32>} : memref<32x100xi32, #tpu.memory_space<vmem>>, vector<1x16xi32>,
      %swap3A_1118 = vector.shape_cast %swap3A_1117 : vector<1x16xi32> to vector<16xi32>
      %swap3A_1119 = vector.shape_cast %add3A_1113 : vector<16xi32> to vector<1x16xi32>
      tpu.vector_store %arg6[%swap3A_1115, %swap3A_1116], %swap3A_1119 {strides = array<i32>} : memref<32x100xi32, #tpu.memory_space<vmem>>, vector<1x16xi32>,
      %get3A_1120 = arith.constant 9 : i32
      %get3A_1121 = arith.index_cast %get3A_1120 : i32 to index
      %get3A_1122 = arith.constant 80 : index
      %get3A_1123 = tpu.vector_load %arg5[%get3A_1121, %get3A_1122] {strides = array<i32>} : memref<32x128xi32, #tpu.memory_space<vmem>>, vector<1x16xi32>,
      %get3A_1124 = vector.shape_cast %get3A_1123 : vector<1x16xi32> to vector<16xi32>
      %get3A_1125 = arith.constant 80 : index
      %get3A_1126 = tpu.vector_load %arg8[%get3A_1125] {strides = array<i32>} : memref<100xi32, #tpu.memory_space<vmem>>, vector<16xi32>,
      %get3A_1127 = vector.shape_cast %get3A_1126 : vector<16xi32> to vector<16xi32>
      %add3A_1128 = arith.addi %get3A_1124, %get3A_1127 : vector<16xi32>
      %swap3A_1129 = arith.constant 9 : i32
      %swap3A_1130 = arith.index_cast %swap3A_1129 : i32 to index
      %swap3A_1131 = arith.constant 80 : index
      %swap3A_1132 = tpu.vector_load %arg6[%swap3A_1130, %swap3A_1131] {strides = array<i32>} : memref<32x100xi32, #tpu.memory_space<vmem>>, vector<1x16xi32>,
      %swap3A_1133 = vector.shape_cast %swap3A_1132 : vector<1x16xi32> to vector<16xi32>
      %swap3A_1134 = vector.shape_cast %add3A_1128 : vector<16xi32> to vector<1x16xi32>
      tpu.vector_store %arg6[%swap3A_1130, %swap3A_1131], %swap3A_1134 {strides = array<i32>} : memref<32x100xi32, #tpu.memory_space<vmem>>, vector<1x16xi32>,
      %get3A_1135 = arith.constant 9 : i32
      %get3A_1136 = arith.index_cast %get3A_1135 : i32 to index
      %get3A_1137 = arith.constant 84 : index
      %get3A_1138 = tpu.vector_load %arg5[%get3A_1136, %get3A_1137] {strides = array<i32>} : memref<32x128xi32, #tpu.memory_space<vmem>>, vector<1x16xi32>,
      %get3A_1139 = vector.shape_cast %get3A_1138 : vector<1x16xi32> to vector<16xi32>
      %get3A_1140 = arith.constant 84 : index
      %get3A_1141 = tpu.vector_load %arg8[%get3A_1140] {strides = array<i32>} : memref<100xi32, #tpu.memory_space<vmem>>, vector<16xi32>,
      %get3A_1142 = vector.shape_cast %get3A_1141 : vector<16xi32> to vector<16xi32>
      %add3A_1143 = arith.addi %get3A_1139, %get3A_1142 : vector<16xi32>
      %swap3A_1144 = arith.constant 9 : i32
      %swap3A_1145 = arith.index_cast %swap3A_1144 : i32 to index
      %swap3A_1146 = arith.constant 84 : index
      %swap3A_1147 = tpu.vector_load %arg6[%swap3A_1145, %swap3A_1146] {strides = array<i32>} : memref<32x100xi32, #tpu.memory_space<vmem>>, vector<1x16xi32>,
      %swap3A_1148 = vector.shape_cast %swap3A_1147 : vector<1x16xi32> to vector<16xi32>
      %swap3A_1149 = vector.shape_cast %add3A_1143 : vector<16xi32> to vector<1x16xi32>
      tpu.vector_store %arg6[%swap3A_1145, %swap3A_1146], %swap3A_1149 {strides = array<i32>} : memref<32x100xi32, #tpu.memory_space<vmem>>, vector<1x16xi32>,
      %get3A_1150 = arith.constant 10 : i32
      %get3A_1151 = arith.index_cast %get3A_1150 : i32 to index
      %get3A_1152 = arith.constant 0 : index
      %get3A_1153 = tpu.vector_load %arg5[%get3A_1151, %get3A_1152] {strides = array<i32>} : memref<32x128xi32, #tpu.memory_space<vmem>>, vector<1x16xi32>,
      %get3A_1154 = vector.shape_cast %get3A_1153 : vector<1x16xi32> to vector<16xi32>
      %get3A_1155 = arith.constant 0 : index
      %get3A_1156 = tpu.vector_load %arg8[%get3A_1155] {strides = array<i32>} : memref<100xi32, #tpu.memory_space<vmem>>, vector<16xi32>,
      %get3A_1157 = vector.shape_cast %get3A_1156 : vector<16xi32> to vector<16xi32>
      %add3A_1158 = arith.addi %get3A_1154, %get3A_1157 : vector<16xi32>
      %swap3A_1159 = arith.constant 10 : i32
      %swap3A_1160 = arith.index_cast %swap3A_1159 : i32 to index
      %swap3A_1161 = arith.constant 0 : index
      %swap3A_1162 = tpu.vector_load %arg6[%swap3A_1160, %swap3A_1161] {strides = array<i32>} : memref<32x100xi32, #tpu.memory_space<vmem>>, vector<1x16xi32>,
      %swap3A_1163 = vector.shape_cast %swap3A_1162 : vector<1x16xi32> to vector<16xi32>
      %swap3A_1164 = vector.shape_cast %add3A_1158 : vector<16xi32> to vector<1x16xi32>
      tpu.vector_store %arg6[%swap3A_1160, %swap3A_1161], %swap3A_1164 {strides = array<i32>} : memref<32x100xi32, #tpu.memory_space<vmem>>, vector<1x16xi32>,
      %get3A_1165 = arith.constant 10 : i32
      %get3A_1166 = arith.index_cast %get3A_1165 : i32 to index
      %get3A_1167 = arith.constant 16 : index
      %get3A_1168 = tpu.vector_load %arg5[%get3A_1166, %get3A_1167] {strides = array<i32>} : memref<32x128xi32, #tpu.memory_space<vmem>>, vector<1x16xi32>,
      %get3A_1169 = vector.shape_cast %get3A_1168 : vector<1x16xi32> to vector<16xi32>
      %get3A_1170 = arith.constant 16 : index
      %get3A_1171 = tpu.vector_load %arg8[%get3A_1170] {strides = array<i32>} : memref<100xi32, #tpu.memory_space<vmem>>, vector<16xi32>,
      %get3A_1172 = vector.shape_cast %get3A_1171 : vector<16xi32> to vector<16xi32>
      %add3A_1173 = arith.addi %get3A_1169, %get3A_1172 : vector<16xi32>
      %swap3A_1174 = arith.constant 10 : i32
      %swap3A_1175 = arith.index_cast %swap3A_1174 : i32 to index
      %swap3A_1176 = arith.constant 16 : index
      %swap3A_1177 = tpu.vector_load %arg6[%swap3A_1175, %swap3A_1176] {strides = array<i32>} : memref<32x100xi32, #tpu.memory_space<vmem>>, vector<1x16xi32>,
      %swap3A_1178 = vector.shape_cast %swap3A_1177 : vector<1x16xi32> to vector<16xi32>
      %swap3A_1179 = vector.shape_cast %add3A_1173 : vector<16xi32> to vector<1x16xi32>
      tpu.vector_store %arg6[%swap3A_1175, %swap3A_1176], %swap3A_1179 {strides = array<i32>} : memref<32x100xi32, #tpu.memory_space<vmem>>, vector<1x16xi32>,
      %get3A_1180 = arith.constant 10 : i32
      %get3A_1181 = arith.index_cast %get3A_1180 : i32 to index
      %get3A_1182 = arith.constant 32 : index
      %get3A_1183 = tpu.vector_load %arg5[%get3A_1181, %get3A_1182] {strides = array<i32>} : memref<32x128xi32, #tpu.memory_space<vmem>>, vector<1x16xi32>,
      %get3A_1184 = vector.shape_cast %get3A_1183 : vector<1x16xi32> to vector<16xi32>
      %get3A_1185 = arith.constant 32 : index
      %get3A_1186 = tpu.vector_load %arg8[%get3A_1185] {strides = array<i32>} : memref<100xi32, #tpu.memory_space<vmem>>, vector<16xi32>,
      %get3A_1187 = vector.shape_cast %get3A_1186 : vector<16xi32> to vector<16xi32>
      %add3A_1188 = arith.addi %get3A_1184, %get3A_1187 : vector<16xi32>
      %swap3A_1189 = arith.constant 10 : i32
      %swap3A_1190 = arith.index_cast %swap3A_1189 : i32 to index
      %swap3A_1191 = arith.constant 32 : index
      %swap3A_1192 = tpu.vector_load %arg6[%swap3A_1190, %swap3A_1191] {strides = array<i32>} : memref<32x100xi32, #tpu.memory_space<vmem>>, vector<1x16xi32>,
      %swap3A_1193 = vector.shape_cast %swap3A_1192 : vector<1x16xi32> to vector<16xi32>
      %swap3A_1194 = vector.shape_cast %add3A_1188 : vector<16xi32> to vector<1x16xi32>
      tpu.vector_store %arg6[%swap3A_1190, %swap3A_1191], %swap3A_1194 {strides = array<i32>} : memref<32x100xi32, #tpu.memory_space<vmem>>, vector<1x16xi32>,
      %get3A_1195 = arith.constant 10 : i32
      %get3A_1196 = arith.index_cast %get3A_1195 : i32 to index
      %get3A_1197 = arith.constant 48 : index
      %get3A_1198 = tpu.vector_load %arg5[%get3A_1196, %get3A_1197] {strides = array<i32>} : memref<32x128xi32, #tpu.memory_space<vmem>>, vector<1x16xi32>,
      %get3A_1199 = vector.shape_cast %get3A_1198 : vector<1x16xi32> to vector<16xi32>
      %get3A_1200 = arith.constant 48 : index
      %get3A_1201 = tpu.vector_load %arg8[%get3A_1200] {strides = array<i32>} : memref<100xi32, #tpu.memory_space<vmem>>, vector<16xi32>,
      %get3A_1202 = vector.shape_cast %get3A_1201 : vector<16xi32> to vector<16xi32>
      %add3A_1203 = arith.addi %get3A_1199, %get3A_1202 : vector<16xi32>
      %swap3A_1204 = arith.constant 10 : i32
      %swap3A_1205 = arith.index_cast %swap3A_1204 : i32 to index
      %swap3A_1206 = arith.constant 48 : index
      %swap3A_1207 = tpu.vector_load %arg6[%swap3A_1205, %swap3A_1206] {strides = array<i32>} : memref<32x100xi32, #tpu.memory_space<vmem>>, vector<1x16xi32>,
      %swap3A_1208 = vector.shape_cast %swap3A_1207 : vector<1x16xi32> to vector<16xi32>
      %swap3A_1209 = vector.shape_cast %add3A_1203 : vector<16xi32> to vector<1x16xi32>
      tpu.vector_store %arg6[%swap3A_1205, %swap3A_1206], %swap3A_1209 {strides = array<i32>} : memref<32x100xi32, #tpu.memory_space<vmem>>, vector<1x16xi32>,
      %get3A_1210 = arith.constant 10 : i32
      %get3A_1211 = arith.index_cast %get3A_1210 : i32 to index
      %get3A_1212 = arith.constant 64 : index
      %get3A_1213 = tpu.vector_load %arg5[%get3A_1211, %get3A_1212] {strides = array<i32>} : memref<32x128xi32, #tpu.memory_space<vmem>>, vector<1x16xi32>,
      %get3A_1214 = vector.shape_cast %get3A_1213 : vector<1x16xi32> to vector<16xi32>
      %get3A_1215 = arith.constant 64 : index
      %get3A_1216 = tpu.vector_load %arg8[%get3A_1215] {strides = array<i32>} : memref<100xi32, #tpu.memory_space<vmem>>, vector<16xi32>,
      %get3A_1217 = vector.shape_cast %get3A_1216 : vector<16xi32> to vector<16xi32>
      %add3A_1218 = arith.addi %get3A_1214, %get3A_1217 : vector<16xi32>
      %swap3A_1219 = arith.constant 10 : i32
      %swap3A_1220 = arith.index_cast %swap3A_1219 : i32 to index
      %swap3A_1221 = arith.constant 64 : index
      %swap3A_1222 = tpu.vector_load %arg6[%swap3A_1220, %swap3A_1221] {strides = array<i32>} : memref<32x100xi32, #tpu.memory_space<vmem>>, vector<1x16xi32>,
      %swap3A_1223 = vector.shape_cast %swap3A_1222 : vector<1x16xi32> to vector<16xi32>
      %swap3A_1224 = vector.shape_cast %add3A_1218 : vector<16xi32> to vector<1x16xi32>
      tpu.vector_store %arg6[%swap3A_1220, %swap3A_1221], %swap3A_1224 {strides = array<i32>} : memref<32x100xi32, #tpu.memory_space<vmem>>, vector<1x16xi32>,
      %get3A_1225 = arith.constant 10 : i32
      %get3A_1226 = arith.index_cast %get3A_1225 : i32 to index
      %get3A_1227 = arith.constant 80 : index
      %get3A_1228 = tpu.vector_load %arg5[%get3A_1226, %get3A_1227] {strides = array<i32>} : memref<32x128xi32, #tpu.memory_space<vmem>>, vector<1x16xi32>,
      %get3A_1229 = vector.shape_cast %get3A_1228 : vector<1x16xi32> to vector<16xi32>
      %get3A_1230 = arith.constant 80 : index
      %get3A_1231 = tpu.vector_load %arg8[%get3A_1230] {strides = array<i32>} : memref<100xi32, #tpu.memory_space<vmem>>, vector<16xi32>,
      %get3A_1232 = vector.shape_cast %get3A_1231 : vector<16xi32> to vector<16xi32>
      %add3A_1233 = arith.addi %get3A_1229, %get3A_1232 : vector<16xi32>
      %swap3A_1234 = arith.constant 10 : i32
      %swap3A_1235 = arith.index_cast %swap3A_1234 : i32 to index
      %swap3A_1236 = arith.constant 80 : index
      %swap3A_1237 = tpu.vector_load %arg6[%swap3A_1235, %swap3A_1236] {strides = array<i32>} : memref<32x100xi32, #tpu.memory_space<vmem>>, vector<1x16xi32>,
      %swap3A_1238 = vector.shape_cast %swap3A_1237 : vector<1x16xi32> to vector<16xi32>
      %swap3A_1239 = vector.shape_cast %add3A_1233 : vector<16xi32> to vector<1x16xi32>
      tpu.vector_store %arg6[%swap3A_1235, %swap3A_1236], %swap3A_1239 {strides = array<i32>} : memref<32x100xi32, #tpu.memory_space<vmem>>, vector<1x16xi32>,
      %get3A_1240 = arith.constant 10 : i32
      %get3A_1241 = arith.index_cast %get3A_1240 : i32 to index
      %get3A_1242 = arith.constant 84 : index
      %get3A_1243 = tpu.vector_load %arg5[%get3A_1241, %get3A_1242] {strides = array<i32>} : memref<32x128xi32, #tpu.memory_space<vmem>>, vector<1x16xi32>,
      %get3A_1244 = vector.shape_cast %get3A_1243 : vector<1x16xi32> to vector<16xi32>
      %get3A_1245 = arith.constant 84 : index
      %get3A_1246 = tpu.vector_load %arg8[%get3A_1245] {strides = array<i32>} : memref<100xi32, #tpu.memory_space<vmem>>, vector<16xi32>,
      %get3A_1247 = vector.shape_cast %get3A_1246 : vector<16xi32> to vector<16xi32>
      %add3A_1248 = arith.addi %get3A_1244, %get3A_1247 : vector<16xi32>
      %swap3A_1249 = arith.constant 10 : i32
      %swap3A_1250 = arith.index_cast %swap3A_1249 : i32 to index
      %swap3A_1251 = arith.constant 84 : index
      %swap3A_1252 = tpu.vector_load %arg6[%swap3A_1250, %swap3A_1251] {strides = array<i32>} : memref<32x100xi32, #tpu.memory_space<vmem>>, vector<1x16xi32>,
      %swap3A_1253 = vector.shape_cast %swap3A_1252 : vector<1x16xi32> to vector<16xi32>
      %swap3A_1254 = vector.shape_cast %add3A_1248 : vector<16xi32> to vector<1x16xi32>
      tpu.vector_store %arg6[%swap3A_1250, %swap3A_1251], %swap3A_1254 {strides = array<i32>} : memref<32x100xi32, #tpu.memory_space<vmem>>, vector<1x16xi32>,
      %get3A_1255 = arith.constant 11 : i32
      %get3A_1256 = arith.index_cast %get3A_1255 : i32 to index
      %get3A_1257 = arith.constant 0 : index
      %get3A_1258 = tpu.vector_load %arg5[%get3A_1256, %get3A_1257] {strides = array<i32>} : memref<32x128xi32, #tpu.memory_space<vmem>>, vector<1x16xi32>,
      %get3A_1259 = vector.shape_cast %get3A_1258 : vector<1x16xi32> to vector<16xi32>
      %get3A_1260 = arith.constant 0 : index
      %get3A_1261 = tpu.vector_load %arg8[%get3A_1260] {strides = array<i32>} : memref<100xi32, #tpu.memory_space<vmem>>, vector<16xi32>,
      %get3A_1262 = vector.shape_cast %get3A_1261 : vector<16xi32> to vector<16xi32>
      %add3A_1263 = arith.addi %get3A_1259, %get3A_1262 : vector<16xi32>
      %swap3A_1264 = arith.constant 11 : i32
      %swap3A_1265 = arith.index_cast %swap3A_1264 : i32 to index
      %swap3A_1266 = arith.constant 0 : index
      %swap3A_1267 = tpu.vector_load %arg6[%swap3A_1265, %swap3A_1266] {strides = array<i32>} : memref<32x100xi32, #tpu.memory_space<vmem>>, vector<1x16xi32>,
      %swap3A_1268 = vector.shape_cast %swap3A_1267 : vector<1x16xi32> to vector<16xi32>
      %swap3A_1269 = vector.shape_cast %add3A_1263 : vector<16xi32> to vector<1x16xi32>
      tpu.vector_store %arg6[%swap3A_1265, %swap3A_1266], %swap3A_1269 {strides = array<i32>} : memref<32x100xi32, #tpu.memory_space<vmem>>, vector<1x16xi32>,
      %get3A_1270 = arith.constant 11 : i32
      %get3A_1271 = arith.index_cast %get3A_1270 : i32 to index
      %get3A_1272 = arith.constant 16 : index
      %get3A_1273 = tpu.vector_load %arg5[%get3A_1271, %get3A_1272] {strides = array<i32>} : memref<32x128xi32, #tpu.memory_space<vmem>>, vector<1x16xi32>,
      %get3A_1274 = vector.shape_cast %get3A_1273 : vector<1x16xi32> to vector<16xi32>
      %get3A_1275 = arith.constant 16 : index
      %get3A_1276 = tpu.vector_load %arg8[%get3A_1275] {strides = array<i32>} : memref<100xi32, #tpu.memory_space<vmem>>, vector<16xi32>,
      %get3A_1277 = vector.shape_cast %get3A_1276 : vector<16xi32> to vector<16xi32>
      %add3A_1278 = arith.addi %get3A_1274, %get3A_1277 : vector<16xi32>
      %swap3A_1279 = arith.constant 11 : i32
      %swap3A_1280 = arith.index_cast %swap3A_1279 : i32 to index
      %swap3A_1281 = arith.constant 16 : index
      %swap3A_1282 = tpu.vector_load %arg6[%swap3A_1280, %swap3A_1281] {strides = array<i32>} : memref<32x100xi32, #tpu.memory_space<vmem>>, vector<1x16xi32>,
      %swap3A_1283 = vector.shape_cast %swap3A_1282 : vector<1x16xi32> to vector<16xi32>
      %swap3A_1284 = vector.shape_cast %add3A_1278 : vector<16xi32> to vector<1x16xi32>
      tpu.vector_store %arg6[%swap3A_1280, %swap3A_1281], %swap3A_1284 {strides = array<i32>} : memref<32x100xi32, #tpu.memory_space<vmem>>, vector<1x16xi32>,
      %get3A_1285 = arith.constant 11 : i32
      %get3A_1286 = arith.index_cast %get3A_1285 : i32 to index
      %get3A_1287 = arith.constant 32 : index
      %get3A_1288 = tpu.vector_load %arg5[%get3A_1286, %get3A_1287] {strides = array<i32>} : memref<32x128xi32, #tpu.memory_space<vmem>>, vector<1x16xi32>,
      %get3A_1289 = vector.shape_cast %get3A_1288 : vector<1x16xi32> to vector<16xi32>
      %get3A_1290 = arith.constant 32 : index
      %get3A_1291 = tpu.vector_load %arg8[%get3A_1290] {strides = array<i32>} : memref<100xi32, #tpu.memory_space<vmem>>, vector<16xi32>,
      %get3A_1292 = vector.shape_cast %get3A_1291 : vector<16xi32> to vector<16xi32>
      %add3A_1293 = arith.addi %get3A_1289, %get3A_1292 : vector<16xi32>
      %swap3A_1294 = arith.constant 11 : i32
      %swap3A_1295 = arith.index_cast %swap3A_1294 : i32 to index
      %swap3A_1296 = arith.constant 32 : index
      %swap3A_1297 = tpu.vector_load %arg6[%swap3A_1295, %swap3A_1296] {strides = array<i32>} : memref<32x100xi32, #tpu.memory_space<vmem>>, vector<1x16xi32>,
      %swap3A_1298 = vector.shape_cast %swap3A_1297 : vector<1x16xi32> to vector<16xi32>
      %swap3A_1299 = vector.shape_cast %add3A_1293 : vector<16xi32> to vector<1x16xi32>
      tpu.vector_store %arg6[%swap3A_1295, %swap3A_1296], %swap3A_1299 {strides = array<i32>} : memref<32x100xi32, #tpu.memory_space<vmem>>, vector<1x16xi32>,
      %get3A_1300 = arith.constant 11 : i32
      %get3A_1301 = arith.index_cast %get3A_1300 : i32 to index
      %get3A_1302 = arith.constant 48 : index
      %get3A_1303 = tpu.vector_load %arg5[%get3A_1301, %get3A_1302] {strides = array<i32>} : memref<32x128xi32, #tpu.memory_space<vmem>>, vector<1x16xi32>,
      %get3A_1304 = vector.shape_cast %get3A_1303 : vector<1x16xi32> to vector<16xi32>
      %get3A_1305 = arith.constant 48 : index
      %get3A_1306 = tpu.vector_load %arg8[%get3A_1305] {strides = array<i32>} : memref<100xi32, #tpu.memory_space<vmem>>, vector<16xi32>,
      %get3A_1307 = vector.shape_cast %get3A_1306 : vector<16xi32> to vector<16xi32>
      %add3A_1308 = arith.addi %get3A_1304, %get3A_1307 : vector<16xi32>
      %swap3A_1309 = arith.constant 11 : i32
      %swap3A_1310 = arith.index_cast %swap3A_1309 : i32 to index
      %swap3A_1311 = arith.constant 48 : index
      %swap3A_1312 = tpu.vector_load %arg6[%swap3A_1310, %swap3A_1311] {strides = array<i32>} : memref<32x100xi32, #tpu.memory_space<vmem>>, vector<1x16xi32>,
      %swap3A_1313 = vector.shape_cast %swap3A_1312 : vector<1x16xi32> to vector<16xi32>
      %swap3A_1314 = vector.shape_cast %add3A_1308 : vector<16xi32> to vector<1x16xi32>
      tpu.vector_store %arg6[%swap3A_1310, %swap3A_1311], %swap3A_1314 {strides = array<i32>} : memref<32x100xi32, #tpu.memory_space<vmem>>, vector<1x16xi32>,
      %get3A_1315 = arith.constant 11 : i32
      %get3A_1316 = arith.index_cast %get3A_1315 : i32 to index
      %get3A_1317 = arith.constant 64 : index
      %get3A_1318 = tpu.vector_load %arg5[%get3A_1316, %get3A_1317] {strides = array<i32>} : memref<32x128xi32, #tpu.memory_space<vmem>>, vector<1x16xi32>,
      %get3A_1319 = vector.shape_cast %get3A_1318 : vector<1x16xi32> to vector<16xi32>
      %get3A_1320 = arith.constant 64 : index
      %get3A_1321 = tpu.vector_load %arg8[%get3A_1320] {strides = array<i32>} : memref<100xi32, #tpu.memory_space<vmem>>, vector<16xi32>,
      %get3A_1322 = vector.shape_cast %get3A_1321 : vector<16xi32> to vector<16xi32>
      %add3A_1323 = arith.addi %get3A_1319, %get3A_1322 : vector<16xi32>
      %swap3A_1324 = arith.constant 11 : i32
      %swap3A_1325 = arith.index_cast %swap3A_1324 : i32 to index
      %swap3A_1326 = arith.constant 64 : index
      %swap3A_1327 = tpu.vector_load %arg6[%swap3A_1325, %swap3A_1326] {strides = array<i32>} : memref<32x100xi32, #tpu.memory_space<vmem>>, vector<1x16xi32>,
      %swap3A_1328 = vector.shape_cast %swap3A_1327 : vector<1x16xi32> to vector<16xi32>
      %swap3A_1329 = vector.shape_cast %add3A_1323 : vector<16xi32> to vector<1x16xi32>
      tpu.vector_store %arg6[%swap3A_1325, %swap3A_1326], %swap3A_1329 {strides = array<i32>} : memref<32x100xi32, #tpu.memory_space<vmem>>, vector<1x16xi32>,
      %get3A_1330 = arith.constant 11 : i32
      %get3A_1331 = arith.index_cast %get3A_1330 : i32 to index
      %get3A_1332 = arith.constant 80 : index
      %get3A_1333 = tpu.vector_load %arg5[%get3A_1331, %get3A_1332] {strides = array<i32>} : memref<32x128xi32, #tpu.memory_space<vmem>>, vector<1x16xi32>,
      %get3A_1334 = vector.shape_cast %get3A_1333 : vector<1x16xi32> to vector<16xi32>
      %get3A_1335 = arith.constant 80 : index
      %get3A_1336 = tpu.vector_load %arg8[%get3A_1335] {strides = array<i32>} : memref<100xi32, #tpu.memory_space<vmem>>, vector<16xi32>,
      %get3A_1337 = vector.shape_cast %get3A_1336 : vector<16xi32> to vector<16xi32>
      %add3A_1338 = arith.addi %get3A_1334, %get3A_1337 : vector<16xi32>
      %swap3A_1339 = arith.constant 11 : i32
      %swap3A_1340 = arith.index_cast %swap3A_1339 : i32 to index
      %swap3A_1341 = arith.constant 80 : index
      %swap3A_1342 = tpu.vector_load %arg6[%swap3A_1340, %swap3A_1341] {strides = array<i32>} : memref<32x100xi32, #tpu.memory_space<vmem>>, vector<1x16xi32>,
      %swap3A_1343 = vector.shape_cast %swap3A_1342 : vector<1x16xi32> to vector<16xi32>
      %swap3A_1344 = vector.shape_cast %add3A_1338 : vector<16xi32> to vector<1x16xi32>
      tpu.vector_store %arg6[%swap3A_1340, %swap3A_1341], %swap3A_1344 {strides = array<i32>} : memref<32x100xi32, #tpu.memory_space<vmem>>, vector<1x16xi32>,
      %get3A_1345 = arith.constant 11 : i32
      %get3A_1346 = arith.index_cast %get3A_1345 : i32 to index
      %get3A_1347 = arith.constant 84 : index
      %get3A_1348 = tpu.vector_load %arg5[%get3A_1346, %get3A_1347] {strides = array<i32>} : memref<32x128xi32, #tpu.memory_space<vmem>>, vector<1x16xi32>,
      %get3A_1349 = vector.shape_cast %get3A_1348 : vector<1x16xi32> to vector<16xi32>
      %get3A_1350 = arith.constant 84 : index
      %get3A_1351 = tpu.vector_load %arg8[%get3A_1350] {strides = array<i32>} : memref<100xi32, #tpu.memory_space<vmem>>, vector<16xi32>,
      %get3A_1352 = vector.shape_cast %get3A_1351 : vector<16xi32> to vector<16xi32>
      %add3A_1353 = arith.addi %get3A_1349, %get3A_1352 : vector<16xi32>
      %swap3A_1354 = arith.constant 11 : i32
      %swap3A_1355 = arith.index_cast %swap3A_1354 : i32 to index
      %swap3A_1356 = arith.constant 84 : index
      %swap3A_1357 = tpu.vector_load %arg6[%swap3A_1355, %swap3A_1356] {strides = array<i32>} : memref<32x100xi32, #tpu.memory_space<vmem>>, vector<1x16xi32>,
      %swap3A_1358 = vector.shape_cast %swap3A_1357 : vector<1x16xi32> to vector<16xi32>
      %swap3A_1359 = vector.shape_cast %add3A_1353 : vector<16xi32> to vector<1x16xi32>
      tpu.vector_store %arg6[%swap3A_1355, %swap3A_1356], %swap3A_1359 {strides = array<i32>} : memref<32x100xi32, #tpu.memory_space<vmem>>, vector<1x16xi32>,
      %get3A_1360 = arith.constant 12 : i32
      %get3A_1361 = arith.index_cast %get3A_1360 : i32 to index
      %get3A_1362 = arith.constant 0 : index
      %get3A_1363 = tpu.vector_load %arg5[%get3A_1361, %get3A_1362] {strides = array<i32>} : memref<32x128xi32, #tpu.memory_space<vmem>>, vector<1x16xi32>,
      %get3A_1364 = vector.shape_cast %get3A_1363 : vector<1x16xi32> to vector<16xi32>
      %get3A_1365 = arith.constant 0 : index
      %get3A_1366 = tpu.vector_load %arg8[%get3A_1365] {strides = array<i32>} : memref<100xi32, #tpu.memory_space<vmem>>, vector<16xi32>,
      %get3A_1367 = vector.shape_cast %get3A_1366 : vector<16xi32> to vector<16xi32>
      %add3A_1368 = arith.addi %get3A_1364, %get3A_1367 : vector<16xi32>
      %swap3A_1369 = arith.constant 12 : i32
      %swap3A_1370 = arith.index_cast %swap3A_1369 : i32 to index
      %swap3A_1371 = arith.constant 0 : index
      %swap3A_1372 = tpu.vector_load %arg6[%swap3A_1370, %swap3A_1371] {strides = array<i32>} : memref<32x100xi32, #tpu.memory_space<vmem>>, vector<1x16xi32>,
      %swap3A_1373 = vector.shape_cast %swap3A_1372 : vector<1x16xi32> to vector<16xi32>
      %swap3A_1374 = vector.shape_cast %add3A_1368 : vector<16xi32> to vector<1x16xi32>
      tpu.vector_store %arg6[%swap3A_1370, %swap3A_1371], %swap3A_1374 {strides = array<i32>} : memref<32x100xi32, #tpu.memory_space<vmem>>, vector<1x16xi32>,
      %get3A_1375 = arith.constant 12 : i32
      %get3A_1376 = arith.index_cast %get3A_1375 : i32 to index
      %get3A_1377 = arith.constant 16 : index
      %get3A_1378 = tpu.vector_load %arg5[%get3A_1376, %get3A_1377] {strides = array<i32>} : memref<32x128xi32, #tpu.memory_space<vmem>>, vector<1x16xi32>,
      %get3A_1379 = vector.shape_cast %get3A_1378 : vector<1x16xi32> to vector<16xi32>
      %get3A_1380 = arith.constant 16 : index
      %get3A_1381 = tpu.vector_load %arg8[%get3A_1380] {strides = array<i32>} : memref<100xi32, #tpu.memory_space<vmem>>, vector<16xi32>,
      %get3A_1382 = vector.shape_cast %get3A_1381 : vector<16xi32> to vector<16xi32>
      %add3A_1383 = arith.addi %get3A_1379, %get3A_1382 : vector<16xi32>
      %swap3A_1384 = arith.constant 12 : i32
      %swap3A_1385 = arith.index_cast %swap3A_1384 : i32 to index
      %swap3A_1386 = arith.constant 16 : index
      %swap3A_1387 = tpu.vector_load %arg6[%swap3A_1385, %swap3A_1386] {strides = array<i32>} : memref<32x100xi32, #tpu.memory_space<vmem>>, vector<1x16xi32>,
      %swap3A_1388 = vector.shape_cast %swap3A_1387 : vector<1x16xi32> to vector<16xi32>
      %swap3A_1389 = vector.shape_cast %add3A_1383 : vector<16xi32> to vector<1x16xi32>
      tpu.vector_store %arg6[%swap3A_1385, %swap3A_1386], %swap3A_1389 {strides = array<i32>} : memref<32x100xi32, #tpu.memory_space<vmem>>, vector<1x16xi32>,
      %get3A_1390 = arith.constant 12 : i32
      %get3A_1391 = arith.index_cast %get3A_1390 : i32 to index
      %get3A_1392 = arith.constant 32 : index
      %get3A_1393 = tpu.vector_load %arg5[%get3A_1391, %get3A_1392] {strides = array<i32>} : memref<32x128xi32, #tpu.memory_space<vmem>>, vector<1x16xi32>,
      %get3A_1394 = vector.shape_cast %get3A_1393 : vector<1x16xi32> to vector<16xi32>
      %get3A_1395 = arith.constant 32 : index
      %get3A_1396 = tpu.vector_load %arg8[%get3A_1395] {strides = array<i32>} : memref<100xi32, #tpu.memory_space<vmem>>, vector<16xi32>,
      %get3A_1397 = vector.shape_cast %get3A_1396 : vector<16xi32> to vector<16xi32>
      %add3A_1398 = arith.addi %get3A_1394, %get3A_1397 : vector<16xi32>
      %swap3A_1399 = arith.constant 12 : i32
      %swap3A_1400 = arith.index_cast %swap3A_1399 : i32 to index
      %swap3A_1401 = arith.constant 32 : index
      %swap3A_1402 = tpu.vector_load %arg6[%swap3A_1400, %swap3A_1401] {strides = array<i32>} : memref<32x100xi32, #tpu.memory_space<vmem>>, vector<1x16xi32>,
      %swap3A_1403 = vector.shape_cast %swap3A_1402 : vector<1x16xi32> to vector<16xi32>
      %swap3A_1404 = vector.shape_cast %add3A_1398 : vector<16xi32> to vector<1x16xi32>
      tpu.vector_store %arg6[%swap3A_1400, %swap3A_1401], %swap3A_1404 {strides = array<i32>} : memref<32x100xi32, #tpu.memory_space<vmem>>, vector<1x16xi32>,
      %get3A_1405 = arith.constant 12 : i32
      %get3A_1406 = arith.index_cast %get3A_1405 : i32 to index
      %get3A_1407 = arith.constant 48 : index
      %get3A_1408 = tpu.vector_load %arg5[%get3A_1406, %get3A_1407] {strides = array<i32>} : memref<32x128xi32, #tpu.memory_space<vmem>>, vector<1x16xi32>,
      %get3A_1409 = vector.shape_cast %get3A_1408 : vector<1x16xi32> to vector<16xi32>
      %get3A_1410 = arith.constant 48 : index
      %get3A_1411 = tpu.vector_load %arg8[%get3A_1410] {strides = array<i32>} : memref<100xi32, #tpu.memory_space<vmem>>, vector<16xi32>,
      %get3A_1412 = vector.shape_cast %get3A_1411 : vector<16xi32> to vector<16xi32>
      %add3A_1413 = arith.addi %get3A_1409, %get3A_1412 : vector<16xi32>
      %swap3A_1414 = arith.constant 12 : i32
      %swap3A_1415 = arith.index_cast %swap3A_1414 : i32 to index
      %swap3A_1416 = arith.constant 48 : index
      %swap3A_1417 = tpu.vector_load %arg6[%swap3A_1415, %swap3A_1416] {strides = array<i32>} : memref<32x100xi32, #tpu.memory_space<vmem>>, vector<1x16xi32>,
      %swap3A_1418 = vector.shape_cast %swap3A_1417 : vector<1x16xi32> to vector<16xi32>
      %swap3A_1419 = vector.shape_cast %add3A_1413 : vector<16xi32> to vector<1x16xi32>
      tpu.vector_store %arg6[%swap3A_1415, %swap3A_1416], %swap3A_1419 {strides = array<i32>} : memref<32x100xi32, #tpu.memory_space<vmem>>, vector<1x16xi32>,
      %get3A_1420 = arith.constant 12 : i32
      %get3A_1421 = arith.index_cast %get3A_1420 : i32 to index
      %get3A_1422 = arith.constant 64 : index
      %get3A_1423 = tpu.vector_load %arg5[%get3A_1421, %get3A_1422] {strides = array<i32>} : memref<32x128xi32, #tpu.memory_space<vmem>>, vector<1x16xi32>,
      %get3A_1424 = vector.shape_cast %get3A_1423 : vector<1x16xi32> to vector<16xi32>
      %get3A_1425 = arith.constant 64 : index
      %get3A_1426 = tpu.vector_load %arg8[%get3A_1425] {strides = array<i32>} : memref<100xi32, #tpu.memory_space<vmem>>, vector<16xi32>,
      %get3A_1427 = vector.shape_cast %get3A_1426 : vector<16xi32> to vector<16xi32>
      %add3A_1428 = arith.addi %get3A_1424, %get3A_1427 : vector<16xi32>
      %swap3A_1429 = arith.constant 12 : i32
      %swap3A_1430 = arith.index_cast %swap3A_1429 : i32 to index
      %swap3A_1431 = arith.constant 64 : index
      %swap3A_1432 = tpu.vector_load %arg6[%swap3A_1430, %swap3A_1431] {strides = array<i32>} : memref<32x100xi32, #tpu.memory_space<vmem>>, vector<1x16xi32>,
      %swap3A_1433 = vector.shape_cast %swap3A_1432 : vector<1x16xi32> to vector<16xi32>
      %swap3A_1434 = vector.shape_cast %add3A_1428 : vector<16xi32> to vector<1x16xi32>
      tpu.vector_store %arg6[%swap3A_1430, %swap3A_1431], %swap3A_1434 {strides = array<i32>} : memref<32x100xi32, #tpu.memory_space<vmem>>, vector<1x16xi32>,
      %get3A_1435 = arith.constant 12 : i32
      %get3A_1436 = arith.index_cast %get3A_1435 : i32 to index
      %get3A_1437 = arith.constant 80 : index
      %get3A_1438 = tpu.vector_load %arg5[%get3A_1436, %get3A_1437] {strides = array<i32>} : memref<32x128xi32, #tpu.memory_space<vmem>>, vector<1x16xi32>,
      %get3A_1439 = vector.shape_cast %get3A_1438 : vector<1x16xi32> to vector<16xi32>
      %get3A_1440 = arith.constant 80 : index
      %get3A_1441 = tpu.vector_load %arg8[%get3A_1440] {strides = array<i32>} : memref<100xi32, #tpu.memory_space<vmem>>, vector<16xi32>,
      %get3A_1442 = vector.shape_cast %get3A_1441 : vector<16xi32> to vector<16xi32>
      %add3A_1443 = arith.addi %get3A_1439, %get3A_1442 : vector<16xi32>
      %swap3A_1444 = arith.constant 12 : i32
      %swap3A_1445 = arith.index_cast %swap3A_1444 : i32 to index
      %swap3A_1446 = arith.constant 80 : index
      %swap3A_1447 = tpu.vector_load %arg6[%swap3A_1445, %swap3A_1446] {strides = array<i32>} : memref<32x100xi32, #tpu.memory_space<vmem>>, vector<1x16xi32>,
      %swap3A_1448 = vector.shape_cast %swap3A_1447 : vector<1x16xi32> to vector<16xi32>
      %swap3A_1449 = vector.shape_cast %add3A_1443 : vector<16xi32> to vector<1x16xi32>
      tpu.vector_store %arg6[%swap3A_1445, %swap3A_1446], %swap3A_1449 {strides = array<i32>} : memref<32x100xi32, #tpu.memory_space<vmem>>, vector<1x16xi32>,
      %get3A_1450 = arith.constant 12 : i32
      %get3A_1451 = arith.index_cast %get3A_1450 : i32 to index
      %get3A_1452 = arith.constant 84 : index
      %get3A_1453 = tpu.vector_load %arg5[%get3A_1451, %get3A_1452] {strides = array<i32>} : memref<32x128xi32, #tpu.memory_space<vmem>>, vector<1x16xi32>,
      %get3A_1454 = vector.shape_cast %get3A_1453 : vector<1x16xi32> to vector<16xi32>
      %get3A_1455 = arith.constant 84 : index
      %get3A_1456 = tpu.vector_load %arg8[%get3A_1455] {strides = array<i32>} : memref<100xi32, #tpu.memory_space<vmem>>, vector<16xi32>,
      %get3A_1457 = vector.shape_cast %get3A_1456 : vector<16xi32> to vector<16xi32>
      %add3A_1458 = arith.addi %get3A_1454, %get3A_1457 : vector<16xi32>
      %swap3A_1459 = arith.constant 12 : i32
      %swap3A_1460 = arith.index_cast %swap3A_1459 : i32 to index
      %swap3A_1461 = arith.constant 84 : index
      %swap3A_1462 = tpu.vector_load %arg6[%swap3A_1460, %swap3A_1461] {strides = array<i32>} : memref<32x100xi32, #tpu.memory_space<vmem>>, vector<1x16xi32>,
      %swap3A_1463 = vector.shape_cast %swap3A_1462 : vector<1x16xi32> to vector<16xi32>
      %swap3A_1464 = vector.shape_cast %add3A_1458 : vector<16xi32> to vector<1x16xi32>
      tpu.vector_store %arg6[%swap3A_1460, %swap3A_1461], %swap3A_1464 {strides = array<i32>} : memref<32x100xi32, #tpu.memory_space<vmem>>, vector<1x16xi32>,
      %get3A_1465 = arith.constant 13 : i32
      %get3A_1466 = arith.index_cast %get3A_1465 : i32 to index
      %get3A_1467 = arith.constant 0 : index
      %get3A_1468 = tpu.vector_load %arg5[%get3A_1466, %get3A_1467] {strides = array<i32>} : memref<32x128xi32, #tpu.memory_space<vmem>>, vector<1x16xi32>,
      %get3A_1469 = vector.shape_cast %get3A_1468 : vector<1x16xi32> to vector<16xi32>
      %get3A_1470 = arith.constant 0 : index
      %get3A_1471 = tpu.vector_load %arg8[%get3A_1470] {strides = array<i32>} : memref<100xi32, #tpu.memory_space<vmem>>, vector<16xi32>,
      %get3A_1472 = vector.shape_cast %get3A_1471 : vector<16xi32> to vector<16xi32>
      %add3A_1473 = arith.addi %get3A_1469, %get3A_1472 : vector<16xi32>
      %swap3A_1474 = arith.constant 13 : i32
      %swap3A_1475 = arith.index_cast %swap3A_1474 : i32 to index
      %swap3A_1476 = arith.constant 0 : index
      %swap3A_1477 = tpu.vector_load %arg6[%swap3A_1475, %swap3A_1476] {strides = array<i32>} : memref<32x100xi32, #tpu.memory_space<vmem>>, vector<1x16xi32>,
      %swap3A_1478 = vector.shape_cast %swap3A_1477 : vector<1x16xi32> to vector<16xi32>
      %swap3A_1479 = vector.shape_cast %add3A_1473 : vector<16xi32> to vector<1x16xi32>
      tpu.vector_store %arg6[%swap3A_1475, %swap3A_1476], %swap3A_1479 {strides = array<i32>} : memref<32x100xi32, #tpu.memory_space<vmem>>, vector<1x16xi32>,
      %get3A_1480 = arith.constant 13 : i32
      %get3A_1481 = arith.index_cast %get3A_1480 : i32 to index
      %get3A_1482 = arith.constant 16 : index
      %get3A_1483 = tpu.vector_load %arg5[%get3A_1481, %get3A_1482] {strides = array<i32>} : memref<32x128xi32, #tpu.memory_space<vmem>>, vector<1x16xi32>,
      %get3A_1484 = vector.shape_cast %get3A_1483 : vector<1x16xi32> to vector<16xi32>
      %get3A_1485 = arith.constant 16 : index
      %get3A_1486 = tpu.vector_load %arg8[%get3A_1485] {strides = array<i32>} : memref<100xi32, #tpu.memory_space<vmem>>, vector<16xi32>,
      %get3A_1487 = vector.shape_cast %get3A_1486 : vector<16xi32> to vector<16xi32>
      %add3A_1488 = arith.addi %get3A_1484, %get3A_1487 : vector<16xi32>
      %swap3A_1489 = arith.constant 13 : i32
      %swap3A_1490 = arith.index_cast %swap3A_1489 : i32 to index
      %swap3A_1491 = arith.constant 16 : index
      %swap3A_1492 = tpu.vector_load %arg6[%swap3A_1490, %swap3A_1491] {strides = array<i32>} : memref<32x100xi32, #tpu.memory_space<vmem>>, vector<1x16xi32>,
      %swap3A_1493 = vector.shape_cast %swap3A_1492 : vector<1x16xi32> to vector<16xi32>
      %swap3A_1494 = vector.shape_cast %add3A_1488 : vector<16xi32> to vector<1x16xi32>
      tpu.vector_store %arg6[%swap3A_1490, %swap3A_1491], %swap3A_1494 {strides = array<i32>} : memref<32x100xi32, #tpu.memory_space<vmem>>, vector<1x16xi32>,
      %get3A_1495 = arith.constant 13 : i32
      %get3A_1496 = arith.index_cast %get3A_1495 : i32 to index
      %get3A_1497 = arith.constant 32 : index
      %get3A_1498 = tpu.vector_load %arg5[%get3A_1496, %get3A_1497] {strides = array<i32>} : memref<32x128xi32, #tpu.memory_space<vmem>>, vector<1x16xi32>,
      %get3A_1499 = vector.shape_cast %get3A_1498 : vector<1x16xi32> to vector<16xi32>
      %get3A_1500 = arith.constant 32 : index
      %get3A_1501 = tpu.vector_load %arg8[%get3A_1500] {strides = array<i32>} : memref<100xi32, #tpu.memory_space<vmem>>, vector<16xi32>,
      %get3A_1502 = vector.shape_cast %get3A_1501 : vector<16xi32> to vector<16xi32>
      %add3A_1503 = arith.addi %get3A_1499, %get3A_1502 : vector<16xi32>
      %swap3A_1504 = arith.constant 13 : i32
      %swap3A_1505 = arith.index_cast %swap3A_1504 : i32 to index
      %swap3A_1506 = arith.constant 32 : index
      %swap3A_1507 = tpu.vector_load %arg6[%swap3A_1505, %swap3A_1506] {strides = array<i32>} : memref<32x100xi32, #tpu.memory_space<vmem>>, vector<1x16xi32>,
      %swap3A_1508 = vector.shape_cast %swap3A_1507 : vector<1x16xi32> to vector<16xi32>
      %swap3A_1509 = vector.shape_cast %add3A_1503 : vector<16xi32> to vector<1x16xi32>
      tpu.vector_store %arg6[%swap3A_1505, %swap3A_1506], %swap3A_1509 {strides = array<i32>} : memref<32x100xi32, #tpu.memory_space<vmem>>, vector<1x16xi32>,
      %get3A_1510 = arith.constant 13 : i32
      %get3A_1511 = arith.index_cast %get3A_1510 : i32 to index
      %get3A_1512 = arith.constant 48 : index
      %get3A_1513 = tpu.vector_load %arg5[%get3A_1511, %get3A_1512] {strides = array<i32>} : memref<32x128xi32, #tpu.memory_space<vmem>>, vector<1x16xi32>,
      %get3A_1514 = vector.shape_cast %get3A_1513 : vector<1x16xi32> to vector<16xi32>
      %get3A_1515 = arith.constant 48 : index
      %get3A_1516 = tpu.vector_load %arg8[%get3A_1515] {strides = array<i32>} : memref<100xi32, #tpu.memory_space<vmem>>, vector<16xi32>,
      %get3A_1517 = vector.shape_cast %get3A_1516 : vector<16xi32> to vector<16xi32>
      %add3A_1518 = arith.addi %get3A_1514, %get3A_1517 : vector<16xi32>
      %swap3A_1519 = arith.constant 13 : i32
      %swap3A_1520 = arith.index_cast %swap3A_1519 : i32 to index
      %swap3A_1521 = arith.constant 48 : index
      %swap3A_1522 = tpu.vector_load %arg6[%swap3A_1520, %swap3A_1521] {strides = array<i32>} : memref<32x100xi32, #tpu.memory_space<vmem>>, vector<1x16xi32>,
      %swap3A_1523 = vector.shape_cast %swap3A_1522 : vector<1x16xi32> to vector<16xi32>
      %swap3A_1524 = vector.shape_cast %add3A_1518 : vector<16xi32> to vector<1x16xi32>
      tpu.vector_store %arg6[%swap3A_1520, %swap3A_1521], %swap3A_1524 {strides = array<i32>} : memref<32x100xi32, #tpu.memory_space<vmem>>, vector<1x16xi32>,
      %get3A_1525 = arith.constant 13 : i32
      %get3A_1526 = arith.index_cast %get3A_1525 : i32 to index
      %get3A_1527 = arith.constant 64 : index
      %get3A_1528 = tpu.vector_load %arg5[%get3A_1526, %get3A_1527] {strides = array<i32>} : memref<32x128xi32, #tpu.memory_space<vmem>>, vector<1x16xi32>,
      %get3A_1529 = vector.shape_cast %get3A_1528 : vector<1x16xi32> to vector<16xi32>
      %get3A_1530 = arith.constant 64 : index
      %get3A_1531 = tpu.vector_load %arg8[%get3A_1530] {strides = array<i32>} : memref<100xi32, #tpu.memory_space<vmem>>, vector<16xi32>,
      %get3A_1532 = vector.shape_cast %get3A_1531 : vector<16xi32> to vector<16xi32>
      %add3A_1533 = arith.addi %get3A_1529, %get3A_1532 : vector<16xi32>
      %swap3A_1534 = arith.constant 13 : i32
      %swap3A_1535 = arith.index_cast %swap3A_1534 : i32 to index
      %swap3A_1536 = arith.constant 64 : index
      %swap3A_1537 = tpu.vector_load %arg6[%swap3A_1535, %swap3A_1536] {strides = array<i32>} : memref<32x100xi32, #tpu.memory_space<vmem>>, vector<1x16xi32>,
      %swap3A_1538 = vector.shape_cast %swap3A_1537 : vector<1x16xi32> to vector<16xi32>
      %swap3A_1539 = vector.shape_cast %add3A_1533 : vector<16xi32> to vector<1x16xi32>
      tpu.vector_store %arg6[%swap3A_1535, %swap3A_1536], %swap3A_1539 {strides = array<i32>} : memref<32x100xi32, #tpu.memory_space<vmem>>, vector<1x16xi32>,
      %get3A_1540 = arith.constant 13 : i32
      %get3A_1541 = arith.index_cast %get3A_1540 : i32 to index
      %get3A_1542 = arith.constant 80 : index
      %get3A_1543 = tpu.vector_load %arg5[%get3A_1541, %get3A_1542] {strides = array<i32>} : memref<32x128xi32, #tpu.memory_space<vmem>>, vector<1x16xi32>,
      %get3A_1544 = vector.shape_cast %get3A_1543 : vector<1x16xi32> to vector<16xi32>
      %get3A_1545 = arith.constant 80 : index
      %get3A_1546 = tpu.vector_load %arg8[%get3A_1545] {strides = array<i32>} : memref<100xi32, #tpu.memory_space<vmem>>, vector<16xi32>,
      %get3A_1547 = vector.shape_cast %get3A_1546 : vector<16xi32> to vector<16xi32>
      %add3A_1548 = arith.addi %get3A_1544, %get3A_1547 : vector<16xi32>
      %swap3A_1549 = arith.constant 13 : i32
      %swap3A_1550 = arith.index_cast %swap3A_1549 : i32 to index
      %swap3A_1551 = arith.constant 80 : index
      %swap3A_1552 = tpu.vector_load %arg6[%swap3A_1550, %swap3A_1551] {strides = array<i32>} : memref<32x100xi32, #tpu.memory_space<vmem>>, vector<1x16xi32>,
      %swap3A_1553 = vector.shape_cast %swap3A_1552 : vector<1x16xi32> to vector<16xi32>
      %swap3A_1554 = vector.shape_cast %add3A_1548 : vector<16xi32> to vector<1x16xi32>
      tpu.vector_store %arg6[%swap3A_1550, %swap3A_1551], %swap3A_1554 {strides = array<i32>} : memref<32x100xi32, #tpu.memory_space<vmem>>, vector<1x16xi32>,
      %get3A_1555 = arith.constant 13 : i32
      %get3A_1556 = arith.index_cast %get3A_1555 : i32 to index
      %get3A_1557 = arith.constant 84 : index
      %get3A_1558 = tpu.vector_load %arg5[%get3A_1556, %get3A_1557] {strides = array<i32>} : memref<32x128xi32, #tpu.memory_space<vmem>>, vector<1x16xi32>,
      %get3A_1559 = vector.shape_cast %get3A_1558 : vector<1x16xi32> to vector<16xi32>
      %get3A_1560 = arith.constant 84 : index
      %get3A_1561 = tpu.vector_load %arg8[%get3A_1560] {strides = array<i32>} : memref<100xi32, #tpu.memory_space<vmem>>, vector<16xi32>,
      %get3A_1562 = vector.shape_cast %get3A_1561 : vector<16xi32> to vector<16xi32>
      %add3A_1563 = arith.addi %get3A_1559, %get3A_1562 : vector<16xi32>
      %swap3A_1564 = arith.constant 13 : i32
      %swap3A_1565 = arith.index_cast %swap3A_1564 : i32 to index
      %swap3A_1566 = arith.constant 84 : index
      %swap3A_1567 = tpu.vector_load %arg6[%swap3A_1565, %swap3A_1566] {strides = array<i32>} : memref<32x100xi32, #tpu.memory_space<vmem>>, vector<1x16xi32>,
      %swap3A_1568 = vector.shape_cast %swap3A_1567 : vector<1x16xi32> to vector<16xi32>
      %swap3A_1569 = vector.shape_cast %add3A_1563 : vector<16xi32> to vector<1x16xi32>
      tpu.vector_store %arg6[%swap3A_1565, %swap3A_1566], %swap3A_1569 {strides = array<i32>} : memref<32x100xi32, #tpu.memory_space<vmem>>, vector<1x16xi32>,
      %get3A_1570 = arith.constant 14 : i32
      %get3A_1571 = arith.index_cast %get3A_1570 : i32 to index
      %get3A_1572 = arith.constant 0 : index
      %get3A_1573 = tpu.vector_load %arg5[%get3A_1571, %get3A_1572] {strides = array<i32>} : memref<32x128xi32, #tpu.memory_space<vmem>>, vector<1x16xi32>,
      %get3A_1574 = vector.shape_cast %get3A_1573 : vector<1x16xi32> to vector<16xi32>
      %get3A_1575 = arith.constant 0 : index
      %get3A_1576 = tpu.vector_load %arg8[%get3A_1575] {strides = array<i32>} : memref<100xi32, #tpu.memory_space<vmem>>, vector<16xi32>,
      %get3A_1577 = vector.shape_cast %get3A_1576 : vector<16xi32> to vector<16xi32>
      %add3A_1578 = arith.addi %get3A_1574, %get3A_1577 : vector<16xi32>
      %swap3A_1579 = arith.constant 14 : i32
      %swap3A_1580 = arith.index_cast %swap3A_1579 : i32 to index
      %swap3A_1581 = arith.constant 0 : index
      %swap3A_1582 = tpu.vector_load %arg6[%swap3A_1580, %swap3A_1581] {strides = array<i32>} : memref<32x100xi32, #tpu.memory_space<vmem>>, vector<1x16xi32>,
      %swap3A_1583 = vector.shape_cast %swap3A_1582 : vector<1x16xi32> to vector<16xi32>
      %swap3A_1584 = vector.shape_cast %add3A_1578 : vector<16xi32> to vector<1x16xi32>
      tpu.vector_store %arg6[%swap3A_1580, %swap3A_1581], %swap3A_1584 {strides = array<i32>} : memref<32x100xi32, #tpu.memory_space<vmem>>, vector<1x16xi32>,
      %get3A_1585 = arith.constant 14 : i32
      %get3A_1586 = arith.index_cast %get3A_1585 : i32 to index
      %get3A_1587 = arith.constant 16 : index
      %get3A_1588 = tpu.vector_load %arg5[%get3A_1586, %get3A_1587] {strides = array<i32>} : memref<32x128xi32, #tpu.memory_space<vmem>>, vector<1x16xi32>,
      %get3A_1589 = vector.shape_cast %get3A_1588 : vector<1x16xi32> to vector<16xi32>
      %get3A_1590 = arith.constant 16 : index
      %get3A_1591 = tpu.vector_load %arg8[%get3A_1590] {strides = array<i32>} : memref<100xi32, #tpu.memory_space<vmem>>, vector<16xi32>,
      %get3A_1592 = vector.shape_cast %get3A_1591 : vector<16xi32> to vector<16xi32>
      %add3A_1593 = arith.addi %get3A_1589, %get3A_1592 : vector<16xi32>
      %swap3A_1594 = arith.constant 14 : i32
      %swap3A_1595 = arith.index_cast %swap3A_1594 : i32 to index
      %swap3A_1596 = arith.constant 16 : index
      %swap3A_1597 = tpu.vector_load %arg6[%swap3A_1595, %swap3A_1596] {strides = array<i32>} : memref<32x100xi32, #tpu.memory_space<vmem>>, vector<1x16xi32>,
      %swap3A_1598 = vector.shape_cast %swap3A_1597 : vector<1x16xi32> to vector<16xi32>
      %swap3A_1599 = vector.shape_cast %add3A_1593 : vector<16xi32> to vector<1x16xi32>
      tpu.vector_store %arg6[%swap3A_1595, %swap3A_1596], %swap3A_1599 {strides = array<i32>} : memref<32x100xi32, #tpu.memory_space<vmem>>, vector<1x16xi32>,
      %get3A_1600 = arith.constant 14 : i32
      %get3A_1601 = arith.index_cast %get3A_1600 : i32 to index
      %get3A_1602 = arith.constant 32 : index
      %get3A_1603 = tpu.vector_load %arg5[%get3A_1601, %get3A_1602] {strides = array<i32>} : memref<32x128xi32, #tpu.memory_space<vmem>>, vector<1x16xi32>,
      %get3A_1604 = vector.shape_cast %get3A_1603 : vector<1x16xi32> to vector<16xi32>
      %get3A_1605 = arith.constant 32 : index
      %get3A_1606 = tpu.vector_load %arg8[%get3A_1605] {strides = array<i32>} : memref<100xi32, #tpu.memory_space<vmem>>, vector<16xi32>,
      %get3A_1607 = vector.shape_cast %get3A_1606 : vector<16xi32> to vector<16xi32>
      %add3A_1608 = arith.addi %get3A_1604, %get3A_1607 : vector<16xi32>
      %swap3A_1609 = arith.constant 14 : i32
      %swap3A_1610 = arith.index_cast %swap3A_1609 : i32 to index
      %swap3A_1611 = arith.constant 32 : index
      %swap3A_1612 = tpu.vector_load %arg6[%swap3A_1610, %swap3A_1611] {strides = array<i32>} : memref<32x100xi32, #tpu.memory_space<vmem>>, vector<1x16xi32>,
      %swap3A_1613 = vector.shape_cast %swap3A_1612 : vector<1x16xi32> to vector<16xi32>
      %swap3A_1614 = vector.shape_cast %add3A_1608 : vector<16xi32> to vector<1x16xi32>
      tpu.vector_store %arg6[%swap3A_1610, %swap3A_1611], %swap3A_1614 {strides = array<i32>} : memref<32x100xi32, #tpu.memory_space<vmem>>, vector<1x16xi32>,
      %get3A_1615 = arith.constant 14 : i32
      %get3A_1616 = arith.index_cast %get3A_1615 : i32 to index
      %get3A_1617 = arith.constant 48 : index
      %get3A_1618 = tpu.vector_load %arg5[%get3A_1616, %get3A_1617] {strides = array<i32>} : memref<32x128xi32, #tpu.memory_space<vmem>>, vector<1x16xi32>,
      %get3A_1619 = vector.shape_cast %get3A_1618 : vector<1x16xi32> to vector<16xi32>
      %get3A_1620 = arith.constant 48 : index
      %get3A_1621 = tpu.vector_load %arg8[%get3A_1620] {strides = array<i32>} : memref<100xi32, #tpu.memory_space<vmem>>, vector<16xi32>,
      %get3A_1622 = vector.shape_cast %get3A_1621 : vector<16xi32> to vector<16xi32>
      %add3A_1623 = arith.addi %get3A_1619, %get3A_1622 : vector<16xi32>
      %swap3A_1624 = arith.constant 14 : i32
      %swap3A_1625 = arith.index_cast %swap3A_1624 : i32 to index
      %swap3A_1626 = arith.constant 48 : index
      %swap3A_1627 = tpu.vector_load %arg6[%swap3A_1625, %swap3A_1626] {strides = array<i32>} : memref<32x100xi32, #tpu.memory_space<vmem>>, vector<1x16xi32>,
      %swap3A_1628 = vector.shape_cast %swap3A_1627 : vector<1x16xi32> to vector<16xi32>
      %swap3A_1629 = vector.shape_cast %add3A_1623 : vector<16xi32> to vector<1x16xi32>
      tpu.vector_store %arg6[%swap3A_1625, %swap3A_1626], %swap3A_1629 {strides = array<i32>} : memref<32x100xi32, #tpu.memory_space<vmem>>, vector<1x16xi32>,
      %get3A_1630 = arith.constant 14 : i32
      %get3A_1631 = arith.index_cast %get3A_1630 : i32 to index
      %get3A_1632 = arith.constant 64 : index
      %get3A_1633 = tpu.vector_load %arg5[%get3A_1631, %get3A_1632] {strides = array<i32>} : memref<32x128xi32, #tpu.memory_space<vmem>>, vector<1x16xi32>,
      %get3A_1634 = vector.shape_cast %get3A_1633 : vector<1x16xi32> to vector<16xi32>
      %get3A_1635 = arith.constant 64 : index
      %get3A_1636 = tpu.vector_load %arg8[%get3A_1635] {strides = array<i32>} : memref<100xi32, #tpu.memory_space<vmem>>, vector<16xi32>,
      %get3A_1637 = vector.shape_cast %get3A_1636 : vector<16xi32> to vector<16xi32>
      %add3A_1638 = arith.addi %get3A_1634, %get3A_1637 : vector<16xi32>
      %swap3A_1639 = arith.constant 14 : i32
      %swap3A_1640 = arith.index_cast %swap3A_1639 : i32 to index
      %swap3A_1641 = arith.constant 64 : index
      %swap3A_1642 = tpu.vector_load %arg6[%swap3A_1640, %swap3A_1641] {strides = array<i32>} : memref<32x100xi32, #tpu.memory_space<vmem>>, vector<1x16xi32>,
      %swap3A_1643 = vector.shape_cast %swap3A_1642 : vector<1x16xi32> to vector<16xi32>
      %swap3A_1644 = vector.shape_cast %add3A_1638 : vector<16xi32> to vector<1x16xi32>
      tpu.vector_store %arg6[%swap3A_1640, %swap3A_1641], %swap3A_1644 {strides = array<i32>} : memref<32x100xi32, #tpu.memory_space<vmem>>, vector<1x16xi32>,
      %get3A_1645 = arith.constant 14 : i32
      %get3A_1646 = arith.index_cast %get3A_1645 : i32 to index
      %get3A_1647 = arith.constant 80 : index
      %get3A_1648 = tpu.vector_load %arg5[%get3A_1646, %get3A_1647] {strides = array<i32>} : memref<32x128xi32, #tpu.memory_space<vmem>>, vector<1x16xi32>,
      %get3A_1649 = vector.shape_cast %get3A_1648 : vector<1x16xi32> to vector<16xi32>
      %get3A_1650 = arith.constant 80 : index
      %get3A_1651 = tpu.vector_load %arg8[%get3A_1650] {strides = array<i32>} : memref<100xi32, #tpu.memory_space<vmem>>, vector<16xi32>,
      %get3A_1652 = vector.shape_cast %get3A_1651 : vector<16xi32> to vector<16xi32>
      %add3A_1653 = arith.addi %get3A_1649, %get3A_1652 : vector<16xi32>
      %swap3A_1654 = arith.constant 14 : i32
      %swap3A_1655 = arith.index_cast %swap3A_1654 : i32 to index
      %swap3A_1656 = arith.constant 80 : index
      %swap3A_1657 = tpu.vector_load %arg6[%swap3A_1655, %swap3A_1656] {strides = array<i32>} : memref<32x100xi32, #tpu.memory_space<vmem>>, vector<1x16xi32>,
      %swap3A_1658 = vector.shape_cast %swap3A_1657 : vector<1x16xi32> to vector<16xi32>
      %swap3A_1659 = vector.shape_cast %add3A_1653 : vector<16xi32> to vector<1x16xi32>
      tpu.vector_store %arg6[%swap3A_1655, %swap3A_1656], %swap3A_1659 {strides = array<i32>} : memref<32x100xi32, #tpu.memory_space<vmem>>, vector<1x16xi32>,
      %get3A_1660 = arith.constant 14 : i32
      %get3A_1661 = arith.index_cast %get3A_1660 : i32 to index
      %get3A_1662 = arith.constant 84 : index
      %get3A_1663 = tpu.vector_load %arg5[%get3A_1661, %get3A_1662] {strides = array<i32>} : memref<32x128xi32, #tpu.memory_space<vmem>>, vector<1x16xi32>,
      %get3A_1664 = vector.shape_cast %get3A_1663 : vector<1x16xi32> to vector<16xi32>
      %get3A_1665 = arith.constant 84 : index
      %get3A_1666 = tpu.vector_load %arg8[%get3A_1665] {strides = array<i32>} : memref<100xi32, #tpu.memory_space<vmem>>, vector<16xi32>,
      %get3A_1667 = vector.shape_cast %get3A_1666 : vector<16xi32> to vector<16xi32>
      %add3A_1668 = arith.addi %get3A_1664, %get3A_1667 : vector<16xi32>
      %swap3A_1669 = arith.constant 14 : i32
      %swap3A_1670 = arith.index_cast %swap3A_1669 : i32 to index
      %swap3A_1671 = arith.constant 84 : index
      %swap3A_1672 = tpu.vector_load %arg6[%swap3A_1670, %swap3A_1671] {strides = array<i32>} : memref<32x100xi32, #tpu.memory_space<vmem>>, vector<1x16xi32>,
      %swap3A_1673 = vector.shape_cast %swap3A_1672 : vector<1x16xi32> to vector<16xi32>
      %swap3A_1674 = vector.shape_cast %add3A_1668 : vector<16xi32> to vector<1x16xi32>
      tpu.vector_store %arg6[%swap3A_1670, %swap3A_1671], %swap3A_1674 {strides = array<i32>} : memref<32x100xi32, #tpu.memory_space<vmem>>, vector<1x16xi32>,
      %get3A_1675 = arith.constant 15 : i32
      %get3A_1676 = arith.index_cast %get3A_1675 : i32 to index
      %get3A_1677 = arith.constant 0 : index
      %get3A_1678 = tpu.vector_load %arg5[%get3A_1676, %get3A_1677] {strides = array<i32>} : memref<32x128xi32, #tpu.memory_space<vmem>>, vector<1x16xi32>,
      %get3A_1679 = vector.shape_cast %get3A_1678 : vector<1x16xi32> to vector<16xi32>
      %get3A_1680 = arith.constant 0 : index
      %get3A_1681 = tpu.vector_load %arg8[%get3A_1680] {strides = array<i32>} : memref<100xi32, #tpu.memory_space<vmem>>, vector<16xi32>,
      %get3A_1682 = vector.shape_cast %get3A_1681 : vector<16xi32> to vector<16xi32>
      %add3A_1683 = arith.addi %get3A_1679, %get3A_1682 : vector<16xi32>
      %swap3A_1684 = arith.constant 15 : i32
      %swap3A_1685 = arith.index_cast %swap3A_1684 : i32 to index
      %swap3A_1686 = arith.constant 0 : index
      %swap3A_1687 = tpu.vector_load %arg6[%swap3A_1685, %swap3A_1686] {strides = array<i32>} : memref<32x100xi32, #tpu.memory_space<vmem>>, vector<1x16xi32>,
      %swap3A_1688 = vector.shape_cast %swap3A_1687 : vector<1x16xi32> to vector<16xi32>
      %swap3A_1689 = vector.shape_cast %add3A_1683 : vector<16xi32> to vector<1x16xi32>
      tpu.vector_store %arg6[%swap3A_1685, %swap3A_1686], %swap3A_1689 {strides = array<i32>} : memref<32x100xi32, #tpu.memory_space<vmem>>, vector<1x16xi32>,
      %get3A_1690 = arith.constant 15 : i32
      %get3A_1691 = arith.index_cast %get3A_1690 : i32 to index
      %get3A_1692 = arith.constant 16 : index
      %get3A_1693 = tpu.vector_load %arg5[%get3A_1691, %get3A_1692] {strides = array<i32>} : memref<32x128xi32, #tpu.memory_space<vmem>>, vector<1x16xi32>,
      %get3A_1694 = vector.shape_cast %get3A_1693 : vector<1x16xi32> to vector<16xi32>
      %get3A_1695 = arith.constant 16 : index
      %get3A_1696 = tpu.vector_load %arg8[%get3A_1695] {strides = array<i32>} : memref<100xi32, #tpu.memory_space<vmem>>, vector<16xi32>,
      %get3A_1697 = vector.shape_cast %get3A_1696 : vector<16xi32> to vector<16xi32>
      %add3A_1698 = arith.addi %get3A_1694, %get3A_1697 : vector<16xi32>
      %swap3A_1699 = arith.constant 15 : i32
      %swap3A_1700 = arith.index_cast %swap3A_1699 : i32 to index
      %swap3A_1701 = arith.constant 16 : index
      %swap3A_1702 = tpu.vector_load %arg6[%swap3A_1700, %swap3A_1701] {strides = array<i32>} : memref<32x100xi32, #tpu.memory_space<vmem>>, vector<1x16xi32>,
      %swap3A_1703 = vector.shape_cast %swap3A_1702 : vector<1x16xi32> to vector<16xi32>
      %swap3A_1704 = vector.shape_cast %add3A_1698 : vector<16xi32> to vector<1x16xi32>
      tpu.vector_store %arg6[%swap3A_1700, %swap3A_1701], %swap3A_1704 {strides = array<i32>} : memref<32x100xi32, #tpu.memory_space<vmem>>, vector<1x16xi32>,
      %get3A_1705 = arith.constant 15 : i32
      %get3A_1706 = arith.index_cast %get3A_1705 : i32 to index
      %get3A_1707 = arith.constant 32 : index
      %get3A_1708 = tpu.vector_load %arg5[%get3A_1706, %get3A_1707] {strides = array<i32>} : memref<32x128xi32, #tpu.memory_space<vmem>>, vector<1x16xi32>,
      %get3A_1709 = vector.shape_cast %get3A_1708 : vector<1x16xi32> to vector<16xi32>
      %get3A_1710 = arith.constant 32 : index
      %get3A_1711 = tpu.vector_load %arg8[%get3A_1710] {strides = array<i32>} : memref<100xi32, #tpu.memory_space<vmem>>, vector<16xi32>,
      %get3A_1712 = vector.shape_cast %get3A_1711 : vector<16xi32> to vector<16xi32>
      %add3A_1713 = arith.addi %get3A_1709, %get3A_1712 : vector<16xi32>
      %swap3A_1714 = arith.constant 15 : i32
      %swap3A_1715 = arith.index_cast %swap3A_1714 : i32 to index
      %swap3A_1716 = arith.constant 32 : index
      %swap3A_1717 = tpu.vector_load %arg6[%swap3A_1715, %swap3A_1716] {strides = array<i32>} : memref<32x100xi32, #tpu.memory_space<vmem>>, vector<1x16xi32>,
      %swap3A_1718 = vector.shape_cast %swap3A_1717 : vector<1x16xi32> to vector<16xi32>
      %swap3A_1719 = vector.shape_cast %add3A_1713 : vector<16xi32> to vector<1x16xi32>
      tpu.vector_store %arg6[%swap3A_1715, %swap3A_1716], %swap3A_1719 {strides = array<i32>} : memref<32x100xi32, #tpu.memory_space<vmem>>, vector<1x16xi32>,
      %get3A_1720 = arith.constant 15 : i32
      %get3A_1721 = arith.index_cast %get3A_1720 : i32 to index
      %get3A_1722 = arith.constant 48 : index
      %get3A_1723 = tpu.vector_load %arg5[%get3A_1721, %get3A_1722] {strides = array<i32>} : memref<32x128xi32, #tpu.memory_space<vmem>>, vector<1x16xi32>,
      %get3A_1724 = vector.shape_cast %get3A_1723 : vector<1x16xi32> to vector<16xi32>
      %get3A_1725 = arith.constant 48 : index
      %get3A_1726 = tpu.vector_load %arg8[%get3A_1725] {strides = array<i32>} : memref<100xi32, #tpu.memory_space<vmem>>, vector<16xi32>,
      %get3A_1727 = vector.shape_cast %get3A_1726 : vector<16xi32> to vector<16xi32>
      %add3A_1728 = arith.addi %get3A_1724, %get3A_1727 : vector<16xi32>
      %swap3A_1729 = arith.constant 15 : i32
      %swap3A_1730 = arith.index_cast %swap3A_1729 : i32 to index
      %swap3A_1731 = arith.constant 48 : index
      %swap3A_1732 = tpu.vector_load %arg6[%swap3A_1730, %swap3A_1731] {strides = array<i32>} : memref<32x100xi32, #tpu.memory_space<vmem>>, vector<1x16xi32>,
      %swap3A_1733 = vector.shape_cast %swap3A_1732 : vector<1x16xi32> to vector<16xi32>
      %swap3A_1734 = vector.shape_cast %add3A_1728 : vector<16xi32> to vector<1x16xi32>
      tpu.vector_store %arg6[%swap3A_1730, %swap3A_1731], %swap3A_1734 {strides = array<i32>} : memref<32x100xi32, #tpu.memory_space<vmem>>, vector<1x16xi32>,
      %get3A_1735 = arith.constant 15 : i32
      %get3A_1736 = arith.index_cast %get3A_1735 : i32 to index
      %get3A_1737 = arith.constant 64 : index
      %get3A_1738 = tpu.vector_load %arg5[%get3A_1736, %get3A_1737] {strides = array<i32>} : memref<32x128xi32, #tpu.memory_space<vmem>>, vector<1x16xi32>,
      %get3A_1739 = vector.shape_cast %get3A_1738 : vector<1x16xi32> to vector<16xi32>
      %get3A_1740 = arith.constant 64 : index
      %get3A_1741 = tpu.vector_load %arg8[%get3A_1740] {strides = array<i32>} : memref<100xi32, #tpu.memory_space<vmem>>, vector<16xi32>,
      %get3A_1742 = vector.shape_cast %get3A_1741 : vector<16xi32> to vector<16xi32>
      %add3A_1743 = arith.addi %get3A_1739, %get3A_1742 : vector<16xi32>
      %swap3A_1744 = arith.constant 15 : i32
      %swap3A_1745 = arith.index_cast %swap3A_1744 : i32 to index
      %swap3A_1746 = arith.constant 64 : index
      %swap3A_1747 = tpu.vector_load %arg6[%swap3A_1745, %swap3A_1746] {strides = array<i32>} : memref<32x100xi32, #tpu.memory_space<vmem>>, vector<1x16xi32>,
      %swap3A_1748 = vector.shape_cast %swap3A_1747 : vector<1x16xi32> to vector<16xi32>
      %swap3A_1749 = vector.shape_cast %add3A_1743 : vector<16xi32> to vector<1x16xi32>
      tpu.vector_store %arg6[%swap3A_1745, %swap3A_1746], %swap3A_1749 {strides = array<i32>} : memref<32x100xi32, #tpu.memory_space<vmem>>, vector<1x16xi32>,
      %get3A_1750 = arith.constant 15 : i32
      %get3A_1751 = arith.index_cast %get3A_1750 : i32 to index
      %get3A_1752 = arith.constant 80 : index
      %get3A_1753 = tpu.vector_load %arg5[%get3A_1751, %get3A_1752] {strides = array<i32>} : memref<32x128xi32, #tpu.memory_space<vmem>>, vector<1x16xi32>,
      %get3A_1754 = vector.shape_cast %get3A_1753 : vector<1x16xi32> to vector<16xi32>
      %get3A_1755 = arith.constant 80 : index
      %get3A_1756 = tpu.vector_load %arg8[%get3A_1755] {strides = array<i32>} : memref<100xi32, #tpu.memory_space<vmem>>, vector<16xi32>,
      %get3A_1757 = vector.shape_cast %get3A_1756 : vector<16xi32> to vector<16xi32>
      %add3A_1758 = arith.addi %get3A_1754, %get3A_1757 : vector<16xi32>
      %swap3A_1759 = arith.constant 15 : i32
      %swap3A_1760 = arith.index_cast %swap3A_1759 : i32 to index
      %swap3A_1761 = arith.constant 80 : index
      %swap3A_1762 = tpu.vector_load %arg6[%swap3A_1760, %swap3A_1761] {strides = array<i32>} : memref<32x100xi32, #tpu.memory_space<vmem>>, vector<1x16xi32>,
      %swap3A_1763 = vector.shape_cast %swap3A_1762 : vector<1x16xi32> to vector<16xi32>
      %swap3A_1764 = vector.shape_cast %add3A_1758 : vector<16xi32> to vector<1x16xi32>
      tpu.vector_store %arg6[%swap3A_1760, %swap3A_1761], %swap3A_1764 {strides = array<i32>} : memref<32x100xi32, #tpu.memory_space<vmem>>, vector<1x16xi32>,
      %get3A_1765 = arith.constant 15 : i32
      %get3A_1766 = arith.index_cast %get3A_1765 : i32 to index
      %get3A_1767 = arith.constant 84 : index
      %get3A_1768 = tpu.vector_load %arg5[%get3A_1766, %get3A_1767] {strides = array<i32>} : memref<32x128xi32, #tpu.memory_space<vmem>>, vector<1x16xi32>,
      %get3A_1769 = vector.shape_cast %get3A_1768 : vector<1x16xi32> to vector<16xi32>
      %get3A_1770 = arith.constant 84 : index
      %get3A_1771 = tpu.vector_load %arg8[%get3A_1770] {strides = array<i32>} : memref<100xi32, #tpu.memory_space<vmem>>, vector<16xi32>,
      %get3A_1772 = vector.shape_cast %get3A_1771 : vector<16xi32> to vector<16xi32>
      %add3A_1773 = arith.addi %get3A_1769, %get3A_1772 : vector<16xi32>
      %swap3A_1774 = arith.constant 15 : i32
      %swap3A_1775 = arith.index_cast %swap3A_1774 : i32 to index
      %swap3A_1776 = arith.constant 84 : index
      %swap3A_1777 = tpu.vector_load %arg6[%swap3A_1775, %swap3A_1776] {strides = array<i32>} : memref<32x100xi32, #tpu.memory_space<vmem>>, vector<1x16xi32>,
      %swap3A_1778 = vector.shape_cast %swap3A_1777 : vector<1x16xi32> to vector<16xi32>
      %swap3A_1779 = vector.shape_cast %add3A_1773 : vector<16xi32> to vector<1x16xi32>
      tpu.vector_store %arg6[%swap3A_1775, %swap3A_1776], %swap3A_1779 {strides = array<i32>} : memref<32x100xi32, #tpu.memory_space<vmem>>, vector<1x16xi32>,
      %get3A_1780 = arith.constant 16 : i32
      %get3A_1781 = arith.index_cast %get3A_1780 : i32 to index
      %get3A_1782 = arith.constant 0 : index
      %get3A_1783 = tpu.vector_load %arg5[%get3A_1781, %get3A_1782] {strides = array<i32>} : memref<32x128xi32, #tpu.memory_space<vmem>>, vector<1x16xi32>,
      %get3A_1784 = vector.shape_cast %get3A_1783 : vector<1x16xi32> to vector<16xi32>
      %get3A_1785 = arith.constant 0 : index
      %get3A_1786 = tpu.vector_load %arg8[%get3A_1785] {strides = array<i32>} : memref<100xi32, #tpu.memory_space<vmem>>, vector<16xi32>,
      %get3A_1787 = vector.shape_cast %get3A_1786 : vector<16xi32> to vector<16xi32>
      %add3A_1788 = arith.addi %get3A_1784, %get3A_1787 : vector<16xi32>
      %swap3A_1789 = arith.constant 16 : i32
      %swap3A_1790 = arith.index_cast %swap3A_1789 : i32 to index
      %swap3A_1791 = arith.constant 0 : index
      %swap3A_1792 = tpu.vector_load %arg6[%swap3A_1790, %swap3A_1791] {strides = array<i32>} : memref<32x100xi32, #tpu.memory_space<vmem>>, vector<1x16xi32>,
      %swap3A_1793 = vector.shape_cast %swap3A_1792 : vector<1x16xi32> to vector<16xi32>
      %swap3A_1794 = vector.shape_cast %add3A_1788 : vector<16xi32> to vector<1x16xi32>
      tpu.vector_store %arg6[%swap3A_1790, %swap3A_1791], %swap3A_1794 {strides = array<i32>} : memref<32x100xi32, #tpu.memory_space<vmem>>, vector<1x16xi32>,
      %get3A_1795 = arith.constant 16 : i32
      %get3A_1796 = arith.index_cast %get3A_1795 : i32 to index
      %get3A_1797 = arith.constant 16 : index
      %get3A_1798 = tpu.vector_load %arg5[%get3A_1796, %get3A_1797] {strides = array<i32>} : memref<32x128xi32, #tpu.memory_space<vmem>>, vector<1x16xi32>,
      %get3A_1799 = vector.shape_cast %get3A_1798 : vector<1x16xi32> to vector<16xi32>
      %get3A_1800 = arith.constant 16 : index
      %get3A_1801 = tpu.vector_load %arg8[%get3A_1800] {strides = array<i32>} : memref<100xi32, #tpu.memory_space<vmem>>, vector<16xi32>,
      %get3A_1802 = vector.shape_cast %get3A_1801 : vector<16xi32> to vector<16xi32>
      %add3A_1803 = arith.addi %get3A_1799, %get3A_1802 : vector<16xi32>
      %swap3A_1804 = arith.constant 16 : i32
      %swap3A_1805 = arith.index_cast %swap3A_1804 : i32 to index
      %swap3A_1806 = arith.constant 16 : index
      %swap3A_1807 = tpu.vector_load %arg6[%swap3A_1805, %swap3A_1806] {strides = array<i32>} : memref<32x100xi32, #tpu.memory_space<vmem>>, vector<1x16xi32>,
      %swap3A_1808 = vector.shape_cast %swap3A_1807 : vector<1x16xi32> to vector<16xi32>
      %swap3A_1809 = vector.shape_cast %add3A_1803 : vector<16xi32> to vector<1x16xi32>
      tpu.vector_store %arg6[%swap3A_1805, %swap3A_1806], %swap3A_1809 {strides = array<i32>} : memref<32x100xi32, #tpu.memory_space<vmem>>, vector<1x16xi32>,
      %get3A_1810 = arith.constant 16 : i32
      %get3A_1811 = arith.index_cast %get3A_1810 : i32 to index
      %get3A_1812 = arith.constant 32 : index
      %get3A_1813 = tpu.vector_load %arg5[%get3A_1811, %get3A_1812] {strides = array<i32>} : memref<32x128xi32, #tpu.memory_space<vmem>>, vector<1x16xi32>,
      %get3A_1814 = vector.shape_cast %get3A_1813 : vector<1x16xi32> to vector<16xi32>
      %get3A_1815 = arith.constant 32 : index
      %get3A_1816 = tpu.vector_load %arg8[%get3A_1815] {strides = array<i32>} : memref<100xi32, #tpu.memory_space<vmem>>, vector<16xi32>,
      %get3A_1817 = vector.shape_cast %get3A_1816 : vector<16xi32> to vector<16xi32>
      %add3A_1818 = arith.addi %get3A_1814, %get3A_1817 : vector<16xi32>
      %swap3A_1819 = arith.constant 16 : i32
      %swap3A_1820 = arith.index_cast %swap3A_1819 : i32 to index
      %swap3A_1821 = arith.constant 32 : index
      %swap3A_1822 = tpu.vector_load %arg6[%swap3A_1820, %swap3A_1821] {strides = array<i32>} : memref<32x100xi32, #tpu.memory_space<vmem>>, vector<1x16xi32>,
      %swap3A_1823 = vector.shape_cast %swap3A_1822 : vector<1x16xi32> to vector<16xi32>
      %swap3A_1824 = vector.shape_cast %add3A_1818 : vector<16xi32> to vector<1x16xi32>
      tpu.vector_store %arg6[%swap3A_1820, %swap3A_1821], %swap3A_1824 {strides = array<i32>} : memref<32x100xi32, #tpu.memory_space<vmem>>, vector<1x16xi32>,
      %get3A_1825 = arith.constant 16 : i32
      %get3A_1826 = arith.index_cast %get3A_1825 : i32 to index
      %get3A_1827 = arith.constant 48 : index
      %get3A_1828 = tpu.vector_load %arg5[%get3A_1826, %get3A_1827] {strides = array<i32>} : memref<32x128xi32, #tpu.memory_space<vmem>>, vector<1x16xi32>,
      %get3A_1829 = vector.shape_cast %get3A_1828 : vector<1x16xi32> to vector<16xi32>
      %get3A_1830 = arith.constant 48 : index
      %get3A_1831 = tpu.vector_load %arg8[%get3A_1830] {strides = array<i32>} : memref<100xi32, #tpu.memory_space<vmem>>, vector<16xi32>,
      %get3A_1832 = vector.shape_cast %get3A_1831 : vector<16xi32> to vector<16xi32>
      %add3A_1833 = arith.addi %get3A_1829, %get3A_1832 : vector<16xi32>
      %swap3A_1834 = arith.constant 16 : i32
      %swap3A_1835 = arith.index_cast %swap3A_1834 : i32 to index
      %swap3A_1836 = arith.constant 48 : index
      %swap3A_1837 = tpu.vector_load %arg6[%swap3A_1835, %swap3A_1836] {strides = array<i32>} : memref<32x100xi32, #tpu.memory_space<vmem>>, vector<1x16xi32>,
      %swap3A_1838 = vector.shape_cast %swap3A_1837 : vector<1x16xi32> to vector<16xi32>
      %swap3A_1839 = vector.shape_cast %add3A_1833 : vector<16xi32> to vector<1x16xi32>
      tpu.vector_store %arg6[%swap3A_1835, %swap3A_1836], %swap3A_1839 {strides = array<i32>} : memref<32x100xi32, #tpu.memory_space<vmem>>, vector<1x16xi32>,
      %get3A_1840 = arith.constant 16 : i32
      %get3A_1841 = arith.index_cast %get3A_1840 : i32 to index
      %get3A_1842 = arith.constant 64 : index
      %get3A_1843 = tpu.vector_load %arg5[%get3A_1841, %get3A_1842] {strides = array<i32>} : memref<32x128xi32, #tpu.memory_space<vmem>>, vector<1x16xi32>,
      %get3A_1844 = vector.shape_cast %get3A_1843 : vector<1x16xi32> to vector<16xi32>
      %get3A_1845 = arith.constant 64 : index
      %get3A_1846 = tpu.vector_load %arg8[%get3A_1845] {strides = array<i32>} : memref<100xi32, #tpu.memory_space<vmem>>, vector<16xi32>,
      %get3A_1847 = vector.shape_cast %get3A_1846 : vector<16xi32> to vector<16xi32>
      %add3A_1848 = arith.addi %get3A_1844, %get3A_1847 : vector<16xi32>
      %swap3A_1849 = arith.constant 16 : i32
      %swap3A_1850 = arith.index_cast %swap3A_1849 : i32 to index
      %swap3A_1851 = arith.constant 64 : index
      %swap3A_1852 = tpu.vector_load %arg6[%swap3A_1850, %swap3A_1851] {strides = array<i32>} : memref<32x100xi32, #tpu.memory_space<vmem>>, vector<1x16xi32>,
      %swap3A_1853 = vector.shape_cast %swap3A_1852 : vector<1x16xi32> to vector<16xi32>
      %swap3A_1854 = vector.shape_cast %add3A_1848 : vector<16xi32> to vector<1x16xi32>
      tpu.vector_store %arg6[%swap3A_1850, %swap3A_1851], %swap3A_1854 {strides = array<i32>} : memref<32x100xi32, #tpu.memory_space<vmem>>, vector<1x16xi32>,
      %get3A_1855 = arith.constant 16 : i32
      %get3A_1856 = arith.index_cast %get3A_1855 : i32 to index
      %get3A_1857 = arith.constant 80 : index
      %get3A_1858 = tpu.vector_load %arg5[%get3A_1856, %get3A_1857] {strides = array<i32>} : memref<32x128xi32, #tpu.memory_space<vmem>>, vector<1x16xi32>,
      %get3A_1859 = vector.shape_cast %get3A_1858 : vector<1x16xi32> to vector<16xi32>
      %get3A_1860 = arith.constant 80 : index
      %get3A_1861 = tpu.vector_load %arg8[%get3A_1860] {strides = array<i32>} : memref<100xi32, #tpu.memory_space<vmem>>, vector<16xi32>,
      %get3A_1862 = vector.shape_cast %get3A_1861 : vector<16xi32> to vector<16xi32>
      %add3A_1863 = arith.addi %get3A_1859, %get3A_1862 : vector<16xi32>
      %swap3A_1864 = arith.constant 16 : i32
      %swap3A_1865 = arith.index_cast %swap3A_1864 : i32 to index
      %swap3A_1866 = arith.constant 80 : index
      %swap3A_1867 = tpu.vector_load %arg6[%swap3A_1865, %swap3A_1866] {strides = array<i32>} : memref<32x100xi32, #tpu.memory_space<vmem>>, vector<1x16xi32>,
      %swap3A_1868 = vector.shape_cast %swap3A_1867 : vector<1x16xi32> to vector<16xi32>
      %swap3A_1869 = vector.shape_cast %add3A_1863 : vector<16xi32> to vector<1x16xi32>
      tpu.vector_store %arg6[%swap3A_1865, %swap3A_1866], %swap3A_1869 {strides = array<i32>} : memref<32x100xi32, #tpu.memory_space<vmem>>, vector<1x16xi32>,
      %get3A_1870 = arith.constant 16 : i32
      %get3A_1871 = arith.index_cast %get3A_1870 : i32 to index
      %get3A_1872 = arith.constant 84 : index
      %get3A_1873 = tpu.vector_load %arg5[%get3A_1871, %get3A_1872] {strides = array<i32>} : memref<32x128xi32, #tpu.memory_space<vmem>>, vector<1x16xi32>,
      %get3A_1874 = vector.shape_cast %get3A_1873 : vector<1x16xi32> to vector<16xi32>
      %get3A_1875 = arith.constant 84 : index
      %get3A_1876 = tpu.vector_load %arg8[%get3A_1875] {strides = array<i32>} : memref<100xi32, #tpu.memory_space<vmem>>, vector<16xi32>,
      %get3A_1877 = vector.shape_cast %get3A_1876 : vector<16xi32> to vector<16xi32>
      %add3A_1878 = arith.addi %get3A_1874, %get3A_1877 : vector<16xi32>
      %swap3A_1879 = arith.constant 16 : i32
      %swap3A_1880 = arith.index_cast %swap3A_1879 : i32 to index
      %swap3A_1881 = arith.constant 84 : index
      %swap3A_1882 = tpu.vector_load %arg6[%swap3A_1880, %swap3A_1881] {strides = array<i32>} : memref<32x100xi32, #tpu.memory_space<vmem>>, vector<1x16xi32>,
      %swap3A_1883 = vector.shape_cast %swap3A_1882 : vector<1x16xi32> to vector<16xi32>
      %swap3A_1884 = vector.shape_cast %add3A_1878 : vector<16xi32> to vector<1x16xi32>
      tpu.vector_store %arg6[%swap3A_1880, %swap3A_1881], %swap3A_1884 {strides = array<i32>} : memref<32x100xi32, #tpu.memory_space<vmem>>, vector<1x16xi32>,
      %get3A_1885 = arith.constant 17 : i32
      %get3A_1886 = arith.index_cast %get3A_1885 : i32 to index
      %get3A_1887 = arith.constant 0 : index
      %get3A_1888 = tpu.vector_load %arg5[%get3A_1886, %get3A_1887] {strides = array<i32>} : memref<32x128xi32, #tpu.memory_space<vmem>>, vector<1x16xi32>,
      %get3A_1889 = vector.shape_cast %get3A_1888 : vector<1x16xi32> to vector<16xi32>
      %get3A_1890 = arith.constant 0 : index
      %get3A_1891 = tpu.vector_load %arg8[%get3A_1890] {strides = array<i32>} : memref<100xi32, #tpu.memory_space<vmem>>, vector<16xi32>,
      %get3A_1892 = vector.shape_cast %get3A_1891 : vector<16xi32> to vector<16xi32>
      %add3A_1893 = arith.addi %get3A_1889, %get3A_1892 : vector<16xi32>
      %swap3A_1894 = arith.constant 17 : i32
      %swap3A_1895 = arith.index_cast %swap3A_1894 : i32 to index
      %swap3A_1896 = arith.constant 0 : index
      %swap3A_1897 = tpu.vector_load %arg6[%swap3A_1895, %swap3A_1896] {strides = array<i32>} : memref<32x100xi32, #tpu.memory_space<vmem>>, vector<1x16xi32>,
      %swap3A_1898 = vector.shape_cast %swap3A_1897 : vector<1x16xi32> to vector<16xi32>
      %swap3A_1899 = vector.shape_cast %add3A_1893 : vector<16xi32> to vector<1x16xi32>
      tpu.vector_store %arg6[%swap3A_1895, %swap3A_1896], %swap3A_1899 {strides = array<i32>} : memref<32x100xi32, #tpu.memory_space<vmem>>, vector<1x16xi32>,
      %get3A_1900 = arith.constant 17 : i32
      %get3A_1901 = arith.index_cast %get3A_1900 : i32 to index
      %get3A_1902 = arith.constant 16 : index
      %get3A_1903 = tpu.vector_load %arg5[%get3A_1901, %get3A_1902] {strides = array<i32>} : memref<32x128xi32, #tpu.memory_space<vmem>>, vector<1x16xi32>,
      %get3A_1904 = vector.shape_cast %get3A_1903 : vector<1x16xi32> to vector<16xi32>
      %get3A_1905 = arith.constant 16 : index
      %get3A_1906 = tpu.vector_load %arg8[%get3A_1905] {strides = array<i32>} : memref<100xi32, #tpu.memory_space<vmem>>, vector<16xi32>,
      %get3A_1907 = vector.shape_cast %get3A_1906 : vector<16xi32> to vector<16xi32>
      %add3A_1908 = arith.addi %get3A_1904, %get3A_1907 : vector<16xi32>
      %swap3A_1909 = arith.constant 17 : i32
      %swap3A_1910 = arith.index_cast %swap3A_1909 : i32 to index
      %swap3A_1911 = arith.constant 16 : index
      %swap3A_1912 = tpu.vector_load %arg6[%swap3A_1910, %swap3A_1911] {strides = array<i32>} : memref<32x100xi32, #tpu.memory_space<vmem>>, vector<1x16xi32>,
      %swap3A_1913 = vector.shape_cast %swap3A_1912 : vector<1x16xi32> to vector<16xi32>
      %swap3A_1914 = vector.shape_cast %add3A_1908 : vector<16xi32> to vector<1x16xi32>
      tpu.vector_store %arg6[%swap3A_1910, %swap3A_1911], %swap3A_1914 {strides = array<i32>} : memref<32x100xi32, #tpu.memory_space<vmem>>, vector<1x16xi32>,
      %get3A_1915 = arith.constant 17 : i32
      %get3A_1916 = arith.index_cast %get3A_1915 : i32 to index
      %get3A_1917 = arith.constant 32 : index
      %get3A_1918 = tpu.vector_load %arg5[%get3A_1916, %get3A_1917] {strides = array<i32>} : memref<32x128xi32, #tpu.memory_space<vmem>>, vector<1x16xi32>,
      %get3A_1919 = vector.shape_cast %get3A_1918 : vector<1x16xi32> to vector<16xi32>
      %get3A_1920 = arith.constant 32 : index
      %get3A_1921 = tpu.vector_load %arg8[%get3A_1920] {strides = array<i32>} : memref<100xi32, #tpu.memory_space<vmem>>, vector<16xi32>,
      %get3A_1922 = vector.shape_cast %get3A_1921 : vector<16xi32> to vector<16xi32>
      %add3A_1923 = arith.addi %get3A_1919, %get3A_1922 : vector<16xi32>
      %swap3A_1924 = arith.constant 17 : i32
      %swap3A_1925 = arith.index_cast %swap3A_1924 : i32 to index
      %swap3A_1926 = arith.constant 32 : index
      %swap3A_1927 = tpu.vector_load %arg6[%swap3A_1925, %swap3A_1926] {strides = array<i32>} : memref<32x100xi32, #tpu.memory_space<vmem>>, vector<1x16xi32>,
      %swap3A_1928 = vector.shape_cast %swap3A_1927 : vector<1x16xi32> to vector<16xi32>
      %swap3A_1929 = vector.shape_cast %add3A_1923 : vector<16xi32> to vector<1x16xi32>
      tpu.vector_store %arg6[%swap3A_1925, %swap3A_1926], %swap3A_1929 {strides = array<i32>} : memref<32x100xi32, #tpu.memory_space<vmem>>, vector<1x16xi32>,
      %get3A_1930 = arith.constant 17 : i32
      %get3A_1931 = arith.index_cast %get3A_1930 : i32 to index
      %get3A_1932 = arith.constant 48 : index
      %get3A_1933 = tpu.vector_load %arg5[%get3A_1931, %get3A_1932] {strides = array<i32>} : memref<32x128xi32, #tpu.memory_space<vmem>>, vector<1x16xi32>,
      %get3A_1934 = vector.shape_cast %get3A_1933 : vector<1x16xi32> to vector<16xi32>
      %get3A_1935 = arith.constant 48 : index
      %get3A_1936 = tpu.vector_load %arg8[%get3A_1935] {strides = array<i32>} : memref<100xi32, #tpu.memory_space<vmem>>, vector<16xi32>,
      %get3A_1937 = vector.shape_cast %get3A_1936 : vector<16xi32> to vector<16xi32>
      %add3A_1938 = arith.addi %get3A_1934, %get3A_1937 : vector<16xi32>
      %swap3A_1939 = arith.constant 17 : i32
      %swap3A_1940 = arith.index_cast %swap3A_1939 : i32 to index
      %swap3A_1941 = arith.constant 48 : index
      %swap3A_1942 = tpu.vector_load %arg6[%swap3A_1940, %swap3A_1941] {strides = array<i32>} : memref<32x100xi32, #tpu.memory_space<vmem>>, vector<1x16xi32>,
      %swap3A_1943 = vector.shape_cast %swap3A_1942 : vector<1x16xi32> to vector<16xi32>
      %swap3A_1944 = vector.shape_cast %add3A_1938 : vector<16xi32> to vector<1x16xi32>
      tpu.vector_store %arg6[%swap3A_1940, %swap3A_1941], %swap3A_1944 {strides = array<i32>} : memref<32x100xi32, #tpu.memory_space<vmem>>, vector<1x16xi32>,
      %get3A_1945 = arith.constant 17 : i32
      %get3A_1946 = arith.index_cast %get3A_1945 : i32 to index
      %get3A_1947 = arith.constant 64 : index
      %get3A_1948 = tpu.vector_load %arg5[%get3A_1946, %get3A_1947] {strides = array<i32>} : memref<32x128xi32, #tpu.memory_space<vmem>>, vector<1x16xi32>,
      %get3A_1949 = vector.shape_cast %get3A_1948 : vector<1x16xi32> to vector<16xi32>
      %get3A_1950 = arith.constant 64 : index
      %get3A_1951 = tpu.vector_load %arg8[%get3A_1950] {strides = array<i32>} : memref<100xi32, #tpu.memory_space<vmem>>, vector<16xi32>,
      %get3A_1952 = vector.shape_cast %get3A_1951 : vector<16xi32> to vector<16xi32>
      %add3A_1953 = arith.addi %get3A_1949, %get3A_1952 : vector<16xi32>
      %swap3A_1954 = arith.constant 17 : i32
      %swap3A_1955 = arith.index_cast %swap3A_1954 : i32 to index
      %swap3A_1956 = arith.constant 64 : index
      %swap3A_1957 = tpu.vector_load %arg6[%swap3A_1955, %swap3A_1956] {strides = array<i32>} : memref<32x100xi32, #tpu.memory_space<vmem>>, vector<1x16xi32>,
      %swap3A_1958 = vector.shape_cast %swap3A_1957 : vector<1x16xi32> to vector<16xi32>
      %swap3A_1959 = vector.shape_cast %add3A_1953 : vector<16xi32> to vector<1x16xi32>
      tpu.vector_store %arg6[%swap3A_1955, %swap3A_1956], %swap3A_1959 {strides = array<i32>} : memref<32x100xi32, #tpu.memory_space<vmem>>, vector<1x16xi32>,
      %get3A_1960 = arith.constant 17 : i32
      %get3A_1961 = arith.index_cast %get3A_1960 : i32 to index
      %get3A_1962 = arith.constant 80 : index
      %get3A_1963 = tpu.vector_load %arg5[%get3A_1961, %get3A_1962] {strides = array<i32>} : memref<32x128xi32, #tpu.memory_space<vmem>>, vector<1x16xi32>,
      %get3A_1964 = vector.shape_cast %get3A_1963 : vector<1x16xi32> to vector<16xi32>
      %get3A_1965 = arith.constant 80 : index
      %get3A_1966 = tpu.vector_load %arg8[%get3A_1965] {strides = array<i32>} : memref<100xi32, #tpu.memory_space<vmem>>, vector<16xi32>,
      %get3A_1967 = vector.shape_cast %get3A_1966 : vector<16xi32> to vector<16xi32>
      %add3A_1968 = arith.addi %get3A_1964, %get3A_1967 : vector<16xi32>
      %swap3A_1969 = arith.constant 17 : i32
      %swap3A_1970 = arith.index_cast %swap3A_1969 : i32 to index
      %swap3A_1971 = arith.constant 80 : index
      %swap3A_1972 = tpu.vector_load %arg6[%swap3A_1970, %swap3A_1971] {strides = array<i32>} : memref<32x100xi32, #tpu.memory_space<vmem>>, vector<1x16xi32>,
      %swap3A_1973 = vector.shape_cast %swap3A_1972 : vector<1x16xi32> to vector<16xi32>
      %swap3A_1974 = vector.shape_cast %add3A_1968 : vector<16xi32> to vector<1x16xi32>
      tpu.vector_store %arg6[%swap3A_1970, %swap3A_1971], %swap3A_1974 {strides = array<i32>} : memref<32x100xi32, #tpu.memory_space<vmem>>, vector<1x16xi32>,
      %get3A_1975 = arith.constant 17 : i32
      %get3A_1976 = arith.index_cast %get3A_1975 : i32 to index
      %get3A_1977 = arith.constant 84 : index
      %get3A_1978 = tpu.vector_load %arg5[%get3A_1976, %get3A_1977] {strides = array<i32>} : memref<32x128xi32, #tpu.memory_space<vmem>>, vector<1x16xi32>,
      %get3A_1979 = vector.shape_cast %get3A_1978 : vector<1x16xi32> to vector<16xi32>
      %get3A_1980 = arith.constant 84 : index
      %get3A_1981 = tpu.vector_load %arg8[%get3A_1980] {strides = array<i32>} : memref<100xi32, #tpu.memory_space<vmem>>, vector<16xi32>,
      %get3A_1982 = vector.shape_cast %get3A_1981 : vector<16xi32> to vector<16xi32>
      %add3A_1983 = arith.addi %get3A_1979, %get3A_1982 : vector<16xi32>
      %swap3A_1984 = arith.constant 17 : i32
      %swap3A_1985 = arith.index_cast %swap3A_1984 : i32 to index
      %swap3A_1986 = arith.constant 84 : index
      %swap3A_1987 = tpu.vector_load %arg6[%swap3A_1985, %swap3A_1986] {strides = array<i32>} : memref<32x100xi32, #tpu.memory_space<vmem>>, vector<1x16xi32>,
      %swap3A_1988 = vector.shape_cast %swap3A_1987 : vector<1x16xi32> to vector<16xi32>
      %swap3A_1989 = vector.shape_cast %add3A_1983 : vector<16xi32> to vector<1x16xi32>
      tpu.vector_store %arg6[%swap3A_1985, %swap3A_1986], %swap3A_1989 {strides = array<i32>} : memref<32x100xi32, #tpu.memory_space<vmem>>, vector<1x16xi32>,
      %get3A_1990 = arith.constant 18 : i32
      %get3A_1991 = arith.index_cast %get3A_1990 : i32 to index
      %get3A_1992 = arith.constant 0 : index
      %get3A_1993 = tpu.vector_load %arg5[%get3A_1991, %get3A_1992] {strides = array<i32>} : memref<32x128xi32, #tpu.memory_space<vmem>>, vector<1x16xi32>,
      %get3A_1994 = vector.shape_cast %get3A_1993 : vector<1x16xi32> to vector<16xi32>
      %get3A_1995 = arith.constant 0 : index
      %get3A_1996 = tpu.vector_load %arg8[%get3A_1995] {strides = array<i32>} : memref<100xi32, #tpu.memory_space<vmem>>, vector<16xi32>,
      %get3A_1997 = vector.shape_cast %get3A_1996 : vector<16xi32> to vector<16xi32>
      %add3A_1998 = arith.addi %get3A_1994, %get3A_1997 : vector<16xi32>
      %swap3A_1999 = arith.constant 18 : i32
      %swap3A_2000 = arith.index_cast %swap3A_1999 : i32 to index
      %swap3A_2001 = arith.constant 0 : index
      %swap3A_2002 = tpu.vector_load %arg6[%swap3A_2000, %swap3A_2001] {strides = array<i32>} : memref<32x100xi32, #tpu.memory_space<vmem>>, vector<1x16xi32>,
      %swap3A_2003 = vector.shape_cast %swap3A_2002 : vector<1x16xi32> to vector<16xi32>
      %swap3A_2004 = vector.shape_cast %add3A_1998 : vector<16xi32> to vector<1x16xi32>
      tpu.vector_store %arg6[%swap3A_2000, %swap3A_2001], %swap3A_2004 {strides = array<i32>} : memref<32x100xi32, #tpu.memory_space<vmem>>, vector<1x16xi32>,
      %get3A_2005 = arith.constant 18 : i32
      %get3A_2006 = arith.index_cast %get3A_2005 : i32 to index
      %get3A_2007 = arith.constant 16 : index
      %get3A_2008 = tpu.vector_load %arg5[%get3A_2006, %get3A_2007] {strides = array<i32>} : memref<32x128xi32, #tpu.memory_space<vmem>>, vector<1x16xi32>,
      %get3A_2009 = vector.shape_cast %get3A_2008 : vector<1x16xi32> to vector<16xi32>
      %get3A_2010 = arith.constant 16 : index
      %get3A_2011 = tpu.vector_load %arg8[%get3A_2010] {strides = array<i32>} : memref<100xi32, #tpu.memory_space<vmem>>, vector<16xi32>,
      %get3A_2012 = vector.shape_cast %get3A_2011 : vector<16xi32> to vector<16xi32>
      %add3A_2013 = arith.addi %get3A_2009, %get3A_2012 : vector<16xi32>
      %swap3A_2014 = arith.constant 18 : i32
      %swap3A_2015 = arith.index_cast %swap3A_2014 : i32 to index
      %swap3A_2016 = arith.constant 16 : index
      %swap3A_2017 = tpu.vector_load %arg6[%swap3A_2015, %swap3A_2016] {strides = array<i32>} : memref<32x100xi32, #tpu.memory_space<vmem>>, vector<1x16xi32>,
      %swap3A_2018 = vector.shape_cast %swap3A_2017 : vector<1x16xi32> to vector<16xi32>
      %swap3A_2019 = vector.shape_cast %add3A_2013 : vector<16xi32> to vector<1x16xi32>
      tpu.vector_store %arg6[%swap3A_2015, %swap3A_2016], %swap3A_2019 {strides = array<i32>} : memref<32x100xi32, #tpu.memory_space<vmem>>, vector<1x16xi32>,
      %get3A_2020 = arith.constant 18 : i32
      %get3A_2021 = arith.index_cast %get3A_2020 : i32 to index
      %get3A_2022 = arith.constant 32 : index
      %get3A_2023 = tpu.vector_load %arg5[%get3A_2021, %get3A_2022] {strides = array<i32>} : memref<32x128xi32, #tpu.memory_space<vmem>>, vector<1x16xi32>,
      %get3A_2024 = vector.shape_cast %get3A_2023 : vector<1x16xi32> to vector<16xi32>
      %get3A_2025 = arith.constant 32 : index
      %get3A_2026 = tpu.vector_load %arg8[%get3A_2025] {strides = array<i32>} : memref<100xi32, #tpu.memory_space<vmem>>, vector<16xi32>,
      %get3A_2027 = vector.shape_cast %get3A_2026 : vector<16xi32> to vector<16xi32>
      %add3A_2028 = arith.addi %get3A_2024, %get3A_2027 : vector<16xi32>
      %swap3A_2029 = arith.constant 18 : i32
      %swap3A_2030 = arith.index_cast %swap3A_2029 : i32 to index
      %swap3A_2031 = arith.constant 32 : index
      %swap3A_2032 = tpu.vector_load %arg6[%swap3A_2030, %swap3A_2031] {strides = array<i32>} : memref<32x100xi32, #tpu.memory_space<vmem>>, vector<1x16xi32>,
      %swap3A_2033 = vector.shape_cast %swap3A_2032 : vector<1x16xi32> to vector<16xi32>
      %swap3A_2034 = vector.shape_cast %add3A_2028 : vector<16xi32> to vector<1x16xi32>
      tpu.vector_store %arg6[%swap3A_2030, %swap3A_2031], %swap3A_2034 {strides = array<i32>} : memref<32x100xi32, #tpu.memory_space<vmem>>, vector<1x16xi32>,
      %get3A_2035 = arith.constant 18 : i32
      %get3A_2036 = arith.index_cast %get3A_2035 : i32 to index
      %get3A_2037 = arith.constant 48 : index
      %get3A_2038 = tpu.vector_load %arg5[%get3A_2036, %get3A_2037] {strides = array<i32>} : memref<32x128xi32, #tpu.memory_space<vmem>>, vector<1x16xi32>,
      %get3A_2039 = vector.shape_cast %get3A_2038 : vector<1x16xi32> to vector<16xi32>
      %get3A_2040 = arith.constant 48 : index
      %get3A_2041 = tpu.vector_load %arg8[%get3A_2040] {strides = array<i32>} : memref<100xi32, #tpu.memory_space<vmem>>, vector<16xi32>,
      %get3A_2042 = vector.shape_cast %get3A_2041 : vector<16xi32> to vector<16xi32>
      %add3A_2043 = arith.addi %get3A_2039, %get3A_2042 : vector<16xi32>
      %swap3A_2044 = arith.constant 18 : i32
      %swap3A_2045 = arith.index_cast %swap3A_2044 : i32 to index
      %swap3A_2046 = arith.constant 48 : index
      %swap3A_2047 = tpu.vector_load %arg6[%swap3A_2045, %swap3A_2046] {strides = array<i32>} : memref<32x100xi32, #tpu.memory_space<vmem>>, vector<1x16xi32>,
      %swap3A_2048 = vector.shape_cast %swap3A_2047 : vector<1x16xi32> to vector<16xi32>
      %swap3A_2049 = vector.shape_cast %add3A_2043 : vector<16xi32> to vector<1x16xi32>
      tpu.vector_store %arg6[%swap3A_2045, %swap3A_2046], %swap3A_2049 {strides = array<i32>} : memref<32x100xi32, #tpu.memory_space<vmem>>, vector<1x16xi32>,
      %get3A_2050 = arith.constant 18 : i32
      %get3A_2051 = arith.index_cast %get3A_2050 : i32 to index
      %get3A_2052 = arith.constant 64 : index
      %get3A_2053 = tpu.vector_load %arg5[%get3A_2051, %get3A_2052] {strides = array<i32>} : memref<32x128xi32, #tpu.memory_space<vmem>>, vector<1x16xi32>,
      %get3A_2054 = vector.shape_cast %get3A_2053 : vector<1x16xi32> to vector<16xi32>
      %get3A_2055 = arith.constant 64 : index
      %get3A_2056 = tpu.vector_load %arg8[%get3A_2055] {strides = array<i32>} : memref<100xi32, #tpu.memory_space<vmem>>, vector<16xi32>,
      %get3A_2057 = vector.shape_cast %get3A_2056 : vector<16xi32> to vector<16xi32>
      %add3A_2058 = arith.addi %get3A_2054, %get3A_2057 : vector<16xi32>
      %swap3A_2059 = arith.constant 18 : i32
      %swap3A_2060 = arith.index_cast %swap3A_2059 : i32 to index
      %swap3A_2061 = arith.constant 64 : index
      %swap3A_2062 = tpu.vector_load %arg6[%swap3A_2060, %swap3A_2061] {strides = array<i32>} : memref<32x100xi32, #tpu.memory_space<vmem>>, vector<1x16xi32>,
      %swap3A_2063 = vector.shape_cast %swap3A_2062 : vector<1x16xi32> to vector<16xi32>
      %swap3A_2064 = vector.shape_cast %add3A_2058 : vector<16xi32> to vector<1x16xi32>
      tpu.vector_store %arg6[%swap3A_2060, %swap3A_2061], %swap3A_2064 {strides = array<i32>} : memref<32x100xi32, #tpu.memory_space<vmem>>, vector<1x16xi32>,
      %get3A_2065 = arith.constant 18 : i32
      %get3A_2066 = arith.index_cast %get3A_2065 : i32 to index
      %get3A_2067 = arith.constant 80 : index
      %get3A_2068 = tpu.vector_load %arg5[%get3A_2066, %get3A_2067] {strides = array<i32>} : memref<32x128xi32, #tpu.memory_space<vmem>>, vector<1x16xi32>,
      %get3A_2069 = vector.shape_cast %get3A_2068 : vector<1x16xi32> to vector<16xi32>
      %get3A_2070 = arith.constant 80 : index
      %get3A_2071 = tpu.vector_load %arg8[%get3A_2070] {strides = array<i32>} : memref<100xi32, #tpu.memory_space<vmem>>, vector<16xi32>,
      %get3A_2072 = vector.shape_cast %get3A_2071 : vector<16xi32> to vector<16xi32>
      %add3A_2073 = arith.addi %get3A_2069, %get3A_2072 : vector<16xi32>
      %swap3A_2074 = arith.constant 18 : i32
      %swap3A_2075 = arith.index_cast %swap3A_2074 : i32 to index
      %swap3A_2076 = arith.constant 80 : index
      %swap3A_2077 = tpu.vector_load %arg6[%swap3A_2075, %swap3A_2076] {strides = array<i32>} : memref<32x100xi32, #tpu.memory_space<vmem>>, vector<1x16xi32>,
      %swap3A_2078 = vector.shape_cast %swap3A_2077 : vector<1x16xi32> to vector<16xi32>
      %swap3A_2079 = vector.shape_cast %add3A_2073 : vector<16xi32> to vector<1x16xi32>
      tpu.vector_store %arg6[%swap3A_2075, %swap3A_2076], %swap3A_2079 {strides = array<i32>} : memref<32x100xi32, #tpu.memory_space<vmem>>, vector<1x16xi32>,
      %get3A_2080 = arith.constant 18 : i32
      %get3A_2081 = arith.index_cast %get3A_2080 : i32 to index
      %get3A_2082 = arith.constant 84 : index
      %get3A_2083 = tpu.vector_load %arg5[%get3A_2081, %get3A_2082] {strides = array<i32>} : memref<32x128xi32, #tpu.memory_space<vmem>>, vector<1x16xi32>,
      %get3A_2084 = vector.shape_cast %get3A_2083 : vector<1x16xi32> to vector<16xi32>
      %get3A_2085 = arith.constant 84 : index
      %get3A_2086 = tpu.vector_load %arg8[%get3A_2085] {strides = array<i32>} : memref<100xi32, #tpu.memory_space<vmem>>, vector<16xi32>,
      %get3A_2087 = vector.shape_cast %get3A_2086 : vector<16xi32> to vector<16xi32>
      %add3A_2088 = arith.addi %get3A_2084, %get3A_2087 : vector<16xi32>
      %swap3A_2089 = arith.constant 18 : i32
      %swap3A_2090 = arith.index_cast %swap3A_2089 : i32 to index
      %swap3A_2091 = arith.constant 84 : index
      %swap3A_2092 = tpu.vector_load %arg6[%swap3A_2090, %swap3A_2091] {strides = array<i32>} : memref<32x100xi32, #tpu.memory_space<vmem>>, vector<1x16xi32>,
      %swap3A_2093 = vector.shape_cast %swap3A_2092 : vector<1x16xi32> to vector<16xi32>
      %swap3A_2094 = vector.shape_cast %add3A_2088 : vector<16xi32> to vector<1x16xi32>
      tpu.vector_store %arg6[%swap3A_2090, %swap3A_2091], %swap3A_2094 {strides = array<i32>} : memref<32x100xi32, #tpu.memory_space<vmem>>, vector<1x16xi32>,
      %get3A_2095 = arith.constant 19 : i32
      %get3A_2096 = arith.index_cast %get3A_2095 : i32 to index
      %get3A_2097 = arith.constant 0 : index
      %get3A_2098 = tpu.vector_load %arg5[%get3A_2096, %get3A_2097] {strides = array<i32>} : memref<32x128xi32, #tpu.memory_space<vmem>>, vector<1x16xi32>,
      %get3A_2099 = vector.shape_cast %get3A_2098 : vector<1x16xi32> to vector<16xi32>
      %get3A_2100 = arith.constant 0 : index
      %get3A_2101 = tpu.vector_load %arg8[%get3A_2100] {strides = array<i32>} : memref<100xi32, #tpu.memory_space<vmem>>, vector<16xi32>,
      %get3A_2102 = vector.shape_cast %get3A_2101 : vector<16xi32> to vector<16xi32>
      %add3A_2103 = arith.addi %get3A_2099, %get3A_2102 : vector<16xi32>
      %swap3A_2104 = arith.constant 19 : i32
      %swap3A_2105 = arith.index_cast %swap3A_2104 : i32 to index
      %swap3A_2106 = arith.constant 0 : index
      %swap3A_2107 = tpu.vector_load %arg6[%swap3A_2105, %swap3A_2106] {strides = array<i32>} : memref<32x100xi32, #tpu.memory_space<vmem>>, vector<1x16xi32>,
      %swap3A_2108 = vector.shape_cast %swap3A_2107 : vector<1x16xi32> to vector<16xi32>
      %swap3A_2109 = vector.shape_cast %add3A_2103 : vector<16xi32> to vector<1x16xi32>
      tpu.vector_store %arg6[%swap3A_2105, %swap3A_2106], %swap3A_2109 {strides = array<i32>} : memref<32x100xi32, #tpu.memory_space<vmem>>, vector<1x16xi32>,
      %get3A_2110 = arith.constant 19 : i32
      %get3A_2111 = arith.index_cast %get3A_2110 : i32 to index
      %get3A_2112 = arith.constant 16 : index
      %get3A_2113 = tpu.vector_load %arg5[%get3A_2111, %get3A_2112] {strides = array<i32>} : memref<32x128xi32, #tpu.memory_space<vmem>>, vector<1x16xi32>,
      %get3A_2114 = vector.shape_cast %get3A_2113 : vector<1x16xi32> to vector<16xi32>
      %get3A_2115 = arith.constant 16 : index
      %get3A_2116 = tpu.vector_load %arg8[%get3A_2115] {strides = array<i32>} : memref<100xi32, #tpu.memory_space<vmem>>, vector<16xi32>,
      %get3A_2117 = vector.shape_cast %get3A_2116 : vector<16xi32> to vector<16xi32>
      %add3A_2118 = arith.addi %get3A_2114, %get3A_2117 : vector<16xi32>
      %swap3A_2119 = arith.constant 19 : i32
      %swap3A_2120 = arith.index_cast %swap3A_2119 : i32 to index
      %swap3A_2121 = arith.constant 16 : index
      %swap3A_2122 = tpu.vector_load %arg6[%swap3A_2120, %swap3A_2121] {strides = array<i32>} : memref<32x100xi32, #tpu.memory_space<vmem>>, vector<1x16xi32>,
      %swap3A_2123 = vector.shape_cast %swap3A_2122 : vector<1x16xi32> to vector<16xi32>
      %swap3A_2124 = vector.shape_cast %add3A_2118 : vector<16xi32> to vector<1x16xi32>
      tpu.vector_store %arg6[%swap3A_2120, %swap3A_2121], %swap3A_2124 {strides = array<i32>} : memref<32x100xi32, #tpu.memory_space<vmem>>, vector<1x16xi32>,
      %get3A_2125 = arith.constant 19 : i32
      %get3A_2126 = arith.index_cast %get3A_2125 : i32 to index
      %get3A_2127 = arith.constant 32 : index
      %get3A_2128 = tpu.vector_load %arg5[%get3A_2126, %get3A_2127] {strides = array<i32>} : memref<32x128xi32, #tpu.memory_space<vmem>>, vector<1x16xi32>,
      %get3A_2129 = vector.shape_cast %get3A_2128 : vector<1x16xi32> to vector<16xi32>
      %get3A_2130 = arith.constant 32 : index
      %get3A_2131 = tpu.vector_load %arg8[%get3A_2130] {strides = array<i32>} : memref<100xi32, #tpu.memory_space<vmem>>, vector<16xi32>,
      %get3A_2132 = vector.shape_cast %get3A_2131 : vector<16xi32> to vector<16xi32>
      %add3A_2133 = arith.addi %get3A_2129, %get3A_2132 : vector<16xi32>
      %swap3A_2134 = arith.constant 19 : i32
      %swap3A_2135 = arith.index_cast %swap3A_2134 : i32 to index
      %swap3A_2136 = arith.constant 32 : index
      %swap3A_2137 = tpu.vector_load %arg6[%swap3A_2135, %swap3A_2136] {strides = array<i32>} : memref<32x100xi32, #tpu.memory_space<vmem>>, vector<1x16xi32>,
      %swap3A_2138 = vector.shape_cast %swap3A_2137 : vector<1x16xi32> to vector<16xi32>
      %swap3A_2139 = vector.shape_cast %add3A_2133 : vector<16xi32> to vector<1x16xi32>
      tpu.vector_store %arg6[%swap3A_2135, %swap3A_2136], %swap3A_2139 {strides = array<i32>} : memref<32x100xi32, #tpu.memory_space<vmem>>, vector<1x16xi32>,
      %get3A_2140 = arith.constant 19 : i32
      %get3A_2141 = arith.index_cast %get3A_2140 : i32 to index
      %get3A_2142 = arith.constant 48 : index
      %get3A_2143 = tpu.vector_load %arg5[%get3A_2141, %get3A_2142] {strides = array<i32>} : memref<32x128xi32, #tpu.memory_space<vmem>>, vector<1x16xi32>,
      %get3A_2144 = vector.shape_cast %get3A_2143 : vector<1x16xi32> to vector<16xi32>
      %get3A_2145 = arith.constant 48 : index
      %get3A_2146 = tpu.vector_load %arg8[%get3A_2145] {strides = array<i32>} : memref<100xi32, #tpu.memory_space<vmem>>, vector<16xi32>,
      %get3A_2147 = vector.shape_cast %get3A_2146 : vector<16xi32> to vector<16xi32>
      %add3A_2148 = arith.addi %get3A_2144, %get3A_2147 : vector<16xi32>
      %swap3A_2149 = arith.constant 19 : i32
      %swap3A_2150 = arith.index_cast %swap3A_2149 : i32 to index
      %swap3A_2151 = arith.constant 48 : index
      %swap3A_2152 = tpu.vector_load %arg6[%swap3A_2150, %swap3A_2151] {strides = array<i32>} : memref<32x100xi32, #tpu.memory_space<vmem>>, vector<1x16xi32>,
      %swap3A_2153 = vector.shape_cast %swap3A_2152 : vector<1x16xi32> to vector<16xi32>
      %swap3A_2154 = vector.shape_cast %add3A_2148 : vector<16xi32> to vector<1x16xi32>
      tpu.vector_store %arg6[%swap3A_2150, %swap3A_2151], %swap3A_2154 {strides = array<i32>} : memref<32x100xi32, #tpu.memory_space<vmem>>, vector<1x16xi32>,
      %get3A_2155 = arith.constant 19 : i32
      %get3A_2156 = arith.index_cast %get3A_2155 : i32 to index
      %get3A_2157 = arith.constant 64 : index
      %get3A_2158 = tpu.vector_load %arg5[%get3A_2156, %get3A_2157] {strides = array<i32>} : memref<32x128xi32, #tpu.memory_space<vmem>>, vector<1x16xi32>,
      %get3A_2159 = vector.shape_cast %get3A_2158 : vector<1x16xi32> to vector<16xi32>
      %get3A_2160 = arith.constant 64 : index
      %get3A_2161 = tpu.vector_load %arg8[%get3A_2160] {strides = array<i32>} : memref<100xi32, #tpu.memory_space<vmem>>, vector<16xi32>,
      %get3A_2162 = vector.shape_cast %get3A_2161 : vector<16xi32> to vector<16xi32>
      %add3A_2163 = arith.addi %get3A_2159, %get3A_2162 : vector<16xi32>
      %swap3A_2164 = arith.constant 19 : i32
      %swap3A_2165 = arith.index_cast %swap3A_2164 : i32 to index
      %swap3A_2166 = arith.constant 64 : index
      %swap3A_2167 = tpu.vector_load %arg6[%swap3A_2165, %swap3A_2166] {strides = array<i32>} : memref<32x100xi32, #tpu.memory_space<vmem>>, vector<1x16xi32>,
      %swap3A_2168 = vector.shape_cast %swap3A_2167 : vector<1x16xi32> to vector<16xi32>
      %swap3A_2169 = vector.shape_cast %add3A_2163 : vector<16xi32> to vector<1x16xi32>
      tpu.vector_store %arg6[%swap3A_2165, %swap3A_2166], %swap3A_2169 {strides = array<i32>} : memref<32x100xi32, #tpu.memory_space<vmem>>, vector<1x16xi32>,
      %get3A_2170 = arith.constant 19 : i32
      %get3A_2171 = arith.index_cast %get3A_2170 : i32 to index
      %get3A_2172 = arith.constant 80 : index
      %get3A_2173 = tpu.vector_load %arg5[%get3A_2171, %get3A_2172] {strides = array<i32>} : memref<32x128xi32, #tpu.memory_space<vmem>>, vector<1x16xi32>,
      %get3A_2174 = vector.shape_cast %get3A_2173 : vector<1x16xi32> to vector<16xi32>
      %get3A_2175 = arith.constant 80 : index
      %get3A_2176 = tpu.vector_load %arg8[%get3A_2175] {strides = array<i32>} : memref<100xi32, #tpu.memory_space<vmem>>, vector<16xi32>,
      %get3A_2177 = vector.shape_cast %get3A_2176 : vector<16xi32> to vector<16xi32>
      %add3A_2178 = arith.addi %get3A_2174, %get3A_2177 : vector<16xi32>
      %swap3A_2179 = arith.constant 19 : i32
      %swap3A_2180 = arith.index_cast %swap3A_2179 : i32 to index
      %swap3A_2181 = arith.constant 80 : index
      %swap3A_2182 = tpu.vector_load %arg6[%swap3A_2180, %swap3A_2181] {strides = array<i32>} : memref<32x100xi32, #tpu.memory_space<vmem>>, vector<1x16xi32>,
      %swap3A_2183 = vector.shape_cast %swap3A_2182 : vector<1x16xi32> to vector<16xi32>
      %swap3A_2184 = vector.shape_cast %add3A_2178 : vector<16xi32> to vector<1x16xi32>
      tpu.vector_store %arg6[%swap3A_2180, %swap3A_2181], %swap3A_2184 {strides = array<i32>} : memref<32x100xi32, #tpu.memory_space<vmem>>, vector<1x16xi32>,
      %get3A_2185 = arith.constant 19 : i32
      %get3A_2186 = arith.index_cast %get3A_2185 : i32 to index
      %get3A_2187 = arith.constant 84 : index
      %get3A_2188 = tpu.vector_load %arg5[%get3A_2186, %get3A_2187] {strides = array<i32>} : memref<32x128xi32, #tpu.memory_space<vmem>>, vector<1x16xi32>,
      %get3A_2189 = vector.shape_cast %get3A_2188 : vector<1x16xi32> to vector<16xi32>
      %get3A_2190 = arith.constant 84 : index
      %get3A_2191 = tpu.vector_load %arg8[%get3A_2190] {strides = array<i32>} : memref<100xi32, #tpu.memory_space<vmem>>, vector<16xi32>,
      %get3A_2192 = vector.shape_cast %get3A_2191 : vector<16xi32> to vector<16xi32>
      %add3A_2193 = arith.addi %get3A_2189, %get3A_2192 : vector<16xi32>
      %swap3A_2194 = arith.constant 19 : i32
      %swap3A_2195 = arith.index_cast %swap3A_2194 : i32 to index
      %swap3A_2196 = arith.constant 84 : index
      %swap3A_2197 = tpu.vector_load %arg6[%swap3A_2195, %swap3A_2196] {strides = array<i32>} : memref<32x100xi32, #tpu.memory_space<vmem>>, vector<1x16xi32>,
      %swap3A_2198 = vector.shape_cast %swap3A_2197 : vector<1x16xi32> to vector<16xi32>
      %swap3A_2199 = vector.shape_cast %add3A_2193 : vector<16xi32> to vector<1x16xi32>
      tpu.vector_store %arg6[%swap3A_2195, %swap3A_2196], %swap3A_2199 {strides = array<i32>} : memref<32x100xi32, #tpu.memory_space<vmem>>, vector<1x16xi32>,
      %get3A_2200 = arith.constant 20 : i32
      %get3A_2201 = arith.index_cast %get3A_2200 : i32 to index
      %get3A_2202 = arith.constant 0 : index
      %get3A_2203 = tpu.vector_load %arg5[%get3A_2201, %get3A_2202] {strides = array<i32>} : memref<32x128xi32, #tpu.memory_space<vmem>>, vector<1x16xi32>,
      %get3A_2204 = vector.shape_cast %get3A_2203 : vector<1x16xi32> to vector<16xi32>
      %get3A_2205 = arith.constant 0 : index
      %get3A_2206 = tpu.vector_load %arg8[%get3A_2205] {strides = array<i32>} : memref<100xi32, #tpu.memory_space<vmem>>, vector<16xi32>,
      %get3A_2207 = vector.shape_cast %get3A_2206 : vector<16xi32> to vector<16xi32>
      %add3A_2208 = arith.addi %get3A_2204, %get3A_2207 : vector<16xi32>
      %swap3A_2209 = arith.constant 20 : i32
      %swap3A_2210 = arith.index_cast %swap3A_2209 : i32 to index
      %swap3A_2211 = arith.constant 0 : index
      %swap3A_2212 = tpu.vector_load %arg6[%swap3A_2210, %swap3A_2211] {strides = array<i32>} : memref<32x100xi32, #tpu.memory_space<vmem>>, vector<1x16xi32>,
      %swap3A_2213 = vector.shape_cast %swap3A_2212 : vector<1x16xi32> to vector<16xi32>
      %swap3A_2214 = vector.shape_cast %add3A_2208 : vector<16xi32> to vector<1x16xi32>
      tpu.vector_store %arg6[%swap3A_2210, %swap3A_2211], %swap3A_2214 {strides = array<i32>} : memref<32x100xi32, #tpu.memory_space<vmem>>, vector<1x16xi32>,
      %get3A_2215 = arith.constant 20 : i32
      %get3A_2216 = arith.index_cast %get3A_2215 : i32 to index
      %get3A_2217 = arith.constant 16 : index
      %get3A_2218 = tpu.vector_load %arg5[%get3A_2216, %get3A_2217] {strides = array<i32>} : memref<32x128xi32, #tpu.memory_space<vmem>>, vector<1x16xi32>,
      %get3A_2219 = vector.shape_cast %get3A_2218 : vector<1x16xi32> to vector<16xi32>
      %get3A_2220 = arith.constant 16 : index
      %get3A_2221 = tpu.vector_load %arg8[%get3A_2220] {strides = array<i32>} : memref<100xi32, #tpu.memory_space<vmem>>, vector<16xi32>,
      %get3A_2222 = vector.shape_cast %get3A_2221 : vector<16xi32> to vector<16xi32>
      %add3A_2223 = arith.addi %get3A_2219, %get3A_2222 : vector<16xi32>
      %swap3A_2224 = arith.constant 20 : i32
      %swap3A_2225 = arith.index_cast %swap3A_2224 : i32 to index
      %swap3A_2226 = arith.constant 16 : index
      %swap3A_2227 = tpu.vector_load %arg6[%swap3A_2225, %swap3A_2226] {strides = array<i32>} : memref<32x100xi32, #tpu.memory_space<vmem>>, vector<1x16xi32>,
      %swap3A_2228 = vector.shape_cast %swap3A_2227 : vector<1x16xi32> to vector<16xi32>
      %swap3A_2229 = vector.shape_cast %add3A_2223 : vector<16xi32> to vector<1x16xi32>
      tpu.vector_store %arg6[%swap3A_2225, %swap3A_2226], %swap3A_2229 {strides = array<i32>} : memref<32x100xi32, #tpu.memory_space<vmem>>, vector<1x16xi32>,
      %get3A_2230 = arith.constant 20 : i32
      %get3A_2231 = arith.index_cast %get3A_2230 : i32 to index
      %get3A_2232 = arith.constant 32 : index
      %get3A_2233 = tpu.vector_load %arg5[%get3A_2231, %get3A_2232] {strides = array<i32>} : memref<32x128xi32, #tpu.memory_space<vmem>>, vector<1x16xi32>,
      %get3A_2234 = vector.shape_cast %get3A_2233 : vector<1x16xi32> to vector<16xi32>
      %get3A_2235 = arith.constant 32 : index
      %get3A_2236 = tpu.vector_load %arg8[%get3A_2235] {strides = array<i32>} : memref<100xi32, #tpu.memory_space<vmem>>, vector<16xi32>,
      %get3A_2237 = vector.shape_cast %get3A_2236 : vector<16xi32> to vector<16xi32>
      %add3A_2238 = arith.addi %get3A_2234, %get3A_2237 : vector<16xi32>
      %swap3A_2239 = arith.constant 20 : i32
      %swap3A_2240 = arith.index_cast %swap3A_2239 : i32 to index
      %swap3A_2241 = arith.constant 32 : index
      %swap3A_2242 = tpu.vector_load %arg6[%swap3A_2240, %swap3A_2241] {strides = array<i32>} : memref<32x100xi32, #tpu.memory_space<vmem>>, vector<1x16xi32>,
      %swap3A_2243 = vector.shape_cast %swap3A_2242 : vector<1x16xi32> to vector<16xi32>
      %swap3A_2244 = vector.shape_cast %add3A_2238 : vector<16xi32> to vector<1x16xi32>
      tpu.vector_store %arg6[%swap3A_2240, %swap3A_2241], %swap3A_2244 {strides = array<i32>} : memref<32x100xi32, #tpu.memory_space<vmem>>, vector<1x16xi32>,
      %get3A_2245 = arith.constant 20 : i32
      %get3A_2246 = arith.index_cast %get3A_2245 : i32 to index
      %get3A_2247 = arith.constant 48 : index
      %get3A_2248 = tpu.vector_load %arg5[%get3A_2246, %get3A_2247] {strides = array<i32>} : memref<32x128xi32, #tpu.memory_space<vmem>>, vector<1x16xi32>,
      %get3A_2249 = vector.shape_cast %get3A_2248 : vector<1x16xi32> to vector<16xi32>
      %get3A_2250 = arith.constant 48 : index
      %get3A_2251 = tpu.vector_load %arg8[%get3A_2250] {strides = array<i32>} : memref<100xi32, #tpu.memory_space<vmem>>, vector<16xi32>,
      %get3A_2252 = vector.shape_cast %get3A_2251 : vector<16xi32> to vector<16xi32>
      %add3A_2253 = arith.addi %get3A_2249, %get3A_2252 : vector<16xi32>
      %swap3A_2254 = arith.constant 20 : i32
      %swap3A_2255 = arith.index_cast %swap3A_2254 : i32 to index
      %swap3A_2256 = arith.constant 48 : index
      %swap3A_2257 = tpu.vector_load %arg6[%swap3A_2255, %swap3A_2256] {strides = array<i32>} : memref<32x100xi32, #tpu.memory_space<vmem>>, vector<1x16xi32>,
      %swap3A_2258 = vector.shape_cast %swap3A_2257 : vector<1x16xi32> to vector<16xi32>
      %swap3A_2259 = vector.shape_cast %add3A_2253 : vector<16xi32> to vector<1x16xi32>
      tpu.vector_store %arg6[%swap3A_2255, %swap3A_2256], %swap3A_2259 {strides = array<i32>} : memref<32x100xi32, #tpu.memory_space<vmem>>, vector<1x16xi32>,
      %get3A_2260 = arith.constant 20 : i32
      %get3A_2261 = arith.index_cast %get3A_2260 : i32 to index
      %get3A_2262 = arith.constant 64 : index
      %get3A_2263 = tpu.vector_load %arg5[%get3A_2261, %get3A_2262] {strides = array<i32>} : memref<32x128xi32, #tpu.memory_space<vmem>>, vector<1x16xi32>,
      %get3A_2264 = vector.shape_cast %get3A_2263 : vector<1x16xi32> to vector<16xi32>
      %get3A_2265 = arith.constant 64 : index
      %get3A_2266 = tpu.vector_load %arg8[%get3A_2265] {strides = array<i32>} : memref<100xi32, #tpu.memory_space<vmem>>, vector<16xi32>,
      %get3A_2267 = vector.shape_cast %get3A_2266 : vector<16xi32> to vector<16xi32>
      %add3A_2268 = arith.addi %get3A_2264, %get3A_2267 : vector<16xi32>
      %swap3A_2269 = arith.constant 20 : i32
      %swap3A_2270 = arith.index_cast %swap3A_2269 : i32 to index
      %swap3A_2271 = arith.constant 64 : index
      %swap3A_2272 = tpu.vector_load %arg6[%swap3A_2270, %swap3A_2271] {strides = array<i32>} : memref<32x100xi32, #tpu.memory_space<vmem>>, vector<1x16xi32>,
      %swap3A_2273 = vector.shape_cast %swap3A_2272 : vector<1x16xi32> to vector<16xi32>
      %swap3A_2274 = vector.shape_cast %add3A_2268 : vector<16xi32> to vector<1x16xi32>
      tpu.vector_store %arg6[%swap3A_2270, %swap3A_2271], %swap3A_2274 {strides = array<i32>} : memref<32x100xi32, #tpu.memory_space<vmem>>, vector<1x16xi32>,
      %get3A_2275 = arith.constant 20 : i32
      %get3A_2276 = arith.index_cast %get3A_2275 : i32 to index
      %get3A_2277 = arith.constant 80 : index
      %get3A_2278 = tpu.vector_load %arg5[%get3A_2276, %get3A_2277] {strides = array<i32>} : memref<32x128xi32, #tpu.memory_space<vmem>>, vector<1x16xi32>,
      %get3A_2279 = vector.shape_cast %get3A_2278 : vector<1x16xi32> to vector<16xi32>
      %get3A_2280 = arith.constant 80 : index
      %get3A_2281 = tpu.vector_load %arg8[%get3A_2280] {strides = array<i32>} : memref<100xi32, #tpu.memory_space<vmem>>, vector<16xi32>,
      %get3A_2282 = vector.shape_cast %get3A_2281 : vector<16xi32> to vector<16xi32>
      %add3A_2283 = arith.addi %get3A_2279, %get3A_2282 : vector<16xi32>
      %swap3A_2284 = arith.constant 20 : i32
      %swap3A_2285 = arith.index_cast %swap3A_2284 : i32 to index
      %swap3A_2286 = arith.constant 80 : index
      %swap3A_2287 = tpu.vector_load %arg6[%swap3A_2285, %swap3A_2286] {strides = array<i32>} : memref<32x100xi32, #tpu.memory_space<vmem>>, vector<1x16xi32>,
      %swap3A_2288 = vector.shape_cast %swap3A_2287 : vector<1x16xi32> to vector<16xi32>
      %swap3A_2289 = vector.shape_cast %add3A_2283 : vector<16xi32> to vector<1x16xi32>
      tpu.vector_store %arg6[%swap3A_2285, %swap3A_2286], %swap3A_2289 {strides = array<i32>} : memref<32x100xi32, #tpu.memory_space<vmem>>, vector<1x16xi32>,
      %get3A_2290 = arith.constant 20 : i32
      %get3A_2291 = arith.index_cast %get3A_2290 : i32 to index
      %get3A_2292 = arith.constant 84 : index
      %get3A_2293 = tpu.vector_load %arg5[%get3A_2291, %get3A_2292] {strides = array<i32>} : memref<32x128xi32, #tpu.memory_space<vmem>>, vector<1x16xi32>,
      %get3A_2294 = vector.shape_cast %get3A_2293 : vector<1x16xi32> to vector<16xi32>
      %get3A_2295 = arith.constant 84 : index
      %get3A_2296 = tpu.vector_load %arg8[%get3A_2295] {strides = array<i32>} : memref<100xi32, #tpu.memory_space<vmem>>, vector<16xi32>,
      %get3A_2297 = vector.shape_cast %get3A_2296 : vector<16xi32> to vector<16xi32>
      %add3A_2298 = arith.addi %get3A_2294, %get3A_2297 : vector<16xi32>
      %swap3A_2299 = arith.constant 20 : i32
      %swap3A_2300 = arith.index_cast %swap3A_2299 : i32 to index
      %swap3A_2301 = arith.constant 84 : index
      %swap3A_2302 = tpu.vector_load %arg6[%swap3A_2300, %swap3A_2301] {strides = array<i32>} : memref<32x100xi32, #tpu.memory_space<vmem>>, vector<1x16xi32>,
      %swap3A_2303 = vector.shape_cast %swap3A_2302 : vector<1x16xi32> to vector<16xi32>
      %swap3A_2304 = vector.shape_cast %add3A_2298 : vector<16xi32> to vector<1x16xi32>
      tpu.vector_store %arg6[%swap3A_2300, %swap3A_2301], %swap3A_2304 {strides = array<i32>} : memref<32x100xi32, #tpu.memory_space<vmem>>, vector<1x16xi32>,
      %get3A_2305 = arith.constant 21 : i32
      %get3A_2306 = arith.index_cast %get3A_2305 : i32 to index
      %get3A_2307 = arith.constant 0 : index
      %get3A_2308 = tpu.vector_load %arg5[%get3A_2306, %get3A_2307] {strides = array<i32>} : memref<32x128xi32, #tpu.memory_space<vmem>>, vector<1x16xi32>,
      %get3A_2309 = vector.shape_cast %get3A_2308 : vector<1x16xi32> to vector<16xi32>
      %get3A_2310 = arith.constant 0 : index
      %get3A_2311 = tpu.vector_load %arg8[%get3A_2310] {strides = array<i32>} : memref<100xi32, #tpu.memory_space<vmem>>, vector<16xi32>,
      %get3A_2312 = vector.shape_cast %get3A_2311 : vector<16xi32> to vector<16xi32>
      %add3A_2313 = arith.addi %get3A_2309, %get3A_2312 : vector<16xi32>
      %swap3A_2314 = arith.constant 21 : i32
      %swap3A_2315 = arith.index_cast %swap3A_2314 : i32 to index
      %swap3A_2316 = arith.constant 0 : index
      %swap3A_2317 = tpu.vector_load %arg6[%swap3A_2315, %swap3A_2316] {strides = array<i32>} : memref<32x100xi32, #tpu.memory_space<vmem>>, vector<1x16xi32>,
      %swap3A_2318 = vector.shape_cast %swap3A_2317 : vector<1x16xi32> to vector<16xi32>
      %swap3A_2319 = vector.shape_cast %add3A_2313 : vector<16xi32> to vector<1x16xi32>
      tpu.vector_store %arg6[%swap3A_2315, %swap3A_2316], %swap3A_2319 {strides = array<i32>} : memref<32x100xi32, #tpu.memory_space<vmem>>, vector<1x16xi32>,
      %get3A_2320 = arith.constant 21 : i32
      %get3A_2321 = arith.index_cast %get3A_2320 : i32 to index
      %get3A_2322 = arith.constant 16 : index
      %get3A_2323 = tpu.vector_load %arg5[%get3A_2321, %get3A_2322] {strides = array<i32>} : memref<32x128xi32, #tpu.memory_space<vmem>>, vector<1x16xi32>,
      %get3A_2324 = vector.shape_cast %get3A_2323 : vector<1x16xi32> to vector<16xi32>
      %get3A_2325 = arith.constant 16 : index
      %get3A_2326 = tpu.vector_load %arg8[%get3A_2325] {strides = array<i32>} : memref<100xi32, #tpu.memory_space<vmem>>, vector<16xi32>,
      %get3A_2327 = vector.shape_cast %get3A_2326 : vector<16xi32> to vector<16xi32>
      %add3A_2328 = arith.addi %get3A_2324, %get3A_2327 : vector<16xi32>
      %swap3A_2329 = arith.constant 21 : i32
      %swap3A_2330 = arith.index_cast %swap3A_2329 : i32 to index
      %swap3A_2331 = arith.constant 16 : index
      %swap3A_2332 = tpu.vector_load %arg6[%swap3A_2330, %swap3A_2331] {strides = array<i32>} : memref<32x100xi32, #tpu.memory_space<vmem>>, vector<1x16xi32>,
      %swap3A_2333 = vector.shape_cast %swap3A_2332 : vector<1x16xi32> to vector<16xi32>
      %swap3A_2334 = vector.shape_cast %add3A_2328 : vector<16xi32> to vector<1x16xi32>
      tpu.vector_store %arg6[%swap3A_2330, %swap3A_2331], %swap3A_2334 {strides = array<i32>} : memref<32x100xi32, #tpu.memory_space<vmem>>, vector<1x16xi32>,
      %get3A_2335 = arith.constant 21 : i32
      %get3A_2336 = arith.index_cast %get3A_2335 : i32 to index
      %get3A_2337 = arith.constant 32 : index
      %get3A_2338 = tpu.vector_load %arg5[%get3A_2336, %get3A_2337] {strides = array<i32>} : memref<32x128xi32, #tpu.memory_space<vmem>>, vector<1x16xi32>,
      %get3A_2339 = vector.shape_cast %get3A_2338 : vector<1x16xi32> to vector<16xi32>
      %get3A_2340 = arith.constant 32 : index
      %get3A_2341 = tpu.vector_load %arg8[%get3A_2340] {strides = array<i32>} : memref<100xi32, #tpu.memory_space<vmem>>, vector<16xi32>,
      %get3A_2342 = vector.shape_cast %get3A_2341 : vector<16xi32> to vector<16xi32>
      %add3A_2343 = arith.addi %get3A_2339, %get3A_2342 : vector<16xi32>
      %swap3A_2344 = arith.constant 21 : i32
      %swap3A_2345 = arith.index_cast %swap3A_2344 : i32 to index
      %swap3A_2346 = arith.constant 32 : index
      %swap3A_2347 = tpu.vector_load %arg6[%swap3A_2345, %swap3A_2346] {strides = array<i32>} : memref<32x100xi32, #tpu.memory_space<vmem>>, vector<1x16xi32>,
      %swap3A_2348 = vector.shape_cast %swap3A_2347 : vector<1x16xi32> to vector<16xi32>
      %swap3A_2349 = vector.shape_cast %add3A_2343 : vector<16xi32> to vector<1x16xi32>
      tpu.vector_store %arg6[%swap3A_2345, %swap3A_2346], %swap3A_2349 {strides = array<i32>} : memref<32x100xi32, #tpu.memory_space<vmem>>, vector<1x16xi32>,
      %get3A_2350 = arith.constant 21 : i32
      %get3A_2351 = arith.index_cast %get3A_2350 : i32 to index
      %get3A_2352 = arith.constant 48 : index
      %get3A_2353 = tpu.vector_load %arg5[%get3A_2351, %get3A_2352] {strides = array<i32>} : memref<32x128xi32, #tpu.memory_space<vmem>>, vector<1x16xi32>,
      %get3A_2354 = vector.shape_cast %get3A_2353 : vector<1x16xi32> to vector<16xi32>
      %get3A_2355 = arith.constant 48 : index
      %get3A_2356 = tpu.vector_load %arg8[%get3A_2355] {strides = array<i32>} : memref<100xi32, #tpu.memory_space<vmem>>, vector<16xi32>,
      %get3A_2357 = vector.shape_cast %get3A_2356 : vector<16xi32> to vector<16xi32>
      %add3A_2358 = arith.addi %get3A_2354, %get3A_2357 : vector<16xi32>
      %swap3A_2359 = arith.constant 21 : i32
      %swap3A_2360 = arith.index_cast %swap3A_2359 : i32 to index
      %swap3A_2361 = arith.constant 48 : index
      %swap3A_2362 = tpu.vector_load %arg6[%swap3A_2360, %swap3A_2361] {strides = array<i32>} : memref<32x100xi32, #tpu.memory_space<vmem>>, vector<1x16xi32>,
      %swap3A_2363 = vector.shape_cast %swap3A_2362 : vector<1x16xi32> to vector<16xi32>
      %swap3A_2364 = vector.shape_cast %add3A_2358 : vector<16xi32> to vector<1x16xi32>
      tpu.vector_store %arg6[%swap3A_2360, %swap3A_2361], %swap3A_2364 {strides = array<i32>} : memref<32x100xi32, #tpu.memory_space<vmem>>, vector<1x16xi32>,
      %get3A_2365 = arith.constant 21 : i32
      %get3A_2366 = arith.index_cast %get3A_2365 : i32 to index
      %get3A_2367 = arith.constant 64 : index
      %get3A_2368 = tpu.vector_load %arg5[%get3A_2366, %get3A_2367] {strides = array<i32>} : memref<32x128xi32, #tpu.memory_space<vmem>>, vector<1x16xi32>,
      %get3A_2369 = vector.shape_cast %get3A_2368 : vector<1x16xi32> to vector<16xi32>
      %get3A_2370 = arith.constant 64 : index
      %get3A_2371 = tpu.vector_load %arg8[%get3A_2370] {strides = array<i32>} : memref<100xi32, #tpu.memory_space<vmem>>, vector<16xi32>,
      %get3A_2372 = vector.shape_cast %get3A_2371 : vector<16xi32> to vector<16xi32>
      %add3A_2373 = arith.addi %get3A_2369, %get3A_2372 : vector<16xi32>
      %swap3A_2374 = arith.constant 21 : i32
      %swap3A_2375 = arith.index_cast %swap3A_2374 : i32 to index
      %swap3A_2376 = arith.constant 64 : index
      %swap3A_2377 = tpu.vector_load %arg6[%swap3A_2375, %swap3A_2376] {strides = array<i32>} : memref<32x100xi32, #tpu.memory_space<vmem>>, vector<1x16xi32>,
      %swap3A_2378 = vector.shape_cast %swap3A_2377 : vector<1x16xi32> to vector<16xi32>
      %swap3A_2379 = vector.shape_cast %add3A_2373 : vector<16xi32> to vector<1x16xi32>
      tpu.vector_store %arg6[%swap3A_2375, %swap3A_2376], %swap3A_2379 {strides = array<i32>} : memref<32x100xi32, #tpu.memory_space<vmem>>, vector<1x16xi32>,
      %get3A_2380 = arith.constant 21 : i32
      %get3A_2381 = arith.index_cast %get3A_2380 : i32 to index
      %get3A_2382 = arith.constant 80 : index
      %get3A_2383 = tpu.vector_load %arg5[%get3A_2381, %get3A_2382] {strides = array<i32>} : memref<32x128xi32, #tpu.memory_space<vmem>>, vector<1x16xi32>,
      %get3A_2384 = vector.shape_cast %get3A_2383 : vector<1x16xi32> to vector<16xi32>
      %get3A_2385 = arith.constant 80 : index
      %get3A_2386 = tpu.vector_load %arg8[%get3A_2385] {strides = array<i32>} : memref<100xi32, #tpu.memory_space<vmem>>, vector<16xi32>,
      %get3A_2387 = vector.shape_cast %get3A_2386 : vector<16xi32> to vector<16xi32>
      %add3A_2388 = arith.addi %get3A_2384, %get3A_2387 : vector<16xi32>
      %swap3A_2389 = arith.constant 21 : i32
      %swap3A_2390 = arith.index_cast %swap3A_2389 : i32 to index
      %swap3A_2391 = arith.constant 80 : index
      %swap3A_2392 = tpu.vector_load %arg6[%swap3A_2390, %swap3A_2391] {strides = array<i32>} : memref<32x100xi32, #tpu.memory_space<vmem>>, vector<1x16xi32>,
      %swap3A_2393 = vector.shape_cast %swap3A_2392 : vector<1x16xi32> to vector<16xi32>
      %swap3A_2394 = vector.shape_cast %add3A_2388 : vector<16xi32> to vector<1x16xi32>
      tpu.vector_store %arg6[%swap3A_2390, %swap3A_2391], %swap3A_2394 {strides = array<i32>} : memref<32x100xi32, #tpu.memory_space<vmem>>, vector<1x16xi32>,
      %get3A_2395 = arith.constant 21 : i32
      %get3A_2396 = arith.index_cast %get3A_2395 : i32 to index
      %get3A_2397 = arith.constant 84 : index
      %get3A_2398 = tpu.vector_load %arg5[%get3A_2396, %get3A_2397] {strides = array<i32>} : memref<32x128xi32, #tpu.memory_space<vmem>>, vector<1x16xi32>,
      %get3A_2399 = vector.shape_cast %get3A_2398 : vector<1x16xi32> to vector<16xi32>
      %get3A_2400 = arith.constant 84 : index
      %get3A_2401 = tpu.vector_load %arg8[%get3A_2400] {strides = array<i32>} : memref<100xi32, #tpu.memory_space<vmem>>, vector<16xi32>,
      %get3A_2402 = vector.shape_cast %get3A_2401 : vector<16xi32> to vector<16xi32>
      %add3A_2403 = arith.addi %get3A_2399, %get3A_2402 : vector<16xi32>
      %swap3A_2404 = arith.constant 21 : i32
      %swap3A_2405 = arith.index_cast %swap3A_2404 : i32 to index
      %swap3A_2406 = arith.constant 84 : index
      %swap3A_2407 = tpu.vector_load %arg6[%swap3A_2405, %swap3A_2406] {strides = array<i32>} : memref<32x100xi32, #tpu.memory_space<vmem>>, vector<1x16xi32>,
      %swap3A_2408 = vector.shape_cast %swap3A_2407 : vector<1x16xi32> to vector<16xi32>
      %swap3A_2409 = vector.shape_cast %add3A_2403 : vector<16xi32> to vector<1x16xi32>
      tpu.vector_store %arg6[%swap3A_2405, %swap3A_2406], %swap3A_2409 {strides = array<i32>} : memref<32x100xi32, #tpu.memory_space<vmem>>, vector<1x16xi32>,
      %get3A_2410 = arith.constant 22 : i32
      %get3A_2411 = arith.index_cast %get3A_2410 : i32 to index
      %get3A_2412 = arith.constant 0 : index
      %get3A_2413 = tpu.vector_load %arg5[%get3A_2411, %get3A_2412] {strides = array<i32>} : memref<32x128xi32, #tpu.memory_space<vmem>>, vector<1x16xi32>,
      %get3A_2414 = vector.shape_cast %get3A_2413 : vector<1x16xi32> to vector<16xi32>
      %get3A_2415 = arith.constant 0 : index
      %get3A_2416 = tpu.vector_load %arg8[%get3A_2415] {strides = array<i32>} : memref<100xi32, #tpu.memory_space<vmem>>, vector<16xi32>,
      %get3A_2417 = vector.shape_cast %get3A_2416 : vector<16xi32> to vector<16xi32>
      %add3A_2418 = arith.addi %get3A_2414, %get3A_2417 : vector<16xi32>
      %swap3A_2419 = arith.constant 22 : i32
      %swap3A_2420 = arith.index_cast %swap3A_2419 : i32 to index
      %swap3A_2421 = arith.constant 0 : index
      %swap3A_2422 = tpu.vector_load %arg6[%swap3A_2420, %swap3A_2421] {strides = array<i32>} : memref<32x100xi32, #tpu.memory_space<vmem>>, vector<1x16xi32>,
      %swap3A_2423 = vector.shape_cast %swap3A_2422 : vector<1x16xi32> to vector<16xi32>
      %swap3A_2424 = vector.shape_cast %add3A_2418 : vector<16xi32> to vector<1x16xi32>
      tpu.vector_store %arg6[%swap3A_2420, %swap3A_2421], %swap3A_2424 {strides = array<i32>} : memref<32x100xi32, #tpu.memory_space<vmem>>, vector<1x16xi32>,
      %get3A_2425 = arith.constant 22 : i32
      %get3A_2426 = arith.index_cast %get3A_2425 : i32 to index
      %get3A_2427 = arith.constant 16 : index
      %get3A_2428 = tpu.vector_load %arg5[%get3A_2426, %get3A_2427] {strides = array<i32>} : memref<32x128xi32, #tpu.memory_space<vmem>>, vector<1x16xi32>,
      %get3A_2429 = vector.shape_cast %get3A_2428 : vector<1x16xi32> to vector<16xi32>
      %get3A_2430 = arith.constant 16 : index
      %get3A_2431 = tpu.vector_load %arg8[%get3A_2430] {strides = array<i32>} : memref<100xi32, #tpu.memory_space<vmem>>, vector<16xi32>,
      %get3A_2432 = vector.shape_cast %get3A_2431 : vector<16xi32> to vector<16xi32>
      %add3A_2433 = arith.addi %get3A_2429, %get3A_2432 : vector<16xi32>
      %swap3A_2434 = arith.constant 22 : i32
      %swap3A_2435 = arith.index_cast %swap3A_2434 : i32 to index
      %swap3A_2436 = arith.constant 16 : index
      %swap3A_2437 = tpu.vector_load %arg6[%swap3A_2435, %swap3A_2436] {strides = array<i32>} : memref<32x100xi32, #tpu.memory_space<vmem>>, vector<1x16xi32>,
      %swap3A_2438 = vector.shape_cast %swap3A_2437 : vector<1x16xi32> to vector<16xi32>
      %swap3A_2439 = vector.shape_cast %add3A_2433 : vector<16xi32> to vector<1x16xi32>
      tpu.vector_store %arg6[%swap3A_2435, %swap3A_2436], %swap3A_2439 {strides = array<i32>} : memref<32x100xi32, #tpu.memory_space<vmem>>, vector<1x16xi32>,
      %get3A_2440 = arith.constant 22 : i32
      %get3A_2441 = arith.index_cast %get3A_2440 : i32 to index
      %get3A_2442 = arith.constant 32 : index
      %get3A_2443 = tpu.vector_load %arg5[%get3A_2441, %get3A_2442] {strides = array<i32>} : memref<32x128xi32, #tpu.memory_space<vmem>>, vector<1x16xi32>,
      %get3A_2444 = vector.shape_cast %get3A_2443 : vector<1x16xi32> to vector<16xi32>
      %get3A_2445 = arith.constant 32 : index
      %get3A_2446 = tpu.vector_load %arg8[%get3A_2445] {strides = array<i32>} : memref<100xi32, #tpu.memory_space<vmem>>, vector<16xi32>,
      %get3A_2447 = vector.shape_cast %get3A_2446 : vector<16xi32> to vector<16xi32>
      %add3A_2448 = arith.addi %get3A_2444, %get3A_2447 : vector<16xi32>
      %swap3A_2449 = arith.constant 22 : i32
      %swap3A_2450 = arith.index_cast %swap3A_2449 : i32 to index
      %swap3A_2451 = arith.constant 32 : index
      %swap3A_2452 = tpu.vector_load %arg6[%swap3A_2450, %swap3A_2451] {strides = array<i32>} : memref<32x100xi32, #tpu.memory_space<vmem>>, vector<1x16xi32>,
      %swap3A_2453 = vector.shape_cast %swap3A_2452 : vector<1x16xi32> to vector<16xi32>
      %swap3A_2454 = vector.shape_cast %add3A_2448 : vector<16xi32> to vector<1x16xi32>
      tpu.vector_store %arg6[%swap3A_2450, %swap3A_2451], %swap3A_2454 {strides = array<i32>} : memref<32x100xi32, #tpu.memory_space<vmem>>, vector<1x16xi32>,
      %get3A_2455 = arith.constant 22 : i32
      %get3A_2456 = arith.index_cast %get3A_2455 : i32 to index
      %get3A_2457 = arith.constant 48 : index
      %get3A_2458 = tpu.vector_load %arg5[%get3A_2456, %get3A_2457] {strides = array<i32>} : memref<32x128xi32, #tpu.memory_space<vmem>>, vector<1x16xi32>,
      %get3A_2459 = vector.shape_cast %get3A_2458 : vector<1x16xi32> to vector<16xi32>
      %get3A_2460 = arith.constant 48 : index
      %get3A_2461 = tpu.vector_load %arg8[%get3A_2460] {strides = array<i32>} : memref<100xi32, #tpu.memory_space<vmem>>, vector<16xi32>,
      %get3A_2462 = vector.shape_cast %get3A_2461 : vector<16xi32> to vector<16xi32>
      %add3A_2463 = arith.addi %get3A_2459, %get3A_2462 : vector<16xi32>
      %swap3A_2464 = arith.constant 22 : i32
      %swap3A_2465 = arith.index_cast %swap3A_2464 : i32 to index
      %swap3A_2466 = arith.constant 48 : index
      %swap3A_2467 = tpu.vector_load %arg6[%swap3A_2465, %swap3A_2466] {strides = array<i32>} : memref<32x100xi32, #tpu.memory_space<vmem>>, vector<1x16xi32>,
      %swap3A_2468 = vector.shape_cast %swap3A_2467 : vector<1x16xi32> to vector<16xi32>
      %swap3A_2469 = vector.shape_cast %add3A_2463 : vector<16xi32> to vector<1x16xi32>
      tpu.vector_store %arg6[%swap3A_2465, %swap3A_2466], %swap3A_2469 {strides = array<i32>} : memref<32x100xi32, #tpu.memory_space<vmem>>, vector<1x16xi32>,
      %get3A_2470 = arith.constant 22 : i32
      %get3A_2471 = arith.index_cast %get3A_2470 : i32 to index
      %get3A_2472 = arith.constant 64 : index
      %get3A_2473 = tpu.vector_load %arg5[%get3A_2471, %get3A_2472] {strides = array<i32>} : memref<32x128xi32, #tpu.memory_space<vmem>>, vector<1x16xi32>,
      %get3A_2474 = vector.shape_cast %get3A_2473 : vector<1x16xi32> to vector<16xi32>
      %get3A_2475 = arith.constant 64 : index
      %get3A_2476 = tpu.vector_load %arg8[%get3A_2475] {strides = array<i32>} : memref<100xi32, #tpu.memory_space<vmem>>, vector<16xi32>,
      %get3A_2477 = vector.shape_cast %get3A_2476 : vector<16xi32> to vector<16xi32>
      %add3A_2478 = arith.addi %get3A_2474, %get3A_2477 : vector<16xi32>
      %swap3A_2479 = arith.constant 22 : i32
      %swap3A_2480 = arith.index_cast %swap3A_2479 : i32 to index
      %swap3A_2481 = arith.constant 64 : index
      %swap3A_2482 = tpu.vector_load %arg6[%swap3A_2480, %swap3A_2481] {strides = array<i32>} : memref<32x100xi32, #tpu.memory_space<vmem>>, vector<1x16xi32>,
      %swap3A_2483 = vector.shape_cast %swap3A_2482 : vector<1x16xi32> to vector<16xi32>
      %swap3A_2484 = vector.shape_cast %add3A_2478 : vector<16xi32> to vector<1x16xi32>
      tpu.vector_store %arg6[%swap3A_2480, %swap3A_2481], %swap3A_2484 {strides = array<i32>} : memref<32x100xi32, #tpu.memory_space<vmem>>, vector<1x16xi32>,
      %get3A_2485 = arith.constant 22 : i32
      %get3A_2486 = arith.index_cast %get3A_2485 : i32 to index
      %get3A_2487 = arith.constant 80 : index
      %get3A_2488 = tpu.vector_load %arg5[%get3A_2486, %get3A_2487] {strides = array<i32>} : memref<32x128xi32, #tpu.memory_space<vmem>>, vector<1x16xi32>,
      %get3A_2489 = vector.shape_cast %get3A_2488 : vector<1x16xi32> to vector<16xi32>
      %get3A_2490 = arith.constant 80 : index
      %get3A_2491 = tpu.vector_load %arg8[%get3A_2490] {strides = array<i32>} : memref<100xi32, #tpu.memory_space<vmem>>, vector<16xi32>,
      %get3A_2492 = vector.shape_cast %get3A_2491 : vector<16xi32> to vector<16xi32>
      %add3A_2493 = arith.addi %get3A_2489, %get3A_2492 : vector<16xi32>
      %swap3A_2494 = arith.constant 22 : i32
      %swap3A_2495 = arith.index_cast %swap3A_2494 : i32 to index
      %swap3A_2496 = arith.constant 80 : index
      %swap3A_2497 = tpu.vector_load %arg6[%swap3A_2495, %swap3A_2496] {strides = array<i32>} : memref<32x100xi32, #tpu.memory_space<vmem>>, vector<1x16xi32>,
      %swap3A_2498 = vector.shape_cast %swap3A_2497 : vector<1x16xi32> to vector<16xi32>
      %swap3A_2499 = vector.shape_cast %add3A_2493 : vector<16xi32> to vector<1x16xi32>
      tpu.vector_store %arg6[%swap3A_2495, %swap3A_2496], %swap3A_2499 {strides = array<i32>} : memref<32x100xi32, #tpu.memory_space<vmem>>, vector<1x16xi32>,
      %get3A_2500 = arith.constant 22 : i32
      %get3A_2501 = arith.index_cast %get3A_2500 : i32 to index
      %get3A_2502 = arith.constant 84 : index
      %get3A_2503 = tpu.vector_load %arg5[%get3A_2501, %get3A_2502] {strides = array<i32>} : memref<32x128xi32, #tpu.memory_space<vmem>>, vector<1x16xi32>,
      %get3A_2504 = vector.shape_cast %get3A_2503 : vector<1x16xi32> to vector<16xi32>
      %get3A_2505 = arith.constant 84 : index
      %get3A_2506 = tpu.vector_load %arg8[%get3A_2505] {strides = array<i32>} : memref<100xi32, #tpu.memory_space<vmem>>, vector<16xi32>,
      %get3A_2507 = vector.shape_cast %get3A_2506 : vector<16xi32> to vector<16xi32>
      %add3A_2508 = arith.addi %get3A_2504, %get3A_2507 : vector<16xi32>
      %swap3A_2509 = arith.constant 22 : i32
      %swap3A_2510 = arith.index_cast %swap3A_2509 : i32 to index
      %swap3A_2511 = arith.constant 84 : index
      %swap3A_2512 = tpu.vector_load %arg6[%swap3A_2510, %swap3A_2511] {strides = array<i32>} : memref<32x100xi32, #tpu.memory_space<vmem>>, vector<1x16xi32>,
      %swap3A_2513 = vector.shape_cast %swap3A_2512 : vector<1x16xi32> to vector<16xi32>
      %swap3A_2514 = vector.shape_cast %add3A_2508 : vector<16xi32> to vector<1x16xi32>
      tpu.vector_store %arg6[%swap3A_2510, %swap3A_2511], %swap3A_2514 {strides = array<i32>} : memref<32x100xi32, #tpu.memory_space<vmem>>, vector<1x16xi32>,
      %get3A_2515 = arith.constant 23 : i32
      %get3A_2516 = arith.index_cast %get3A_2515 : i32 to index
      %get3A_2517 = arith.constant 0 : index
      %get3A_2518 = tpu.vector_load %arg5[%get3A_2516, %get3A_2517] {strides = array<i32>} : memref<32x128xi32, #tpu.memory_space<vmem>>, vector<1x16xi32>,
      %get3A_2519 = vector.shape_cast %get3A_2518 : vector<1x16xi32> to vector<16xi32>
      %get3A_2520 = arith.constant 0 : index
      %get3A_2521 = tpu.vector_load %arg8[%get3A_2520] {strides = array<i32>} : memref<100xi32, #tpu.memory_space<vmem>>, vector<16xi32>,
      %get3A_2522 = vector.shape_cast %get3A_2521 : vector<16xi32> to vector<16xi32>
      %add3A_2523 = arith.addi %get3A_2519, %get3A_2522 : vector<16xi32>
      %swap3A_2524 = arith.constant 23 : i32
      %swap3A_2525 = arith.index_cast %swap3A_2524 : i32 to index
      %swap3A_2526 = arith.constant 0 : index
      %swap3A_2527 = tpu.vector_load %arg6[%swap3A_2525, %swap3A_2526] {strides = array<i32>} : memref<32x100xi32, #tpu.memory_space<vmem>>, vector<1x16xi32>,
      %swap3A_2528 = vector.shape_cast %swap3A_2527 : vector<1x16xi32> to vector<16xi32>
      %swap3A_2529 = vector.shape_cast %add3A_2523 : vector<16xi32> to vector<1x16xi32>
      tpu.vector_store %arg6[%swap3A_2525, %swap3A_2526], %swap3A_2529 {strides = array<i32>} : memref<32x100xi32, #tpu.memory_space<vmem>>, vector<1x16xi32>,
      %get3A_2530 = arith.constant 23 : i32
      %get3A_2531 = arith.index_cast %get3A_2530 : i32 to index
      %get3A_2532 = arith.constant 16 : index
      %get3A_2533 = tpu.vector_load %arg5[%get3A_2531, %get3A_2532] {strides = array<i32>} : memref<32x128xi32, #tpu.memory_space<vmem>>, vector<1x16xi32>,
      %get3A_2534 = vector.shape_cast %get3A_2533 : vector<1x16xi32> to vector<16xi32>
      %get3A_2535 = arith.constant 16 : index
      %get3A_2536 = tpu.vector_load %arg8[%get3A_2535] {strides = array<i32>} : memref<100xi32, #tpu.memory_space<vmem>>, vector<16xi32>,
      %get3A_2537 = vector.shape_cast %get3A_2536 : vector<16xi32> to vector<16xi32>
      %add3A_2538 = arith.addi %get3A_2534, %get3A_2537 : vector<16xi32>
      %swap3A_2539 = arith.constant 23 : i32
      %swap3A_2540 = arith.index_cast %swap3A_2539 : i32 to index
      %swap3A_2541 = arith.constant 16 : index
      %swap3A_2542 = tpu.vector_load %arg6[%swap3A_2540, %swap3A_2541] {strides = array<i32>} : memref<32x100xi32, #tpu.memory_space<vmem>>, vector<1x16xi32>,
      %swap3A_2543 = vector.shape_cast %swap3A_2542 : vector<1x16xi32> to vector<16xi32>
      %swap3A_2544 = vector.shape_cast %add3A_2538 : vector<16xi32> to vector<1x16xi32>
      tpu.vector_store %arg6[%swap3A_2540, %swap3A_2541], %swap3A_2544 {strides = array<i32>} : memref<32x100xi32, #tpu.memory_space<vmem>>, vector<1x16xi32>,
      %get3A_2545 = arith.constant 23 : i32
      %get3A_2546 = arith.index_cast %get3A_2545 : i32 to index
      %get3A_2547 = arith.constant 32 : index
      %get3A_2548 = tpu.vector_load %arg5[%get3A_2546, %get3A_2547] {strides = array<i32>} : memref<32x128xi32, #tpu.memory_space<vmem>>, vector<1x16xi32>,
      %get3A_2549 = vector.shape_cast %get3A_2548 : vector<1x16xi32> to vector<16xi32>
      %get3A_2550 = arith.constant 32 : index
      %get3A_2551 = tpu.vector_load %arg8[%get3A_2550] {strides = array<i32>} : memref<100xi32, #tpu.memory_space<vmem>>, vector<16xi32>,
      %get3A_2552 = vector.shape_cast %get3A_2551 : vector<16xi32> to vector<16xi32>
      %add3A_2553 = arith.addi %get3A_2549, %get3A_2552 : vector<16xi32>
      %swap3A_2554 = arith.constant 23 : i32
      %swap3A_2555 = arith.index_cast %swap3A_2554 : i32 to index
      %swap3A_2556 = arith.constant 32 : index
      %swap3A_2557 = tpu.vector_load %arg6[%swap3A_2555, %swap3A_2556] {strides = array<i32>} : memref<32x100xi32, #tpu.memory_space<vmem>>, vector<1x16xi32>,
      %swap3A_2558 = vector.shape_cast %swap3A_2557 : vector<1x16xi32> to vector<16xi32>
      %swap3A_2559 = vector.shape_cast %add3A_2553 : vector<16xi32> to vector<1x16xi32>
      tpu.vector_store %arg6[%swap3A_2555, %swap3A_2556], %swap3A_2559 {strides = array<i32>} : memref<32x100xi32, #tpu.memory_space<vmem>>, vector<1x16xi32>,
      %get3A_2560 = arith.constant 23 : i32
      %get3A_2561 = arith.index_cast %get3A_2560 : i32 to index
      %get3A_2562 = arith.constant 48 : index
      %get3A_2563 = tpu.vector_load %arg5[%get3A_2561, %get3A_2562] {strides = array<i32>} : memref<32x128xi32, #tpu.memory_space<vmem>>, vector<1x16xi32>,
      %get3A_2564 = vector.shape_cast %get3A_2563 : vector<1x16xi32> to vector<16xi32>
      %get3A_2565 = arith.constant 48 : index
      %get3A_2566 = tpu.vector_load %arg8[%get3A_2565] {strides = array<i32>} : memref<100xi32, #tpu.memory_space<vmem>>, vector<16xi32>,
      %get3A_2567 = vector.shape_cast %get3A_2566 : vector<16xi32> to vector<16xi32>
      %add3A_2568 = arith.addi %get3A_2564, %get3A_2567 : vector<16xi32>
      %swap3A_2569 = arith.constant 23 : i32
      %swap3A_2570 = arith.index_cast %swap3A_2569 : i32 to index
      %swap3A_2571 = arith.constant 48 : index
      %swap3A_2572 = tpu.vector_load %arg6[%swap3A_2570, %swap3A_2571] {strides = array<i32>} : memref<32x100xi32, #tpu.memory_space<vmem>>, vector<1x16xi32>,
      %swap3A_2573 = vector.shape_cast %swap3A_2572 : vector<1x16xi32> to vector<16xi32>
      %swap3A_2574 = vector.shape_cast %add3A_2568 : vector<16xi32> to vector<1x16xi32>
      tpu.vector_store %arg6[%swap3A_2570, %swap3A_2571], %swap3A_2574 {strides = array<i32>} : memref<32x100xi32, #tpu.memory_space<vmem>>, vector<1x16xi32>,
      %get3A_2575 = arith.constant 23 : i32
      %get3A_2576 = arith.index_cast %get3A_2575 : i32 to index
      %get3A_2577 = arith.constant 64 : index
      %get3A_2578 = tpu.vector_load %arg5[%get3A_2576, %get3A_2577] {strides = array<i32>} : memref<32x128xi32, #tpu.memory_space<vmem>>, vector<1x16xi32>,
      %get3A_2579 = vector.shape_cast %get3A_2578 : vector<1x16xi32> to vector<16xi32>
      %get3A_2580 = arith.constant 64 : index
      %get3A_2581 = tpu.vector_load %arg8[%get3A_2580] {strides = array<i32>} : memref<100xi32, #tpu.memory_space<vmem>>, vector<16xi32>,
      %get3A_2582 = vector.shape_cast %get3A_2581 : vector<16xi32> to vector<16xi32>
      %add3A_2583 = arith.addi %get3A_2579, %get3A_2582 : vector<16xi32>
      %swap3A_2584 = arith.constant 23 : i32
      %swap3A_2585 = arith.index_cast %swap3A_2584 : i32 to index
      %swap3A_2586 = arith.constant 64 : index
      %swap3A_2587 = tpu.vector_load %arg6[%swap3A_2585, %swap3A_2586] {strides = array<i32>} : memref<32x100xi32, #tpu.memory_space<vmem>>, vector<1x16xi32>,
      %swap3A_2588 = vector.shape_cast %swap3A_2587 : vector<1x16xi32> to vector<16xi32>
      %swap3A_2589 = vector.shape_cast %add3A_2583 : vector<16xi32> to vector<1x16xi32>
      tpu.vector_store %arg6[%swap3A_2585, %swap3A_2586], %swap3A_2589 {strides = array<i32>} : memref<32x100xi32, #tpu.memory_space<vmem>>, vector<1x16xi32>,
      %get3A_2590 = arith.constant 23 : i32
      %get3A_2591 = arith.index_cast %get3A_2590 : i32 to index
      %get3A_2592 = arith.constant 80 : index
      %get3A_2593 = tpu.vector_load %arg5[%get3A_2591, %get3A_2592] {strides = array<i32>} : memref<32x128xi32, #tpu.memory_space<vmem>>, vector<1x16xi32>,
      %get3A_2594 = vector.shape_cast %get3A_2593 : vector<1x16xi32> to vector<16xi32>
      %get3A_2595 = arith.constant 80 : index
      %get3A_2596 = tpu.vector_load %arg8[%get3A_2595] {strides = array<i32>} : memref<100xi32, #tpu.memory_space<vmem>>, vector<16xi32>,
      %get3A_2597 = vector.shape_cast %get3A_2596 : vector<16xi32> to vector<16xi32>
      %add3A_2598 = arith.addi %get3A_2594, %get3A_2597 : vector<16xi32>
      %swap3A_2599 = arith.constant 23 : i32
      %swap3A_2600 = arith.index_cast %swap3A_2599 : i32 to index
      %swap3A_2601 = arith.constant 80 : index
      %swap3A_2602 = tpu.vector_load %arg6[%swap3A_2600, %swap3A_2601] {strides = array<i32>} : memref<32x100xi32, #tpu.memory_space<vmem>>, vector<1x16xi32>,
      %swap3A_2603 = vector.shape_cast %swap3A_2602 : vector<1x16xi32> to vector<16xi32>
      %swap3A_2604 = vector.shape_cast %add3A_2598 : vector<16xi32> to vector<1x16xi32>
      tpu.vector_store %arg6[%swap3A_2600, %swap3A_2601], %swap3A_2604 {strides = array<i32>} : memref<32x100xi32, #tpu.memory_space<vmem>>, vector<1x16xi32>,
      %get3A_2605 = arith.constant 23 : i32
      %get3A_2606 = arith.index_cast %get3A_2605 : i32 to index
      %get3A_2607 = arith.constant 84 : index
      %get3A_2608 = tpu.vector_load %arg5[%get3A_2606, %get3A_2607] {strides = array<i32>} : memref<32x128xi32, #tpu.memory_space<vmem>>, vector<1x16xi32>,
      %get3A_2609 = vector.shape_cast %get3A_2608 : vector<1x16xi32> to vector<16xi32>
      %get3A_2610 = arith.constant 84 : index
      %get3A_2611 = tpu.vector_load %arg8[%get3A_2610] {strides = array<i32>} : memref<100xi32, #tpu.memory_space<vmem>>, vector<16xi32>,
      %get3A_2612 = vector.shape_cast %get3A_2611 : vector<16xi32> to vector<16xi32>
      %add3A_2613 = arith.addi %get3A_2609, %get3A_2612 : vector<16xi32>
      %swap3A_2614 = arith.constant 23 : i32
      %swap3A_2615 = arith.index_cast %swap3A_2614 : i32 to index
      %swap3A_2616 = arith.constant 84 : index
      %swap3A_2617 = tpu.vector_load %arg6[%swap3A_2615, %swap3A_2616] {strides = array<i32>} : memref<32x100xi32, #tpu.memory_space<vmem>>, vector<1x16xi32>,
      %swap3A_2618 = vector.shape_cast %swap3A_2617 : vector<1x16xi32> to vector<16xi32>
      %swap3A_2619 = vector.shape_cast %add3A_2613 : vector<16xi32> to vector<1x16xi32>
      tpu.vector_store %arg6[%swap3A_2615, %swap3A_2616], %swap3A_2619 {strides = array<i32>} : memref<32x100xi32, #tpu.memory_space<vmem>>, vector<1x16xi32>,
      %get3A_2620 = arith.constant 24 : i32
      %get3A_2621 = arith.index_cast %get3A_2620 : i32 to index
      %get3A_2622 = arith.constant 0 : index
      %get3A_2623 = tpu.vector_load %arg5[%get3A_2621, %get3A_2622] {strides = array<i32>} : memref<32x128xi32, #tpu.memory_space<vmem>>, vector<1x16xi32>,
      %get3A_2624 = vector.shape_cast %get3A_2623 : vector<1x16xi32> to vector<16xi32>
      %get3A_2625 = arith.constant 0 : index
      %get3A_2626 = tpu.vector_load %arg8[%get3A_2625] {strides = array<i32>} : memref<100xi32, #tpu.memory_space<vmem>>, vector<16xi32>,
      %get3A_2627 = vector.shape_cast %get3A_2626 : vector<16xi32> to vector<16xi32>
      %add3A_2628 = arith.addi %get3A_2624, %get3A_2627 : vector<16xi32>
      %swap3A_2629 = arith.constant 24 : i32
      %swap3A_2630 = arith.index_cast %swap3A_2629 : i32 to index
      %swap3A_2631 = arith.constant 0 : index
      %swap3A_2632 = tpu.vector_load %arg6[%swap3A_2630, %swap3A_2631] {strides = array<i32>} : memref<32x100xi32, #tpu.memory_space<vmem>>, vector<1x16xi32>,
      %swap3A_2633 = vector.shape_cast %swap3A_2632 : vector<1x16xi32> to vector<16xi32>
      %swap3A_2634 = vector.shape_cast %add3A_2628 : vector<16xi32> to vector<1x16xi32>
      tpu.vector_store %arg6[%swap3A_2630, %swap3A_2631], %swap3A_2634 {strides = array<i32>} : memref<32x100xi32, #tpu.memory_space<vmem>>, vector<1x16xi32>,
      %get3A_2635 = arith.constant 24 : i32
      %get3A_2636 = arith.index_cast %get3A_2635 : i32 to index
      %get3A_2637 = arith.constant 16 : index
      %get3A_2638 = tpu.vector_load %arg5[%get3A_2636, %get3A_2637] {strides = array<i32>} : memref<32x128xi32, #tpu.memory_space<vmem>>, vector<1x16xi32>,
      %get3A_2639 = vector.shape_cast %get3A_2638 : vector<1x16xi32> to vector<16xi32>
      %get3A_2640 = arith.constant 16 : index
      %get3A_2641 = tpu.vector_load %arg8[%get3A_2640] {strides = array<i32>} : memref<100xi32, #tpu.memory_space<vmem>>, vector<16xi32>,
      %get3A_2642 = vector.shape_cast %get3A_2641 : vector<16xi32> to vector<16xi32>
      %add3A_2643 = arith.addi %get3A_2639, %get3A_2642 : vector<16xi32>
      %swap3A_2644 = arith.constant 24 : i32
      %swap3A_2645 = arith.index_cast %swap3A_2644 : i32 to index
      %swap3A_2646 = arith.constant 16 : index
      %swap3A_2647 = tpu.vector_load %arg6[%swap3A_2645, %swap3A_2646] {strides = array<i32>} : memref<32x100xi32, #tpu.memory_space<vmem>>, vector<1x16xi32>,
      %swap3A_2648 = vector.shape_cast %swap3A_2647 : vector<1x16xi32> to vector<16xi32>
      %swap3A_2649 = vector.shape_cast %add3A_2643 : vector<16xi32> to vector<1x16xi32>
      tpu.vector_store %arg6[%swap3A_2645, %swap3A_2646], %swap3A_2649 {strides = array<i32>} : memref<32x100xi32, #tpu.memory_space<vmem>>, vector<1x16xi32>,
      %get3A_2650 = arith.constant 24 : i32
      %get3A_2651 = arith.index_cast %get3A_2650 : i32 to index
      %get3A_2652 = arith.constant 32 : index
      %get3A_2653 = tpu.vector_load %arg5[%get3A_2651, %get3A_2652] {strides = array<i32>} : memref<32x128xi32, #tpu.memory_space<vmem>>, vector<1x16xi32>,
      %get3A_2654 = vector.shape_cast %get3A_2653 : vector<1x16xi32> to vector<16xi32>
      %get3A_2655 = arith.constant 32 : index
      %get3A_2656 = tpu.vector_load %arg8[%get3A_2655] {strides = array<i32>} : memref<100xi32, #tpu.memory_space<vmem>>, vector<16xi32>,
      %get3A_2657 = vector.shape_cast %get3A_2656 : vector<16xi32> to vector<16xi32>
      %add3A_2658 = arith.addi %get3A_2654, %get3A_2657 : vector<16xi32>
      %swap3A_2659 = arith.constant 24 : i32
      %swap3A_2660 = arith.index_cast %swap3A_2659 : i32 to index
      %swap3A_2661 = arith.constant 32 : index
      %swap3A_2662 = tpu.vector_load %arg6[%swap3A_2660, %swap3A_2661] {strides = array<i32>} : memref<32x100xi32, #tpu.memory_space<vmem>>, vector<1x16xi32>,
      %swap3A_2663 = vector.shape_cast %swap3A_2662 : vector<1x16xi32> to vector<16xi32>
      %swap3A_2664 = vector.shape_cast %add3A_2658 : vector<16xi32> to vector<1x16xi32>
      tpu.vector_store %arg6[%swap3A_2660, %swap3A_2661], %swap3A_2664 {strides = array<i32>} : memref<32x100xi32, #tpu.memory_space<vmem>>, vector<1x16xi32>,
      %get3A_2665 = arith.constant 24 : i32
      %get3A_2666 = arith.index_cast %get3A_2665 : i32 to index
      %get3A_2667 = arith.constant 48 : index
      %get3A_2668 = tpu.vector_load %arg5[%get3A_2666, %get3A_2667] {strides = array<i32>} : memref<32x128xi32, #tpu.memory_space<vmem>>, vector<1x16xi32>,
      %get3A_2669 = vector.shape_cast %get3A_2668 : vector<1x16xi32> to vector<16xi32>
      %get3A_2670 = arith.constant 48 : index
      %get3A_2671 = tpu.vector_load %arg8[%get3A_2670] {strides = array<i32>} : memref<100xi32, #tpu.memory_space<vmem>>, vector<16xi32>,
      %get3A_2672 = vector.shape_cast %get3A_2671 : vector<16xi32> to vector<16xi32>
      %add3A_2673 = arith.addi %get3A_2669, %get3A_2672 : vector<16xi32>
      %swap3A_2674 = arith.constant 24 : i32
      %swap3A_2675 = arith.index_cast %swap3A_2674 : i32 to index
      %swap3A_2676 = arith.constant 48 : index
      %swap3A_2677 = tpu.vector_load %arg6[%swap3A_2675, %swap3A_2676] {strides = array<i32>} : memref<32x100xi32, #tpu.memory_space<vmem>>, vector<1x16xi32>,
      %swap3A_2678 = vector.shape_cast %swap3A_2677 : vector<1x16xi32> to vector<16xi32>
      %swap3A_2679 = vector.shape_cast %add3A_2673 : vector<16xi32> to vector<1x16xi32>
      tpu.vector_store %arg6[%swap3A_2675, %swap3A_2676], %swap3A_2679 {strides = array<i32>} : memref<32x100xi32, #tpu.memory_space<vmem>>, vector<1x16xi32>,
      %get3A_2680 = arith.constant 24 : i32
      %get3A_2681 = arith.index_cast %get3A_2680 : i32 to index
      %get3A_2682 = arith.constant 64 : index
      %get3A_2683 = tpu.vector_load %arg5[%get3A_2681, %get3A_2682] {strides = array<i32>} : memref<32x128xi32, #tpu.memory_space<vmem>>, vector<1x16xi32>,
      %get3A_2684 = vector.shape_cast %get3A_2683 : vector<1x16xi32> to vector<16xi32>
      %get3A_2685 = arith.constant 64 : index
      %get3A_2686 = tpu.vector_load %arg8[%get3A_2685] {strides = array<i32>} : memref<100xi32, #tpu.memory_space<vmem>>, vector<16xi32>,
      %get3A_2687 = vector.shape_cast %get3A_2686 : vector<16xi32> to vector<16xi32>
      %add3A_2688 = arith.addi %get3A_2684, %get3A_2687 : vector<16xi32>
      %swap3A_2689 = arith.constant 24 : i32
      %swap3A_2690 = arith.index_cast %swap3A_2689 : i32 to index
      %swap3A_2691 = arith.constant 64 : index
      %swap3A_2692 = tpu.vector_load %arg6[%swap3A_2690, %swap3A_2691] {strides = array<i32>} : memref<32x100xi32, #tpu.memory_space<vmem>>, vector<1x16xi32>,
      %swap3A_2693 = vector.shape_cast %swap3A_2692 : vector<1x16xi32> to vector<16xi32>
      %swap3A_2694 = vector.shape_cast %add3A_2688 : vector<16xi32> to vector<1x16xi32>
      tpu.vector_store %arg6[%swap3A_2690, %swap3A_2691], %swap3A_2694 {strides = array<i32>} : memref<32x100xi32, #tpu.memory_space<vmem>>, vector<1x16xi32>,
      %get3A_2695 = arith.constant 24 : i32
      %get3A_2696 = arith.index_cast %get3A_2695 : i32 to index
      %get3A_2697 = arith.constant 80 : index
      %get3A_2698 = tpu.vector_load %arg5[%get3A_2696, %get3A_2697] {strides = array<i32>} : memref<32x128xi32, #tpu.memory_space<vmem>>, vector<1x16xi32>,
      %get3A_2699 = vector.shape_cast %get3A_2698 : vector<1x16xi32> to vector<16xi32>
      %get3A_2700 = arith.constant 80 : index
      %get3A_2701 = tpu.vector_load %arg8[%get3A_2700] {strides = array<i32>} : memref<100xi32, #tpu.memory_space<vmem>>, vector<16xi32>,
      %get3A_2702 = vector.shape_cast %get3A_2701 : vector<16xi32> to vector<16xi32>
      %add3A_2703 = arith.addi %get3A_2699, %get3A_2702 : vector<16xi32>
      %swap3A_2704 = arith.constant 24 : i32
      %swap3A_2705 = arith.index_cast %swap3A_2704 : i32 to index
      %swap3A_2706 = arith.constant 80 : index
      %swap3A_2707 = tpu.vector_load %arg6[%swap3A_2705, %swap3A_2706] {strides = array<i32>} : memref<32x100xi32, #tpu.memory_space<vmem>>, vector<1x16xi32>,
      %swap3A_2708 = vector.shape_cast %swap3A_2707 : vector<1x16xi32> to vector<16xi32>
      %swap3A_2709 = vector.shape_cast %add3A_2703 : vector<16xi32> to vector<1x16xi32>
      tpu.vector_store %arg6[%swap3A_2705, %swap3A_2706], %swap3A_2709 {strides = array<i32>} : memref<32x100xi32, #tpu.memory_space<vmem>>, vector<1x16xi32>,
      %get3A_2710 = arith.constant 24 : i32
      %get3A_2711 = arith.index_cast %get3A_2710 : i32 to index
      %get3A_2712 = arith.constant 84 : index
      %get3A_2713 = tpu.vector_load %arg5[%get3A_2711, %get3A_2712] {strides = array<i32>} : memref<32x128xi32, #tpu.memory_space<vmem>>, vector<1x16xi32>,
      %get3A_2714 = vector.shape_cast %get3A_2713 : vector<1x16xi32> to vector<16xi32>
      %get3A_2715 = arith.constant 84 : index
      %get3A_2716 = tpu.vector_load %arg8[%get3A_2715] {strides = array<i32>} : memref<100xi32, #tpu.memory_space<vmem>>, vector<16xi32>,
      %get3A_2717 = vector.shape_cast %get3A_2716 : vector<16xi32> to vector<16xi32>
      %add3A_2718 = arith.addi %get3A_2714, %get3A_2717 : vector<16xi32>
      %swap3A_2719 = arith.constant 24 : i32
      %swap3A_2720 = arith.index_cast %swap3A_2719 : i32 to index
      %swap3A_2721 = arith.constant 84 : index
      %swap3A_2722 = tpu.vector_load %arg6[%swap3A_2720, %swap3A_2721] {strides = array<i32>} : memref<32x100xi32, #tpu.memory_space<vmem>>, vector<1x16xi32>,
      %swap3A_2723 = vector.shape_cast %swap3A_2722 : vector<1x16xi32> to vector<16xi32>
      %swap3A_2724 = vector.shape_cast %add3A_2718 : vector<16xi32> to vector<1x16xi32>
      tpu.vector_store %arg6[%swap3A_2720, %swap3A_2721], %swap3A_2724 {strides = array<i32>} : memref<32x100xi32, #tpu.memory_space<vmem>>, vector<1x16xi32>,
      %get3A_2725 = arith.constant 25 : i32
      %get3A_2726 = arith.index_cast %get3A_2725 : i32 to index
      %get3A_2727 = arith.constant 0 : index
      %get3A_2728 = tpu.vector_load %arg5[%get3A_2726, %get3A_2727] {strides = array<i32>} : memref<32x128xi32, #tpu.memory_space<vmem>>, vector<1x16xi32>,
      %get3A_2729 = vector.shape_cast %get3A_2728 : vector<1x16xi32> to vector<16xi32>
      %get3A_2730 = arith.constant 0 : index
      %get3A_2731 = tpu.vector_load %arg8[%get3A_2730] {strides = array<i32>} : memref<100xi32, #tpu.memory_space<vmem>>, vector<16xi32>,
      %get3A_2732 = vector.shape_cast %get3A_2731 : vector<16xi32> to vector<16xi32>
      %add3A_2733 = arith.addi %get3A_2729, %get3A_2732 : vector<16xi32>
      %swap3A_2734 = arith.constant 25 : i32
      %swap3A_2735 = arith.index_cast %swap3A_2734 : i32 to index
      %swap3A_2736 = arith.constant 0 : index
      %swap3A_2737 = tpu.vector_load %arg6[%swap3A_2735, %swap3A_2736] {strides = array<i32>} : memref<32x100xi32, #tpu.memory_space<vmem>>, vector<1x16xi32>,
      %swap3A_2738 = vector.shape_cast %swap3A_2737 : vector<1x16xi32> to vector<16xi32>
      %swap3A_2739 = vector.shape_cast %add3A_2733 : vector<16xi32> to vector<1x16xi32>
      tpu.vector_store %arg6[%swap3A_2735, %swap3A_2736], %swap3A_2739 {strides = array<i32>} : memref<32x100xi32, #tpu.memory_space<vmem>>, vector<1x16xi32>,
      %get3A_2740 = arith.constant 25 : i32
      %get3A_2741 = arith.index_cast %get3A_2740 : i32 to index
      %get3A_2742 = arith.constant 16 : index
      %get3A_2743 = tpu.vector_load %arg5[%get3A_2741, %get3A_2742] {strides = array<i32>} : memref<32x128xi32, #tpu.memory_space<vmem>>, vector<1x16xi32>,
      %get3A_2744 = vector.shape_cast %get3A_2743 : vector<1x16xi32> to vector<16xi32>
      %get3A_2745 = arith.constant 16 : index
      %get3A_2746 = tpu.vector_load %arg8[%get3A_2745] {strides = array<i32>} : memref<100xi32, #tpu.memory_space<vmem>>, vector<16xi32>,
      %get3A_2747 = vector.shape_cast %get3A_2746 : vector<16xi32> to vector<16xi32>
      %add3A_2748 = arith.addi %get3A_2744, %get3A_2747 : vector<16xi32>
      %swap3A_2749 = arith.constant 25 : i32
      %swap3A_2750 = arith.index_cast %swap3A_2749 : i32 to index
      %swap3A_2751 = arith.constant 16 : index
      %swap3A_2752 = tpu.vector_load %arg6[%swap3A_2750, %swap3A_2751] {strides = array<i32>} : memref<32x100xi32, #tpu.memory_space<vmem>>, vector<1x16xi32>,
      %swap3A_2753 = vector.shape_cast %swap3A_2752 : vector<1x16xi32> to vector<16xi32>
      %swap3A_2754 = vector.shape_cast %add3A_2748 : vector<16xi32> to vector<1x16xi32>
      tpu.vector_store %arg6[%swap3A_2750, %swap3A_2751], %swap3A_2754 {strides = array<i32>} : memref<32x100xi32, #tpu.memory_space<vmem>>, vector<1x16xi32>,
      %get3A_2755 = arith.constant 25 : i32
      %get3A_2756 = arith.index_cast %get3A_2755 : i32 to index
      %get3A_2757 = arith.constant 32 : index
      %get3A_2758 = tpu.vector_load %arg5[%get3A_2756, %get3A_2757] {strides = array<i32>} : memref<32x128xi32, #tpu.memory_space<vmem>>, vector<1x16xi32>,
      %get3A_2759 = vector.shape_cast %get3A_2758 : vector<1x16xi32> to vector<16xi32>
      %get3A_2760 = arith.constant 32 : index
      %get3A_2761 = tpu.vector_load %arg8[%get3A_2760] {strides = array<i32>} : memref<100xi32, #tpu.memory_space<vmem>>, vector<16xi32>,
      %get3A_2762 = vector.shape_cast %get3A_2761 : vector<16xi32> to vector<16xi32>
      %add3A_2763 = arith.addi %get3A_2759, %get3A_2762 : vector<16xi32>
      %swap3A_2764 = arith.constant 25 : i32
      %swap3A_2765 = arith.index_cast %swap3A_2764 : i32 to index
      %swap3A_2766 = arith.constant 32 : index
      %swap3A_2767 = tpu.vector_load %arg6[%swap3A_2765, %swap3A_2766] {strides = array<i32>} : memref<32x100xi32, #tpu.memory_space<vmem>>, vector<1x16xi32>,
      %swap3A_2768 = vector.shape_cast %swap3A_2767 : vector<1x16xi32> to vector<16xi32>
      %swap3A_2769 = vector.shape_cast %add3A_2763 : vector<16xi32> to vector<1x16xi32>
      tpu.vector_store %arg6[%swap3A_2765, %swap3A_2766], %swap3A_2769 {strides = array<i32>} : memref<32x100xi32, #tpu.memory_space<vmem>>, vector<1x16xi32>,
      %get3A_2770 = arith.constant 25 : i32
      %get3A_2771 = arith.index_cast %get3A_2770 : i32 to index
      %get3A_2772 = arith.constant 48 : index
      %get3A_2773 = tpu.vector_load %arg5[%get3A_2771, %get3A_2772] {strides = array<i32>} : memref<32x128xi32, #tpu.memory_space<vmem>>, vector<1x16xi32>,
      %get3A_2774 = vector.shape_cast %get3A_2773 : vector<1x16xi32> to vector<16xi32>
      %get3A_2775 = arith.constant 48 : index
      %get3A_2776 = tpu.vector_load %arg8[%get3A_2775] {strides = array<i32>} : memref<100xi32, #tpu.memory_space<vmem>>, vector<16xi32>,
      %get3A_2777 = vector.shape_cast %get3A_2776 : vector<16xi32> to vector<16xi32>
      %add3A_2778 = arith.addi %get3A_2774, %get3A_2777 : vector<16xi32>
      %swap3A_2779 = arith.constant 25 : i32
      %swap3A_2780 = arith.index_cast %swap3A_2779 : i32 to index
      %swap3A_2781 = arith.constant 48 : index
      %swap3A_2782 = tpu.vector_load %arg6[%swap3A_2780, %swap3A_2781] {strides = array<i32>} : memref<32x100xi32, #tpu.memory_space<vmem>>, vector<1x16xi32>,
      %swap3A_2783 = vector.shape_cast %swap3A_2782 : vector<1x16xi32> to vector<16xi32>
      %swap3A_2784 = vector.shape_cast %add3A_2778 : vector<16xi32> to vector<1x16xi32>
      tpu.vector_store %arg6[%swap3A_2780, %swap3A_2781], %swap3A_2784 {strides = array<i32>} : memref<32x100xi32, #tpu.memory_space<vmem>>, vector<1x16xi32>,
      %get3A_2785 = arith.constant 25 : i32
      %get3A_2786 = arith.index_cast %get3A_2785 : i32 to index
      %get3A_2787 = arith.constant 64 : index
      %get3A_2788 = tpu.vector_load %arg5[%get3A_2786, %get3A_2787] {strides = array<i32>} : memref<32x128xi32, #tpu.memory_space<vmem>>, vector<1x16xi32>,
      %get3A_2789 = vector.shape_cast %get3A_2788 : vector<1x16xi32> to vector<16xi32>
      %get3A_2790 = arith.constant 64 : index
      %get3A_2791 = tpu.vector_load %arg8[%get3A_2790] {strides = array<i32>} : memref<100xi32, #tpu.memory_space<vmem>>, vector<16xi32>,
      %get3A_2792 = vector.shape_cast %get3A_2791 : vector<16xi32> to vector<16xi32>
      %add3A_2793 = arith.addi %get3A_2789, %get3A_2792 : vector<16xi32>
      %swap3A_2794 = arith.constant 25 : i32
      %swap3A_2795 = arith.index_cast %swap3A_2794 : i32 to index
      %swap3A_2796 = arith.constant 64 : index
      %swap3A_2797 = tpu.vector_load %arg6[%swap3A_2795, %swap3A_2796] {strides = array<i32>} : memref<32x100xi32, #tpu.memory_space<vmem>>, vector<1x16xi32>,
      %swap3A_2798 = vector.shape_cast %swap3A_2797 : vector<1x16xi32> to vector<16xi32>
      %swap3A_2799 = vector.shape_cast %add3A_2793 : vector<16xi32> to vector<1x16xi32>
      tpu.vector_store %arg6[%swap3A_2795, %swap3A_2796], %swap3A_2799 {strides = array<i32>} : memref<32x100xi32, #tpu.memory_space<vmem>>, vector<1x16xi32>,
      %get3A_2800 = arith.constant 25 : i32
      %get3A_2801 = arith.index_cast %get3A_2800 : i32 to index
      %get3A_2802 = arith.constant 80 : index
      %get3A_2803 = tpu.vector_load %arg5[%get3A_2801, %get3A_2802] {strides = array<i32>} : memref<32x128xi32, #tpu.memory_space<vmem>>, vector<1x16xi32>,
      %get3A_2804 = vector.shape_cast %get3A_2803 : vector<1x16xi32> to vector<16xi32>
      %get3A_2805 = arith.constant 80 : index
      %get3A_2806 = tpu.vector_load %arg8[%get3A_2805] {strides = array<i32>} : memref<100xi32, #tpu.memory_space<vmem>>, vector<16xi32>,
      %get3A_2807 = vector.shape_cast %get3A_2806 : vector<16xi32> to vector<16xi32>
      %add3A_2808 = arith.addi %get3A_2804, %get3A_2807 : vector<16xi32>
      %swap3A_2809 = arith.constant 25 : i32
      %swap3A_2810 = arith.index_cast %swap3A_2809 : i32 to index
      %swap3A_2811 = arith.constant 80 : index
      %swap3A_2812 = tpu.vector_load %arg6[%swap3A_2810, %swap3A_2811] {strides = array<i32>} : memref<32x100xi32, #tpu.memory_space<vmem>>, vector<1x16xi32>,
      %swap3A_2813 = vector.shape_cast %swap3A_2812 : vector<1x16xi32> to vector<16xi32>
      %swap3A_2814 = vector.shape_cast %add3A_2808 : vector<16xi32> to vector<1x16xi32>
      tpu.vector_store %arg6[%swap3A_2810, %swap3A_2811], %swap3A_2814 {strides = array<i32>} : memref<32x100xi32, #tpu.memory_space<vmem>>, vector<1x16xi32>,
      %get3A_2815 = arith.constant 25 : i32
      %get3A_2816 = arith.index_cast %get3A_2815 : i32 to index
      %get3A_2817 = arith.constant 84 : index
      %get3A_2818 = tpu.vector_load %arg5[%get3A_2816, %get3A_2817] {strides = array<i32>} : memref<32x128xi32, #tpu.memory_space<vmem>>, vector<1x16xi32>,
      %get3A_2819 = vector.shape_cast %get3A_2818 : vector<1x16xi32> to vector<16xi32>
      %get3A_2820 = arith.constant 84 : index
      %get3A_2821 = tpu.vector_load %arg8[%get3A_2820] {strides = array<i32>} : memref<100xi32, #tpu.memory_space<vmem>>, vector<16xi32>,
      %get3A_2822 = vector.shape_cast %get3A_2821 : vector<16xi32> to vector<16xi32>
      %add3A_2823 = arith.addi %get3A_2819, %get3A_2822 : vector<16xi32>
      %swap3A_2824 = arith.constant 25 : i32
      %swap3A_2825 = arith.index_cast %swap3A_2824 : i32 to index
      %swap3A_2826 = arith.constant 84 : index
      %swap3A_2827 = tpu.vector_load %arg6[%swap3A_2825, %swap3A_2826] {strides = array<i32>} : memref<32x100xi32, #tpu.memory_space<vmem>>, vector<1x16xi32>,
      %swap3A_2828 = vector.shape_cast %swap3A_2827 : vector<1x16xi32> to vector<16xi32>
      %swap3A_2829 = vector.shape_cast %add3A_2823 : vector<16xi32> to vector<1x16xi32>
      tpu.vector_store %arg6[%swap3A_2825, %swap3A_2826], %swap3A_2829 {strides = array<i32>} : memref<32x100xi32, #tpu.memory_space<vmem>>, vector<1x16xi32>,
      %get3A_2830 = arith.constant 26 : i32
      %get3A_2831 = arith.index_cast %get3A_2830 : i32 to index
      %get3A_2832 = arith.constant 0 : index
      %get3A_2833 = tpu.vector_load %arg5[%get3A_2831, %get3A_2832] {strides = array<i32>} : memref<32x128xi32, #tpu.memory_space<vmem>>, vector<1x16xi32>,
      %get3A_2834 = vector.shape_cast %get3A_2833 : vector<1x16xi32> to vector<16xi32>
      %get3A_2835 = arith.constant 0 : index
      %get3A_2836 = tpu.vector_load %arg8[%get3A_2835] {strides = array<i32>} : memref<100xi32, #tpu.memory_space<vmem>>, vector<16xi32>,
      %get3A_2837 = vector.shape_cast %get3A_2836 : vector<16xi32> to vector<16xi32>
      %add3A_2838 = arith.addi %get3A_2834, %get3A_2837 : vector<16xi32>
      %swap3A_2839 = arith.constant 26 : i32
      %swap3A_2840 = arith.index_cast %swap3A_2839 : i32 to index
      %swap3A_2841 = arith.constant 0 : index
      %swap3A_2842 = tpu.vector_load %arg6[%swap3A_2840, %swap3A_2841] {strides = array<i32>} : memref<32x100xi32, #tpu.memory_space<vmem>>, vector<1x16xi32>,
      %swap3A_2843 = vector.shape_cast %swap3A_2842 : vector<1x16xi32> to vector<16xi32>
      %swap3A_2844 = vector.shape_cast %add3A_2838 : vector<16xi32> to vector<1x16xi32>
      tpu.vector_store %arg6[%swap3A_2840, %swap3A_2841], %swap3A_2844 {strides = array<i32>} : memref<32x100xi32, #tpu.memory_space<vmem>>, vector<1x16xi32>,
      %get3A_2845 = arith.constant 26 : i32
      %get3A_2846 = arith.index_cast %get3A_2845 : i32 to index
      %get3A_2847 = arith.constant 16 : index
      %get3A_2848 = tpu.vector_load %arg5[%get3A_2846, %get3A_2847] {strides = array<i32>} : memref<32x128xi32, #tpu.memory_space<vmem>>, vector<1x16xi32>,
      %get3A_2849 = vector.shape_cast %get3A_2848 : vector<1x16xi32> to vector<16xi32>
      %get3A_2850 = arith.constant 16 : index
      %get3A_2851 = tpu.vector_load %arg8[%get3A_2850] {strides = array<i32>} : memref<100xi32, #tpu.memory_space<vmem>>, vector<16xi32>,
      %get3A_2852 = vector.shape_cast %get3A_2851 : vector<16xi32> to vector<16xi32>
      %add3A_2853 = arith.addi %get3A_2849, %get3A_2852 : vector<16xi32>
      %swap3A_2854 = arith.constant 26 : i32
      %swap3A_2855 = arith.index_cast %swap3A_2854 : i32 to index
      %swap3A_2856 = arith.constant 16 : index
      %swap3A_2857 = tpu.vector_load %arg6[%swap3A_2855, %swap3A_2856] {strides = array<i32>} : memref<32x100xi32, #tpu.memory_space<vmem>>, vector<1x16xi32>,
      %swap3A_2858 = vector.shape_cast %swap3A_2857 : vector<1x16xi32> to vector<16xi32>
      %swap3A_2859 = vector.shape_cast %add3A_2853 : vector<16xi32> to vector<1x16xi32>
      tpu.vector_store %arg6[%swap3A_2855, %swap3A_2856], %swap3A_2859 {strides = array<i32>} : memref<32x100xi32, #tpu.memory_space<vmem>>, vector<1x16xi32>,
      %get3A_2860 = arith.constant 26 : i32
      %get3A_2861 = arith.index_cast %get3A_2860 : i32 to index
      %get3A_2862 = arith.constant 32 : index
      %get3A_2863 = tpu.vector_load %arg5[%get3A_2861, %get3A_2862] {strides = array<i32>} : memref<32x128xi32, #tpu.memory_space<vmem>>, vector<1x16xi32>,
      %get3A_2864 = vector.shape_cast %get3A_2863 : vector<1x16xi32> to vector<16xi32>
      %get3A_2865 = arith.constant 32 : index
      %get3A_2866 = tpu.vector_load %arg8[%get3A_2865] {strides = array<i32>} : memref<100xi32, #tpu.memory_space<vmem>>, vector<16xi32>,
      %get3A_2867 = vector.shape_cast %get3A_2866 : vector<16xi32> to vector<16xi32>
      %add3A_2868 = arith.addi %get3A_2864, %get3A_2867 : vector<16xi32>
      %swap3A_2869 = arith.constant 26 : i32
      %swap3A_2870 = arith.index_cast %swap3A_2869 : i32 to index
      %swap3A_2871 = arith.constant 32 : index
      %swap3A_2872 = tpu.vector_load %arg6[%swap3A_2870, %swap3A_2871] {strides = array<i32>} : memref<32x100xi32, #tpu.memory_space<vmem>>, vector<1x16xi32>,
      %swap3A_2873 = vector.shape_cast %swap3A_2872 : vector<1x16xi32> to vector<16xi32>
      %swap3A_2874 = vector.shape_cast %add3A_2868 : vector<16xi32> to vector<1x16xi32>
      tpu.vector_store %arg6[%swap3A_2870, %swap3A_2871], %swap3A_2874 {strides = array<i32>} : memref<32x100xi32, #tpu.memory_space<vmem>>, vector<1x16xi32>,
      %get3A_2875 = arith.constant 26 : i32
      %get3A_2876 = arith.index_cast %get3A_2875 : i32 to index
      %get3A_2877 = arith.constant 48 : index
      %get3A_2878 = tpu.vector_load %arg5[%get3A_2876, %get3A_2877] {strides = array<i32>} : memref<32x128xi32, #tpu.memory_space<vmem>>, vector<1x16xi32>,
      %get3A_2879 = vector.shape_cast %get3A_2878 : vector<1x16xi32> to vector<16xi32>
      %get3A_2880 = arith.constant 48 : index
      %get3A_2881 = tpu.vector_load %arg8[%get3A_2880] {strides = array<i32>} : memref<100xi32, #tpu.memory_space<vmem>>, vector<16xi32>,
      %get3A_2882 = vector.shape_cast %get3A_2881 : vector<16xi32> to vector<16xi32>
      %add3A_2883 = arith.addi %get3A_2879, %get3A_2882 : vector<16xi32>
      %swap3A_2884 = arith.constant 26 : i32
      %swap3A_2885 = arith.index_cast %swap3A_2884 : i32 to index
      %swap3A_2886 = arith.constant 48 : index
      %swap3A_2887 = tpu.vector_load %arg6[%swap3A_2885, %swap3A_2886] {strides = array<i32>} : memref<32x100xi32, #tpu.memory_space<vmem>>, vector<1x16xi32>,
      %swap3A_2888 = vector.shape_cast %swap3A_2887 : vector<1x16xi32> to vector<16xi32>
      %swap3A_2889 = vector.shape_cast %add3A_2883 : vector<16xi32> to vector<1x16xi32>
      tpu.vector_store %arg6[%swap3A_2885, %swap3A_2886], %swap3A_2889 {strides = array<i32>} : memref<32x100xi32, #tpu.memory_space<vmem>>, vector<1x16xi32>,
      %get3A_2890 = arith.constant 26 : i32
      %get3A_2891 = arith.index_cast %get3A_2890 : i32 to index
      %get3A_2892 = arith.constant 64 : index
      %get3A_2893 = tpu.vector_load %arg5[%get3A_2891, %get3A_2892] {strides = array<i32>} : memref<32x128xi32, #tpu.memory_space<vmem>>, vector<1x16xi32>,
      %get3A_2894 = vector.shape_cast %get3A_2893 : vector<1x16xi32> to vector<16xi32>
      %get3A_2895 = arith.constant 64 : index
      %get3A_2896 = tpu.vector_load %arg8[%get3A_2895] {strides = array<i32>} : memref<100xi32, #tpu.memory_space<vmem>>, vector<16xi32>,
      %get3A_2897 = vector.shape_cast %get3A_2896 : vector<16xi32> to vector<16xi32>
      %add3A_2898 = arith.addi %get3A_2894, %get3A_2897 : vector<16xi32>
      %swap3A_2899 = arith.constant 26 : i32
      %swap3A_2900 = arith.index_cast %swap3A_2899 : i32 to index
      %swap3A_2901 = arith.constant 64 : index
      %swap3A_2902 = tpu.vector_load %arg6[%swap3A_2900, %swap3A_2901] {strides = array<i32>} : memref<32x100xi32, #tpu.memory_space<vmem>>, vector<1x16xi32>,
      %swap3A_2903 = vector.shape_cast %swap3A_2902 : vector<1x16xi32> to vector<16xi32>
      %swap3A_2904 = vector.shape_cast %add3A_2898 : vector<16xi32> to vector<1x16xi32>
      tpu.vector_store %arg6[%swap3A_2900, %swap3A_2901], %swap3A_2904 {strides = array<i32>} : memref<32x100xi32, #tpu.memory_space<vmem>>, vector<1x16xi32>,
      %get3A_2905 = arith.constant 26 : i32
      %get3A_2906 = arith.index_cast %get3A_2905 : i32 to index
      %get3A_2907 = arith.constant 80 : index
      %get3A_2908 = tpu.vector_load %arg5[%get3A_2906, %get3A_2907] {strides = array<i32>} : memref<32x128xi32, #tpu.memory_space<vmem>>, vector<1x16xi32>,
      %get3A_2909 = vector.shape_cast %get3A_2908 : vector<1x16xi32> to vector<16xi32>
      %get3A_2910 = arith.constant 80 : index
      %get3A_2911 = tpu.vector_load %arg8[%get3A_2910] {strides = array<i32>} : memref<100xi32, #tpu.memory_space<vmem>>, vector<16xi32>,
      %get3A_2912 = vector.shape_cast %get3A_2911 : vector<16xi32> to vector<16xi32>
      %add3A_2913 = arith.addi %get3A_2909, %get3A_2912 : vector<16xi32>
      %swap3A_2914 = arith.constant 26 : i32
      %swap3A_2915 = arith.index_cast %swap3A_2914 : i32 to index
      %swap3A_2916 = arith.constant 80 : index
      %swap3A_2917 = tpu.vector_load %arg6[%swap3A_2915, %swap3A_2916] {strides = array<i32>} : memref<32x100xi32, #tpu.memory_space<vmem>>, vector<1x16xi32>,
      %swap3A_2918 = vector.shape_cast %swap3A_2917 : vector<1x16xi32> to vector<16xi32>
      %swap3A_2919 = vector.shape_cast %add3A_2913 : vector<16xi32> to vector<1x16xi32>
      tpu.vector_store %arg6[%swap3A_2915, %swap3A_2916], %swap3A_2919 {strides = array<i32>} : memref<32x100xi32, #tpu.memory_space<vmem>>, vector<1x16xi32>,
      %get3A_2920 = arith.constant 26 : i32
      %get3A_2921 = arith.index_cast %get3A_2920 : i32 to index
      %get3A_2922 = arith.constant 84 : index
      %get3A_2923 = tpu.vector_load %arg5[%get3A_2921, %get3A_2922] {strides = array<i32>} : memref<32x128xi32, #tpu.memory_space<vmem>>, vector<1x16xi32>,
      %get3A_2924 = vector.shape_cast %get3A_2923 : vector<1x16xi32> to vector<16xi32>
      %get3A_2925 = arith.constant 84 : index
      %get3A_2926 = tpu.vector_load %arg8[%get3A_2925] {strides = array<i32>} : memref<100xi32, #tpu.memory_space<vmem>>, vector<16xi32>,
      %get3A_2927 = vector.shape_cast %get3A_2926 : vector<16xi32> to vector<16xi32>
      %add3A_2928 = arith.addi %get3A_2924, %get3A_2927 : vector<16xi32>
      %swap3A_2929 = arith.constant 26 : i32
      %swap3A_2930 = arith.index_cast %swap3A_2929 : i32 to index
      %swap3A_2931 = arith.constant 84 : index
      %swap3A_2932 = tpu.vector_load %arg6[%swap3A_2930, %swap3A_2931] {strides = array<i32>} : memref<32x100xi32, #tpu.memory_space<vmem>>, vector<1x16xi32>,
      %swap3A_2933 = vector.shape_cast %swap3A_2932 : vector<1x16xi32> to vector<16xi32>
      %swap3A_2934 = vector.shape_cast %add3A_2928 : vector<16xi32> to vector<1x16xi32>
      tpu.vector_store %arg6[%swap3A_2930, %swap3A_2931], %swap3A_2934 {strides = array<i32>} : memref<32x100xi32, #tpu.memory_space<vmem>>, vector<1x16xi32>,
      %get3A_2935 = arith.constant 27 : i32
      %get3A_2936 = arith.index_cast %get3A_2935 : i32 to index
      %get3A_2937 = arith.constant 0 : index
      %get3A_2938 = tpu.vector_load %arg5[%get3A_2936, %get3A_2937] {strides = array<i32>} : memref<32x128xi32, #tpu.memory_space<vmem>>, vector<1x16xi32>,
      %get3A_2939 = vector.shape_cast %get3A_2938 : vector<1x16xi32> to vector<16xi32>
      %get3A_2940 = arith.constant 0 : index
      %get3A_2941 = tpu.vector_load %arg8[%get3A_2940] {strides = array<i32>} : memref<100xi32, #tpu.memory_space<vmem>>, vector<16xi32>,
      %get3A_2942 = vector.shape_cast %get3A_2941 : vector<16xi32> to vector<16xi32>
      %add3A_2943 = arith.addi %get3A_2939, %get3A_2942 : vector<16xi32>
      %swap3A_2944 = arith.constant 27 : i32
      %swap3A_2945 = arith.index_cast %swap3A_2944 : i32 to index
      %swap3A_2946 = arith.constant 0 : index
      %swap3A_2947 = tpu.vector_load %arg6[%swap3A_2945, %swap3A_2946] {strides = array<i32>} : memref<32x100xi32, #tpu.memory_space<vmem>>, vector<1x16xi32>,
      %swap3A_2948 = vector.shape_cast %swap3A_2947 : vector<1x16xi32> to vector<16xi32>
      %swap3A_2949 = vector.shape_cast %add3A_2943 : vector<16xi32> to vector<1x16xi32>
      tpu.vector_store %arg6[%swap3A_2945, %swap3A_2946], %swap3A_2949 {strides = array<i32>} : memref<32x100xi32, #tpu.memory_space<vmem>>, vector<1x16xi32>,
      %get3A_2950 = arith.constant 27 : i32
      %get3A_2951 = arith.index_cast %get3A_2950 : i32 to index
      %get3A_2952 = arith.constant 16 : index
      %get3A_2953 = tpu.vector_load %arg5[%get3A_2951, %get3A_2952] {strides = array<i32>} : memref<32x128xi32, #tpu.memory_space<vmem>>, vector<1x16xi32>,
      %get3A_2954 = vector.shape_cast %get3A_2953 : vector<1x16xi32> to vector<16xi32>
      %get3A_2955 = arith.constant 16 : index
      %get3A_2956 = tpu.vector_load %arg8[%get3A_2955] {strides = array<i32>} : memref<100xi32, #tpu.memory_space<vmem>>, vector<16xi32>,
      %get3A_2957 = vector.shape_cast %get3A_2956 : vector<16xi32> to vector<16xi32>
      %add3A_2958 = arith.addi %get3A_2954, %get3A_2957 : vector<16xi32>
      %swap3A_2959 = arith.constant 27 : i32
      %swap3A_2960 = arith.index_cast %swap3A_2959 : i32 to index
      %swap3A_2961 = arith.constant 16 : index
      %swap3A_2962 = tpu.vector_load %arg6[%swap3A_2960, %swap3A_2961] {strides = array<i32>} : memref<32x100xi32, #tpu.memory_space<vmem>>, vector<1x16xi32>,
      %swap3A_2963 = vector.shape_cast %swap3A_2962 : vector<1x16xi32> to vector<16xi32>
      %swap3A_2964 = vector.shape_cast %add3A_2958 : vector<16xi32> to vector<1x16xi32>
      tpu.vector_store %arg6[%swap3A_2960, %swap3A_2961], %swap3A_2964 {strides = array<i32>} : memref<32x100xi32, #tpu.memory_space<vmem>>, vector<1x16xi32>,
      %get3A_2965 = arith.constant 27 : i32
      %get3A_2966 = arith.index_cast %get3A_2965 : i32 to index
      %get3A_2967 = arith.constant 32 : index
      %get3A_2968 = tpu.vector_load %arg5[%get3A_2966, %get3A_2967] {strides = array<i32>} : memref<32x128xi32, #tpu.memory_space<vmem>>, vector<1x16xi32>,
      %get3A_2969 = vector.shape_cast %get3A_2968 : vector<1x16xi32> to vector<16xi32>
      %get3A_2970 = arith.constant 32 : index
      %get3A_2971 = tpu.vector_load %arg8[%get3A_2970] {strides = array<i32>} : memref<100xi32, #tpu.memory_space<vmem>>, vector<16xi32>,
      %get3A_2972 = vector.shape_cast %get3A_2971 : vector<16xi32> to vector<16xi32>
      %add3A_2973 = arith.addi %get3A_2969, %get3A_2972 : vector<16xi32>
      %swap3A_2974 = arith.constant 27 : i32
      %swap3A_2975 = arith.index_cast %swap3A_2974 : i32 to index
      %swap3A_2976 = arith.constant 32 : index
      %swap3A_2977 = tpu.vector_load %arg6[%swap3A_2975, %swap3A_2976] {strides = array<i32>} : memref<32x100xi32, #tpu.memory_space<vmem>>, vector<1x16xi32>,
      %swap3A_2978 = vector.shape_cast %swap3A_2977 : vector<1x16xi32> to vector<16xi32>
      %swap3A_2979 = vector.shape_cast %add3A_2973 : vector<16xi32> to vector<1x16xi32>
      tpu.vector_store %arg6[%swap3A_2975, %swap3A_2976], %swap3A_2979 {strides = array<i32>} : memref<32x100xi32, #tpu.memory_space<vmem>>, vector<1x16xi32>,
      %get3A_2980 = arith.constant 27 : i32
      %get3A_2981 = arith.index_cast %get3A_2980 : i32 to index
      %get3A_2982 = arith.constant 48 : index
      %get3A_2983 = tpu.vector_load %arg5[%get3A_2981, %get3A_2982] {strides = array<i32>} : memref<32x128xi32, #tpu.memory_space<vmem>>, vector<1x16xi32>,
      %get3A_2984 = vector.shape_cast %get3A_2983 : vector<1x16xi32> to vector<16xi32>
      %get3A_2985 = arith.constant 48 : index
      %get3A_2986 = tpu.vector_load %arg8[%get3A_2985] {strides = array<i32>} : memref<100xi32, #tpu.memory_space<vmem>>, vector<16xi32>,
      %get3A_2987 = vector.shape_cast %get3A_2986 : vector<16xi32> to vector<16xi32>
      %add3A_2988 = arith.addi %get3A_2984, %get3A_2987 : vector<16xi32>
      %swap3A_2989 = arith.constant 27 : i32
      %swap3A_2990 = arith.index_cast %swap3A_2989 : i32 to index
      %swap3A_2991 = arith.constant 48 : index
      %swap3A_2992 = tpu.vector_load %arg6[%swap3A_2990, %swap3A_2991] {strides = array<i32>} : memref<32x100xi32, #tpu.memory_space<vmem>>, vector<1x16xi32>,
      %swap3A_2993 = vector.shape_cast %swap3A_2992 : vector<1x16xi32> to vector<16xi32>
      %swap3A_2994 = vector.shape_cast %add3A_2988 : vector<16xi32> to vector<1x16xi32>
      tpu.vector_store %arg6[%swap3A_2990, %swap3A_2991], %swap3A_2994 {strides = array<i32>} : memref<32x100xi32, #tpu.memory_space<vmem>>, vector<1x16xi32>,
      %get3A_2995 = arith.constant 27 : i32
      %get3A_2996 = arith.index_cast %get3A_2995 : i32 to index
      %get3A_2997 = arith.constant 64 : index
      %get3A_2998 = tpu.vector_load %arg5[%get3A_2996, %get3A_2997] {strides = array<i32>} : memref<32x128xi32, #tpu.memory_space<vmem>>, vector<1x16xi32>,
      %get3A_2999 = vector.shape_cast %get3A_2998 : vector<1x16xi32> to vector<16xi32>
      %get3A_3000 = arith.constant 64 : index
      %get3A_3001 = tpu.vector_load %arg8[%get3A_3000] {strides = array<i32>} : memref<100xi32, #tpu.memory_space<vmem>>, vector<16xi32>,
      %get3A_3002 = vector.shape_cast %get3A_3001 : vector<16xi32> to vector<16xi32>
      %add3A_3003 = arith.addi %get3A_2999, %get3A_3002 : vector<16xi32>
      %swap3A_3004 = arith.constant 27 : i32
      %swap3A_3005 = arith.index_cast %swap3A_3004 : i32 to index
      %swap3A_3006 = arith.constant 64 : index
      %swap3A_3007 = tpu.vector_load %arg6[%swap3A_3005, %swap3A_3006] {strides = array<i32>} : memref<32x100xi32, #tpu.memory_space<vmem>>, vector<1x16xi32>,
      %swap3A_3008 = vector.shape_cast %swap3A_3007 : vector<1x16xi32> to vector<16xi32>
      %swap3A_3009 = vector.shape_cast %add3A_3003 : vector<16xi32> to vector<1x16xi32>
      tpu.vector_store %arg6[%swap3A_3005, %swap3A_3006], %swap3A_3009 {strides = array<i32>} : memref<32x100xi32, #tpu.memory_space<vmem>>, vector<1x16xi32>,
      %get3A_3010 = arith.constant 27 : i32
      %get3A_3011 = arith.index_cast %get3A_3010 : i32 to index
      %get3A_3012 = arith.constant 80 : index
      %get3A_3013 = tpu.vector_load %arg5[%get3A_3011, %get3A_3012] {strides = array<i32>} : memref<32x128xi32, #tpu.memory_space<vmem>>, vector<1x16xi32>,
      %get3A_3014 = vector.shape_cast %get3A_3013 : vector<1x16xi32> to vector<16xi32>
      %get3A_3015 = arith.constant 80 : index
      %get3A_3016 = tpu.vector_load %arg8[%get3A_3015] {strides = array<i32>} : memref<100xi32, #tpu.memory_space<vmem>>, vector<16xi32>,
      %get3A_3017 = vector.shape_cast %get3A_3016 : vector<16xi32> to vector<16xi32>
      %add3A_3018 = arith.addi %get3A_3014, %get3A_3017 : vector<16xi32>
      %swap3A_3019 = arith.constant 27 : i32
      %swap3A_3020 = arith.index_cast %swap3A_3019 : i32 to index
      %swap3A_3021 = arith.constant 80 : index
      %swap3A_3022 = tpu.vector_load %arg6[%swap3A_3020, %swap3A_3021] {strides = array<i32>} : memref<32x100xi32, #tpu.memory_space<vmem>>, vector<1x16xi32>,
      %swap3A_3023 = vector.shape_cast %swap3A_3022 : vector<1x16xi32> to vector<16xi32>
      %swap3A_3024 = vector.shape_cast %add3A_3018 : vector<16xi32> to vector<1x16xi32>
      tpu.vector_store %arg6[%swap3A_3020, %swap3A_3021], %swap3A_3024 {strides = array<i32>} : memref<32x100xi32, #tpu.memory_space<vmem>>, vector<1x16xi32>,
      %get3A_3025 = arith.constant 27 : i32
      %get3A_3026 = arith.index_cast %get3A_3025 : i32 to index
      %get3A_3027 = arith.constant 84 : index
      %get3A_3028 = tpu.vector_load %arg5[%get3A_3026, %get3A_3027] {strides = array<i32>} : memref<32x128xi32, #tpu.memory_space<vmem>>, vector<1x16xi32>,
      %get3A_3029 = vector.shape_cast %get3A_3028 : vector<1x16xi32> to vector<16xi32>
      %get3A_3030 = arith.constant 84 : index
      %get3A_3031 = tpu.vector_load %arg8[%get3A_3030] {strides = array<i32>} : memref<100xi32, #tpu.memory_space<vmem>>, vector<16xi32>,
      %get3A_3032 = vector.shape_cast %get3A_3031 : vector<16xi32> to vector<16xi32>
      %add3A_3033 = arith.addi %get3A_3029, %get3A_3032 : vector<16xi32>
      %swap3A_3034 = arith.constant 27 : i32
      %swap3A_3035 = arith.index_cast %swap3A_3034 : i32 to index
      %swap3A_3036 = arith.constant 84 : index
      %swap3A_3037 = tpu.vector_load %arg6[%swap3A_3035, %swap3A_3036] {strides = array<i32>} : memref<32x100xi32, #tpu.memory_space<vmem>>, vector<1x16xi32>,
      %swap3A_3038 = vector.shape_cast %swap3A_3037 : vector<1x16xi32> to vector<16xi32>
      %swap3A_3039 = vector.shape_cast %add3A_3033 : vector<16xi32> to vector<1x16xi32>
      tpu.vector_store %arg6[%swap3A_3035, %swap3A_3036], %swap3A_3039 {strides = array<i32>} : memref<32x100xi32, #tpu.memory_space<vmem>>, vector<1x16xi32>,
      %get3A_3040 = arith.constant 28 : i32
      %get3A_3041 = arith.index_cast %get3A_3040 : i32 to index
      %get3A_3042 = arith.constant 0 : index
      %get3A_3043 = tpu.vector_load %arg5[%get3A_3041, %get3A_3042] {strides = array<i32>} : memref<32x128xi32, #tpu.memory_space<vmem>>, vector<1x16xi32>,
      %get3A_3044 = vector.shape_cast %get3A_3043 : vector<1x16xi32> to vector<16xi32>
      %get3A_3045 = arith.constant 0 : index
      %get3A_3046 = tpu.vector_load %arg8[%get3A_3045] {strides = array<i32>} : memref<100xi32, #tpu.memory_space<vmem>>, vector<16xi32>,
      %get3A_3047 = vector.shape_cast %get3A_3046 : vector<16xi32> to vector<16xi32>
      %add3A_3048 = arith.addi %get3A_3044, %get3A_3047 : vector<16xi32>
      %swap3A_3049 = arith.constant 28 : i32
      %swap3A_3050 = arith.index_cast %swap3A_3049 : i32 to index
      %swap3A_3051 = arith.constant 0 : index
      %swap3A_3052 = tpu.vector_load %arg6[%swap3A_3050, %swap3A_3051] {strides = array<i32>} : memref<32x100xi32, #tpu.memory_space<vmem>>, vector<1x16xi32>,
      %swap3A_3053 = vector.shape_cast %swap3A_3052 : vector<1x16xi32> to vector<16xi32>
      %swap3A_3054 = vector.shape_cast %add3A_3048 : vector<16xi32> to vector<1x16xi32>
      tpu.vector_store %arg6[%swap3A_3050, %swap3A_3051], %swap3A_3054 {strides = array<i32>} : memref<32x100xi32, #tpu.memory_space<vmem>>, vector<1x16xi32>,
      %get3A_3055 = arith.constant 28 : i32
      %get3A_3056 = arith.index_cast %get3A_3055 : i32 to index
      %get3A_3057 = arith.constant 16 : index
      %get3A_3058 = tpu.vector_load %arg5[%get3A_3056, %get3A_3057] {strides = array<i32>} : memref<32x128xi32, #tpu.memory_space<vmem>>, vector<1x16xi32>,
      %get3A_3059 = vector.shape_cast %get3A_3058 : vector<1x16xi32> to vector<16xi32>
      %get3A_3060 = arith.constant 16 : index
      %get3A_3061 = tpu.vector_load %arg8[%get3A_3060] {strides = array<i32>} : memref<100xi32, #tpu.memory_space<vmem>>, vector<16xi32>,
      %get3A_3062 = vector.shape_cast %get3A_3061 : vector<16xi32> to vector<16xi32>
      %add3A_3063 = arith.addi %get3A_3059, %get3A_3062 : vector<16xi32>
      %swap3A_3064 = arith.constant 28 : i32
      %swap3A_3065 = arith.index_cast %swap3A_3064 : i32 to index
      %swap3A_3066 = arith.constant 16 : index
      %swap3A_3067 = tpu.vector_load %arg6[%swap3A_3065, %swap3A_3066] {strides = array<i32>} : memref<32x100xi32, #tpu.memory_space<vmem>>, vector<1x16xi32>,
      %swap3A_3068 = vector.shape_cast %swap3A_3067 : vector<1x16xi32> to vector<16xi32>
      %swap3A_3069 = vector.shape_cast %add3A_3063 : vector<16xi32> to vector<1x16xi32>
      tpu.vector_store %arg6[%swap3A_3065, %swap3A_3066], %swap3A_3069 {strides = array<i32>} : memref<32x100xi32, #tpu.memory_space<vmem>>, vector<1x16xi32>,
      %get3A_3070 = arith.constant 28 : i32
      %get3A_3071 = arith.index_cast %get3A_3070 : i32 to index
      %get3A_3072 = arith.constant 32 : index
      %get3A_3073 = tpu.vector_load %arg5[%get3A_3071, %get3A_3072] {strides = array<i32>} : memref<32x128xi32, #tpu.memory_space<vmem>>, vector<1x16xi32>,
      %get3A_3074 = vector.shape_cast %get3A_3073 : vector<1x16xi32> to vector<16xi32>
      %get3A_3075 = arith.constant 32 : index
      %get3A_3076 = tpu.vector_load %arg8[%get3A_3075] {strides = array<i32>} : memref<100xi32, #tpu.memory_space<vmem>>, vector<16xi32>,
      %get3A_3077 = vector.shape_cast %get3A_3076 : vector<16xi32> to vector<16xi32>
      %add3A_3078 = arith.addi %get3A_3074, %get3A_3077 : vector<16xi32>
      %swap3A_3079 = arith.constant 28 : i32
      %swap3A_3080 = arith.index_cast %swap3A_3079 : i32 to index
      %swap3A_3081 = arith.constant 32 : index
      %swap3A_3082 = tpu.vector_load %arg6[%swap3A_3080, %swap3A_3081] {strides = array<i32>} : memref<32x100xi32, #tpu.memory_space<vmem>>, vector<1x16xi32>,
      %swap3A_3083 = vector.shape_cast %swap3A_3082 : vector<1x16xi32> to vector<16xi32>
      %swap3A_3084 = vector.shape_cast %add3A_3078 : vector<16xi32> to vector<1x16xi32>
      tpu.vector_store %arg6[%swap3A_3080, %swap3A_3081], %swap3A_3084 {strides = array<i32>} : memref<32x100xi32, #tpu.memory_space<vmem>>, vector<1x16xi32>,
      %get3A_3085 = arith.constant 28 : i32
      %get3A_3086 = arith.index_cast %get3A_3085 : i32 to index
      %get3A_3087 = arith.constant 48 : index
      %get3A_3088 = tpu.vector_load %arg5[%get3A_3086, %get3A_3087] {strides = array<i32>} : memref<32x128xi32, #tpu.memory_space<vmem>>, vector<1x16xi32>,
      %get3A_3089 = vector.shape_cast %get3A_3088 : vector<1x16xi32> to vector<16xi32>
      %get3A_3090 = arith.constant 48 : index
      %get3A_3091 = tpu.vector_load %arg8[%get3A_3090] {strides = array<i32>} : memref<100xi32, #tpu.memory_space<vmem>>, vector<16xi32>,
      %get3A_3092 = vector.shape_cast %get3A_3091 : vector<16xi32> to vector<16xi32>
      %add3A_3093 = arith.addi %get3A_3089, %get3A_3092 : vector<16xi32>
      %swap3A_3094 = arith.constant 28 : i32
      %swap3A_3095 = arith.index_cast %swap3A_3094 : i32 to index
      %swap3A_3096 = arith.constant 48 : index
      %swap3A_3097 = tpu.vector_load %arg6[%swap3A_3095, %swap3A_3096] {strides = array<i32>} : memref<32x100xi32, #tpu.memory_space<vmem>>, vector<1x16xi32>,
      %swap3A_3098 = vector.shape_cast %swap3A_3097 : vector<1x16xi32> to vector<16xi32>
      %swap3A_3099 = vector.shape_cast %add3A_3093 : vector<16xi32> to vector<1x16xi32>
      tpu.vector_store %arg6[%swap3A_3095, %swap3A_3096], %swap3A_3099 {strides = array<i32>} : memref<32x100xi32, #tpu.memory_space<vmem>>, vector<1x16xi32>,
      %get3A_3100 = arith.constant 28 : i32
      %get3A_3101 = arith.index_cast %get3A_3100 : i32 to index
      %get3A_3102 = arith.constant 64 : index
      %get3A_3103 = tpu.vector_load %arg5[%get3A_3101, %get3A_3102] {strides = array<i32>} : memref<32x128xi32, #tpu.memory_space<vmem>>, vector<1x16xi32>,
      %get3A_3104 = vector.shape_cast %get3A_3103 : vector<1x16xi32> to vector<16xi32>
      %get3A_3105 = arith.constant 64 : index
      %get3A_3106 = tpu.vector_load %arg8[%get3A_3105] {strides = array<i32>} : memref<100xi32, #tpu.memory_space<vmem>>, vector<16xi32>,
      %get3A_3107 = vector.shape_cast %get3A_3106 : vector<16xi32> to vector<16xi32>
      %add3A_3108 = arith.addi %get3A_3104, %get3A_3107 : vector<16xi32>
      %swap3A_3109 = arith.constant 28 : i32
      %swap3A_3110 = arith.index_cast %swap3A_3109 : i32 to index
      %swap3A_3111 = arith.constant 64 : index
      %swap3A_3112 = tpu.vector_load %arg6[%swap3A_3110, %swap3A_3111] {strides = array<i32>} : memref<32x100xi32, #tpu.memory_space<vmem>>, vector<1x16xi32>,
      %swap3A_3113 = vector.shape_cast %swap3A_3112 : vector<1x16xi32> to vector<16xi32>
      %swap3A_3114 = vector.shape_cast %add3A_3108 : vector<16xi32> to vector<1x16xi32>
      tpu.vector_store %arg6[%swap3A_3110, %swap3A_3111], %swap3A_3114 {strides = array<i32>} : memref<32x100xi32, #tpu.memory_space<vmem>>, vector<1x16xi32>,
      %get3A_3115 = arith.constant 28 : i32
      %get3A_3116 = arith.index_cast %get3A_3115 : i32 to index
      %get3A_3117 = arith.constant 80 : index
      %get3A_3118 = tpu.vector_load %arg5[%get3A_3116, %get3A_3117] {strides = array<i32>} : memref<32x128xi32, #tpu.memory_space<vmem>>, vector<1x16xi32>,
      %get3A_3119 = vector.shape_cast %get3A_3118 : vector<1x16xi32> to vector<16xi32>
      %get3A_3120 = arith.constant 80 : index
      %get3A_3121 = tpu.vector_load %arg8[%get3A_3120] {strides = array<i32>} : memref<100xi32, #tpu.memory_space<vmem>>, vector<16xi32>,
      %get3A_3122 = vector.shape_cast %get3A_3121 : vector<16xi32> to vector<16xi32>
      %add3A_3123 = arith.addi %get3A_3119, %get3A_3122 : vector<16xi32>
      %swap3A_3124 = arith.constant 28 : i32
      %swap3A_3125 = arith.index_cast %swap3A_3124 : i32 to index
      %swap3A_3126 = arith.constant 80 : index
      %swap3A_3127 = tpu.vector_load %arg6[%swap3A_3125, %swap3A_3126] {strides = array<i32>} : memref<32x100xi32, #tpu.memory_space<vmem>>, vector<1x16xi32>,
      %swap3A_3128 = vector.shape_cast %swap3A_3127 : vector<1x16xi32> to vector<16xi32>
      %swap3A_3129 = vector.shape_cast %add3A_3123 : vector<16xi32> to vector<1x16xi32>
      tpu.vector_store %arg6[%swap3A_3125, %swap3A_3126], %swap3A_3129 {strides = array<i32>} : memref<32x100xi32, #tpu.memory_space<vmem>>, vector<1x16xi32>,
      %get3A_3130 = arith.constant 28 : i32
      %get3A_3131 = arith.index_cast %get3A_3130 : i32 to index
      %get3A_3132 = arith.constant 84 : index
      %get3A_3133 = tpu.vector_load %arg5[%get3A_3131, %get3A_3132] {strides = array<i32>} : memref<32x128xi32, #tpu.memory_space<vmem>>, vector<1x16xi32>,
      %get3A_3134 = vector.shape_cast %get3A_3133 : vector<1x16xi32> to vector<16xi32>
      %get3A_3135 = arith.constant 84 : index
      %get3A_3136 = tpu.vector_load %arg8[%get3A_3135] {strides = array<i32>} : memref<100xi32, #tpu.memory_space<vmem>>, vector<16xi32>,
      %get3A_3137 = vector.shape_cast %get3A_3136 : vector<16xi32> to vector<16xi32>
      %add3A_3138 = arith.addi %get3A_3134, %get3A_3137 : vector<16xi32>
      %swap3A_3139 = arith.constant 28 : i32
      %swap3A_3140 = arith.index_cast %swap3A_3139 : i32 to index
      %swap3A_3141 = arith.constant 84 : index
      %swap3A_3142 = tpu.vector_load %arg6[%swap3A_3140, %swap3A_3141] {strides = array<i32>} : memref<32x100xi32, #tpu.memory_space<vmem>>, vector<1x16xi32>,
      %swap3A_3143 = vector.shape_cast %swap3A_3142 : vector<1x16xi32> to vector<16xi32>
      %swap3A_3144 = vector.shape_cast %add3A_3138 : vector<16xi32> to vector<1x16xi32>
      tpu.vector_store %arg6[%swap3A_3140, %swap3A_3141], %swap3A_3144 {strides = array<i32>} : memref<32x100xi32, #tpu.memory_space<vmem>>, vector<1x16xi32>,
      %get3A_3145 = arith.constant 29 : i32
      %get3A_3146 = arith.index_cast %get3A_3145 : i32 to index
      %get3A_3147 = arith.constant 0 : index
      %get3A_3148 = tpu.vector_load %arg5[%get3A_3146, %get3A_3147] {strides = array<i32>} : memref<32x128xi32, #tpu.memory_space<vmem>>, vector<1x16xi32>,
      %get3A_3149 = vector.shape_cast %get3A_3148 : vector<1x16xi32> to vector<16xi32>
      %get3A_3150 = arith.constant 0 : index
      %get3A_3151 = tpu.vector_load %arg8[%get3A_3150] {strides = array<i32>} : memref<100xi32, #tpu.memory_space<vmem>>, vector<16xi32>,
      %get3A_3152 = vector.shape_cast %get3A_3151 : vector<16xi32> to vector<16xi32>
      %add3A_3153 = arith.addi %get3A_3149, %get3A_3152 : vector<16xi32>
      %swap3A_3154 = arith.constant 29 : i32
      %swap3A_3155 = arith.index_cast %swap3A_3154 : i32 to index
      %swap3A_3156 = arith.constant 0 : index
      %swap3A_3157 = tpu.vector_load %arg6[%swap3A_3155, %swap3A_3156] {strides = array<i32>} : memref<32x100xi32, #tpu.memory_space<vmem>>, vector<1x16xi32>,
      %swap3A_3158 = vector.shape_cast %swap3A_3157 : vector<1x16xi32> to vector<16xi32>
      %swap3A_3159 = vector.shape_cast %add3A_3153 : vector<16xi32> to vector<1x16xi32>
      tpu.vector_store %arg6[%swap3A_3155, %swap3A_3156], %swap3A_3159 {strides = array<i32>} : memref<32x100xi32, #tpu.memory_space<vmem>>, vector<1x16xi32>,
      %get3A_3160 = arith.constant 29 : i32
      %get3A_3161 = arith.index_cast %get3A_3160 : i32 to index
      %get3A_3162 = arith.constant 16 : index
      %get3A_3163 = tpu.vector_load %arg5[%get3A_3161, %get3A_3162] {strides = array<i32>} : memref<32x128xi32, #tpu.memory_space<vmem>>, vector<1x16xi32>,
      %get3A_3164 = vector.shape_cast %get3A_3163 : vector<1x16xi32> to vector<16xi32>
      %get3A_3165 = arith.constant 16 : index
      %get3A_3166 = tpu.vector_load %arg8[%get3A_3165] {strides = array<i32>} : memref<100xi32, #tpu.memory_space<vmem>>, vector<16xi32>,
      %get3A_3167 = vector.shape_cast %get3A_3166 : vector<16xi32> to vector<16xi32>
      %add3A_3168 = arith.addi %get3A_3164, %get3A_3167 : vector<16xi32>
      %swap3A_3169 = arith.constant 29 : i32
      %swap3A_3170 = arith.index_cast %swap3A_3169 : i32 to index
      %swap3A_3171 = arith.constant 16 : index
      %swap3A_3172 = tpu.vector_load %arg6[%swap3A_3170, %swap3A_3171] {strides = array<i32>} : memref<32x100xi32, #tpu.memory_space<vmem>>, vector<1x16xi32>,
      %swap3A_3173 = vector.shape_cast %swap3A_3172 : vector<1x16xi32> to vector<16xi32>
      %swap3A_3174 = vector.shape_cast %add3A_3168 : vector<16xi32> to vector<1x16xi32>
      tpu.vector_store %arg6[%swap3A_3170, %swap3A_3171], %swap3A_3174 {strides = array<i32>} : memref<32x100xi32, #tpu.memory_space<vmem>>, vector<1x16xi32>,
      %get3A_3175 = arith.constant 29 : i32
      %get3A_3176 = arith.index_cast %get3A_3175 : i32 to index
      %get3A_3177 = arith.constant 32 : index
      %get3A_3178 = tpu.vector_load %arg5[%get3A_3176, %get3A_3177] {strides = array<i32>} : memref<32x128xi32, #tpu.memory_space<vmem>>, vector<1x16xi32>,
      %get3A_3179 = vector.shape_cast %get3A_3178 : vector<1x16xi32> to vector<16xi32>
      %get3A_3180 = arith.constant 32 : index
      %get3A_3181 = tpu.vector_load %arg8[%get3A_3180] {strides = array<i32>} : memref<100xi32, #tpu.memory_space<vmem>>, vector<16xi32>,
      %get3A_3182 = vector.shape_cast %get3A_3181 : vector<16xi32> to vector<16xi32>
      %add3A_3183 = arith.addi %get3A_3179, %get3A_3182 : vector<16xi32>
      %swap3A_3184 = arith.constant 29 : i32
      %swap3A_3185 = arith.index_cast %swap3A_3184 : i32 to index
      %swap3A_3186 = arith.constant 32 : index
      %swap3A_3187 = tpu.vector_load %arg6[%swap3A_3185, %swap3A_3186] {strides = array<i32>} : memref<32x100xi32, #tpu.memory_space<vmem>>, vector<1x16xi32>,
      %swap3A_3188 = vector.shape_cast %swap3A_3187 : vector<1x16xi32> to vector<16xi32>
      %swap3A_3189 = vector.shape_cast %add3A_3183 : vector<16xi32> to vector<1x16xi32>
      tpu.vector_store %arg6[%swap3A_3185, %swap3A_3186], %swap3A_3189 {strides = array<i32>} : memref<32x100xi32, #tpu.memory_space<vmem>>, vector<1x16xi32>,
      %get3A_3190 = arith.constant 29 : i32
      %get3A_3191 = arith.index_cast %get3A_3190 : i32 to index
      %get3A_3192 = arith.constant 48 : index
      %get3A_3193 = tpu.vector_load %arg5[%get3A_3191, %get3A_3192] {strides = array<i32>} : memref<32x128xi32, #tpu.memory_space<vmem>>, vector<1x16xi32>,
      %get3A_3194 = vector.shape_cast %get3A_3193 : vector<1x16xi32> to vector<16xi32>
      %get3A_3195 = arith.constant 48 : index
      %get3A_3196 = tpu.vector_load %arg8[%get3A_3195] {strides = array<i32>} : memref<100xi32, #tpu.memory_space<vmem>>, vector<16xi32>,
      %get3A_3197 = vector.shape_cast %get3A_3196 : vector<16xi32> to vector<16xi32>
      %add3A_3198 = arith.addi %get3A_3194, %get3A_3197 : vector<16xi32>
      %swap3A_3199 = arith.constant 29 : i32
      %swap3A_3200 = arith.index_cast %swap3A_3199 : i32 to index
      %swap3A_3201 = arith.constant 48 : index
      %swap3A_3202 = tpu.vector_load %arg6[%swap3A_3200, %swap3A_3201] {strides = array<i32>} : memref<32x100xi32, #tpu.memory_space<vmem>>, vector<1x16xi32>,
      %swap3A_3203 = vector.shape_cast %swap3A_3202 : vector<1x16xi32> to vector<16xi32>
      %swap3A_3204 = vector.shape_cast %add3A_3198 : vector<16xi32> to vector<1x16xi32>
      tpu.vector_store %arg6[%swap3A_3200, %swap3A_3201], %swap3A_3204 {strides = array<i32>} : memref<32x100xi32, #tpu.memory_space<vmem>>, vector<1x16xi32>,
      %get3A_3205 = arith.constant 29 : i32
      %get3A_3206 = arith.index_cast %get3A_3205 : i32 to index
      %get3A_3207 = arith.constant 64 : index
      %get3A_3208 = tpu.vector_load %arg5[%get3A_3206, %get3A_3207] {strides = array<i32>} : memref<32x128xi32, #tpu.memory_space<vmem>>, vector<1x16xi32>,
      %get3A_3209 = vector.shape_cast %get3A_3208 : vector<1x16xi32> to vector<16xi32>
      %get3A_3210 = arith.constant 64 : index
      %get3A_3211 = tpu.vector_load %arg8[%get3A_3210] {strides = array<i32>} : memref<100xi32, #tpu.memory_space<vmem>>, vector<16xi32>,
      %get3A_3212 = vector.shape_cast %get3A_3211 : vector<16xi32> to vector<16xi32>
      %add3A_3213 = arith.addi %get3A_3209, %get3A_3212 : vector<16xi32>
      %swap3A_3214 = arith.constant 29 : i32
      %swap3A_3215 = arith.index_cast %swap3A_3214 : i32 to index
      %swap3A_3216 = arith.constant 64 : index
      %swap3A_3217 = tpu.vector_load %arg6[%swap3A_3215, %swap3A_3216] {strides = array<i32>} : memref<32x100xi32, #tpu.memory_space<vmem>>, vector<1x16xi32>,
      %swap3A_3218 = vector.shape_cast %swap3A_3217 : vector<1x16xi32> to vector<16xi32>
      %swap3A_3219 = vector.shape_cast %add3A_3213 : vector<16xi32> to vector<1x16xi32>
      tpu.vector_store %arg6[%swap3A_3215, %swap3A_3216], %swap3A_3219 {strides = array<i32>} : memref<32x100xi32, #tpu.memory_space<vmem>>, vector<1x16xi32>,
      %get3A_3220 = arith.constant 29 : i32
      %get3A_3221 = arith.index_cast %get3A_3220 : i32 to index
      %get3A_3222 = arith.constant 80 : index
      %get3A_3223 = tpu.vector_load %arg5[%get3A_3221, %get3A_3222] {strides = array<i32>} : memref<32x128xi32, #tpu.memory_space<vmem>>, vector<1x16xi32>,
      %get3A_3224 = vector.shape_cast %get3A_3223 : vector<1x16xi32> to vector<16xi32>
      %get3A_3225 = arith.constant 80 : index
      %get3A_3226 = tpu.vector_load %arg8[%get3A_3225] {strides = array<i32>} : memref<100xi32, #tpu.memory_space<vmem>>, vector<16xi32>,
      %get3A_3227 = vector.shape_cast %get3A_3226 : vector<16xi32> to vector<16xi32>
      %add3A_3228 = arith.addi %get3A_3224, %get3A_3227 : vector<16xi32>
      %swap3A_3229 = arith.constant 29 : i32
      %swap3A_3230 = arith.index_cast %swap3A_3229 : i32 to index
      %swap3A_3231 = arith.constant 80 : index
      %swap3A_3232 = tpu.vector_load %arg6[%swap3A_3230, %swap3A_3231] {strides = array<i32>} : memref<32x100xi32, #tpu.memory_space<vmem>>, vector<1x16xi32>,
      %swap3A_3233 = vector.shape_cast %swap3A_3232 : vector<1x16xi32> to vector<16xi32>
      %swap3A_3234 = vector.shape_cast %add3A_3228 : vector<16xi32> to vector<1x16xi32>
      tpu.vector_store %arg6[%swap3A_3230, %swap3A_3231], %swap3A_3234 {strides = array<i32>} : memref<32x100xi32, #tpu.memory_space<vmem>>, vector<1x16xi32>,
      %get3A_3235 = arith.constant 29 : i32
      %get3A_3236 = arith.index_cast %get3A_3235 : i32 to index
      %get3A_3237 = arith.constant 84 : index
      %get3A_3238 = tpu.vector_load %arg5[%get3A_3236, %get3A_3237] {strides = array<i32>} : memref<32x128xi32, #tpu.memory_space<vmem>>, vector<1x16xi32>,
      %get3A_3239 = vector.shape_cast %get3A_3238 : vector<1x16xi32> to vector<16xi32>
      %get3A_3240 = arith.constant 84 : index
      %get3A_3241 = tpu.vector_load %arg8[%get3A_3240] {strides = array<i32>} : memref<100xi32, #tpu.memory_space<vmem>>, vector<16xi32>,
      %get3A_3242 = vector.shape_cast %get3A_3241 : vector<16xi32> to vector<16xi32>
      %add3A_3243 = arith.addi %get3A_3239, %get3A_3242 : vector<16xi32>
      %swap3A_3244 = arith.constant 29 : i32
      %swap3A_3245 = arith.index_cast %swap3A_3244 : i32 to index
      %swap3A_3246 = arith.constant 84 : index
      %swap3A_3247 = tpu.vector_load %arg6[%swap3A_3245, %swap3A_3246] {strides = array<i32>} : memref<32x100xi32, #tpu.memory_space<vmem>>, vector<1x16xi32>,
      %swap3A_3248 = vector.shape_cast %swap3A_3247 : vector<1x16xi32> to vector<16xi32>
      %swap3A_3249 = vector.shape_cast %add3A_3243 : vector<16xi32> to vector<1x16xi32>
      tpu.vector_store %arg6[%swap3A_3245, %swap3A_3246], %swap3A_3249 {strides = array<i32>} : memref<32x100xi32, #tpu.memory_space<vmem>>, vector<1x16xi32>,
      %get3A_3250 = arith.constant 30 : i32
      %get3A_3251 = arith.index_cast %get3A_3250 : i32 to index
      %get3A_3252 = arith.constant 0 : index
      %get3A_3253 = tpu.vector_load %arg5[%get3A_3251, %get3A_3252] {strides = array<i32>} : memref<32x128xi32, #tpu.memory_space<vmem>>, vector<1x16xi32>,
      %get3A_3254 = vector.shape_cast %get3A_3253 : vector<1x16xi32> to vector<16xi32>
      %get3A_3255 = arith.constant 0 : index
      %get3A_3256 = tpu.vector_load %arg8[%get3A_3255] {strides = array<i32>} : memref<100xi32, #tpu.memory_space<vmem>>, vector<16xi32>,
      %get3A_3257 = vector.shape_cast %get3A_3256 : vector<16xi32> to vector<16xi32>
      %add3A_3258 = arith.addi %get3A_3254, %get3A_3257 : vector<16xi32>
      %swap3A_3259 = arith.constant 30 : i32
      %swap3A_3260 = arith.index_cast %swap3A_3259 : i32 to index
      %swap3A_3261 = arith.constant 0 : index
      %swap3A_3262 = tpu.vector_load %arg6[%swap3A_3260, %swap3A_3261] {strides = array<i32>} : memref<32x100xi32, #tpu.memory_space<vmem>>, vector<1x16xi32>,
      %swap3A_3263 = vector.shape_cast %swap3A_3262 : vector<1x16xi32> to vector<16xi32>
      %swap3A_3264 = vector.shape_cast %add3A_3258 : vector<16xi32> to vector<1x16xi32>
      tpu.vector_store %arg6[%swap3A_3260, %swap3A_3261], %swap3A_3264 {strides = array<i32>} : memref<32x100xi32, #tpu.memory_space<vmem>>, vector<1x16xi32>,
      %get3A_3265 = arith.constant 30 : i32
      %get3A_3266 = arith.index_cast %get3A_3265 : i32 to index
      %get3A_3267 = arith.constant 16 : index
      %get3A_3268 = tpu.vector_load %arg5[%get3A_3266, %get3A_3267] {strides = array<i32>} : memref<32x128xi32, #tpu.memory_space<vmem>>, vector<1x16xi32>,
      %get3A_3269 = vector.shape_cast %get3A_3268 : vector<1x16xi32> to vector<16xi32>
      %get3A_3270 = arith.constant 16 : index
      %get3A_3271 = tpu.vector_load %arg8[%get3A_3270] {strides = array<i32>} : memref<100xi32, #tpu.memory_space<vmem>>, vector<16xi32>,
      %get3A_3272 = vector.shape_cast %get3A_3271 : vector<16xi32> to vector<16xi32>
      %add3A_3273 = arith.addi %get3A_3269, %get3A_3272 : vector<16xi32>
      %swap3A_3274 = arith.constant 30 : i32
      %swap3A_3275 = arith.index_cast %swap3A_3274 : i32 to index
      %swap3A_3276 = arith.constant 16 : index
      %swap3A_3277 = tpu.vector_load %arg6[%swap3A_3275, %swap3A_3276] {strides = array<i32>} : memref<32x100xi32, #tpu.memory_space<vmem>>, vector<1x16xi32>,
      %swap3A_3278 = vector.shape_cast %swap3A_3277 : vector<1x16xi32> to vector<16xi32>
      %swap3A_3279 = vector.shape_cast %add3A_3273 : vector<16xi32> to vector<1x16xi32>
      tpu.vector_store %arg6[%swap3A_3275, %swap3A_3276], %swap3A_3279 {strides = array<i32>} : memref<32x100xi32, #tpu.memory_space<vmem>>, vector<1x16xi32>,
      %get3A_3280 = arith.constant 30 : i32
      %get3A_3281 = arith.index_cast %get3A_3280 : i32 to index
      %get3A_3282 = arith.constant 32 : index
      %get3A_3283 = tpu.vector_load %arg5[%get3A_3281, %get3A_3282] {strides = array<i32>} : memref<32x128xi32, #tpu.memory_space<vmem>>, vector<1x16xi32>,
      %get3A_3284 = vector.shape_cast %get3A_3283 : vector<1x16xi32> to vector<16xi32>
      %get3A_3285 = arith.constant 32 : index
      %get3A_3286 = tpu.vector_load %arg8[%get3A_3285] {strides = array<i32>} : memref<100xi32, #tpu.memory_space<vmem>>, vector<16xi32>,
      %get3A_3287 = vector.shape_cast %get3A_3286 : vector<16xi32> to vector<16xi32>
      %add3A_3288 = arith.addi %get3A_3284, %get3A_3287 : vector<16xi32>
      %swap3A_3289 = arith.constant 30 : i32
      %swap3A_3290 = arith.index_cast %swap3A_3289 : i32 to index
      %swap3A_3291 = arith.constant 32 : index
      %swap3A_3292 = tpu.vector_load %arg6[%swap3A_3290, %swap3A_3291] {strides = array<i32>} : memref<32x100xi32, #tpu.memory_space<vmem>>, vector<1x16xi32>,
      %swap3A_3293 = vector.shape_cast %swap3A_3292 : vector<1x16xi32> to vector<16xi32>
      %swap3A_3294 = vector.shape_cast %add3A_3288 : vector<16xi32> to vector<1x16xi32>
      tpu.vector_store %arg6[%swap3A_3290, %swap3A_3291], %swap3A_3294 {strides = array<i32>} : memref<32x100xi32, #tpu.memory_space<vmem>>, vector<1x16xi32>,
      %get3A_3295 = arith.constant 30 : i32
      %get3A_3296 = arith.index_cast %get3A_3295 : i32 to index
      %get3A_3297 = arith.constant 48 : index
      %get3A_3298 = tpu.vector_load %arg5[%get3A_3296, %get3A_3297] {strides = array<i32>} : memref<32x128xi32, #tpu.memory_space<vmem>>, vector<1x16xi32>,
      %get3A_3299 = vector.shape_cast %get3A_3298 : vector<1x16xi32> to vector<16xi32>
      %get3A_3300 = arith.constant 48 : index
      %get3A_3301 = tpu.vector_load %arg8[%get3A_3300] {strides = array<i32>} : memref<100xi32, #tpu.memory_space<vmem>>, vector<16xi32>,
      %get3A_3302 = vector.shape_cast %get3A_3301 : vector<16xi32> to vector<16xi32>
      %add3A_3303 = arith.addi %get3A_3299, %get3A_3302 : vector<16xi32>
      %swap3A_3304 = arith.constant 30 : i32
      %swap3A_3305 = arith.index_cast %swap3A_3304 : i32 to index
      %swap3A_3306 = arith.constant 48 : index
      %swap3A_3307 = tpu.vector_load %arg6[%swap3A_3305, %swap3A_3306] {strides = array<i32>} : memref<32x100xi32, #tpu.memory_space<vmem>>, vector<1x16xi32>,
      %swap3A_3308 = vector.shape_cast %swap3A_3307 : vector<1x16xi32> to vector<16xi32>
      %swap3A_3309 = vector.shape_cast %add3A_3303 : vector<16xi32> to vector<1x16xi32>
      tpu.vector_store %arg6[%swap3A_3305, %swap3A_3306], %swap3A_3309 {strides = array<i32>} : memref<32x100xi32, #tpu.memory_space<vmem>>, vector<1x16xi32>,
      %get3A_3310 = arith.constant 30 : i32
      %get3A_3311 = arith.index_cast %get3A_3310 : i32 to index
      %get3A_3312 = arith.constant 64 : index
      %get3A_3313 = tpu.vector_load %arg5[%get3A_3311, %get3A_3312] {strides = array<i32>} : memref<32x128xi32, #tpu.memory_space<vmem>>, vector<1x16xi32>,
      %get3A_3314 = vector.shape_cast %get3A_3313 : vector<1x16xi32> to vector<16xi32>
      %get3A_3315 = arith.constant 64 : index
      %get3A_3316 = tpu.vector_load %arg8[%get3A_3315] {strides = array<i32>} : memref<100xi32, #tpu.memory_space<vmem>>, vector<16xi32>,
      %get3A_3317 = vector.shape_cast %get3A_3316 : vector<16xi32> to vector<16xi32>
      %add3A_3318 = arith.addi %get3A_3314, %get3A_3317 : vector<16xi32>
      %swap3A_3319 = arith.constant 30 : i32
      %swap3A_3320 = arith.index_cast %swap3A_3319 : i32 to index
      %swap3A_3321 = arith.constant 64 : index
      %swap3A_3322 = tpu.vector_load %arg6[%swap3A_3320, %swap3A_3321] {strides = array<i32>} : memref<32x100xi32, #tpu.memory_space<vmem>>, vector<1x16xi32>,
      %swap3A_3323 = vector.shape_cast %swap3A_3322 : vector<1x16xi32> to vector<16xi32>
      %swap3A_3324 = vector.shape_cast %add3A_3318 : vector<16xi32> to vector<1x16xi32>
      tpu.vector_store %arg6[%swap3A_3320, %swap3A_3321], %swap3A_3324 {strides = array<i32>} : memref<32x100xi32, #tpu.memory_space<vmem>>, vector<1x16xi32>,
      %get3A_3325 = arith.constant 30 : i32
      %get3A_3326 = arith.index_cast %get3A_3325 : i32 to index
      %get3A_3327 = arith.constant 80 : index
      %get3A_3328 = tpu.vector_load %arg5[%get3A_3326, %get3A_3327] {strides = array<i32>} : memref<32x128xi32, #tpu.memory_space<vmem>>, vector<1x16xi32>,
      %get3A_3329 = vector.shape_cast %get3A_3328 : vector<1x16xi32> to vector<16xi32>
      %get3A_3330 = arith.constant 80 : index
      %get3A_3331 = tpu.vector_load %arg8[%get3A_3330] {strides = array<i32>} : memref<100xi32, #tpu.memory_space<vmem>>, vector<16xi32>,
      %get3A_3332 = vector.shape_cast %get3A_3331 : vector<16xi32> to vector<16xi32>
      %add3A_3333 = arith.addi %get3A_3329, %get3A_3332 : vector<16xi32>
      %swap3A_3334 = arith.constant 30 : i32
      %swap3A_3335 = arith.index_cast %swap3A_3334 : i32 to index
      %swap3A_3336 = arith.constant 80 : index
      %swap3A_3337 = tpu.vector_load %arg6[%swap3A_3335, %swap3A_3336] {strides = array<i32>} : memref<32x100xi32, #tpu.memory_space<vmem>>, vector<1x16xi32>,
      %swap3A_3338 = vector.shape_cast %swap3A_3337 : vector<1x16xi32> to vector<16xi32>
      %swap3A_3339 = vector.shape_cast %add3A_3333 : vector<16xi32> to vector<1x16xi32>
      tpu.vector_store %arg6[%swap3A_3335, %swap3A_3336], %swap3A_3339 {strides = array<i32>} : memref<32x100xi32, #tpu.memory_space<vmem>>, vector<1x16xi32>,
      %get3A_3340 = arith.constant 30 : i32
      %get3A_3341 = arith.index_cast %get3A_3340 : i32 to index
      %get3A_3342 = arith.constant 84 : index
      %get3A_3343 = tpu.vector_load %arg5[%get3A_3341, %get3A_3342] {strides = array<i32>} : memref<32x128xi32, #tpu.memory_space<vmem>>, vector<1x16xi32>,
      %get3A_3344 = vector.shape_cast %get3A_3343 : vector<1x16xi32> to vector<16xi32>
      %get3A_3345 = arith.constant 84 : index
      %get3A_3346 = tpu.vector_load %arg8[%get3A_3345] {strides = array<i32>} : memref<100xi32, #tpu.memory_space<vmem>>, vector<16xi32>,
      %get3A_3347 = vector.shape_cast %get3A_3346 : vector<16xi32> to vector<16xi32>
      %add3A_3348 = arith.addi %get3A_3344, %get3A_3347 : vector<16xi32>
      %swap3A_3349 = arith.constant 30 : i32
      %swap3A_3350 = arith.index_cast %swap3A_3349 : i32 to index
      %swap3A_3351 = arith.constant 84 : index
      %swap3A_3352 = tpu.vector_load %arg6[%swap3A_3350, %swap3A_3351] {strides = array<i32>} : memref<32x100xi32, #tpu.memory_space<vmem>>, vector<1x16xi32>,
      %swap3A_3353 = vector.shape_cast %swap3A_3352 : vector<1x16xi32> to vector<16xi32>
      %swap3A_3354 = vector.shape_cast %add3A_3348 : vector<16xi32> to vector<1x16xi32>
      tpu.vector_store %arg6[%swap3A_3350, %swap3A_3351], %swap3A_3354 {strides = array<i32>} : memref<32x100xi32, #tpu.memory_space<vmem>>, vector<1x16xi32>,
      %get3A_3355 = arith.constant 31 : i32
      %get3A_3356 = arith.index_cast %get3A_3355 : i32 to index
      %get3A_3357 = arith.constant 0 : index
      %get3A_3358 = tpu.vector_load %arg5[%get3A_3356, %get3A_3357] {strides = array<i32>} : memref<32x128xi32, #tpu.memory_space<vmem>>, vector<1x16xi32>,
      %get3A_3359 = vector.shape_cast %get3A_3358 : vector<1x16xi32> to vector<16xi32>
      %get3A_3360 = arith.constant 0 : index
      %get3A_3361 = tpu.vector_load %arg8[%get3A_3360] {strides = array<i32>} : memref<100xi32, #tpu.memory_space<vmem>>, vector<16xi32>,
      %get3A_3362 = vector.shape_cast %get3A_3361 : vector<16xi32> to vector<16xi32>
      %add3A_3363 = arith.addi %get3A_3359, %get3A_3362 : vector<16xi32>
      %swap3A_3364 = arith.constant 31 : i32
      %swap3A_3365 = arith.index_cast %swap3A_3364 : i32 to index
      %swap3A_3366 = arith.constant 0 : index
      %swap3A_3367 = tpu.vector_load %arg6[%swap3A_3365, %swap3A_3366] {strides = array<i32>} : memref<32x100xi32, #tpu.memory_space<vmem>>, vector<1x16xi32>,
      %swap3A_3368 = vector.shape_cast %swap3A_3367 : vector<1x16xi32> to vector<16xi32>
      %swap3A_3369 = vector.shape_cast %add3A_3363 : vector<16xi32> to vector<1x16xi32>
      tpu.vector_store %arg6[%swap3A_3365, %swap3A_3366], %swap3A_3369 {strides = array<i32>} : memref<32x100xi32, #tpu.memory_space<vmem>>, vector<1x16xi32>,
      %get3A_3370 = arith.constant 31 : i32
      %get3A_3371 = arith.index_cast %get3A_3370 : i32 to index
      %get3A_3372 = arith.constant 16 : index
      %get3A_3373 = tpu.vector_load %arg5[%get3A_3371, %get3A_3372] {strides = array<i32>} : memref<32x128xi32, #tpu.memory_space<vmem>>, vector<1x16xi32>,
      %get3A_3374 = vector.shape_cast %get3A_3373 : vector<1x16xi32> to vector<16xi32>
      %get3A_3375 = arith.constant 16 : index
      %get3A_3376 = tpu.vector_load %arg8[%get3A_3375] {strides = array<i32>} : memref<100xi32, #tpu.memory_space<vmem>>, vector<16xi32>,
      %get3A_3377 = vector.shape_cast %get3A_3376 : vector<16xi32> to vector<16xi32>
      %add3A_3378 = arith.addi %get3A_3374, %get3A_3377 : vector<16xi32>
      %swap3A_3379 = arith.constant 31 : i32
      %swap3A_3380 = arith.index_cast %swap3A_3379 : i32 to index
      %swap3A_3381 = arith.constant 16 : index
      %swap3A_3382 = tpu.vector_load %arg6[%swap3A_3380, %swap3A_3381] {strides = array<i32>} : memref<32x100xi32, #tpu.memory_space<vmem>>, vector<1x16xi32>,
      %swap3A_3383 = vector.shape_cast %swap3A_3382 : vector<1x16xi32> to vector<16xi32>
      %swap3A_3384 = vector.shape_cast %add3A_3378 : vector<16xi32> to vector<1x16xi32>
      tpu.vector_store %arg6[%swap3A_3380, %swap3A_3381], %swap3A_3384 {strides = array<i32>} : memref<32x100xi32, #tpu.memory_space<vmem>>, vector<1x16xi32>,
      %get3A_3385 = arith.constant 31 : i32
      %get3A_3386 = arith.index_cast %get3A_3385 : i32 to index
      %get3A_3387 = arith.constant 32 : index
      %get3A_3388 = tpu.vector_load %arg5[%get3A_3386, %get3A_3387] {strides = array<i32>} : memref<32x128xi32, #tpu.memory_space<vmem>>, vector<1x16xi32>,
      %get3A_3389 = vector.shape_cast %get3A_3388 : vector<1x16xi32> to vector<16xi32>
      %get3A_3390 = arith.constant 32 : index
      %get3A_3391 = tpu.vector_load %arg8[%get3A_3390] {strides = array<i32>} : memref<100xi32, #tpu.memory_space<vmem>>, vector<16xi32>,
      %get3A_3392 = vector.shape_cast %get3A_3391 : vector<16xi32> to vector<16xi32>
      %add3A_3393 = arith.addi %get3A_3389, %get3A_3392 : vector<16xi32>
      %swap3A_3394 = arith.constant 31 : i32
      %swap3A_3395 = arith.index_cast %swap3A_3394 : i32 to index
      %swap3A_3396 = arith.constant 32 : index
      %swap3A_3397 = tpu.vector_load %arg6[%swap3A_3395, %swap3A_3396] {strides = array<i32>} : memref<32x100xi32, #tpu.memory_space<vmem>>, vector<1x16xi32>,
      %swap3A_3398 = vector.shape_cast %swap3A_3397 : vector<1x16xi32> to vector<16xi32>
      %swap3A_3399 = vector.shape_cast %add3A_3393 : vector<16xi32> to vector<1x16xi32>
      tpu.vector_store %arg6[%swap3A_3395, %swap3A_3396], %swap3A_3399 {strides = array<i32>} : memref<32x100xi32, #tpu.memory_space<vmem>>, vector<1x16xi32>,
      %get3A_3400 = arith.constant 31 : i32
      %get3A_3401 = arith.index_cast %get3A_3400 : i32 to index
      %get3A_3402 = arith.constant 48 : index
      %get3A_3403 = tpu.vector_load %arg5[%get3A_3401, %get3A_3402] {strides = array<i32>} : memref<32x128xi32, #tpu.memory_space<vmem>>, vector<1x16xi32>,
      %get3A_3404 = vector.shape_cast %get3A_3403 : vector<1x16xi32> to vector<16xi32>
      %get3A_3405 = arith.constant 48 : index
      %get3A_3406 = tpu.vector_load %arg8[%get3A_3405] {strides = array<i32>} : memref<100xi32, #tpu.memory_space<vmem>>, vector<16xi32>,
      %get3A_3407 = vector.shape_cast %get3A_3406 : vector<16xi32> to vector<16xi32>
      %add3A_3408 = arith.addi %get3A_3404, %get3A_3407 : vector<16xi32>
      %swap3A_3409 = arith.constant 31 : i32
      %swap3A_3410 = arith.index_cast %swap3A_3409 : i32 to index
      %swap3A_3411 = arith.constant 48 : index
      %swap3A_3412 = tpu.vector_load %arg6[%swap3A_3410, %swap3A_3411] {strides = array<i32>} : memref<32x100xi32, #tpu.memory_space<vmem>>, vector<1x16xi32>,
      %swap3A_3413 = vector.shape_cast %swap3A_3412 : vector<1x16xi32> to vector<16xi32>
      %swap3A_3414 = vector.shape_cast %add3A_3408 : vector<16xi32> to vector<1x16xi32>
      tpu.vector_store %arg6[%swap3A_3410, %swap3A_3411], %swap3A_3414 {strides = array<i32>} : memref<32x100xi32, #tpu.memory_space<vmem>>, vector<1x16xi32>,
      %get3A_3415 = arith.constant 31 : i32
      %get3A_3416 = arith.index_cast %get3A_3415 : i32 to index
      %get3A_3417 = arith.constant 64 : index
      %get3A_3418 = tpu.vector_load %arg5[%get3A_3416, %get3A_3417] {strides = array<i32>} : memref<32x128xi32, #tpu.memory_space<vmem>>, vector<1x16xi32>,
      %get3A_3419 = vector.shape_cast %get3A_3418 : vector<1x16xi32> to vector<16xi32>
      %get3A_3420 = arith.constant 64 : index
      %get3A_3421 = tpu.vector_load %arg8[%get3A_3420] {strides = array<i32>} : memref<100xi32, #tpu.memory_space<vmem>>, vector<16xi32>,
      %get3A_3422 = vector.shape_cast %get3A_3421 : vector<16xi32> to vector<16xi32>
      %add3A_3423 = arith.addi %get3A_3419, %get3A_3422 : vector<16xi32>
      %swap3A_3424 = arith.constant 31 : i32
      %swap3A_3425 = arith.index_cast %swap3A_3424 : i32 to index
      %swap3A_3426 = arith.constant 64 : index
      %swap3A_3427 = tpu.vector_load %arg6[%swap3A_3425, %swap3A_3426] {strides = array<i32>} : memref<32x100xi32, #tpu.memory_space<vmem>>, vector<1x16xi32>,
      %swap3A_3428 = vector.shape_cast %swap3A_3427 : vector<1x16xi32> to vector<16xi32>
      %swap3A_3429 = vector.shape_cast %add3A_3423 : vector<16xi32> to vector<1x16xi32>
      tpu.vector_store %arg6[%swap3A_3425, %swap3A_3426], %swap3A_3429 {strides = array<i32>} : memref<32x100xi32, #tpu.memory_space<vmem>>, vector<1x16xi32>,
      %get3A_3430 = arith.constant 31 : i32
      %get3A_3431 = arith.index_cast %get3A_3430 : i32 to index
      %get3A_3432 = arith.constant 80 : index
      %get3A_3433 = tpu.vector_load %arg5[%get3A_3431, %get3A_3432] {strides = array<i32>} : memref<32x128xi32, #tpu.memory_space<vmem>>, vector<1x16xi32>,
      %get3A_3434 = vector.shape_cast %get3A_3433 : vector<1x16xi32> to vector<16xi32>
      %get3A_3435 = arith.constant 80 : index
      %get3A_3436 = tpu.vector_load %arg8[%get3A_3435] {strides = array<i32>} : memref<100xi32, #tpu.memory_space<vmem>>, vector<16xi32>,
      %get3A_3437 = vector.shape_cast %get3A_3436 : vector<16xi32> to vector<16xi32>
      %add3A_3438 = arith.addi %get3A_3434, %get3A_3437 : vector<16xi32>
      %swap3A_3439 = arith.constant 31 : i32
      %swap3A_3440 = arith.index_cast %swap3A_3439 : i32 to index
      %swap3A_3441 = arith.constant 80 : index
      %swap3A_3442 = tpu.vector_load %arg6[%swap3A_3440, %swap3A_3441] {strides = array<i32>} : memref<32x100xi32, #tpu.memory_space<vmem>>, vector<1x16xi32>,
      %swap3A_3443 = vector.shape_cast %swap3A_3442 : vector<1x16xi32> to vector<16xi32>
      %swap3A_3444 = vector.shape_cast %add3A_3438 : vector<16xi32> to vector<1x16xi32>
      tpu.vector_store %arg6[%swap3A_3440, %swap3A_3441], %swap3A_3444 {strides = array<i32>} : memref<32x100xi32, #tpu.memory_space<vmem>>, vector<1x16xi32>,
      %get3A_3445 = arith.constant 31 : i32
      %get3A_3446 = arith.index_cast %get3A_3445 : i32 to index
      %get3A_3447 = arith.constant 84 : index
      %get3A_3448 = tpu.vector_load %arg5[%get3A_3446, %get3A_3447] {strides = array<i32>} : memref<32x128xi32, #tpu.memory_space<vmem>>, vector<1x16xi32>,
      %get3A_3449 = vector.shape_cast %get3A_3448 : vector<1x16xi32> to vector<16xi32>
      %get3A_3450 = arith.constant 84 : index
      %get3A_3451 = tpu.vector_load %arg8[%get3A_3450] {strides = array<i32>} : memref<100xi32, #tpu.memory_space<vmem>>, vector<16xi32>,
      %get3A_3452 = vector.shape_cast %get3A_3451 : vector<16xi32> to vector<16xi32>
      %add3A_3453 = arith.addi %get3A_3449, %get3A_3452 : vector<16xi32>
      %swap3A_3454 = arith.constant 31 : i32
      %swap3A_3455 = arith.index_cast %swap3A_3454 : i32 to index
      %swap3A_3456 = arith.constant 84 : index
      %swap3A_3457 = tpu.vector_load %arg6[%swap3A_3455, %swap3A_3456] {strides = array<i32>} : memref<32x100xi32, #tpu.memory_space<vmem>>, vector<1x16xi32>,
      %swap3A_3458 = vector.shape_cast %swap3A_3457 : vector<1x16xi32> to vector<16xi32>
      %swap3A_3459 = vector.shape_cast %add3A_3453 : vector<16xi32> to vector<1x16xi32>
      tpu.vector_store %arg6[%swap3A_3455, %swap3A_3456], %swap3A_3459 {strides = array<i32>} : memref<32x100xi32, #tpu.memory_space<vmem>>, vector<1x16xi32>,
      %dma_start3A_3460 = arith.constant 0 : i32
      %dma_start3A_3461 = arith.constant 0 : i32
      %dma_start3A_3462 = arith.constant 0 : i32
      %dma_start3A_3463 = arith.constant 0 : i32
      %dma_start3A_3464 = tpu.memref_slice %arg7[%dma_start3A_3461, %dma_start3A_3462, %dma_start3A_3463] : memref<32x100x16xf32, #tpu.memory_space<vmem>> -> memref<1x100x16xf32, #tpu.memory_space<vmem>>
      %dma_start3A_3465 = tpu.memref_squeeze %dma_start3A_3464 : memref<1x100x16xf32, #tpu.memory_space<vmem>> -> memref<100x16xf32, #tpu.memory_space<vmem>>
      %dma_start3A_3466 = arith.constant 0 : i32
      %dma_start3A_3467 = tpu.memref_slice %arg6[%dma_start3A_3460, %dma_start3A_3466] : memref<32x100xi32, #tpu.memory_space<vmem>> -> memref<1x100xi32, #tpu.memory_space<vmem>>
      %dma_start3A_3468 = tpu.memref_squeeze %dma_start3A_3467 : memref<1x100xi32, #tpu.memory_space<vmem>> -> memref<100xi32, #tpu.memory_space<vmem>>
      %dma_start3A_3469 = arith.constant 0 : i32
      %dma_start3A_3470 = arith.constant 0 : i32
      %dma_start3A_3471 = tpu.memref_slice %arg10[%dma_start3A_3469, %dma_start3A_3470] : memref<300x16xf32, #tpu.memory_space<vmem_shared>> -> memref<300x16xf32, #tpu.memory_space<vmem_shared>>
      tpu.enqueue_indirect_dma source(%dma_start3A_3471 : memref<300x16xf32, #tpu.memory_space<vmem_shared>>) target(%dma_start3A_3465 : memref<100x16xf32, #tpu.memory_space<vmem>>) offsets(%dma_start3A_3468 : memref<100xi32, #tpu.memory_space<vmem>>) semaphore(%arg11 : memref<!tpu.dma_semaphore, #tpu.memory_space<semaphore_mem>>)
      %dma_start3A_3472 = arith.constant 1 : i32
      %dma_start3A_3473 = arith.constant 1 : i32
      %dma_start3A_3474 = arith.constant 0 : i32
      %dma_start3A_3475 = arith.constant 0 : i32
      %dma_start3A_3476 = tpu.memref_slice %arg7[%dma_start3A_3473, %dma_start3A_3474, %dma_start3A_3475] : memref<32x100x16xf32, #tpu.memory_space<vmem>> -> memref<1x100x16xf32, #tpu.memory_space<vmem>>
      %dma_start3A_3477 = tpu.memref_squeeze %dma_start3A_3476 : memref<1x100x16xf32, #tpu.memory_space<vmem>> -> memref<100x16xf32, #tpu.memory_space<vmem>>
      %dma_start3A_3478 = arith.constant 0 : i32
      %dma_start3A_3479 = tpu.memref_slice %arg6[%dma_start3A_3472, %dma_start3A_3478] : memref<32x100xi32, #tpu.memory_space<vmem>> -> memref<1x100xi32, #tpu.memory_space<vmem>>
      %dma_start3A_3480 = tpu.memref_squeeze %dma_start3A_3479 : memref<1x100xi32, #tpu.memory_space<vmem>> -> memref<100xi32, #tpu.memory_space<vmem>>
      %dma_start3A_3481 = arith.constant 0 : i32
      %dma_start3A_3482 = arith.constant 0 : i32
      %dma_start3A_3483 = tpu.memref_slice %arg10[%dma_start3A_3481, %dma_start3A_3482] : memref<300x16xf32, #tpu.memory_space<vmem_shared>> -> memref<300x16xf32, #tpu.memory_space<vmem_shared>>
      tpu.enqueue_indirect_dma source(%dma_start3A_3483 : memref<300x16xf32, #tpu.memory_space<vmem_shared>>) target(%dma_start3A_3477 : memref<100x16xf32, #tpu.memory_space<vmem>>) offsets(%dma_start3A_3480 : memref<100xi32, #tpu.memory_space<vmem>>) semaphore(%arg11 : memref<!tpu.dma_semaphore, #tpu.memory_space<semaphore_mem>>)
      %dma_start3A_3484 = arith.constant 2 : i32
      %dma_start3A_3485 = arith.constant 2 : i32
      %dma_start3A_3486 = arith.constant 0 : i32
      %dma_start3A_3487 = arith.constant 0 : i32
      %dma_start3A_3488 = tpu.memref_slice %arg7[%dma_start3A_3485, %dma_start3A_3486, %dma_start3A_3487] : memref<32x100x16xf32, #tpu.memory_space<vmem>> -> memref<1x100x16xf32, #tpu.memory_space<vmem>>
      %dma_start3A_3489 = tpu.memref_squeeze %dma_start3A_3488 : memref<1x100x16xf32, #tpu.memory_space<vmem>> -> memref<100x16xf32, #tpu.memory_space<vmem>>
      %dma_start3A_3490 = arith.constant 0 : i32
      %dma_start3A_3491 = tpu.memref_slice %arg6[%dma_start3A_3484, %dma_start3A_3490] : memref<32x100xi32, #tpu.memory_space<vmem>> -> memref<1x100xi32, #tpu.memory_space<vmem>>
      %dma_start3A_3492 = tpu.memref_squeeze %dma_start3A_3491 : memref<1x100xi32, #tpu.memory_space<vmem>> -> memref<100xi32, #tpu.memory_space<vmem>>
      %dma_start3A_3493 = arith.constant 0 : i32
      %dma_start3A_3494 = arith.constant 0 : i32
      %dma_start3A_3495 = tpu.memref_slice %arg10[%dma_start3A_3493, %dma_start3A_3494] : memref<300x16xf32, #tpu.memory_space<vmem_shared>> -> memref<300x16xf32, #tpu.memory_space<vmem_shared>>
      tpu.enqueue_indirect_dma source(%dma_start3A_3495 : memref<300x16xf32, #tpu.memory_space<vmem_shared>>) target(%dma_start3A_3489 : memref<100x16xf32, #tpu.memory_space<vmem>>) offsets(%dma_start3A_3492 : memref<100xi32, #tpu.memory_space<vmem>>) semaphore(%arg11 : memref<!tpu.dma_semaphore, #tpu.memory_space<semaphore_mem>>)
      %dma_start3A_3496 = arith.constant 3 : i32
      %dma_start3A_3497 = arith.constant 3 : i32
      %dma_start3A_3498 = arith.constant 0 : i32
      %dma_start3A_3499 = arith.constant 0 : i32
      %dma_start3A_3500 = tpu.memref_slice %arg7[%dma_start3A_3497, %dma_start3A_3498, %dma_start3A_3499] : memref<32x100x16xf32, #tpu.memory_space<vmem>> -> memref<1x100x16xf32, #tpu.memory_space<vmem>>
      %dma_start3A_3501 = tpu.memref_squeeze %dma_start3A_3500 : memref<1x100x16xf32, #tpu.memory_space<vmem>> -> memref<100x16xf32, #tpu.memory_space<vmem>>
      %dma_start3A_3502 = arith.constant 0 : i32
      %dma_start3A_3503 = tpu.memref_slice %arg6[%dma_start3A_3496, %dma_start3A_3502] : memref<32x100xi32, #tpu.memory_space<vmem>> -> memref<1x100xi32, #tpu.memory_space<vmem>>
      %dma_start3A_3504 = tpu.memref_squeeze %dma_start3A_3503 : memref<1x100xi32, #tpu.memory_space<vmem>> -> memref<100xi32, #tpu.memory_space<vmem>>
      %dma_start3A_3505 = arith.constant 0 : i32
      %dma_start3A_3506 = arith.constant 0 : i32
      %dma_start3A_3507 = tpu.memref_slice %arg10[%dma_start3A_3505, %dma_start3A_3506] : memref<300x16xf32, #tpu.memory_space<vmem_shared>> -> memref<300x16xf32, #tpu.memory_space<vmem_shared>>
      tpu.enqueue_indirect_dma source(%dma_start3A_3507 : memref<300x16xf32, #tpu.memory_space<vmem_shared>>) target(%dma_start3A_3501 : memref<100x16xf32, #tpu.memory_space<vmem>>) offsets(%dma_start3A_3504 : memref<100xi32, #tpu.memory_space<vmem>>) semaphore(%arg11 : memref<!tpu.dma_semaphore, #tpu.memory_space<semaphore_mem>>)
      %dma_start3A_3508 = arith.constant 4 : i32
      %dma_start3A_3509 = arith.constant 4 : i32
      %dma_start3A_3510 = arith.constant 0 : i32
      %dma_start3A_3511 = arith.constant 0 : i32
      %dma_start3A_3512 = tpu.memref_slice %arg7[%dma_start3A_3509, %dma_start3A_3510, %dma_start3A_3511] : memref<32x100x16xf32, #tpu.memory_space<vmem>> -> memref<1x100x16xf32, #tpu.memory_space<vmem>>
      %dma_start3A_3513 = tpu.memref_squeeze %dma_start3A_3512 : memref<1x100x16xf32, #tpu.memory_space<vmem>> -> memref<100x16xf32, #tpu.memory_space<vmem>>
      %dma_start3A_3514 = arith.constant 0 : i32
      %dma_start3A_3515 = tpu.memref_slice %arg6[%dma_start3A_3508, %dma_start3A_3514] : memref<32x100xi32, #tpu.memory_space<vmem>> -> memref<1x100xi32, #tpu.memory_space<vmem>>
      %dma_start3A_3516 = tpu.memref_squeeze %dma_start3A_3515 : memref<1x100xi32, #tpu.memory_space<vmem>> -> memref<100xi32, #tpu.memory_space<vmem>>
      %dma_start3A_3517 = arith.constant 0 : i32
      %dma_start3A_3518 = arith.constant 0 : i32
      %dma_start3A_3519 = tpu.memref_slice %arg10[%dma_start3A_3517, %dma_start3A_3518] : memref<300x16xf32, #tpu.memory_space<vmem_shared>> -> memref<300x16xf32, #tpu.memory_space<vmem_shared>>
      tpu.enqueue_indirect_dma source(%dma_start3A_3519 : memref<300x16xf32, #tpu.memory_space<vmem_shared>>) target(%dma_start3A_3513 : memref<100x16xf32, #tpu.memory_space<vmem>>) offsets(%dma_start3A_3516 : memref<100xi32, #tpu.memory_space<vmem>>) semaphore(%arg11 : memref<!tpu.dma_semaphore, #tpu.memory_space<semaphore_mem>>)
      %dma_start3A_3520 = arith.constant 5 : i32
      %dma_start3A_3521 = arith.constant 5 : i32
      %dma_start3A_3522 = arith.constant 0 : i32
      %dma_start3A_3523 = arith.constant 0 : i32
      %dma_start3A_3524 = tpu.memref_slice %arg7[%dma_start3A_3521, %dma_start3A_3522, %dma_start3A_3523] : memref<32x100x16xf32, #tpu.memory_space<vmem>> -> memref<1x100x16xf32, #tpu.memory_space<vmem>>
      %dma_start3A_3525 = tpu.memref_squeeze %dma_start3A_3524 : memref<1x100x16xf32, #tpu.memory_space<vmem>> -> memref<100x16xf32, #tpu.memory_space<vmem>>
      %dma_start3A_3526 = arith.constant 0 : i32
      %dma_start3A_3527 = tpu.memref_slice %arg6[%dma_start3A_3520, %dma_start3A_3526] : memref<32x100xi32, #tpu.memory_space<vmem>> -> memref<1x100xi32, #tpu.memory_space<vmem>>
      %dma_start3A_3528 = tpu.memref_squeeze %dma_start3A_3527 : memref<1x100xi32, #tpu.memory_space<vmem>> -> memref<100xi32, #tpu.memory_space<vmem>>
      %dma_start3A_3529 = arith.constant 0 : i32
      %dma_start3A_3530 = arith.constant 0 : i32
      %dma_start3A_3531 = tpu.memref_slice %arg10[%dma_start3A_3529, %dma_start3A_3530] : memref<300x16xf32, #tpu.memory_space<vmem_shared>> -> memref<300x16xf32, #tpu.memory_space<vmem_shared>>
      tpu.enqueue_indirect_dma source(%dma_start3A_3531 : memref<300x16xf32, #tpu.memory_space<vmem_shared>>) target(%dma_start3A_3525 : memref<100x16xf32, #tpu.memory_space<vmem>>) offsets(%dma_start3A_3528 : memref<100xi32, #tpu.memory_space<vmem>>) semaphore(%arg11 : memref<!tpu.dma_semaphore, #tpu.memory_space<semaphore_mem>>)
      %dma_start3A_3532 = arith.constant 6 : i32
      %dma_start3A_3533 = arith.constant 6 : i32
      %dma_start3A_3534 = arith.constant 0 : i32
      %dma_start3A_3535 = arith.constant 0 : i32
      %dma_start3A_3536 = tpu.memref_slice %arg7[%dma_start3A_3533, %dma_start3A_3534, %dma_start3A_3535] : memref<32x100x16xf32, #tpu.memory_space<vmem>> -> memref<1x100x16xf32, #tpu.memory_space<vmem>>
      %dma_start3A_3537 = tpu.memref_squeeze %dma_start3A_3536 : memref<1x100x16xf32, #tpu.memory_space<vmem>> -> memref<100x16xf32, #tpu.memory_space<vmem>>
      %dma_start3A_3538 = arith.constant 0 : i32
      %dma_start3A_3539 = tpu.memref_slice %arg6[%dma_start3A_3532, %dma_start3A_3538] : memref<32x100xi32, #tpu.memory_space<vmem>> -> memref<1x100xi32, #tpu.memory_space<vmem>>
      %dma_start3A_3540 = tpu.memref_squeeze %dma_start3A_3539 : memref<1x100xi32, #tpu.memory_space<vmem>> -> memref<100xi32, #tpu.memory_space<vmem>>
      %dma_start3A_3541 = arith.constant 0 : i32
      %dma_start3A_3542 = arith.constant 0 : i32
      %dma_start3A_3543 = tpu.memref_slice %arg10[%dma_start3A_3541, %dma_start3A_3542] : memref<300x16xf32, #tpu.memory_space<vmem_shared>> -> memref<300x16xf32, #tpu.memory_space<vmem_shared>>
      tpu.enqueue_indirect_dma source(%dma_start3A_3543 : memref<300x16xf32, #tpu.memory_space<vmem_shared>>) target(%dma_start3A_3537 : memref<100x16xf32, #tpu.memory_space<vmem>>) offsets(%dma_start3A_3540 : memref<100xi32, #tpu.memory_space<vmem>>) semaphore(%arg11 : memref<!tpu.dma_semaphore, #tpu.memory_space<semaphore_mem>>)
      %dma_start3A_3544 = arith.constant 7 : i32
      %dma_start3A_3545 = arith.constant 7 : i32
      %dma_start3A_3546 = arith.constant 0 : i32
      %dma_start3A_3547 = arith.constant 0 : i32
      %dma_start3A_3548 = tpu.memref_slice %arg7[%dma_start3A_3545, %dma_start3A_3546, %dma_start3A_3547] : memref<32x100x16xf32, #tpu.memory_space<vmem>> -> memref<1x100x16xf32, #tpu.memory_space<vmem>>
      %dma_start3A_3549 = tpu.memref_squeeze %dma_start3A_3548 : memref<1x100x16xf32, #tpu.memory_space<vmem>> -> memref<100x16xf32, #tpu.memory_space<vmem>>
      %dma_start3A_3550 = arith.constant 0 : i32
      %dma_start3A_3551 = tpu.memref_slice %arg6[%dma_start3A_3544, %dma_start3A_3550] : memref<32x100xi32, #tpu.memory_space<vmem>> -> memref<1x100xi32, #tpu.memory_space<vmem>>
      %dma_start3A_3552 = tpu.memref_squeeze %dma_start3A_3551 : memref<1x100xi32, #tpu.memory_space<vmem>> -> memref<100xi32, #tpu.memory_space<vmem>>
      %dma_start3A_3553 = arith.constant 0 : i32
      %dma_start3A_3554 = arith.constant 0 : i32
      %dma_start3A_3555 = tpu.memref_slice %arg10[%dma_start3A_3553, %dma_start3A_3554] : memref<300x16xf32, #tpu.memory_space<vmem_shared>> -> memref<300x16xf32, #tpu.memory_space<vmem_shared>>
      tpu.enqueue_indirect_dma source(%dma_start3A_3555 : memref<300x16xf32, #tpu.memory_space<vmem_shared>>) target(%dma_start3A_3549 : memref<100x16xf32, #tpu.memory_space<vmem>>) offsets(%dma_start3A_3552 : memref<100xi32, #tpu.memory_space<vmem>>) semaphore(%arg11 : memref<!tpu.dma_semaphore, #tpu.memory_space<semaphore_mem>>)
      %dma_start3A_3556 = arith.constant 8 : i32
      %dma_start3A_3557 = arith.constant 8 : i32
      %dma_start3A_3558 = arith.constant 0 : i32
      %dma_start3A_3559 = arith.constant 0 : i32
      %dma_start3A_3560 = tpu.memref_slice %arg7[%dma_start3A_3557, %dma_start3A_3558, %dma_start3A_3559] : memref<32x100x16xf32, #tpu.memory_space<vmem>> -> memref<1x100x16xf32, #tpu.memory_space<vmem>>
      %dma_start3A_3561 = tpu.memref_squeeze %dma_start3A_3560 : memref<1x100x16xf32, #tpu.memory_space<vmem>> -> memref<100x16xf32, #tpu.memory_space<vmem>>
      %dma_start3A_3562 = arith.constant 0 : i32
      %dma_start3A_3563 = tpu.memref_slice %arg6[%dma_start3A_3556, %dma_start3A_3562] : memref<32x100xi32, #tpu.memory_space<vmem>> -> memref<1x100xi32, #tpu.memory_space<vmem>>
      %dma_start3A_3564 = tpu.memref_squeeze %dma_start3A_3563 : memref<1x100xi32, #tpu.memory_space<vmem>> -> memref<100xi32, #tpu.memory_space<vmem>>
      %dma_start3A_3565 = arith.constant 0 : i32
      %dma_start3A_3566 = arith.constant 0 : i32
      %dma_start3A_3567 = tpu.memref_slice %arg10[%dma_start3A_3565, %dma_start3A_3566] : memref<300x16xf32, #tpu.memory_space<vmem_shared>> -> memref<300x16xf32, #tpu.memory_space<vmem_shared>>
      tpu.enqueue_indirect_dma source(%dma_start3A_3567 : memref<300x16xf32, #tpu.memory_space<vmem_shared>>) target(%dma_start3A_3561 : memref<100x16xf32, #tpu.memory_space<vmem>>) offsets(%dma_start3A_3564 : memref<100xi32, #tpu.memory_space<vmem>>) semaphore(%arg11 : memref<!tpu.dma_semaphore, #tpu.memory_space<semaphore_mem>>)
      %dma_start3A_3568 = arith.constant 9 : i32
      %dma_start3A_3569 = arith.constant 9 : i32
      %dma_start3A_3570 = arith.constant 0 : i32
      %dma_start3A_3571 = arith.constant 0 : i32
      %dma_start3A_3572 = tpu.memref_slice %arg7[%dma_start3A_3569, %dma_start3A_3570, %dma_start3A_3571] : memref<32x100x16xf32, #tpu.memory_space<vmem>> -> memref<1x100x16xf32, #tpu.memory_space<vmem>>
      %dma_start3A_3573 = tpu.memref_squeeze %dma_start3A_3572 : memref<1x100x16xf32, #tpu.memory_space<vmem>> -> memref<100x16xf32, #tpu.memory_space<vmem>>
      %dma_start3A_3574 = arith.constant 0 : i32
      %dma_start3A_3575 = tpu.memref_slice %arg6[%dma_start3A_3568, %dma_start3A_3574] : memref<32x100xi32, #tpu.memory_space<vmem>> -> memref<1x100xi32, #tpu.memory_space<vmem>>
      %dma_start3A_3576 = tpu.memref_squeeze %dma_start3A_3575 : memref<1x100xi32, #tpu.memory_space<vmem>> -> memref<100xi32, #tpu.memory_space<vmem>>
      %dma_start3A_3577 = arith.constant 0 : i32
      %dma_start3A_3578 = arith.constant 0 : i32
      %dma_start3A_3579 = tpu.memref_slice %arg10[%dma_start3A_3577, %dma_start3A_3578] : memref<300x16xf32, #tpu.memory_space<vmem_shared>> -> memref<300x16xf32, #tpu.memory_space<vmem_shared>>
      tpu.enqueue_indirect_dma source(%dma_start3A_3579 : memref<300x16xf32, #tpu.memory_space<vmem_shared>>) target(%dma_start3A_3573 : memref<100x16xf32, #tpu.memory_space<vmem>>) offsets(%dma_start3A_3576 : memref<100xi32, #tpu.memory_space<vmem>>) semaphore(%arg11 : memref<!tpu.dma_semaphore, #tpu.memory_space<semaphore_mem>>)
      %dma_start3A_3580 = arith.constant 10 : i32
      %dma_start3A_3581 = arith.constant 10 : i32
      %dma_start3A_3582 = arith.constant 0 : i32
      %dma_start3A_3583 = arith.constant 0 : i32
      %dma_start3A_3584 = tpu.memref_slice %arg7[%dma_start3A_3581, %dma_start3A_3582, %dma_start3A_3583] : memref<32x100x16xf32, #tpu.memory_space<vmem>> -> memref<1x100x16xf32, #tpu.memory_space<vmem>>
      %dma_start3A_3585 = tpu.memref_squeeze %dma_start3A_3584 : memref<1x100x16xf32, #tpu.memory_space<vmem>> -> memref<100x16xf32, #tpu.memory_space<vmem>>
      %dma_start3A_3586 = arith.constant 0 : i32
      %dma_start3A_3587 = tpu.memref_slice %arg6[%dma_start3A_3580, %dma_start3A_3586] : memref<32x100xi32, #tpu.memory_space<vmem>> -> memref<1x100xi32, #tpu.memory_space<vmem>>
      %dma_start3A_3588 = tpu.memref_squeeze %dma_start3A_3587 : memref<1x100xi32, #tpu.memory_space<vmem>> -> memref<100xi32, #tpu.memory_space<vmem>>
      %dma_start3A_3589 = arith.constant 0 : i32
      %dma_start3A_3590 = arith.constant 0 : i32
      %dma_start3A_3591 = tpu.memref_slice %arg10[%dma_start3A_3589, %dma_start3A_3590] : memref<300x16xf32, #tpu.memory_space<vmem_shared>> -> memref<300x16xf32, #tpu.memory_space<vmem_shared>>
      tpu.enqueue_indirect_dma source(%dma_start3A_3591 : memref<300x16xf32, #tpu.memory_space<vmem_shared>>) target(%dma_start3A_3585 : memref<100x16xf32, #tpu.memory_space<vmem>>) offsets(%dma_start3A_3588 : memref<100xi32, #tpu.memory_space<vmem>>) semaphore(%arg11 : memref<!tpu.dma_semaphore, #tpu.memory_space<semaphore_mem>>)
      %dma_start3A_3592 = arith.constant 11 : i32
      %dma_start3A_3593 = arith.constant 11 : i32
      %dma_start3A_3594 = arith.constant 0 : i32
      %dma_start3A_3595 = arith.constant 0 : i32
      %dma_start3A_3596 = tpu.memref_slice %arg7[%dma_start3A_3593, %dma_start3A_3594, %dma_start3A_3595] : memref<32x100x16xf32, #tpu.memory_space<vmem>> -> memref<1x100x16xf32, #tpu.memory_space<vmem>>
      %dma_start3A_3597 = tpu.memref_squeeze %dma_start3A_3596 : memref<1x100x16xf32, #tpu.memory_space<vmem>> -> memref<100x16xf32, #tpu.memory_space<vmem>>
      %dma_start3A_3598 = arith.constant 0 : i32
      %dma_start3A_3599 = tpu.memref_slice %arg6[%dma_start3A_3592, %dma_start3A_3598] : memref<32x100xi32, #tpu.memory_space<vmem>> -> memref<1x100xi32, #tpu.memory_space<vmem>>
      %dma_start3A_3600 = tpu.memref_squeeze %dma_start3A_3599 : memref<1x100xi32, #tpu.memory_space<vmem>> -> memref<100xi32, #tpu.memory_space<vmem>>
      %dma_start3A_3601 = arith.constant 0 : i32
      %dma_start3A_3602 = arith.constant 0 : i32
      %dma_start3A_3603 = tpu.memref_slice %arg10[%dma_start3A_3601, %dma_start3A_3602] : memref<300x16xf32, #tpu.memory_space<vmem_shared>> -> memref<300x16xf32, #tpu.memory_space<vmem_shared>>
      tpu.enqueue_indirect_dma source(%dma_start3A_3603 : memref<300x16xf32, #tpu.memory_space<vmem_shared>>) target(%dma_start3A_3597 : memref<100x16xf32, #tpu.memory_space<vmem>>) offsets(%dma_start3A_3600 : memref<100xi32, #tpu.memory_space<vmem>>) semaphore(%arg11 : memref<!tpu.dma_semaphore, #tpu.memory_space<semaphore_mem>>)
      %dma_start3A_3604 = arith.constant 12 : i32
      %dma_start3A_3605 = arith.constant 12 : i32
      %dma_start3A_3606 = arith.constant 0 : i32
      %dma_start3A_3607 = arith.constant 0 : i32
      %dma_start3A_3608 = tpu.memref_slice %arg7[%dma_start3A_3605, %dma_start3A_3606, %dma_start3A_3607] : memref<32x100x16xf32, #tpu.memory_space<vmem>> -> memref<1x100x16xf32, #tpu.memory_space<vmem>>
      %dma_start3A_3609 = tpu.memref_squeeze %dma_start3A_3608 : memref<1x100x16xf32, #tpu.memory_space<vmem>> -> memref<100x16xf32, #tpu.memory_space<vmem>>
      %dma_start3A_3610 = arith.constant 0 : i32
      %dma_start3A_3611 = tpu.memref_slice %arg6[%dma_start3A_3604, %dma_start3A_3610] : memref<32x100xi32, #tpu.memory_space<vmem>> -> memref<1x100xi32, #tpu.memory_space<vmem>>
      %dma_start3A_3612 = tpu.memref_squeeze %dma_start3A_3611 : memref<1x100xi32, #tpu.memory_space<vmem>> -> memref<100xi32, #tpu.memory_space<vmem>>
      %dma_start3A_3613 = arith.constant 0 : i32
      %dma_start3A_3614 = arith.constant 0 : i32
      %dma_start3A_3615 = tpu.memref_slice %arg10[%dma_start3A_3613, %dma_start3A_3614] : memref<300x16xf32, #tpu.memory_space<vmem_shared>> -> memref<300x16xf32, #tpu.memory_space<vmem_shared>>
      tpu.enqueue_indirect_dma source(%dma_start3A_3615 : memref<300x16xf32, #tpu.memory_space<vmem_shared>>) target(%dma_start3A_3609 : memref<100x16xf32, #tpu.memory_space<vmem>>) offsets(%dma_start3A_3612 : memref<100xi32, #tpu.memory_space<vmem>>) semaphore(%arg11 : memref<!tpu.dma_semaphore, #tpu.memory_space<semaphore_mem>>)
      %dma_start3A_3616 = arith.constant 13 : i32
      %dma_start3A_3617 = arith.constant 13 : i32
      %dma_start3A_3618 = arith.constant 0 : i32
      %dma_start3A_3619 = arith.constant 0 : i32
      %dma_start3A_3620 = tpu.memref_slice %arg7[%dma_start3A_3617, %dma_start3A_3618, %dma_start3A_3619] : memref<32x100x16xf32, #tpu.memory_space<vmem>> -> memref<1x100x16xf32, #tpu.memory_space<vmem>>
      %dma_start3A_3621 = tpu.memref_squeeze %dma_start3A_3620 : memref<1x100x16xf32, #tpu.memory_space<vmem>> -> memref<100x16xf32, #tpu.memory_space<vmem>>
      %dma_start3A_3622 = arith.constant 0 : i32
      %dma_start3A_3623 = tpu.memref_slice %arg6[%dma_start3A_3616, %dma_start3A_3622] : memref<32x100xi32, #tpu.memory_space<vmem>> -> memref<1x100xi32, #tpu.memory_space<vmem>>
      %dma_start3A_3624 = tpu.memref_squeeze %dma_start3A_3623 : memref<1x100xi32, #tpu.memory_space<vmem>> -> memref<100xi32, #tpu.memory_space<vmem>>
      %dma_start3A_3625 = arith.constant 0 : i32
      %dma_start3A_3626 = arith.constant 0 : i32
      %dma_start3A_3627 = tpu.memref_slice %arg10[%dma_start3A_3625, %dma_start3A_3626] : memref<300x16xf32, #tpu.memory_space<vmem_shared>> -> memref<300x16xf32, #tpu.memory_space<vmem_shared>>
      tpu.enqueue_indirect_dma source(%dma_start3A_3627 : memref<300x16xf32, #tpu.memory_space<vmem_shared>>) target(%dma_start3A_3621 : memref<100x16xf32, #tpu.memory_space<vmem>>) offsets(%dma_start3A_3624 : memref<100xi32, #tpu.memory_space<vmem>>) semaphore(%arg11 : memref<!tpu.dma_semaphore, #tpu.memory_space<semaphore_mem>>)
      %dma_start3A_3628 = arith.constant 14 : i32
      %dma_start3A_3629 = arith.constant 14 : i32
      %dma_start3A_3630 = arith.constant 0 : i32
      %dma_start3A_3631 = arith.constant 0 : i32
      %dma_start3A_3632 = tpu.memref_slice %arg7[%dma_start3A_3629, %dma_start3A_3630, %dma_start3A_3631] : memref<32x100x16xf32, #tpu.memory_space<vmem>> -> memref<1x100x16xf32, #tpu.memory_space<vmem>>
      %dma_start3A_3633 = tpu.memref_squeeze %dma_start3A_3632 : memref<1x100x16xf32, #tpu.memory_space<vmem>> -> memref<100x16xf32, #tpu.memory_space<vmem>>
      %dma_start3A_3634 = arith.constant 0 : i32
      %dma_start3A_3635 = tpu.memref_slice %arg6[%dma_start3A_3628, %dma_start3A_3634] : memref<32x100xi32, #tpu.memory_space<vmem>> -> memref<1x100xi32, #tpu.memory_space<vmem>>
      %dma_start3A_3636 = tpu.memref_squeeze %dma_start3A_3635 : memref<1x100xi32, #tpu.memory_space<vmem>> -> memref<100xi32, #tpu.memory_space<vmem>>
      %dma_start3A_3637 = arith.constant 0 : i32
      %dma_start3A_3638 = arith.constant 0 : i32
      %dma_start3A_3639 = tpu.memref_slice %arg10[%dma_start3A_3637, %dma_start3A_3638] : memref<300x16xf32, #tpu.memory_space<vmem_shared>> -> memref<300x16xf32, #tpu.memory_space<vmem_shared>>
      tpu.enqueue_indirect_dma source(%dma_start3A_3639 : memref<300x16xf32, #tpu.memory_space<vmem_shared>>) target(%dma_start3A_3633 : memref<100x16xf32, #tpu.memory_space<vmem>>) offsets(%dma_start3A_3636 : memref<100xi32, #tpu.memory_space<vmem>>) semaphore(%arg11 : memref<!tpu.dma_semaphore, #tpu.memory_space<semaphore_mem>>)
      %dma_start3A_3640 = arith.constant 15 : i32
      %dma_start3A_3641 = arith.constant 15 : i32
      %dma_start3A_3642 = arith.constant 0 : i32
      %dma_start3A_3643 = arith.constant 0 : i32
      %dma_start3A_3644 = tpu.memref_slice %arg7[%dma_start3A_3641, %dma_start3A_3642, %dma_start3A_3643] : memref<32x100x16xf32, #tpu.memory_space<vmem>> -> memref<1x100x16xf32, #tpu.memory_space<vmem>>
      %dma_start3A_3645 = tpu.memref_squeeze %dma_start3A_3644 : memref<1x100x16xf32, #tpu.memory_space<vmem>> -> memref<100x16xf32, #tpu.memory_space<vmem>>
      %dma_start3A_3646 = arith.constant 0 : i32
      %dma_start3A_3647 = tpu.memref_slice %arg6[%dma_start3A_3640, %dma_start3A_3646] : memref<32x100xi32, #tpu.memory_space<vmem>> -> memref<1x100xi32, #tpu.memory_space<vmem>>
      %dma_start3A_3648 = tpu.memref_squeeze %dma_start3A_3647 : memref<1x100xi32, #tpu.memory_space<vmem>> -> memref<100xi32, #tpu.memory_space<vmem>>
      %dma_start3A_3649 = arith.constant 0 : i32
      %dma_start3A_3650 = arith.constant 0 : i32
      %dma_start3A_3651 = tpu.memref_slice %arg10[%dma_start3A_3649, %dma_start3A_3650] : memref<300x16xf32, #tpu.memory_space<vmem_shared>> -> memref<300x16xf32, #tpu.memory_space<vmem_shared>>
      tpu.enqueue_indirect_dma source(%dma_start3A_3651 : memref<300x16xf32, #tpu.memory_space<vmem_shared>>) target(%dma_start3A_3645 : memref<100x16xf32, #tpu.memory_space<vmem>>) offsets(%dma_start3A_3648 : memref<100xi32, #tpu.memory_space<vmem>>) semaphore(%arg11 : memref<!tpu.dma_semaphore, #tpu.memory_space<semaphore_mem>>)
      %dma_start3A_3652 = arith.constant 16 : i32
      %dma_start3A_3653 = arith.constant 16 : i32
      %dma_start3A_3654 = arith.constant 0 : i32
      %dma_start3A_3655 = arith.constant 0 : i32
      %dma_start3A_3656 = tpu.memref_slice %arg7[%dma_start3A_3653, %dma_start3A_3654, %dma_start3A_3655] : memref<32x100x16xf32, #tpu.memory_space<vmem>> -> memref<1x100x16xf32, #tpu.memory_space<vmem>>
      %dma_start3A_3657 = tpu.memref_squeeze %dma_start3A_3656 : memref<1x100x16xf32, #tpu.memory_space<vmem>> -> memref<100x16xf32, #tpu.memory_space<vmem>>
      %dma_start3A_3658 = arith.constant 0 : i32
      %dma_start3A_3659 = tpu.memref_slice %arg6[%dma_start3A_3652, %dma_start3A_3658] : memref<32x100xi32, #tpu.memory_space<vmem>> -> memref<1x100xi32, #tpu.memory_space<vmem>>
      %dma_start3A_3660 = tpu.memref_squeeze %dma_start3A_3659 : memref<1x100xi32, #tpu.memory_space<vmem>> -> memref<100xi32, #tpu.memory_space<vmem>>
      %dma_start3A_3661 = arith.constant 0 : i32
      %dma_start3A_3662 = arith.constant 0 : i32
      %dma_start3A_3663 = tpu.memref_slice %arg10[%dma_start3A_3661, %dma_start3A_3662] : memref<300x16xf32, #tpu.memory_space<vmem_shared>> -> memref<300x16xf32, #tpu.memory_space<vmem_shared>>
      tpu.enqueue_indirect_dma source(%dma_start3A_3663 : memref<300x16xf32, #tpu.memory_space<vmem_shared>>) target(%dma_start3A_3657 : memref<100x16xf32, #tpu.memory_space<vmem>>) offsets(%dma_start3A_3660 : memref<100xi32, #tpu.memory_space<vmem>>) semaphore(%arg11 : memref<!tpu.dma_semaphore, #tpu.memory_space<semaphore_mem>>)
      %dma_start3A_3664 = arith.constant 17 : i32
      %dma_start3A_3665 = arith.constant 17 : i32
      %dma_start3A_3666 = arith.constant 0 : i32
      %dma_start3A_3667 = arith.constant 0 : i32
      %dma_start3A_3668 = tpu.memref_slice %arg7[%dma_start3A_3665, %dma_start3A_3666, %dma_start3A_3667] : memref<32x100x16xf32, #tpu.memory_space<vmem>> -> memref<1x100x16xf32, #tpu.memory_space<vmem>>
      %dma_start3A_3669 = tpu.memref_squeeze %dma_start3A_3668 : memref<1x100x16xf32, #tpu.memory_space<vmem>> -> memref<100x16xf32, #tpu.memory_space<vmem>>
      %dma_start3A_3670 = arith.constant 0 : i32
      %dma_start3A_3671 = tpu.memref_slice %arg6[%dma_start3A_3664, %dma_start3A_3670] : memref<32x100xi32, #tpu.memory_space<vmem>> -> memref<1x100xi32, #tpu.memory_space<vmem>>
      %dma_start3A_3672 = tpu.memref_squeeze %dma_start3A_3671 : memref<1x100xi32, #tpu.memory_space<vmem>> -> memref<100xi32, #tpu.memory_space<vmem>>
      %dma_start3A_3673 = arith.constant 0 : i32
      %dma_start3A_3674 = arith.constant 0 : i32
      %dma_start3A_3675 = tpu.memref_slice %arg10[%dma_start3A_3673, %dma_start3A_3674] : memref<300x16xf32, #tpu.memory_space<vmem_shared>> -> memref<300x16xf32, #tpu.memory_space<vmem_shared>>
      tpu.enqueue_indirect_dma source(%dma_start3A_3675 : memref<300x16xf32, #tpu.memory_space<vmem_shared>>) target(%dma_start3A_3669 : memref<100x16xf32, #tpu.memory_space<vmem>>) offsets(%dma_start3A_3672 : memref<100xi32, #tpu.memory_space<vmem>>) semaphore(%arg11 : memref<!tpu.dma_semaphore, #tpu.memory_space<semaphore_mem>>)
      %dma_start3A_3676 = arith.constant 18 : i32
      %dma_start3A_3677 = arith.constant 18 : i32
      %dma_start3A_3678 = arith.constant 0 : i32
      %dma_start3A_3679 = arith.constant 0 : i32
      %dma_start3A_3680 = tpu.memref_slice %arg7[%dma_start3A_3677, %dma_start3A_3678, %dma_start3A_3679] : memref<32x100x16xf32, #tpu.memory_space<vmem>> -> memref<1x100x16xf32, #tpu.memory_space<vmem>>
      %dma_start3A_3681 = tpu.memref_squeeze %dma_start3A_3680 : memref<1x100x16xf32, #tpu.memory_space<vmem>> -> memref<100x16xf32, #tpu.memory_space<vmem>>
      %dma_start3A_3682 = arith.constant 0 : i32
      %dma_start3A_3683 = tpu.memref_slice %arg6[%dma_start3A_3676, %dma_start3A_3682] : memref<32x100xi32, #tpu.memory_space<vmem>> -> memref<1x100xi32, #tpu.memory_space<vmem>>
      %dma_start3A_3684 = tpu.memref_squeeze %dma_start3A_3683 : memref<1x100xi32, #tpu.memory_space<vmem>> -> memref<100xi32, #tpu.memory_space<vmem>>
      %dma_start3A_3685 = arith.constant 0 : i32
      %dma_start3A_3686 = arith.constant 0 : i32
      %dma_start3A_3687 = tpu.memref_slice %arg10[%dma_start3A_3685, %dma_start3A_3686] : memref<300x16xf32, #tpu.memory_space<vmem_shared>> -> memref<300x16xf32, #tpu.memory_space<vmem_shared>>
      tpu.enqueue_indirect_dma source(%dma_start3A_3687 : memref<300x16xf32, #tpu.memory_space<vmem_shared>>) target(%dma_start3A_3681 : memref<100x16xf32, #tpu.memory_space<vmem>>) offsets(%dma_start3A_3684 : memref<100xi32, #tpu.memory_space<vmem>>) semaphore(%arg11 : memref<!tpu.dma_semaphore, #tpu.memory_space<semaphore_mem>>)
      %dma_start3A_3688 = arith.constant 19 : i32
      %dma_start3A_3689 = arith.constant 19 : i32
      %dma_start3A_3690 = arith.constant 0 : i32
      %dma_start3A_3691 = arith.constant 0 : i32
      %dma_start3A_3692 = tpu.memref_slice %arg7[%dma_start3A_3689, %dma_start3A_3690, %dma_start3A_3691] : memref<32x100x16xf32, #tpu.memory_space<vmem>> -> memref<1x100x16xf32, #tpu.memory_space<vmem>>
      %dma_start3A_3693 = tpu.memref_squeeze %dma_start3A_3692 : memref<1x100x16xf32, #tpu.memory_space<vmem>> -> memref<100x16xf32, #tpu.memory_space<vmem>>
      %dma_start3A_3694 = arith.constant 0 : i32
      %dma_start3A_3695 = tpu.memref_slice %arg6[%dma_start3A_3688, %dma_start3A_3694] : memref<32x100xi32, #tpu.memory_space<vmem>> -> memref<1x100xi32, #tpu.memory_space<vmem>>
      %dma_start3A_3696 = tpu.memref_squeeze %dma_start3A_3695 : memref<1x100xi32, #tpu.memory_space<vmem>> -> memref<100xi32, #tpu.memory_space<vmem>>
      %dma_start3A_3697 = arith.constant 0 : i32
      %dma_start3A_3698 = arith.constant 0 : i32
      %dma_start3A_3699 = tpu.memref_slice %arg10[%dma_start3A_3697, %dma_start3A_3698] : memref<300x16xf32, #tpu.memory_space<vmem_shared>> -> memref<300x16xf32, #tpu.memory_space<vmem_shared>>
      tpu.enqueue_indirect_dma source(%dma_start3A_3699 : memref<300x16xf32, #tpu.memory_space<vmem_shared>>) target(%dma_start3A_3693 : memref<100x16xf32, #tpu.memory_space<vmem>>) offsets(%dma_start3A_3696 : memref<100xi32, #tpu.memory_space<vmem>>) semaphore(%arg11 : memref<!tpu.dma_semaphore, #tpu.memory_space<semaphore_mem>>)
      %dma_start3A_3700 = arith.constant 20 : i32
      %dma_start3A_3701 = arith.constant 20 : i32
      %dma_start3A_3702 = arith.constant 0 : i32
      %dma_start3A_3703 = arith.constant 0 : i32
      %dma_start3A_3704 = tpu.memref_slice %arg7[%dma_start3A_3701, %dma_start3A_3702, %dma_start3A_3703] : memref<32x100x16xf32, #tpu.memory_space<vmem>> -> memref<1x100x16xf32, #tpu.memory_space<vmem>>
      %dma_start3A_3705 = tpu.memref_squeeze %dma_start3A_3704 : memref<1x100x16xf32, #tpu.memory_space<vmem>> -> memref<100x16xf32, #tpu.memory_space<vmem>>
      %dma_start3A_3706 = arith.constant 0 : i32
      %dma_start3A_3707 = tpu.memref_slice %arg6[%dma_start3A_3700, %dma_start3A_3706] : memref<32x100xi32, #tpu.memory_space<vmem>> -> memref<1x100xi32, #tpu.memory_space<vmem>>
      %dma_start3A_3708 = tpu.memref_squeeze %dma_start3A_3707 : memref<1x100xi32, #tpu.memory_space<vmem>> -> memref<100xi32, #tpu.memory_space<vmem>>
      %dma_start3A_3709 = arith.constant 0 : i32
      %dma_start3A_3710 = arith.constant 0 : i32
      %dma_start3A_3711 = tpu.memref_slice %arg10[%dma_start3A_3709, %dma_start3A_3710] : memref<300x16xf32, #tpu.memory_space<vmem_shared>> -> memref<300x16xf32, #tpu.memory_space<vmem_shared>>
      tpu.enqueue_indirect_dma source(%dma_start3A_3711 : memref<300x16xf32, #tpu.memory_space<vmem_shared>>) target(%dma_start3A_3705 : memref<100x16xf32, #tpu.memory_space<vmem>>) offsets(%dma_start3A_3708 : memref<100xi32, #tpu.memory_space<vmem>>) semaphore(%arg11 : memref<!tpu.dma_semaphore, #tpu.memory_space<semaphore_mem>>)
      %dma_start3A_3712 = arith.constant 21 : i32
      %dma_start3A_3713 = arith.constant 21 : i32
      %dma_start3A_3714 = arith.constant 0 : i32
      %dma_start3A_3715 = arith.constant 0 : i32
      %dma_start3A_3716 = tpu.memref_slice %arg7[%dma_start3A_3713, %dma_start3A_3714, %dma_start3A_3715] : memref<32x100x16xf32, #tpu.memory_space<vmem>> -> memref<1x100x16xf32, #tpu.memory_space<vmem>>
      %dma_start3A_3717 = tpu.memref_squeeze %dma_start3A_3716 : memref<1x100x16xf32, #tpu.memory_space<vmem>> -> memref<100x16xf32, #tpu.memory_space<vmem>>
      %dma_start3A_3718 = arith.constant 0 : i32
      %dma_start3A_3719 = tpu.memref_slice %arg6[%dma_start3A_3712, %dma_start3A_3718] : memref<32x100xi32, #tpu.memory_space<vmem>> -> memref<1x100xi32, #tpu.memory_space<vmem>>
      %dma_start3A_3720 = tpu.memref_squeeze %dma_start3A_3719 : memref<1x100xi32, #tpu.memory_space<vmem>> -> memref<100xi32, #tpu.memory_space<vmem>>
      %dma_start3A_3721 = arith.constant 0 : i32
      %dma_start3A_3722 = arith.constant 0 : i32
      %dma_start3A_3723 = tpu.memref_slice %arg10[%dma_start3A_3721, %dma_start3A_3722] : memref<300x16xf32, #tpu.memory_space<vmem_shared>> -> memref<300x16xf32, #tpu.memory_space<vmem_shared>>
      tpu.enqueue_indirect_dma source(%dma_start3A_3723 : memref<300x16xf32, #tpu.memory_space<vmem_shared>>) target(%dma_start3A_3717 : memref<100x16xf32, #tpu.memory_space<vmem>>) offsets(%dma_start3A_3720 : memref<100xi32, #tpu.memory_space<vmem>>) semaphore(%arg11 : memref<!tpu.dma_semaphore, #tpu.memory_space<semaphore_mem>>)
      %dma_start3A_3724 = arith.constant 22 : i32
      %dma_start3A_3725 = arith.constant 22 : i32
      %dma_start3A_3726 = arith.constant 0 : i32
      %dma_start3A_3727 = arith.constant 0 : i32
      %dma_start3A_3728 = tpu.memref_slice %arg7[%dma_start3A_3725, %dma_start3A_3726, %dma_start3A_3727] : memref<32x100x16xf32, #tpu.memory_space<vmem>> -> memref<1x100x16xf32, #tpu.memory_space<vmem>>
      %dma_start3A_3729 = tpu.memref_squeeze %dma_start3A_3728 : memref<1x100x16xf32, #tpu.memory_space<vmem>> -> memref<100x16xf32, #tpu.memory_space<vmem>>
      %dma_start3A_3730 = arith.constant 0 : i32
      %dma_start3A_3731 = tpu.memref_slice %arg6[%dma_start3A_3724, %dma_start3A_3730] : memref<32x100xi32, #tpu.memory_space<vmem>> -> memref<1x100xi32, #tpu.memory_space<vmem>>
      %dma_start3A_3732 = tpu.memref_squeeze %dma_start3A_3731 : memref<1x100xi32, #tpu.memory_space<vmem>> -> memref<100xi32, #tpu.memory_space<vmem>>
      %dma_start3A_3733 = arith.constant 0 : i32
      %dma_start3A_3734 = arith.constant 0 : i32
      %dma_start3A_3735 = tpu.memref_slice %arg10[%dma_start3A_3733, %dma_start3A_3734] : memref<300x16xf32, #tpu.memory_space<vmem_shared>> -> memref<300x16xf32, #tpu.memory_space<vmem_shared>>
      tpu.enqueue_indirect_dma source(%dma_start3A_3735 : memref<300x16xf32, #tpu.memory_space<vmem_shared>>) target(%dma_start3A_3729 : memref<100x16xf32, #tpu.memory_space<vmem>>) offsets(%dma_start3A_3732 : memref<100xi32, #tpu.memory_space<vmem>>) semaphore(%arg11 : memref<!tpu.dma_semaphore, #tpu.memory_space<semaphore_mem>>)
      %dma_start3A_3736 = arith.constant 23 : i32
      %dma_start3A_3737 = arith.constant 23 : i32
      %dma_start3A_3738 = arith.constant 0 : i32
      %dma_start3A_3739 = arith.constant 0 : i32
      %dma_start3A_3740 = tpu.memref_slice %arg7[%dma_start3A_3737, %dma_start3A_3738, %dma_start3A_3739] : memref<32x100x16xf32, #tpu.memory_space<vmem>> -> memref<1x100x16xf32, #tpu.memory_space<vmem>>
      %dma_start3A_3741 = tpu.memref_squeeze %dma_start3A_3740 : memref<1x100x16xf32, #tpu.memory_space<vmem>> -> memref<100x16xf32, #tpu.memory_space<vmem>>
      %dma_start3A_3742 = arith.constant 0 : i32
      %dma_start3A_3743 = tpu.memref_slice %arg6[%dma_start3A_3736, %dma_start3A_3742] : memref<32x100xi32, #tpu.memory_space<vmem>> -> memref<1x100xi32, #tpu.memory_space<vmem>>
      %dma_start3A_3744 = tpu.memref_squeeze %dma_start3A_3743 : memref<1x100xi32, #tpu.memory_space<vmem>> -> memref<100xi32, #tpu.memory_space<vmem>>
      %dma_start3A_3745 = arith.constant 0 : i32
      %dma_start3A_3746 = arith.constant 0 : i32
      %dma_start3A_3747 = tpu.memref_slice %arg10[%dma_start3A_3745, %dma_start3A_3746] : memref<300x16xf32, #tpu.memory_space<vmem_shared>> -> memref<300x16xf32, #tpu.memory_space<vmem_shared>>
      tpu.enqueue_indirect_dma source(%dma_start3A_3747 : memref<300x16xf32, #tpu.memory_space<vmem_shared>>) target(%dma_start3A_3741 : memref<100x16xf32, #tpu.memory_space<vmem>>) offsets(%dma_start3A_3744 : memref<100xi32, #tpu.memory_space<vmem>>) semaphore(%arg11 : memref<!tpu.dma_semaphore, #tpu.memory_space<semaphore_mem>>)
      %dma_start3A_3748 = arith.constant 24 : i32
      %dma_start3A_3749 = arith.constant 24 : i32
      %dma_start3A_3750 = arith.constant 0 : i32
      %dma_start3A_3751 = arith.constant 0 : i32
      %dma_start3A_3752 = tpu.memref_slice %arg7[%dma_start3A_3749, %dma_start3A_3750, %dma_start3A_3751] : memref<32x100x16xf32, #tpu.memory_space<vmem>> -> memref<1x100x16xf32, #tpu.memory_space<vmem>>
      %dma_start3A_3753 = tpu.memref_squeeze %dma_start3A_3752 : memref<1x100x16xf32, #tpu.memory_space<vmem>> -> memref<100x16xf32, #tpu.memory_space<vmem>>
      %dma_start3A_3754 = arith.constant 0 : i32
      %dma_start3A_3755 = tpu.memref_slice %arg6[%dma_start3A_3748, %dma_start3A_3754] : memref<32x100xi32, #tpu.memory_space<vmem>> -> memref<1x100xi32, #tpu.memory_space<vmem>>
      %dma_start3A_3756 = tpu.memref_squeeze %dma_start3A_3755 : memref<1x100xi32, #tpu.memory_space<vmem>> -> memref<100xi32, #tpu.memory_space<vmem>>
      %dma_start3A_3757 = arith.constant 0 : i32
      %dma_start3A_3758 = arith.constant 0 : i32
      %dma_start3A_3759 = tpu.memref_slice %arg10[%dma_start3A_3757, %dma_start3A_3758] : memref<300x16xf32, #tpu.memory_space<vmem_shared>> -> memref<300x16xf32, #tpu.memory_space<vmem_shared>>
      tpu.enqueue_indirect_dma source(%dma_start3A_3759 : memref<300x16xf32, #tpu.memory_space<vmem_shared>>) target(%dma_start3A_3753 : memref<100x16xf32, #tpu.memory_space<vmem>>) offsets(%dma_start3A_3756 : memref<100xi32, #tpu.memory_space<vmem>>) semaphore(%arg11 : memref<!tpu.dma_semaphore, #tpu.memory_space<semaphore_mem>>)
      %dma_start3A_3760 = arith.constant 25 : i32
      %dma_start3A_3761 = arith.constant 25 : i32
      %dma_start3A_3762 = arith.constant 0 : i32
      %dma_start3A_3763 = arith.constant 0 : i32
      %dma_start3A_3764 = tpu.memref_slice %arg7[%dma_start3A_3761, %dma_start3A_3762, %dma_start3A_3763] : memref<32x100x16xf32, #tpu.memory_space<vmem>> -> memref<1x100x16xf32, #tpu.memory_space<vmem>>
      %dma_start3A_3765 = tpu.memref_squeeze %dma_start3A_3764 : memref<1x100x16xf32, #tpu.memory_space<vmem>> -> memref<100x16xf32, #tpu.memory_space<vmem>>
      %dma_start3A_3766 = arith.constant 0 : i32
      %dma_start3A_3767 = tpu.memref_slice %arg6[%dma_start3A_3760, %dma_start3A_3766] : memref<32x100xi32, #tpu.memory_space<vmem>> -> memref<1x100xi32, #tpu.memory_space<vmem>>
      %dma_start3A_3768 = tpu.memref_squeeze %dma_start3A_3767 : memref<1x100xi32, #tpu.memory_space<vmem>> -> memref<100xi32, #tpu.memory_space<vmem>>
      %dma_start3A_3769 = arith.constant 0 : i32
      %dma_start3A_3770 = arith.constant 0 : i32
      %dma_start3A_3771 = tpu.memref_slice %arg10[%dma_start3A_3769, %dma_start3A_3770] : memref<300x16xf32, #tpu.memory_space<vmem_shared>> -> memref<300x16xf32, #tpu.memory_space<vmem_shared>>
      tpu.enqueue_indirect_dma source(%dma_start3A_3771 : memref<300x16xf32, #tpu.memory_space<vmem_shared>>) target(%dma_start3A_3765 : memref<100x16xf32, #tpu.memory_space<vmem>>) offsets(%dma_start3A_3768 : memref<100xi32, #tpu.memory_space<vmem>>) semaphore(%arg11 : memref<!tpu.dma_semaphore, #tpu.memory_space<semaphore_mem>>)
      %dma_start3A_3772 = arith.constant 26 : i32
      %dma_start3A_3773 = arith.constant 26 : i32
      %dma_start3A_3774 = arith.constant 0 : i32
      %dma_start3A_3775 = arith.constant 0 : i32
      %dma_start3A_3776 = tpu.memref_slice %arg7[%dma_start3A_3773, %dma_start3A_3774, %dma_start3A_3775] : memref<32x100x16xf32, #tpu.memory_space<vmem>> -> memref<1x100x16xf32, #tpu.memory_space<vmem>>
      %dma_start3A_3777 = tpu.memref_squeeze %dma_start3A_3776 : memref<1x100x16xf32, #tpu.memory_space<vmem>> -> memref<100x16xf32, #tpu.memory_space<vmem>>
      %dma_start3A_3778 = arith.constant 0 : i32
      %dma_start3A_3779 = tpu.memref_slice %arg6[%dma_start3A_3772, %dma_start3A_3778] : memref<32x100xi32, #tpu.memory_space<vmem>> -> memref<1x100xi32, #tpu.memory_space<vmem>>
      %dma_start3A_3780 = tpu.memref_squeeze %dma_start3A_3779 : memref<1x100xi32, #tpu.memory_space<vmem>> -> memref<100xi32, #tpu.memory_space<vmem>>
      %dma_start3A_3781 = arith.constant 0 : i32
      %dma_start3A_3782 = arith.constant 0 : i32
      %dma_start3A_3783 = tpu.memref_slice %arg10[%dma_start3A_3781, %dma_start3A_3782] : memref<300x16xf32, #tpu.memory_space<vmem_shared>> -> memref<300x16xf32, #tpu.memory_space<vmem_shared>>
      tpu.enqueue_indirect_dma source(%dma_start3A_3783 : memref<300x16xf32, #tpu.memory_space<vmem_shared>>) target(%dma_start3A_3777 : memref<100x16xf32, #tpu.memory_space<vmem>>) offsets(%dma_start3A_3780 : memref<100xi32, #tpu.memory_space<vmem>>) semaphore(%arg11 : memref<!tpu.dma_semaphore, #tpu.memory_space<semaphore_mem>>)
      %dma_start3A_3784 = arith.constant 27 : i32
      %dma_start3A_3785 = arith.constant 27 : i32
      %dma_start3A_3786 = arith.constant 0 : i32
      %dma_start3A_3787 = arith.constant 0 : i32
      %dma_start3A_3788 = tpu.memref_slice %arg7[%dma_start3A_3785, %dma_start3A_3786, %dma_start3A_3787] : memref<32x100x16xf32, #tpu.memory_space<vmem>> -> memref<1x100x16xf32, #tpu.memory_space<vmem>>
      %dma_start3A_3789 = tpu.memref_squeeze %dma_start3A_3788 : memref<1x100x16xf32, #tpu.memory_space<vmem>> -> memref<100x16xf32, #tpu.memory_space<vmem>>
      %dma_start3A_3790 = arith.constant 0 : i32
      %dma_start3A_3791 = tpu.memref_slice %arg6[%dma_start3A_3784, %dma_start3A_3790] : memref<32x100xi32, #tpu.memory_space<vmem>> -> memref<1x100xi32, #tpu.memory_space<vmem>>
      %dma_start3A_3792 = tpu.memref_squeeze %dma_start3A_3791 : memref<1x100xi32, #tpu.memory_space<vmem>> -> memref<100xi32, #tpu.memory_space<vmem>>
      %dma_start3A_3793 = arith.constant 0 : i32
      %dma_start3A_3794 = arith.constant 0 : i32
      %dma_start3A_3795 = tpu.memref_slice %arg10[%dma_start3A_3793, %dma_start3A_3794] : memref<300x16xf32, #tpu.memory_space<vmem_shared>> -> memref<300x16xf32, #tpu.memory_space<vmem_shared>>
      tpu.enqueue_indirect_dma source(%dma_start3A_3795 : memref<300x16xf32, #tpu.memory_space<vmem_shared>>) target(%dma_start3A_3789 : memref<100x16xf32, #tpu.memory_space<vmem>>) offsets(%dma_start3A_3792 : memref<100xi32, #tpu.memory_space<vmem>>) semaphore(%arg11 : memref<!tpu.dma_semaphore, #tpu.memory_space<semaphore_mem>>)
      %dma_start3A_3796 = arith.constant 28 : i32
      %dma_start3A_3797 = arith.constant 28 : i32
      %dma_start3A_3798 = arith.constant 0 : i32
      %dma_start3A_3799 = arith.constant 0 : i32
      %dma_start3A_3800 = tpu.memref_slice %arg7[%dma_start3A_3797, %dma_start3A_3798, %dma_start3A_3799] : memref<32x100x16xf32, #tpu.memory_space<vmem>> -> memref<1x100x16xf32, #tpu.memory_space<vmem>>
      %dma_start3A_3801 = tpu.memref_squeeze %dma_start3A_3800 : memref<1x100x16xf32, #tpu.memory_space<vmem>> -> memref<100x16xf32, #tpu.memory_space<vmem>>
      %dma_start3A_3802 = arith.constant 0 : i32
      %dma_start3A_3803 = tpu.memref_slice %arg6[%dma_start3A_3796, %dma_start3A_3802] : memref<32x100xi32, #tpu.memory_space<vmem>> -> memref<1x100xi32, #tpu.memory_space<vmem>>
      %dma_start3A_3804 = tpu.memref_squeeze %dma_start3A_3803 : memref<1x100xi32, #tpu.memory_space<vmem>> -> memref<100xi32, #tpu.memory_space<vmem>>
      %dma_start3A_3805 = arith.constant 0 : i32
      %dma_start3A_3806 = arith.constant 0 : i32
      %dma_start3A_3807 = tpu.memref_slice %arg10[%dma_start3A_3805, %dma_start3A_3806] : memref<300x16xf32, #tpu.memory_space<vmem_shared>> -> memref<300x16xf32, #tpu.memory_space<vmem_shared>>
      tpu.enqueue_indirect_dma source(%dma_start3A_3807 : memref<300x16xf32, #tpu.memory_space<vmem_shared>>) target(%dma_start3A_3801 : memref<100x16xf32, #tpu.memory_space<vmem>>) offsets(%dma_start3A_3804 : memref<100xi32, #tpu.memory_space<vmem>>) semaphore(%arg11 : memref<!tpu.dma_semaphore, #tpu.memory_space<semaphore_mem>>)
      %dma_start3A_3808 = arith.constant 29 : i32
      %dma_start3A_3809 = arith.constant 29 : i32
      %dma_start3A_3810 = arith.constant 0 : i32
      %dma_start3A_3811 = arith.constant 0 : i32
      %dma_start3A_3812 = tpu.memref_slice %arg7[%dma_start3A_3809, %dma_start3A_3810, %dma_start3A_3811] : memref<32x100x16xf32, #tpu.memory_space<vmem>> -> memref<1x100x16xf32, #tpu.memory_space<vmem>>
      %dma_start3A_3813 = tpu.memref_squeeze %dma_start3A_3812 : memref<1x100x16xf32, #tpu.memory_space<vmem>> -> memref<100x16xf32, #tpu.memory_space<vmem>>
      %dma_start3A_3814 = arith.constant 0 : i32
      %dma_start3A_3815 = tpu.memref_slice %arg6[%dma_start3A_3808, %dma_start3A_3814] : memref<32x100xi32, #tpu.memory_space<vmem>> -> memref<1x100xi32, #tpu.memory_space<vmem>>
      %dma_start3A_3816 = tpu.memref_squeeze %dma_start3A_3815 : memref<1x100xi32, #tpu.memory_space<vmem>> -> memref<100xi32, #tpu.memory_space<vmem>>
      %dma_start3A_3817 = arith.constant 0 : i32
      %dma_start3A_3818 = arith.constant 0 : i32
      %dma_start3A_3819 = tpu.memref_slice %arg10[%dma_start3A_3817, %dma_start3A_3818] : memref<300x16xf32, #tpu.memory_space<vmem_shared>> -> memref<300x16xf32, #tpu.memory_space<vmem_shared>>
      tpu.enqueue_indirect_dma source(%dma_start3A_3819 : memref<300x16xf32, #tpu.memory_space<vmem_shared>>) target(%dma_start3A_3813 : memref<100x16xf32, #tpu.memory_space<vmem>>) offsets(%dma_start3A_3816 : memref<100xi32, #tpu.memory_space<vmem>>) semaphore(%arg11 : memref<!tpu.dma_semaphore, #tpu.memory_space<semaphore_mem>>)
      %dma_start3A_3820 = arith.constant 30 : i32
      %dma_start3A_3821 = arith.constant 30 : i32
      %dma_start3A_3822 = arith.constant 0 : i32
      %dma_start3A_3823 = arith.constant 0 : i32
      %dma_start3A_3824 = tpu.memref_slice %arg7[%dma_start3A_3821, %dma_start3A_3822, %dma_start3A_3823] : memref<32x100x16xf32, #tpu.memory_space<vmem>> -> memref<1x100x16xf32, #tpu.memory_space<vmem>>
      %dma_start3A_3825 = tpu.memref_squeeze %dma_start3A_3824 : memref<1x100x16xf32, #tpu.memory_space<vmem>> -> memref<100x16xf32, #tpu.memory_space<vmem>>
      %dma_start3A_3826 = arith.constant 0 : i32
      %dma_start3A_3827 = tpu.memref_slice %arg6[%dma_start3A_3820, %dma_start3A_3826] : memref<32x100xi32, #tpu.memory_space<vmem>> -> memref<1x100xi32, #tpu.memory_space<vmem>>
      %dma_start3A_3828 = tpu.memref_squeeze %dma_start3A_3827 : memref<1x100xi32, #tpu.memory_space<vmem>> -> memref<100xi32, #tpu.memory_space<vmem>>
      %dma_start3A_3829 = arith.constant 0 : i32
      %dma_start3A_3830 = arith.constant 0 : i32
      %dma_start3A_3831 = tpu.memref_slice %arg10[%dma_start3A_3829, %dma_start3A_3830] : memref<300x16xf32, #tpu.memory_space<vmem_shared>> -> memref<300x16xf32, #tpu.memory_space<vmem_shared>>
      tpu.enqueue_indirect_dma source(%dma_start3A_3831 : memref<300x16xf32, #tpu.memory_space<vmem_shared>>) target(%dma_start3A_3825 : memref<100x16xf32, #tpu.memory_space<vmem>>) offsets(%dma_start3A_3828 : memref<100xi32, #tpu.memory_space<vmem>>) semaphore(%arg11 : memref<!tpu.dma_semaphore, #tpu.memory_space<semaphore_mem>>)
      %dma_start3A_3832 = arith.constant 31 : i32
      %dma_start3A_3833 = arith.constant 31 : i32
      %dma_start3A_3834 = arith.constant 0 : i32
      %dma_start3A_3835 = arith.constant 0 : i32
      %dma_start3A_3836 = tpu.memref_slice %arg7[%dma_start3A_3833, %dma_start3A_3834, %dma_start3A_3835] : memref<32x100x16xf32, #tpu.memory_space<vmem>> -> memref<1x100x16xf32, #tpu.memory_space<vmem>>
      %dma_start3A_3837 = tpu.memref_squeeze %dma_start3A_3836 : memref<1x100x16xf32, #tpu.memory_space<vmem>> -> memref<100x16xf32, #tpu.memory_space<vmem>>
      %dma_start3A_3838 = arith.constant 0 : i32
      %dma_start3A_3839 = tpu.memref_slice %arg6[%dma_start3A_3832, %dma_start3A_3838] : memref<32x100xi32, #tpu.memory_space<vmem>> -> memref<1x100xi32, #tpu.memory_space<vmem>>
      %dma_start3A_3840 = tpu.memref_squeeze %dma_start3A_3839 : memref<1x100xi32, #tpu.memory_space<vmem>> -> memref<100xi32, #tpu.memory_space<vmem>>
      %dma_start3A_3841 = arith.constant 0 : i32
      %dma_start3A_3842 = arith.constant 0 : i32
      %dma_start3A_3843 = tpu.memref_slice %arg10[%dma_start3A_3841, %dma_start3A_3842] : memref<300x16xf32, #tpu.memory_space<vmem_shared>> -> memref<300x16xf32, #tpu.memory_space<vmem_shared>>
      tpu.enqueue_indirect_dma source(%dma_start3A_3843 : memref<300x16xf32, #tpu.memory_space<vmem_shared>>) target(%dma_start3A_3837 : memref<100x16xf32, #tpu.memory_space<vmem>>) offsets(%dma_start3A_3840 : memref<100xi32, #tpu.memory_space<vmem>>) semaphore(%arg11 : memref<!tpu.dma_semaphore, #tpu.memory_space<semaphore_mem>>)
      %dma_wait3A_3844 = arith.constant 0 : i32
      %dma_wait3A_3845 = arith.constant 0 : i32
      %dma_wait3A_3846 = arith.constant 0 : i32
      %dma_wait3A_3847 = arith.constant 0 : i32
      %dma_wait3A_3848 = tpu.memref_slice %arg7[%dma_wait3A_3845, %dma_wait3A_3846, %dma_wait3A_3847] : memref<32x100x16xf32, #tpu.memory_space<vmem>> -> memref<1x100x16xf32, #tpu.memory_space<vmem>>
      %dma_wait3A_3849 = tpu.memref_squeeze %dma_wait3A_3848 : memref<1x100x16xf32, #tpu.memory_space<vmem>> -> memref<100x16xf32, #tpu.memory_space<vmem>>
      %dma_wait3A_3850 = arith.constant 0 : i32
      %dma_wait3A_3851 = tpu.memref_slice %arg6[%dma_wait3A_3844, %dma_wait3A_3850] : memref<32x100xi32, #tpu.memory_space<vmem>> -> memref<1x100xi32, #tpu.memory_space<vmem>>
      %dma_wait3A_3852 = tpu.memref_squeeze %dma_wait3A_3851 : memref<1x100xi32, #tpu.memory_space<vmem>> -> memref<100xi32, #tpu.memory_space<vmem>>
      %dma_wait3A_3853 = arith.constant 0 : i32
      %dma_wait3A_3854 = arith.constant 0 : i32
      %dma_wait3A_3855 = tpu.memref_slice %arg10[%dma_wait3A_3853, %dma_wait3A_3854] : memref<300x16xf32, #tpu.memory_space<vmem_shared>> -> memref<300x16xf32, #tpu.memory_space<vmem_shared>>
      tpu.wait_indirect_dma semaphore(%arg11 : memref<!tpu.dma_semaphore, #tpu.memory_space<semaphore_mem>>) src(%dma_wait3A_3855 : memref<300x16xf32, #tpu.memory_space<vmem_shared>>) dst(%dma_wait3A_3849 : memref<100x16xf32, #tpu.memory_space<vmem>>)
      %dma_wait3A_3856 = arith.constant 1 : i32
      %dma_wait3A_3857 = arith.constant 1 : i32
      %dma_wait3A_3858 = arith.constant 0 : i32
      %dma_wait3A_3859 = arith.constant 0 : i32
      %dma_wait3A_3860 = tpu.memref_slice %arg7[%dma_wait3A_3857, %dma_wait3A_3858, %dma_wait3A_3859] : memref<32x100x16xf32, #tpu.memory_space<vmem>> -> memref<1x100x16xf32, #tpu.memory_space<vmem>>
      %dma_wait3A_3861 = tpu.memref_squeeze %dma_wait3A_3860 : memref<1x100x16xf32, #tpu.memory_space<vmem>> -> memref<100x16xf32, #tpu.memory_space<vmem>>
      %dma_wait3A_3862 = arith.constant 0 : i32
      %dma_wait3A_3863 = tpu.memref_slice %arg6[%dma_wait3A_3856, %dma_wait3A_3862] : memref<32x100xi32, #tpu.memory_space<vmem>> -> memref<1x100xi32, #tpu.memory_space<vmem>>
      %dma_wait3A_3864 = tpu.memref_squeeze %dma_wait3A_3863 : memref<1x100xi32, #tpu.memory_space<vmem>> -> memref<100xi32, #tpu.memory_space<vmem>>
      %dma_wait3A_3865 = arith.constant 0 : i32
      %dma_wait3A_3866 = arith.constant 0 : i32
      %dma_wait3A_3867 = tpu.memref_slice %arg10[%dma_wait3A_3865, %dma_wait3A_3866] : memref<300x16xf32, #tpu.memory_space<vmem_shared>> -> memref<300x16xf32, #tpu.memory_space<vmem_shared>>
      tpu.wait_indirect_dma semaphore(%arg11 : memref<!tpu.dma_semaphore, #tpu.memory_space<semaphore_mem>>) src(%dma_wait3A_3867 : memref<300x16xf32, #tpu.memory_space<vmem_shared>>) dst(%dma_wait3A_3861 : memref<100x16xf32, #tpu.memory_space<vmem>>)
      %dma_wait3A_3868 = arith.constant 2 : i32
      %dma_wait3A_3869 = arith.constant 2 : i32
      %dma_wait3A_3870 = arith.constant 0 : i32
      %dma_wait3A_3871 = arith.constant 0 : i32
      %dma_wait3A_3872 = tpu.memref_slice %arg7[%dma_wait3A_3869, %dma_wait3A_3870, %dma_wait3A_3871] : memref<32x100x16xf32, #tpu.memory_space<vmem>> -> memref<1x100x16xf32, #tpu.memory_space<vmem>>
      %dma_wait3A_3873 = tpu.memref_squeeze %dma_wait3A_3872 : memref<1x100x16xf32, #tpu.memory_space<vmem>> -> memref<100x16xf32, #tpu.memory_space<vmem>>
      %dma_wait3A_3874 = arith.constant 0 : i32
      %dma_wait3A_3875 = tpu.memref_slice %arg6[%dma_wait3A_3868, %dma_wait3A_3874] : memref<32x100xi32, #tpu.memory_space<vmem>> -> memref<1x100xi32, #tpu.memory_space<vmem>>
      %dma_wait3A_3876 = tpu.memref_squeeze %dma_wait3A_3875 : memref<1x100xi32, #tpu.memory_space<vmem>> -> memref<100xi32, #tpu.memory_space<vmem>>
      %dma_wait3A_3877 = arith.constant 0 : i32
      %dma_wait3A_3878 = arith.constant 0 : i32
      %dma_wait3A_3879 = tpu.memref_slice %arg10[%dma_wait3A_3877, %dma_wait3A_3878] : memref<300x16xf32, #tpu.memory_space<vmem_shared>> -> memref<300x16xf32, #tpu.memory_space<vmem_shared>>
      tpu.wait_indirect_dma semaphore(%arg11 : memref<!tpu.dma_semaphore, #tpu.memory_space<semaphore_mem>>) src(%dma_wait3A_3879 : memref<300x16xf32, #tpu.memory_space<vmem_shared>>) dst(%dma_wait3A_3873 : memref<100x16xf32, #tpu.memory_space<vmem>>)
      %dma_wait3A_3880 = arith.constant 3 : i32
      %dma_wait3A_3881 = arith.constant 3 : i32
      %dma_wait3A_3882 = arith.constant 0 : i32
      %dma_wait3A_3883 = arith.constant 0 : i32
      %dma_wait3A_3884 = tpu.memref_slice %arg7[%dma_wait3A_3881, %dma_wait3A_3882, %dma_wait3A_3883] : memref<32x100x16xf32, #tpu.memory_space<vmem>> -> memref<1x100x16xf32, #tpu.memory_space<vmem>>
      %dma_wait3A_3885 = tpu.memref_squeeze %dma_wait3A_3884 : memref<1x100x16xf32, #tpu.memory_space<vmem>> -> memref<100x16xf32, #tpu.memory_space<vmem>>
      %dma_wait3A_3886 = arith.constant 0 : i32
      %dma_wait3A_3887 = tpu.memref_slice %arg6[%dma_wait3A_3880, %dma_wait3A_3886] : memref<32x100xi32, #tpu.memory_space<vmem>> -> memref<1x100xi32, #tpu.memory_space<vmem>>
      %dma_wait3A_3888 = tpu.memref_squeeze %dma_wait3A_3887 : memref<1x100xi32, #tpu.memory_space<vmem>> -> memref<100xi32, #tpu.memory_space<vmem>>
      %dma_wait3A_3889 = arith.constant 0 : i32
      %dma_wait3A_3890 = arith.constant 0 : i32
      %dma_wait3A_3891 = tpu.memref_slice %arg10[%dma_wait3A_3889, %dma_wait3A_3890] : memref<300x16xf32, #tpu.memory_space<vmem_shared>> -> memref<300x16xf32, #tpu.memory_space<vmem_shared>>
      tpu.wait_indirect_dma semaphore(%arg11 : memref<!tpu.dma_semaphore, #tpu.memory_space<semaphore_mem>>) src(%dma_wait3A_3891 : memref<300x16xf32, #tpu.memory_space<vmem_shared>>) dst(%dma_wait3A_3885 : memref<100x16xf32, #tpu.memory_space<vmem>>)
      %dma_wait3A_3892 = arith.constant 4 : i32
      %dma_wait3A_3893 = arith.constant 4 : i32
      %dma_wait3A_3894 = arith.constant 0 : i32
      %dma_wait3A_3895 = arith.constant 0 : i32
      %dma_wait3A_3896 = tpu.memref_slice %arg7[%dma_wait3A_3893, %dma_wait3A_3894, %dma_wait3A_3895] : memref<32x100x16xf32, #tpu.memory_space<vmem>> -> memref<1x100x16xf32, #tpu.memory_space<vmem>>
      %dma_wait3A_3897 = tpu.memref_squeeze %dma_wait3A_3896 : memref<1x100x16xf32, #tpu.memory_space<vmem>> -> memref<100x16xf32, #tpu.memory_space<vmem>>
      %dma_wait3A_3898 = arith.constant 0 : i32
      %dma_wait3A_3899 = tpu.memref_slice %arg6[%dma_wait3A_3892, %dma_wait3A_3898] : memref<32x100xi32, #tpu.memory_space<vmem>> -> memref<1x100xi32, #tpu.memory_space<vmem>>
      %dma_wait3A_3900 = tpu.memref_squeeze %dma_wait3A_3899 : memref<1x100xi32, #tpu.memory_space<vmem>> -> memref<100xi32, #tpu.memory_space<vmem>>
      %dma_wait3A_3901 = arith.constant 0 : i32
      %dma_wait3A_3902 = arith.constant 0 : i32
      %dma_wait3A_3903 = tpu.memref_slice %arg10[%dma_wait3A_3901, %dma_wait3A_3902] : memref<300x16xf32, #tpu.memory_space<vmem_shared>> -> memref<300x16xf32, #tpu.memory_space<vmem_shared>>
      tpu.wait_indirect_dma semaphore(%arg11 : memref<!tpu.dma_semaphore, #tpu.memory_space<semaphore_mem>>) src(%dma_wait3A_3903 : memref<300x16xf32, #tpu.memory_space<vmem_shared>>) dst(%dma_wait3A_3897 : memref<100x16xf32, #tpu.memory_space<vmem>>)
      %dma_wait3A_3904 = arith.constant 5 : i32
      %dma_wait3A_3905 = arith.constant 5 : i32
      %dma_wait3A_3906 = arith.constant 0 : i32
      %dma_wait3A_3907 = arith.constant 0 : i32
      %dma_wait3A_3908 = tpu.memref_slice %arg7[%dma_wait3A_3905, %dma_wait3A_3906, %dma_wait3A_3907] : memref<32x100x16xf32, #tpu.memory_space<vmem>> -> memref<1x100x16xf32, #tpu.memory_space<vmem>>
      %dma_wait3A_3909 = tpu.memref_squeeze %dma_wait3A_3908 : memref<1x100x16xf32, #tpu.memory_space<vmem>> -> memref<100x16xf32, #tpu.memory_space<vmem>>
      %dma_wait3A_3910 = arith.constant 0 : i32
      %dma_wait3A_3911 = tpu.memref_slice %arg6[%dma_wait3A_3904, %dma_wait3A_3910] : memref<32x100xi32, #tpu.memory_space<vmem>> -> memref<1x100xi32, #tpu.memory_space<vmem>>
      %dma_wait3A_3912 = tpu.memref_squeeze %dma_wait3A_3911 : memref<1x100xi32, #tpu.memory_space<vmem>> -> memref<100xi32, #tpu.memory_space<vmem>>
      %dma_wait3A_3913 = arith.constant 0 : i32
      %dma_wait3A_3914 = arith.constant 0 : i32
      %dma_wait3A_3915 = tpu.memref_slice %arg10[%dma_wait3A_3913, %dma_wait3A_3914] : memref<300x16xf32, #tpu.memory_space<vmem_shared>> -> memref<300x16xf32, #tpu.memory_space<vmem_shared>>
      tpu.wait_indirect_dma semaphore(%arg11 : memref<!tpu.dma_semaphore, #tpu.memory_space<semaphore_mem>>) src(%dma_wait3A_3915 : memref<300x16xf32, #tpu.memory_space<vmem_shared>>) dst(%dma_wait3A_3909 : memref<100x16xf32, #tpu.memory_space<vmem>>)
      %dma_wait3A_3916 = arith.constant 6 : i32
      %dma_wait3A_3917 = arith.constant 6 : i32
      %dma_wait3A_3918 = arith.constant 0 : i32
      %dma_wait3A_3919 = arith.constant 0 : i32
      %dma_wait3A_3920 = tpu.memref_slice %arg7[%dma_wait3A_3917, %dma_wait3A_3918, %dma_wait3A_3919] : memref<32x100x16xf32, #tpu.memory_space<vmem>> -> memref<1x100x16xf32, #tpu.memory_space<vmem>>
      %dma_wait3A_3921 = tpu.memref_squeeze %dma_wait3A_3920 : memref<1x100x16xf32, #tpu.memory_space<vmem>> -> memref<100x16xf32, #tpu.memory_space<vmem>>
      %dma_wait3A_3922 = arith.constant 0 : i32
      %dma_wait3A_3923 = tpu.memref_slice %arg6[%dma_wait3A_3916, %dma_wait3A_3922] : memref<32x100xi32, #tpu.memory_space<vmem>> -> memref<1x100xi32, #tpu.memory_space<vmem>>
      %dma_wait3A_3924 = tpu.memref_squeeze %dma_wait3A_3923 : memref<1x100xi32, #tpu.memory_space<vmem>> -> memref<100xi32, #tpu.memory_space<vmem>>
      %dma_wait3A_3925 = arith.constant 0 : i32
      %dma_wait3A_3926 = arith.constant 0 : i32
      %dma_wait3A_3927 = tpu.memref_slice %arg10[%dma_wait3A_3925, %dma_wait3A_3926] : memref<300x16xf32, #tpu.memory_space<vmem_shared>> -> memref<300x16xf32, #tpu.memory_space<vmem_shared>>
      tpu.wait_indirect_dma semaphore(%arg11 : memref<!tpu.dma_semaphore, #tpu.memory_space<semaphore_mem>>) src(%dma_wait3A_3927 : memref<300x16xf32, #tpu.memory_space<vmem_shared>>) dst(%dma_wait3A_3921 : memref<100x16xf32, #tpu.memory_space<vmem>>)
      %dma_wait3A_3928 = arith.constant 7 : i32
      %dma_wait3A_3929 = arith.constant 7 : i32
      %dma_wait3A_3930 = arith.constant 0 : i32
      %dma_wait3A_3931 = arith.constant 0 : i32
      %dma_wait3A_3932 = tpu.memref_slice %arg7[%dma_wait3A_3929, %dma_wait3A_3930, %dma_wait3A_3931] : memref<32x100x16xf32, #tpu.memory_space<vmem>> -> memref<1x100x16xf32, #tpu.memory_space<vmem>>
      %dma_wait3A_3933 = tpu.memref_squeeze %dma_wait3A_3932 : memref<1x100x16xf32, #tpu.memory_space<vmem>> -> memref<100x16xf32, #tpu.memory_space<vmem>>
      %dma_wait3A_3934 = arith.constant 0 : i32
      %dma_wait3A_3935 = tpu.memref_slice %arg6[%dma_wait3A_3928, %dma_wait3A_3934] : memref<32x100xi32, #tpu.memory_space<vmem>> -> memref<1x100xi32, #tpu.memory_space<vmem>>
      %dma_wait3A_3936 = tpu.memref_squeeze %dma_wait3A_3935 : memref<1x100xi32, #tpu.memory_space<vmem>> -> memref<100xi32, #tpu.memory_space<vmem>>
      %dma_wait3A_3937 = arith.constant 0 : i32
      %dma_wait3A_3938 = arith.constant 0 : i32
      %dma_wait3A_3939 = tpu.memref_slice %arg10[%dma_wait3A_3937, %dma_wait3A_3938] : memref<300x16xf32, #tpu.memory_space<vmem_shared>> -> memref<300x16xf32, #tpu.memory_space<vmem_shared>>
      tpu.wait_indirect_dma semaphore(%arg11 : memref<!tpu.dma_semaphore, #tpu.memory_space<semaphore_mem>>) src(%dma_wait3A_3939 : memref<300x16xf32, #tpu.memory_space<vmem_shared>>) dst(%dma_wait3A_3933 : memref<100x16xf32, #tpu.memory_space<vmem>>)
      %dma_wait3A_3940 = arith.constant 8 : i32
      %dma_wait3A_3941 = arith.constant 8 : i32
      %dma_wait3A_3942 = arith.constant 0 : i32
      %dma_wait3A_3943 = arith.constant 0 : i32
      %dma_wait3A_3944 = tpu.memref_slice %arg7[%dma_wait3A_3941, %dma_wait3A_3942, %dma_wait3A_3943] : memref<32x100x16xf32, #tpu.memory_space<vmem>> -> memref<1x100x16xf32, #tpu.memory_space<vmem>>
      %dma_wait3A_3945 = tpu.memref_squeeze %dma_wait3A_3944 : memref<1x100x16xf32, #tpu.memory_space<vmem>> -> memref<100x16xf32, #tpu.memory_space<vmem>>
      %dma_wait3A_3946 = arith.constant 0 : i32
      %dma_wait3A_3947 = tpu.memref_slice %arg6[%dma_wait3A_3940, %dma_wait3A_3946] : memref<32x100xi32, #tpu.memory_space<vmem>> -> memref<1x100xi32, #tpu.memory_space<vmem>>
      %dma_wait3A_3948 = tpu.memref_squeeze %dma_wait3A_3947 : memref<1x100xi32, #tpu.memory_space<vmem>> -> memref<100xi32, #tpu.memory_space<vmem>>
      %dma_wait3A_3949 = arith.constant 0 : i32
      %dma_wait3A_3950 = arith.constant 0 : i32
      %dma_wait3A_3951 = tpu.memref_slice %arg10[%dma_wait3A_3949, %dma_wait3A_3950] : memref<300x16xf32, #tpu.memory_space<vmem_shared>> -> memref<300x16xf32, #tpu.memory_space<vmem_shared>>
      tpu.wait_indirect_dma semaphore(%arg11 : memref<!tpu.dma_semaphore, #tpu.memory_space<semaphore_mem>>) src(%dma_wait3A_3951 : memref<300x16xf32, #tpu.memory_space<vmem_shared>>) dst(%dma_wait3A_3945 : memref<100x16xf32, #tpu.memory_space<vmem>>)
      %dma_wait3A_3952 = arith.constant 9 : i32
      %dma_wait3A_3953 = arith.constant 9 : i32
      %dma_wait3A_3954 = arith.constant 0 : i32
      %dma_wait3A_3955 = arith.constant 0 : i32
      %dma_wait3A_3956 = tpu.memref_slice %arg7[%dma_wait3A_3953, %dma_wait3A_3954, %dma_wait3A_3955] : memref<32x100x16xf32, #tpu.memory_space<vmem>> -> memref<1x100x16xf32, #tpu.memory_space<vmem>>
      %dma_wait3A_3957 = tpu.memref_squeeze %dma_wait3A_3956 : memref<1x100x16xf32, #tpu.memory_space<vmem>> -> memref<100x16xf32, #tpu.memory_space<vmem>>
      %dma_wait3A_3958 = arith.constant 0 : i32
      %dma_wait3A_3959 = tpu.memref_slice %arg6[%dma_wait3A_3952, %dma_wait3A_3958] : memref<32x100xi32, #tpu.memory_space<vmem>> -> memref<1x100xi32, #tpu.memory_space<vmem>>
      %dma_wait3A_3960 = tpu.memref_squeeze %dma_wait3A_3959 : memref<1x100xi32, #tpu.memory_space<vmem>> -> memref<100xi32, #tpu.memory_space<vmem>>
      %dma_wait3A_3961 = arith.constant 0 : i32
      %dma_wait3A_3962 = arith.constant 0 : i32
      %dma_wait3A_3963 = tpu.memref_slice %arg10[%dma_wait3A_3961, %dma_wait3A_3962] : memref<300x16xf32, #tpu.memory_space<vmem_shared>> -> memref<300x16xf32, #tpu.memory_space<vmem_shared>>
      tpu.wait_indirect_dma semaphore(%arg11 : memref<!tpu.dma_semaphore, #tpu.memory_space<semaphore_mem>>) src(%dma_wait3A_3963 : memref<300x16xf32, #tpu.memory_space<vmem_shared>>) dst(%dma_wait3A_3957 : memref<100x16xf32, #tpu.memory_space<vmem>>)
      %dma_wait3A_3964 = arith.constant 10 : i32
      %dma_wait3A_3965 = arith.constant 10 : i32
      %dma_wait3A_3966 = arith.constant 0 : i32
      %dma_wait3A_3967 = arith.constant 0 : i32
      %dma_wait3A_3968 = tpu.memref_slice %arg7[%dma_wait3A_3965, %dma_wait3A_3966, %dma_wait3A_3967] : memref<32x100x16xf32, #tpu.memory_space<vmem>> -> memref<1x100x16xf32, #tpu.memory_space<vmem>>
      %dma_wait3A_3969 = tpu.memref_squeeze %dma_wait3A_3968 : memref<1x100x16xf32, #tpu.memory_space<vmem>> -> memref<100x16xf32, #tpu.memory_space<vmem>>
      %dma_wait3A_3970 = arith.constant 0 : i32
      %dma_wait3A_3971 = tpu.memref_slice %arg6[%dma_wait3A_3964, %dma_wait3A_3970] : memref<32x100xi32, #tpu.memory_space<vmem>> -> memref<1x100xi32, #tpu.memory_space<vmem>>
      %dma_wait3A_3972 = tpu.memref_squeeze %dma_wait3A_3971 : memref<1x100xi32, #tpu.memory_space<vmem>> -> memref<100xi32, #tpu.memory_space<vmem>>
      %dma_wait3A_3973 = arith.constant 0 : i32
      %dma_wait3A_3974 = arith.constant 0 : i32
      %dma_wait3A_3975 = tpu.memref_slice %arg10[%dma_wait3A_3973, %dma_wait3A_3974] : memref<300x16xf32, #tpu.memory_space<vmem_shared>> -> memref<300x16xf32, #tpu.memory_space<vmem_shared>>
      tpu.wait_indirect_dma semaphore(%arg11 : memref<!tpu.dma_semaphore, #tpu.memory_space<semaphore_mem>>) src(%dma_wait3A_3975 : memref<300x16xf32, #tpu.memory_space<vmem_shared>>) dst(%dma_wait3A_3969 : memref<100x16xf32, #tpu.memory_space<vmem>>)
      %dma_wait3A_3976 = arith.constant 11 : i32
      %dma_wait3A_3977 = arith.constant 11 : i32
      %dma_wait3A_3978 = arith.constant 0 : i32
      %dma_wait3A_3979 = arith.constant 0 : i32
      %dma_wait3A_3980 = tpu.memref_slice %arg7[%dma_wait3A_3977, %dma_wait3A_3978, %dma_wait3A_3979] : memref<32x100x16xf32, #tpu.memory_space<vmem>> -> memref<1x100x16xf32, #tpu.memory_space<vmem>>
      %dma_wait3A_3981 = tpu.memref_squeeze %dma_wait3A_3980 : memref<1x100x16xf32, #tpu.memory_space<vmem>> -> memref<100x16xf32, #tpu.memory_space<vmem>>
      %dma_wait3A_3982 = arith.constant 0 : i32
      %dma_wait3A_3983 = tpu.memref_slice %arg6[%dma_wait3A_3976, %dma_wait3A_3982] : memref<32x100xi32, #tpu.memory_space<vmem>> -> memref<1x100xi32, #tpu.memory_space<vmem>>
      %dma_wait3A_3984 = tpu.memref_squeeze %dma_wait3A_3983 : memref<1x100xi32, #tpu.memory_space<vmem>> -> memref<100xi32, #tpu.memory_space<vmem>>
      %dma_wait3A_3985 = arith.constant 0 : i32
      %dma_wait3A_3986 = arith.constant 0 : i32
      %dma_wait3A_3987 = tpu.memref_slice %arg10[%dma_wait3A_3985, %dma_wait3A_3986] : memref<300x16xf32, #tpu.memory_space<vmem_shared>> -> memref<300x16xf32, #tpu.memory_space<vmem_shared>>
      tpu.wait_indirect_dma semaphore(%arg11 : memref<!tpu.dma_semaphore, #tpu.memory_space<semaphore_mem>>) src(%dma_wait3A_3987 : memref<300x16xf32, #tpu.memory_space<vmem_shared>>) dst(%dma_wait3A_3981 : memref<100x16xf32, #tpu.memory_space<vmem>>)
      %dma_wait3A_3988 = arith.constant 12 : i32
      %dma_wait3A_3989 = arith.constant 12 : i32
      %dma_wait3A_3990 = arith.constant 0 : i32
      %dma_wait3A_3991 = arith.constant 0 : i32
      %dma_wait3A_3992 = tpu.memref_slice %arg7[%dma_wait3A_3989, %dma_wait3A_3990, %dma_wait3A_3991] : memref<32x100x16xf32, #tpu.memory_space<vmem>> -> memref<1x100x16xf32, #tpu.memory_space<vmem>>
      %dma_wait3A_3993 = tpu.memref_squeeze %dma_wait3A_3992 : memref<1x100x16xf32, #tpu.memory_space<vmem>> -> memref<100x16xf32, #tpu.memory_space<vmem>>
      %dma_wait3A_3994 = arith.constant 0 : i32
      %dma_wait3A_3995 = tpu.memref_slice %arg6[%dma_wait3A_3988, %dma_wait3A_3994] : memref<32x100xi32, #tpu.memory_space<vmem>> -> memref<1x100xi32, #tpu.memory_space<vmem>>
      %dma_wait3A_3996 = tpu.memref_squeeze %dma_wait3A_3995 : memref<1x100xi32, #tpu.memory_space<vmem>> -> memref<100xi32, #tpu.memory_space<vmem>>
      %dma_wait3A_3997 = arith.constant 0 : i32
      %dma_wait3A_3998 = arith.constant 0 : i32
      %dma_wait3A_3999 = tpu.memref_slice %arg10[%dma_wait3A_3997, %dma_wait3A_3998] : memref<300x16xf32, #tpu.memory_space<vmem_shared>> -> memref<300x16xf32, #tpu.memory_space<vmem_shared>>
      tpu.wait_indirect_dma semaphore(%arg11 : memref<!tpu.dma_semaphore, #tpu.memory_space<semaphore_mem>>) src(%dma_wait3A_3999 : memref<300x16xf32, #tpu.memory_space<vmem_shared>>) dst(%dma_wait3A_3993 : memref<100x16xf32, #tpu.memory_space<vmem>>)
      %dma_wait3A_4000 = arith.constant 13 : i32
      %dma_wait3A_4001 = arith.constant 13 : i32
      %dma_wait3A_4002 = arith.constant 0 : i32
      %dma_wait3A_4003 = arith.constant 0 : i32
      %dma_wait3A_4004 = tpu.memref_slice %arg7[%dma_wait3A_4001, %dma_wait3A_4002, %dma_wait3A_4003] : memref<32x100x16xf32, #tpu.memory_space<vmem>> -> memref<1x100x16xf32, #tpu.memory_space<vmem>>
      %dma_wait3A_4005 = tpu.memref_squeeze %dma_wait3A_4004 : memref<1x100x16xf32, #tpu.memory_space<vmem>> -> memref<100x16xf32, #tpu.memory_space<vmem>>
      %dma_wait3A_4006 = arith.constant 0 : i32
      %dma_wait3A_4007 = tpu.memref_slice %arg6[%dma_wait3A_4000, %dma_wait3A_4006] : memref<32x100xi32, #tpu.memory_space<vmem>> -> memref<1x100xi32, #tpu.memory_space<vmem>>
      %dma_wait3A_4008 = tpu.memref_squeeze %dma_wait3A_4007 : memref<1x100xi32, #tpu.memory_space<vmem>> -> memref<100xi32, #tpu.memory_space<vmem>>
      %dma_wait3A_4009 = arith.constant 0 : i32
      %dma_wait3A_4010 = arith.constant 0 : i32
      %dma_wait3A_4011 = tpu.memref_slice %arg10[%dma_wait3A_4009, %dma_wait3A_4010] : memref<300x16xf32, #tpu.memory_space<vmem_shared>> -> memref<300x16xf32, #tpu.memory_space<vmem_shared>>
      tpu.wait_indirect_dma semaphore(%arg11 : memref<!tpu.dma_semaphore, #tpu.memory_space<semaphore_mem>>) src(%dma_wait3A_4011 : memref<300x16xf32, #tpu.memory_space<vmem_shared>>) dst(%dma_wait3A_4005 : memref<100x16xf32, #tpu.memory_space<vmem>>)
      %dma_wait3A_4012 = arith.constant 14 : i32
      %dma_wait3A_4013 = arith.constant 14 : i32
      %dma_wait3A_4014 = arith.constant 0 : i32
      %dma_wait3A_4015 = arith.constant 0 : i32
      %dma_wait3A_4016 = tpu.memref_slice %arg7[%dma_wait3A_4013, %dma_wait3A_4014, %dma_wait3A_4015] : memref<32x100x16xf32, #tpu.memory_space<vmem>> -> memref<1x100x16xf32, #tpu.memory_space<vmem>>
      %dma_wait3A_4017 = tpu.memref_squeeze %dma_wait3A_4016 : memref<1x100x16xf32, #tpu.memory_space<vmem>> -> memref<100x16xf32, #tpu.memory_space<vmem>>
      %dma_wait3A_4018 = arith.constant 0 : i32
      %dma_wait3A_4019 = tpu.memref_slice %arg6[%dma_wait3A_4012, %dma_wait3A_4018] : memref<32x100xi32, #tpu.memory_space<vmem>> -> memref<1x100xi32, #tpu.memory_space<vmem>>
      %dma_wait3A_4020 = tpu.memref_squeeze %dma_wait3A_4019 : memref<1x100xi32, #tpu.memory_space<vmem>> -> memref<100xi32, #tpu.memory_space<vmem>>
      %dma_wait3A_4021 = arith.constant 0 : i32
      %dma_wait3A_4022 = arith.constant 0 : i32
      %dma_wait3A_4023 = tpu.memref_slice %arg10[%dma_wait3A_4021, %dma_wait3A_4022] : memref<300x16xf32, #tpu.memory_space<vmem_shared>> -> memref<300x16xf32, #tpu.memory_space<vmem_shared>>
      tpu.wait_indirect_dma semaphore(%arg11 : memref<!tpu.dma_semaphore, #tpu.memory_space<semaphore_mem>>) src(%dma_wait3A_4023 : memref<300x16xf32, #tpu.memory_space<vmem_shared>>) dst(%dma_wait3A_4017 : memref<100x16xf32, #tpu.memory_space<vmem>>)
      %dma_wait3A_4024 = arith.constant 15 : i32
      %dma_wait3A_4025 = arith.constant 15 : i32
      %dma_wait3A_4026 = arith.constant 0 : i32
      %dma_wait3A_4027 = arith.constant 0 : i32
      %dma_wait3A_4028 = tpu.memref_slice %arg7[%dma_wait3A_4025, %dma_wait3A_4026, %dma_wait3A_4027] : memref<32x100x16xf32, #tpu.memory_space<vmem>> -> memref<1x100x16xf32, #tpu.memory_space<vmem>>
      %dma_wait3A_4029 = tpu.memref_squeeze %dma_wait3A_4028 : memref<1x100x16xf32, #tpu.memory_space<vmem>> -> memref<100x16xf32, #tpu.memory_space<vmem>>
      %dma_wait3A_4030 = arith.constant 0 : i32
      %dma_wait3A_4031 = tpu.memref_slice %arg6[%dma_wait3A_4024, %dma_wait3A_4030] : memref<32x100xi32, #tpu.memory_space<vmem>> -> memref<1x100xi32, #tpu.memory_space<vmem>>
      %dma_wait3A_4032 = tpu.memref_squeeze %dma_wait3A_4031 : memref<1x100xi32, #tpu.memory_space<vmem>> -> memref<100xi32, #tpu.memory_space<vmem>>
      %dma_wait3A_4033 = arith.constant 0 : i32
      %dma_wait3A_4034 = arith.constant 0 : i32
      %dma_wait3A_4035 = tpu.memref_slice %arg10[%dma_wait3A_4033, %dma_wait3A_4034] : memref<300x16xf32, #tpu.memory_space<vmem_shared>> -> memref<300x16xf32, #tpu.memory_space<vmem_shared>>
      tpu.wait_indirect_dma semaphore(%arg11 : memref<!tpu.dma_semaphore, #tpu.memory_space<semaphore_mem>>) src(%dma_wait3A_4035 : memref<300x16xf32, #tpu.memory_space<vmem_shared>>) dst(%dma_wait3A_4029 : memref<100x16xf32, #tpu.memory_space<vmem>>)
      %dma_wait3A_4036 = arith.constant 16 : i32
      %dma_wait3A_4037 = arith.constant 16 : i32
      %dma_wait3A_4038 = arith.constant 0 : i32
      %dma_wait3A_4039 = arith.constant 0 : i32
      %dma_wait3A_4040 = tpu.memref_slice %arg7[%dma_wait3A_4037, %dma_wait3A_4038, %dma_wait3A_4039] : memref<32x100x16xf32, #tpu.memory_space<vmem>> -> memref<1x100x16xf32, #tpu.memory_space<vmem>>
      %dma_wait3A_4041 = tpu.memref_squeeze %dma_wait3A_4040 : memref<1x100x16xf32, #tpu.memory_space<vmem>> -> memref<100x16xf32, #tpu.memory_space<vmem>>
      %dma_wait3A_4042 = arith.constant 0 : i32
      %dma_wait3A_4043 = tpu.memref_slice %arg6[%dma_wait3A_4036, %dma_wait3A_4042] : memref<32x100xi32, #tpu.memory_space<vmem>> -> memref<1x100xi32, #tpu.memory_space<vmem>>
      %dma_wait3A_4044 = tpu.memref_squeeze %dma_wait3A_4043 : memref<1x100xi32, #tpu.memory_space<vmem>> -> memref<100xi32, #tpu.memory_space<vmem>>
      %dma_wait3A_4045 = arith.constant 0 : i32
      %dma_wait3A_4046 = arith.constant 0 : i32
      %dma_wait3A_4047 = tpu.memref_slice %arg10[%dma_wait3A_4045, %dma_wait3A_4046] : memref<300x16xf32, #tpu.memory_space<vmem_shared>> -> memref<300x16xf32, #tpu.memory_space<vmem_shared>>
      tpu.wait_indirect_dma semaphore(%arg11 : memref<!tpu.dma_semaphore, #tpu.memory_space<semaphore_mem>>) src(%dma_wait3A_4047 : memref<300x16xf32, #tpu.memory_space<vmem_shared>>) dst(%dma_wait3A_4041 : memref<100x16xf32, #tpu.memory_space<vmem>>)
      %dma_wait3A_4048 = arith.constant 17 : i32
      %dma_wait3A_4049 = arith.constant 17 : i32
      %dma_wait3A_4050 = arith.constant 0 : i32
      %dma_wait3A_4051 = arith.constant 0 : i32
      %dma_wait3A_4052 = tpu.memref_slice %arg7[%dma_wait3A_4049, %dma_wait3A_4050, %dma_wait3A_4051] : memref<32x100x16xf32, #tpu.memory_space<vmem>> -> memref<1x100x16xf32, #tpu.memory_space<vmem>>
      %dma_wait3A_4053 = tpu.memref_squeeze %dma_wait3A_4052 : memref<1x100x16xf32, #tpu.memory_space<vmem>> -> memref<100x16xf32, #tpu.memory_space<vmem>>
      %dma_wait3A_4054 = arith.constant 0 : i32
      %dma_wait3A_4055 = tpu.memref_slice %arg6[%dma_wait3A_4048, %dma_wait3A_4054] : memref<32x100xi32, #tpu.memory_space<vmem>> -> memref<1x100xi32, #tpu.memory_space<vmem>>
      %dma_wait3A_4056 = tpu.memref_squeeze %dma_wait3A_4055 : memref<1x100xi32, #tpu.memory_space<vmem>> -> memref<100xi32, #tpu.memory_space<vmem>>
      %dma_wait3A_4057 = arith.constant 0 : i32
      %dma_wait3A_4058 = arith.constant 0 : i32
      %dma_wait3A_4059 = tpu.memref_slice %arg10[%dma_wait3A_4057, %dma_wait3A_4058] : memref<300x16xf32, #tpu.memory_space<vmem_shared>> -> memref<300x16xf32, #tpu.memory_space<vmem_shared>>
      tpu.wait_indirect_dma semaphore(%arg11 : memref<!tpu.dma_semaphore, #tpu.memory_space<semaphore_mem>>) src(%dma_wait3A_4059 : memref<300x16xf32, #tpu.memory_space<vmem_shared>>) dst(%dma_wait3A_4053 : memref<100x16xf32, #tpu.memory_space<vmem>>)
      %dma_wait3A_4060 = arith.constant 18 : i32
      %dma_wait3A_4061 = arith.constant 18 : i32
      %dma_wait3A_4062 = arith.constant 0 : i32
      %dma_wait3A_4063 = arith.constant 0 : i32
      %dma_wait3A_4064 = tpu.memref_slice %arg7[%dma_wait3A_4061, %dma_wait3A_4062, %dma_wait3A_4063] : memref<32x100x16xf32, #tpu.memory_space<vmem>> -> memref<1x100x16xf32, #tpu.memory_space<vmem>>
      %dma_wait3A_4065 = tpu.memref_squeeze %dma_wait3A_4064 : memref<1x100x16xf32, #tpu.memory_space<vmem>> -> memref<100x16xf32, #tpu.memory_space<vmem>>
      %dma_wait3A_4066 = arith.constant 0 : i32
      %dma_wait3A_4067 = tpu.memref_slice %arg6[%dma_wait3A_4060, %dma_wait3A_4066] : memref<32x100xi32, #tpu.memory_space<vmem>> -> memref<1x100xi32, #tpu.memory_space<vmem>>
      %dma_wait3A_4068 = tpu.memref_squeeze %dma_wait3A_4067 : memref<1x100xi32, #tpu.memory_space<vmem>> -> memref<100xi32, #tpu.memory_space<vmem>>
      %dma_wait3A_4069 = arith.constant 0 : i32
      %dma_wait3A_4070 = arith.constant 0 : i32
      %dma_wait3A_4071 = tpu.memref_slice %arg10[%dma_wait3A_4069, %dma_wait3A_4070] : memref<300x16xf32, #tpu.memory_space<vmem_shared>> -> memref<300x16xf32, #tpu.memory_space<vmem_shared>>
      tpu.wait_indirect_dma semaphore(%arg11 : memref<!tpu.dma_semaphore, #tpu.memory_space<semaphore_mem>>) src(%dma_wait3A_4071 : memref<300x16xf32, #tpu.memory_space<vmem_shared>>) dst(%dma_wait3A_4065 : memref<100x16xf32, #tpu.memory_space<vmem>>)
      %dma_wait3A_4072 = arith.constant 19 : i32
      %dma_wait3A_4073 = arith.constant 19 : i32
      %dma_wait3A_4074 = arith.constant 0 : i32
      %dma_wait3A_4075 = arith.constant 0 : i32
      %dma_wait3A_4076 = tpu.memref_slice %arg7[%dma_wait3A_4073, %dma_wait3A_4074, %dma_wait3A_4075] : memref<32x100x16xf32, #tpu.memory_space<vmem>> -> memref<1x100x16xf32, #tpu.memory_space<vmem>>
      %dma_wait3A_4077 = tpu.memref_squeeze %dma_wait3A_4076 : memref<1x100x16xf32, #tpu.memory_space<vmem>> -> memref<100x16xf32, #tpu.memory_space<vmem>>
      %dma_wait3A_4078 = arith.constant 0 : i32
      %dma_wait3A_4079 = tpu.memref_slice %arg6[%dma_wait3A_4072, %dma_wait3A_4078] : memref<32x100xi32, #tpu.memory_space<vmem>> -> memref<1x100xi32, #tpu.memory_space<vmem>>
      %dma_wait3A_4080 = tpu.memref_squeeze %dma_wait3A_4079 : memref<1x100xi32, #tpu.memory_space<vmem>> -> memref<100xi32, #tpu.memory_space<vmem>>
      %dma_wait3A_4081 = arith.constant 0 : i32
      %dma_wait3A_4082 = arith.constant 0 : i32
      %dma_wait3A_4083 = tpu.memref_slice %arg10[%dma_wait3A_4081, %dma_wait3A_4082] : memref<300x16xf32, #tpu.memory_space<vmem_shared>> -> memref<300x16xf32, #tpu.memory_space<vmem_shared>>
      tpu.wait_indirect_dma semaphore(%arg11 : memref<!tpu.dma_semaphore, #tpu.memory_space<semaphore_mem>>) src(%dma_wait3A_4083 : memref<300x16xf32, #tpu.memory_space<vmem_shared>>) dst(%dma_wait3A_4077 : memref<100x16xf32, #tpu.memory_space<vmem>>)
      %dma_wait3A_4084 = arith.constant 20 : i32
      %dma_wait3A_4085 = arith.constant 20 : i32
      %dma_wait3A_4086 = arith.constant 0 : i32
      %dma_wait3A_4087 = arith.constant 0 : i32
      %dma_wait3A_4088 = tpu.memref_slice %arg7[%dma_wait3A_4085, %dma_wait3A_4086, %dma_wait3A_4087] : memref<32x100x16xf32, #tpu.memory_space<vmem>> -> memref<1x100x16xf32, #tpu.memory_space<vmem>>
      %dma_wait3A_4089 = tpu.memref_squeeze %dma_wait3A_4088 : memref<1x100x16xf32, #tpu.memory_space<vmem>> -> memref<100x16xf32, #tpu.memory_space<vmem>>
      %dma_wait3A_4090 = arith.constant 0 : i32
      %dma_wait3A_4091 = tpu.memref_slice %arg6[%dma_wait3A_4084, %dma_wait3A_4090] : memref<32x100xi32, #tpu.memory_space<vmem>> -> memref<1x100xi32, #tpu.memory_space<vmem>>
      %dma_wait3A_4092 = tpu.memref_squeeze %dma_wait3A_4091 : memref<1x100xi32, #tpu.memory_space<vmem>> -> memref<100xi32, #tpu.memory_space<vmem>>
      %dma_wait3A_4093 = arith.constant 0 : i32
      %dma_wait3A_4094 = arith.constant 0 : i32
      %dma_wait3A_4095 = tpu.memref_slice %arg10[%dma_wait3A_4093, %dma_wait3A_4094] : memref<300x16xf32, #tpu.memory_space<vmem_shared>> -> memref<300x16xf32, #tpu.memory_space<vmem_shared>>
      tpu.wait_indirect_dma semaphore(%arg11 : memref<!tpu.dma_semaphore, #tpu.memory_space<semaphore_mem>>) src(%dma_wait3A_4095 : memref<300x16xf32, #tpu.memory_space<vmem_shared>>) dst(%dma_wait3A_4089 : memref<100x16xf32, #tpu.memory_space<vmem>>)
      %dma_wait3A_4096 = arith.constant 21 : i32
      %dma_wait3A_4097 = arith.constant 21 : i32
      %dma_wait3A_4098 = arith.constant 0 : i32
      %dma_wait3A_4099 = arith.constant 0 : i32
      %dma_wait3A_4100 = tpu.memref_slice %arg7[%dma_wait3A_4097, %dma_wait3A_4098, %dma_wait3A_4099] : memref<32x100x16xf32, #tpu.memory_space<vmem>> -> memref<1x100x16xf32, #tpu.memory_space<vmem>>
      %dma_wait3A_4101 = tpu.memref_squeeze %dma_wait3A_4100 : memref<1x100x16xf32, #tpu.memory_space<vmem>> -> memref<100x16xf32, #tpu.memory_space<vmem>>
      %dma_wait3A_4102 = arith.constant 0 : i32
      %dma_wait3A_4103 = tpu.memref_slice %arg6[%dma_wait3A_4096, %dma_wait3A_4102] : memref<32x100xi32, #tpu.memory_space<vmem>> -> memref<1x100xi32, #tpu.memory_space<vmem>>
      %dma_wait3A_4104 = tpu.memref_squeeze %dma_wait3A_4103 : memref<1x100xi32, #tpu.memory_space<vmem>> -> memref<100xi32, #tpu.memory_space<vmem>>
      %dma_wait3A_4105 = arith.constant 0 : i32
      %dma_wait3A_4106 = arith.constant 0 : i32
      %dma_wait3A_4107 = tpu.memref_slice %arg10[%dma_wait3A_4105, %dma_wait3A_4106] : memref<300x16xf32, #tpu.memory_space<vmem_shared>> -> memref<300x16xf32, #tpu.memory_space<vmem_shared>>
      tpu.wait_indirect_dma semaphore(%arg11 : memref<!tpu.dma_semaphore, #tpu.memory_space<semaphore_mem>>) src(%dma_wait3A_4107 : memref<300x16xf32, #tpu.memory_space<vmem_shared>>) dst(%dma_wait3A_4101 : memref<100x16xf32, #tpu.memory_space<vmem>>)
      %dma_wait3A_4108 = arith.constant 22 : i32
      %dma_wait3A_4109 = arith.constant 22 : i32
      %dma_wait3A_4110 = arith.constant 0 : i32
      %dma_wait3A_4111 = arith.constant 0 : i32
      %dma_wait3A_4112 = tpu.memref_slice %arg7[%dma_wait3A_4109, %dma_wait3A_4110, %dma_wait3A_4111] : memref<32x100x16xf32, #tpu.memory_space<vmem>> -> memref<1x100x16xf32, #tpu.memory_space<vmem>>
      %dma_wait3A_4113 = tpu.memref_squeeze %dma_wait3A_4112 : memref<1x100x16xf32, #tpu.memory_space<vmem>> -> memref<100x16xf32, #tpu.memory_space<vmem>>
      %dma_wait3A_4114 = arith.constant 0 : i32
      %dma_wait3A_4115 = tpu.memref_slice %arg6[%dma_wait3A_4108, %dma_wait3A_4114] : memref<32x100xi32, #tpu.memory_space<vmem>> -> memref<1x100xi32, #tpu.memory_space<vmem>>
      %dma_wait3A_4116 = tpu.memref_squeeze %dma_wait3A_4115 : memref<1x100xi32, #tpu.memory_space<vmem>> -> memref<100xi32, #tpu.memory_space<vmem>>
      %dma_wait3A_4117 = arith.constant 0 : i32
      %dma_wait3A_4118 = arith.constant 0 : i32
      %dma_wait3A_4119 = tpu.memref_slice %arg10[%dma_wait3A_4117, %dma_wait3A_4118] : memref<300x16xf32, #tpu.memory_space<vmem_shared>> -> memref<300x16xf32, #tpu.memory_space<vmem_shared>>
      tpu.wait_indirect_dma semaphore(%arg11 : memref<!tpu.dma_semaphore, #tpu.memory_space<semaphore_mem>>) src(%dma_wait3A_4119 : memref<300x16xf32, #tpu.memory_space<vmem_shared>>) dst(%dma_wait3A_4113 : memref<100x16xf32, #tpu.memory_space<vmem>>)
      %dma_wait3A_4120 = arith.constant 23 : i32
      %dma_wait3A_4121 = arith.constant 23 : i32
      %dma_wait3A_4122 = arith.constant 0 : i32
      %dma_wait3A_4123 = arith.constant 0 : i32
      %dma_wait3A_4124 = tpu.memref_slice %arg7[%dma_wait3A_4121, %dma_wait3A_4122, %dma_wait3A_4123] : memref<32x100x16xf32, #tpu.memory_space<vmem>> -> memref<1x100x16xf32, #tpu.memory_space<vmem>>
      %dma_wait3A_4125 = tpu.memref_squeeze %dma_wait3A_4124 : memref<1x100x16xf32, #tpu.memory_space<vmem>> -> memref<100x16xf32, #tpu.memory_space<vmem>>
      %dma_wait3A_4126 = arith.constant 0 : i32
      %dma_wait3A_4127 = tpu.memref_slice %arg6[%dma_wait3A_4120, %dma_wait3A_4126] : memref<32x100xi32, #tpu.memory_space<vmem>> -> memref<1x100xi32, #tpu.memory_space<vmem>>
      %dma_wait3A_4128 = tpu.memref_squeeze %dma_wait3A_4127 : memref<1x100xi32, #tpu.memory_space<vmem>> -> memref<100xi32, #tpu.memory_space<vmem>>
      %dma_wait3A_4129 = arith.constant 0 : i32
      %dma_wait3A_4130 = arith.constant 0 : i32
      %dma_wait3A_4131 = tpu.memref_slice %arg10[%dma_wait3A_4129, %dma_wait3A_4130] : memref<300x16xf32, #tpu.memory_space<vmem_shared>> -> memref<300x16xf32, #tpu.memory_space<vmem_shared>>
      tpu.wait_indirect_dma semaphore(%arg11 : memref<!tpu.dma_semaphore, #tpu.memory_space<semaphore_mem>>) src(%dma_wait3A_4131 : memref<300x16xf32, #tpu.memory_space<vmem_shared>>) dst(%dma_wait3A_4125 : memref<100x16xf32, #tpu.memory_space<vmem>>)
      %dma_wait3A_4132 = arith.constant 24 : i32
      %dma_wait3A_4133 = arith.constant 24 : i32
      %dma_wait3A_4134 = arith.constant 0 : i32
      %dma_wait3A_4135 = arith.constant 0 : i32
      %dma_wait3A_4136 = tpu.memref_slice %arg7[%dma_wait3A_4133, %dma_wait3A_4134, %dma_wait3A_4135] : memref<32x100x16xf32, #tpu.memory_space<vmem>> -> memref<1x100x16xf32, #tpu.memory_space<vmem>>
      %dma_wait3A_4137 = tpu.memref_squeeze %dma_wait3A_4136 : memref<1x100x16xf32, #tpu.memory_space<vmem>> -> memref<100x16xf32, #tpu.memory_space<vmem>>
      %dma_wait3A_4138 = arith.constant 0 : i32
      %dma_wait3A_4139 = tpu.memref_slice %arg6[%dma_wait3A_4132, %dma_wait3A_4138] : memref<32x100xi32, #tpu.memory_space<vmem>> -> memref<1x100xi32, #tpu.memory_space<vmem>>
      %dma_wait3A_4140 = tpu.memref_squeeze %dma_wait3A_4139 : memref<1x100xi32, #tpu.memory_space<vmem>> -> memref<100xi32, #tpu.memory_space<vmem>>
      %dma_wait3A_4141 = arith.constant 0 : i32
      %dma_wait3A_4142 = arith.constant 0 : i32
      %dma_wait3A_4143 = tpu.memref_slice %arg10[%dma_wait3A_4141, %dma_wait3A_4142] : memref<300x16xf32, #tpu.memory_space<vmem_shared>> -> memref<300x16xf32, #tpu.memory_space<vmem_shared>>
      tpu.wait_indirect_dma semaphore(%arg11 : memref<!tpu.dma_semaphore, #tpu.memory_space<semaphore_mem>>) src(%dma_wait3A_4143 : memref<300x16xf32, #tpu.memory_space<vmem_shared>>) dst(%dma_wait3A_4137 : memref<100x16xf32, #tpu.memory_space<vmem>>)
      %dma_wait3A_4144 = arith.constant 25 : i32
      %dma_wait3A_4145 = arith.constant 25 : i32
      %dma_wait3A_4146 = arith.constant 0 : i32
      %dma_wait3A_4147 = arith.constant 0 : i32
      %dma_wait3A_4148 = tpu.memref_slice %arg7[%dma_wait3A_4145, %dma_wait3A_4146, %dma_wait3A_4147] : memref<32x100x16xf32, #tpu.memory_space<vmem>> -> memref<1x100x16xf32, #tpu.memory_space<vmem>>
      %dma_wait3A_4149 = tpu.memref_squeeze %dma_wait3A_4148 : memref<1x100x16xf32, #tpu.memory_space<vmem>> -> memref<100x16xf32, #tpu.memory_space<vmem>>
      %dma_wait3A_4150 = arith.constant 0 : i32
      %dma_wait3A_4151 = tpu.memref_slice %arg6[%dma_wait3A_4144, %dma_wait3A_4150] : memref<32x100xi32, #tpu.memory_space<vmem>> -> memref<1x100xi32, #tpu.memory_space<vmem>>
      %dma_wait3A_4152 = tpu.memref_squeeze %dma_wait3A_4151 : memref<1x100xi32, #tpu.memory_space<vmem>> -> memref<100xi32, #tpu.memory_space<vmem>>
      %dma_wait3A_4153 = arith.constant 0 : i32
      %dma_wait3A_4154 = arith.constant 0 : i32
      %dma_wait3A_4155 = tpu.memref_slice %arg10[%dma_wait3A_4153, %dma_wait3A_4154] : memref<300x16xf32, #tpu.memory_space<vmem_shared>> -> memref<300x16xf32, #tpu.memory_space<vmem_shared>>
      tpu.wait_indirect_dma semaphore(%arg11 : memref<!tpu.dma_semaphore, #tpu.memory_space<semaphore_mem>>) src(%dma_wait3A_4155 : memref<300x16xf32, #tpu.memory_space<vmem_shared>>) dst(%dma_wait3A_4149 : memref<100x16xf32, #tpu.memory_space<vmem>>)
      %dma_wait3A_4156 = arith.constant 26 : i32
      %dma_wait3A_4157 = arith.constant 26 : i32
      %dma_wait3A_4158 = arith.constant 0 : i32
      %dma_wait3A_4159 = arith.constant 0 : i32
      %dma_wait3A_4160 = tpu.memref_slice %arg7[%dma_wait3A_4157, %dma_wait3A_4158, %dma_wait3A_4159] : memref<32x100x16xf32, #tpu.memory_space<vmem>> -> memref<1x100x16xf32, #tpu.memory_space<vmem>>
      %dma_wait3A_4161 = tpu.memref_squeeze %dma_wait3A_4160 : memref<1x100x16xf32, #tpu.memory_space<vmem>> -> memref<100x16xf32, #tpu.memory_space<vmem>>
      %dma_wait3A_4162 = arith.constant 0 : i32
      %dma_wait3A_4163 = tpu.memref_slice %arg6[%dma_wait3A_4156, %dma_wait3A_4162] : memref<32x100xi32, #tpu.memory_space<vmem>> -> memref<1x100xi32, #tpu.memory_space<vmem>>
      %dma_wait3A_4164 = tpu.memref_squeeze %dma_wait3A_4163 : memref<1x100xi32, #tpu.memory_space<vmem>> -> memref<100xi32, #tpu.memory_space<vmem>>
      %dma_wait3A_4165 = arith.constant 0 : i32
      %dma_wait3A_4166 = arith.constant 0 : i32
      %dma_wait3A_4167 = tpu.memref_slice %arg10[%dma_wait3A_4165, %dma_wait3A_4166] : memref<300x16xf32, #tpu.memory_space<vmem_shared>> -> memref<300x16xf32, #tpu.memory_space<vmem_shared>>
      tpu.wait_indirect_dma semaphore(%arg11 : memref<!tpu.dma_semaphore, #tpu.memory_space<semaphore_mem>>) src(%dma_wait3A_4167 : memref<300x16xf32, #tpu.memory_space<vmem_shared>>) dst(%dma_wait3A_4161 : memref<100x16xf32, #tpu.memory_space<vmem>>)
      %dma_wait3A_4168 = arith.constant 27 : i32
      %dma_wait3A_4169 = arith.constant 27 : i32
      %dma_wait3A_4170 = arith.constant 0 : i32
      %dma_wait3A_4171 = arith.constant 0 : i32
      %dma_wait3A_4172 = tpu.memref_slice %arg7[%dma_wait3A_4169, %dma_wait3A_4170, %dma_wait3A_4171] : memref<32x100x16xf32, #tpu.memory_space<vmem>> -> memref<1x100x16xf32, #tpu.memory_space<vmem>>
      %dma_wait3A_4173 = tpu.memref_squeeze %dma_wait3A_4172 : memref<1x100x16xf32, #tpu.memory_space<vmem>> -> memref<100x16xf32, #tpu.memory_space<vmem>>
      %dma_wait3A_4174 = arith.constant 0 : i32
      %dma_wait3A_4175 = tpu.memref_slice %arg6[%dma_wait3A_4168, %dma_wait3A_4174] : memref<32x100xi32, #tpu.memory_space<vmem>> -> memref<1x100xi32, #tpu.memory_space<vmem>>
      %dma_wait3A_4176 = tpu.memref_squeeze %dma_wait3A_4175 : memref<1x100xi32, #tpu.memory_space<vmem>> -> memref<100xi32, #tpu.memory_space<vmem>>
      %dma_wait3A_4177 = arith.constant 0 : i32
      %dma_wait3A_4178 = arith.constant 0 : i32
      %dma_wait3A_4179 = tpu.memref_slice %arg10[%dma_wait3A_4177, %dma_wait3A_4178] : memref<300x16xf32, #tpu.memory_space<vmem_shared>> -> memref<300x16xf32, #tpu.memory_space<vmem_shared>>
      tpu.wait_indirect_dma semaphore(%arg11 : memref<!tpu.dma_semaphore, #tpu.memory_space<semaphore_mem>>) src(%dma_wait3A_4179 : memref<300x16xf32, #tpu.memory_space<vmem_shared>>) dst(%dma_wait3A_4173 : memref<100x16xf32, #tpu.memory_space<vmem>>)
      %dma_wait3A_4180 = arith.constant 28 : i32
      %dma_wait3A_4181 = arith.constant 28 : i32
      %dma_wait3A_4182 = arith.constant 0 : i32
      %dma_wait3A_4183 = arith.constant 0 : i32
      %dma_wait3A_4184 = tpu.memref_slice %arg7[%dma_wait3A_4181, %dma_wait3A_4182, %dma_wait3A_4183] : memref<32x100x16xf32, #tpu.memory_space<vmem>> -> memref<1x100x16xf32, #tpu.memory_space<vmem>>
      %dma_wait3A_4185 = tpu.memref_squeeze %dma_wait3A_4184 : memref<1x100x16xf32, #tpu.memory_space<vmem>> -> memref<100x16xf32, #tpu.memory_space<vmem>>
      %dma_wait3A_4186 = arith.constant 0 : i32
      %dma_wait3A_4187 = tpu.memref_slice %arg6[%dma_wait3A_4180, %dma_wait3A_4186] : memref<32x100xi32, #tpu.memory_space<vmem>> -> memref<1x100xi32, #tpu.memory_space<vmem>>
      %dma_wait3A_4188 = tpu.memref_squeeze %dma_wait3A_4187 : memref<1x100xi32, #tpu.memory_space<vmem>> -> memref<100xi32, #tpu.memory_space<vmem>>
      %dma_wait3A_4189 = arith.constant 0 : i32
      %dma_wait3A_4190 = arith.constant 0 : i32
      %dma_wait3A_4191 = tpu.memref_slice %arg10[%dma_wait3A_4189, %dma_wait3A_4190] : memref<300x16xf32, #tpu.memory_space<vmem_shared>> -> memref<300x16xf32, #tpu.memory_space<vmem_shared>>
      tpu.wait_indirect_dma semaphore(%arg11 : memref<!tpu.dma_semaphore, #tpu.memory_space<semaphore_mem>>) src(%dma_wait3A_4191 : memref<300x16xf32, #tpu.memory_space<vmem_shared>>) dst(%dma_wait3A_4185 : memref<100x16xf32, #tpu.memory_space<vmem>>)
      %dma_wait3A_4192 = arith.constant 29 : i32
      %dma_wait3A_4193 = arith.constant 29 : i32
      %dma_wait3A_4194 = arith.constant 0 : i32
      %dma_wait3A_4195 = arith.constant 0 : i32
      %dma_wait3A_4196 = tpu.memref_slice %arg7[%dma_wait3A_4193, %dma_wait3A_4194, %dma_wait3A_4195] : memref<32x100x16xf32, #tpu.memory_space<vmem>> -> memref<1x100x16xf32, #tpu.memory_space<vmem>>
      %dma_wait3A_4197 = tpu.memref_squeeze %dma_wait3A_4196 : memref<1x100x16xf32, #tpu.memory_space<vmem>> -> memref<100x16xf32, #tpu.memory_space<vmem>>
      %dma_wait3A_4198 = arith.constant 0 : i32
      %dma_wait3A_4199 = tpu.memref_slice %arg6[%dma_wait3A_4192, %dma_wait3A_4198] : memref<32x100xi32, #tpu.memory_space<vmem>> -> memref<1x100xi32, #tpu.memory_space<vmem>>
      %dma_wait3A_4200 = tpu.memref_squeeze %dma_wait3A_4199 : memref<1x100xi32, #tpu.memory_space<vmem>> -> memref<100xi32, #tpu.memory_space<vmem>>
      %dma_wait3A_4201 = arith.constant 0 : i32
      %dma_wait3A_4202 = arith.constant 0 : i32
      %dma_wait3A_4203 = tpu.memref_slice %arg10[%dma_wait3A_4201, %dma_wait3A_4202] : memref<300x16xf32, #tpu.memory_space<vmem_shared>> -> memref<300x16xf32, #tpu.memory_space<vmem_shared>>
      tpu.wait_indirect_dma semaphore(%arg11 : memref<!tpu.dma_semaphore, #tpu.memory_space<semaphore_mem>>) src(%dma_wait3A_4203 : memref<300x16xf32, #tpu.memory_space<vmem_shared>>) dst(%dma_wait3A_4197 : memref<100x16xf32, #tpu.memory_space<vmem>>)
      %dma_wait3A_4204 = arith.constant 30 : i32
      %dma_wait3A_4205 = arith.constant 30 : i32
      %dma_wait3A_4206 = arith.constant 0 : i32
      %dma_wait3A_4207 = arith.constant 0 : i32
      %dma_wait3A_4208 = tpu.memref_slice %arg7[%dma_wait3A_4205, %dma_wait3A_4206, %dma_wait3A_4207] : memref<32x100x16xf32, #tpu.memory_space<vmem>> -> memref<1x100x16xf32, #tpu.memory_space<vmem>>
      %dma_wait3A_4209 = tpu.memref_squeeze %dma_wait3A_4208 : memref<1x100x16xf32, #tpu.memory_space<vmem>> -> memref<100x16xf32, #tpu.memory_space<vmem>>
      %dma_wait3A_4210 = arith.constant 0 : i32
      %dma_wait3A_4211 = tpu.memref_slice %arg6[%dma_wait3A_4204, %dma_wait3A_4210] : memref<32x100xi32, #tpu.memory_space<vmem>> -> memref<1x100xi32, #tpu.memory_space<vmem>>
      %dma_wait3A_4212 = tpu.memref_squeeze %dma_wait3A_4211 : memref<1x100xi32, #tpu.memory_space<vmem>> -> memref<100xi32, #tpu.memory_space<vmem>>
      %dma_wait3A_4213 = arith.constant 0 : i32
      %dma_wait3A_4214 = arith.constant 0 : i32
      %dma_wait3A_4215 = tpu.memref_slice %arg10[%dma_wait3A_4213, %dma_wait3A_4214] : memref<300x16xf32, #tpu.memory_space<vmem_shared>> -> memref<300x16xf32, #tpu.memory_space<vmem_shared>>
      tpu.wait_indirect_dma semaphore(%arg11 : memref<!tpu.dma_semaphore, #tpu.memory_space<semaphore_mem>>) src(%dma_wait3A_4215 : memref<300x16xf32, #tpu.memory_space<vmem_shared>>) dst(%dma_wait3A_4209 : memref<100x16xf32, #tpu.memory_space<vmem>>)
      %dma_wait3A_4216 = arith.constant 31 : i32
      %dma_wait3A_4217 = arith.constant 31 : i32
      %dma_wait3A_4218 = arith.constant 0 : i32
      %dma_wait3A_4219 = arith.constant 0 : i32
      %dma_wait3A_4220 = tpu.memref_slice %arg7[%dma_wait3A_4217, %dma_wait3A_4218, %dma_wait3A_4219] : memref<32x100x16xf32, #tpu.memory_space<vmem>> -> memref<1x100x16xf32, #tpu.memory_space<vmem>>
      %dma_wait3A_4221 = tpu.memref_squeeze %dma_wait3A_4220 : memref<1x100x16xf32, #tpu.memory_space<vmem>> -> memref<100x16xf32, #tpu.memory_space<vmem>>
      %dma_wait3A_4222 = arith.constant 0 : i32
      %dma_wait3A_4223 = tpu.memref_slice %arg6[%dma_wait3A_4216, %dma_wait3A_4222] : memref<32x100xi32, #tpu.memory_space<vmem>> -> memref<1x100xi32, #tpu.memory_space<vmem>>
      %dma_wait3A_4224 = tpu.memref_squeeze %dma_wait3A_4223 : memref<1x100xi32, #tpu.memory_space<vmem>> -> memref<100xi32, #tpu.memory_space<vmem>>
      %dma_wait3A_4225 = arith.constant 0 : i32
      %dma_wait3A_4226 = arith.constant 0 : i32
      %dma_wait3A_4227 = tpu.memref_slice %arg10[%dma_wait3A_4225, %dma_wait3A_4226] : memref<300x16xf32, #tpu.memory_space<vmem_shared>> -> memref<300x16xf32, #tpu.memory_space<vmem_shared>>
      tpu.wait_indirect_dma semaphore(%arg11 : memref<!tpu.dma_semaphore, #tpu.memory_space<semaphore_mem>>) src(%dma_wait3A_4227 : memref<300x16xf32, #tpu.memory_space<vmem_shared>>) dst(%dma_wait3A_4221 : memref<100x16xf32, #tpu.memory_space<vmem>>)
      "tpu.region"() ({
        %run_scoped3A = tpu.sem_alloc : memref<!tpu.dma_semaphore, #tpu.memory_space<semaphore_mem>>
        %dma_start3A_4228 = arith.constant 0 : i32
        %dma_start3A_4229 = arith.constant 0 : i32
        %dma_start3A_4230 = tpu.memref_slice %arg4[%add3A_82, %dma_start3A_4228, %dma_start3A_4229] : memref<16384x100x16xf32, #tpu.memory_space<hbm>> -> memref<32x100x16xf32, #tpu.memory_space<hbm>>
        %dma_start3A_4231 = arith.constant 0 : i32
        %dma_start3A_4232 = arith.constant 0 : i32
        %dma_start3A_4233 = tpu.memref_slice %arg4[%add3A_82, %dma_start3A_4231, %dma_start3A_4232] : memref<16384x100x16xf32, #tpu.memory_space<hbm>> -> memref<32x100x16xf32, #tpu.memory_space<hbm>>
        tpu.enqueue_dma source(%arg7 : memref<32x100x16xf32, #tpu.memory_space<vmem>>) target(%dma_start3A_4233 : memref<32x100x16xf32, #tpu.memory_space<hbm>>) target_semaphore(%run_scoped3A : memref<!tpu.dma_semaphore, #tpu.memory_space<semaphore_mem>>)
        %dma_wait3A_4234 = arith.constant 0 : i32
        %dma_wait3A_4235 = arith.constant 0 : i32
        %dma_wait3A_4236 = tpu.memref_slice %arg4[%add3A_82, %dma_wait3A_4234, %dma_wait3A_4235] : memref<16384x100x16xf32, #tpu.memory_space<hbm>> -> memref<32x100x16xf32, #tpu.memory_space<hbm>>
        %dma_wait3A_4237 = arith.constant 0 : i32
        %dma_wait3A_4238 = arith.constant 0 : i32
        %dma_wait3A_4239 = tpu.memref_slice %arg4[%add3A_82, %dma_wait3A_4237, %dma_wait3A_4238] : memref<16384x100x16xf32, #tpu.memory_space<hbm>> -> memref<32x100x16xf32, #tpu.memory_space<hbm>>
        tpu.wait_dma2 semaphore(%run_scoped3A : memref<!tpu.dma_semaphore, #tpu.memory_space<semaphore_mem>>) src(%arg7 : memref<32x100x16xf32, #tpu.memory_space<vmem>>) dst(%dma_wait3A_4239 : memref<32x100x16xf32, #tpu.memory_space<hbm>>)
        tpu.yield
      }) : () -> ()
    }
    %scan3A_76 = arith.constant 16 : i32
    return
  }
}

module attributes {stable_mosaic.version = 14 : i64} {
  func.func @_pad_body(%arg0: i32, %arg1: memref<2048x100xi32, #tpu.memory_space<vmem>>, %arg2: memref<2048x128xi32, #tpu.memory_space<vmem>>) attributes {dimension_semantics = [#tpu.dimension_semantics<arbitrary>], iteration_bounds = array<i64: 8>, scalar_prefetch = 0 : i64, scratch_operands = 0 : i64, tpu.core_type = #tpu.core_type<tc>, window_params = [{transform_indices = @transform_0, window_bounds = array<i64: 2048, 100>}, {transform_indices = @transform_1, window_bounds = array<i64: 2048, 128>}]} {
    %get3A = arith.constant 0 : index
    %get3A_0 = arith.constant 0 : index
    %get3A_1 = vector.load %arg1[%get3A, %get3A_0] : memref<2048x100xi32, #tpu.memory_space<vmem>>, vector<2048x100xi32>
    %broadcast_in_dim3A = arith.constant 0 : i32
    %broadcast_in_dim3A_2 = vector.broadcast %broadcast_in_dim3A : i32 to vector<2048x28xi32>
    %concatenate3A = tpu.concatenate %get3A_1, %broadcast_in_dim3A_2 in 1 : vector<2048x100xi32>, vector<2048x28xi32> -> vector<2048x128xi32>
    %swap3A = arith.constant 0 : index
    %swap3A_3 = arith.constant 0 : index
    %swap3A_4 = vector.load %arg2[%swap3A, %swap3A_3] : memref<2048x128xi32, #tpu.memory_space<vmem>>, vector<2048x128xi32>
    tpu.vector_store %arg2[%swap3A, %swap3A_3], %concatenate3A {strides = array<i32>} : memref<2048x128xi32, #tpu.memory_space<vmem>>, vector<2048x128xi32>,
    return
  }
  func.func @transform_0(%arg0: i32) -> (i32, i32) {
    %c0_i32 = arith.constant 0 : i32
    %c0_i32_0 = arith.constant 0 : i32
    return %arg0, %c0_i32 : i32, i32
  }
  func.func @transform_1(%arg0: i32) -> (i32, i32) {
    %c0_i32 = arith.constant 0 : i32
    %c0_i32_0 = arith.constant 0 : i32
    return %arg0, %c0_i32 : i32, i32
  }
}

</mosaic_0001>

<sc_bundles>
// kernel: kernel.4.cloned.1.call-start
scs
__scs_entry_jumppad:
0x0: {  	(pc) =	sbr.rel $0x88, $3  }
0x1: {  	(tag) =	ssettag $0x0;
	lr =	simm.s32 $0x1  }
0x2: {  	[smem:$0x3F9F] =	sst lr;
	_ =	strace $0xD0000000  }
0x3: {  	_ = 	snop  }
0x4: {  	_ = 	snop  }
0x5: {  	_ = 	snop  }
0x6: {  	_ = 	snop  }
0x7: {  	_ = 	snop  }
__scs_overlays_trampoline_lowered:
0x8: {  	[smem:$0x3FAE] =	sst s0  }
0x9: {  	[smem:$0x3FAF] =	sst s1  }
0xa: {  	[smem:$0x3FB0] =	sst s2  }
0xb: {  	[smem:$0x3FB1] =	sst s3  }
0xc: {  	[smem:$0x3FB2] =	sst s4  }
0xd: {  	[smem:$0x3FB3] =	sst s5  }
0xe: {  	[smem:$0x3FB4] =	sst s6  }
0xf: {  	[smem:$0x3FB5] =	sst s7  }
0x10: {  	[smem:$0x3FB6] =	sst s8  }
0x11: {  	[smem:$0x3FB7] =	sst s9;
	s0 =	simm.s32 @!p0 $0x0  }
0x12: {  	s1 =	sld [smem:$0x3F9D];
	s0 =	simm.s32 @p0 $0x1  }
0x13: {  	[smem:$0x3FB8] =	sst s0;
	s0 =	simm.s32 @!p1 $0x0  }
0x14: {  	s2 =	sld [smem:$0x3F9C];
	s0 =	simm.s32 @p1 $0x1  }
0x15: {  	[smem:$0x3FB9] =	sst s0;
	s0 =	simm.s32 @!p2 $0x0  }
0x16: {  	s3 =	sld [smem:$0x3FDB];
	s0 =	simm.s32 @p2 $0x1  }
0x17: {  	s4 =	simm.s32 $0x1BF5;
	[smem:$0x3FBB] =	sst s0  }
0x18: {  	s0 =	sld [smem:$0x3F9E];
	_ =	swait.ge [sflag:s4], $0x0  }
0x19: {  	s7 =	sld [smem:$0x3F9F]  }
0x1a: {  	s8 =	sadd.s32 $0xFFFFE003, lr  }
0x1b: {  	s9 =	sadd.s32 $0xFFFFFEF7, lr;
	s5 =	simm.s32 $0xFFFFFFFF;
	p2 =	slt.u32 s8, $0xFFFFF086  }
0x1c: {  	p1 =	slt.u32 s9, $0xF7A;
	s5 =	simm.s32 @!p2 $0x0  }
0x1d: {  	s5 =	simm.s32 @p1 $0x1;
	p0 =	seq.s32 s7, s2  }
0x1e: {  	s7 =	smul.u32 @!p0 $0xF7A, s2;
	p2 =	seq.s32 @!p0 s5, $0x0  }
0x1f: {  	s9 =	smul.u32 $0xF7A, s1;
	s8 =	simm.s32 @!p0 $0x1BF5;
	p2 =	por !p2, p0  }
0x20: {  	[sflag:s8] =	ssyncset.s32 @!p0 $0xFFFFF086;
	s6 =	sadd.s32 @!p0 s3, s7;
	s7 =	simm.s32 @!p0 $0x108  }
0x21: {  	s3 =	sadd.s32 s3, s9;
	s6 =	sadd.s32 @!p0 $0x88, s6;
	s7 =	simm.s32 @p2 $0x1082  }
0x22: {  	[simem:s7], [sflag:s8] =	dma.local @!p0 [hbm:s6], $0xF7A  }
0x23: {  	s9 =	sor.u32 $0xD0000000, s2;
	s6 =	simm.s32 $0x108;
	_ =	swait.ge @!p0 [sflag:s8], $0x0  }
0x24: {  	s3 =	sadd.s32 $0x88, s3;
	s6 =	simm.s32 @!p1 $0x1082;
	[sflag:s4] =	ssyncset.s32 $0xFFFFF086  }
0x25: {  	[simem:s6], [sflag:s4] =	dma.local [hbm:s3], $0xF7A  }
0x26: {  	[smem:$0x3F9F] =	sst s1;
	(tag) =	ssettag s2;
	_ =	strace s9  }
0x27: {  	s1 =	sld [smem:$0x3FAF]  }
0x28: {  	s2 =	sld [smem:$0x3FB0]  }
0x29: {  	s4 =	sld [smem:$0x3FB2]  }
0x2a: {  	p0 =	seq.s32 s5, $0x0;
	s5 =	sld [smem:$0x3FB3]  }
0x2b: {  	s6 =	sld [smem:$0x3FB4]  }
0x2c: {  	s7 =	sld [smem:$0x3FB5]  }
0x2d: {  	s3 =	simm.s32 $0x108;
	s8 =	sld [smem:$0x3FB6]  }
0x2e: {  	s3 =	simm.s32 @!p0 $0x1082;
	s9 =	sld [smem:$0x3FB7]  }
0x2f: {  	lr =	sadd.s32 s0, s3;
	s0 =	sld [smem:$0x3FAE]  }
0x30: {  	s3 =	sld [smem:$0x3FB1]  }
0x31: {  	[smem:$0x3FBA] =	sst s10  }
0x32: {  	s10 =	sld [smem:$0x3FB8];
	_ =	sdelay $0x3  }
0x33: {  	p0 =	seq.s32 s10, $0x1;
	s10 =	sld [smem:$0x3FBA];
	_ =	sdelay $0x3  }
0x34: {  	[smem:$0x3FBA] =	sst s10  }
0x35: {  	s10 =	sld [smem:$0x3FB9];
	_ =	sdelay $0x3  }
0x36: {  	p1 =	seq.s32 s10, $0x1;
	s10 =	sld [smem:$0x3FBA];
	_ =	sdelay $0x3  }
0x37: {  	[smem:$0x3FBA] =	sst s10  }
0x38: {  	s10 =	sld [smem:$0x3FBB]  }
0x39: {  	_ = 	snop;
	(pc) =	sbr.ind lr, $3  }
0x3a: {  	_ = 	snop  }
0x3b: {  	_ = 	snop  }
0x3c: {  	p2 =	seq.s32 s10, $0x1;
	s10 =	sld [smem:$0x3FBA]  }
0x3d: {  	_ =	shalt  }
0x3e: {  	_ =	shalt  }
0x3f: {  	_ =	shalt  }
0x40: {  	_ =	shalt  }
0x41: {  	_ =	shalt  }
0x42: {  	_ =	shalt  }
0x43: {  	_ =	shalt  }
0x44: {  	_ =	shalt  }
0x45: {  	_ =	shalt  }
0x46: {  	_ =	shalt  }
0x47: {  	_ =	shalt  }
0x48: {  	_ =	shalt  }
0x49: {  	_ =	shalt  }
0x4a: {  	_ =	shalt  }
0x4b: {  	_ =	shalt  }
0x4c: {  	_ =	shalt  }
0x4d: {  	_ =	shalt  }
0x4e: {  	_ =	shalt  }
0x4f: {  	_ =	shalt  }
0x50: {  	_ =	shalt  }
0x51: {  	_ =	shalt  }
0x52: {  	_ =	shalt  }
0x53: {  	_ =	shalt  }
0x54: {  	_ =	shalt  }
0x55: {  	_ =	shalt  }
0x56: {  	_ =	shalt  }
0x57: {  	_ =	shalt  }
0x58: {  	_ =	shalt  }
0x59: {  	_ =	shalt  }
0x5a: {  	_ =	shalt  }
0x5b: {  	_ =	shalt  }
0x5c: {  	_ =	shalt  }
0x5d: {  	_ =	shalt  }
0x5e: {  	_ =	shalt  }
0x5f: {  	_ =	shalt  }
0x60: {  	_ =	shalt  }
0x61: {  	_ =	shalt  }
0x62: {  	_ =	shalt  }
0x63: {  	_ =	shalt  }
0x64: {  	_ =	shalt  }
0x65: {  	_ =	shalt  }
0x66: {  	_ =	shalt  }
0x67: {  	_ =	shalt  }
0x68: {  	_ =	shalt  }
0x69: {  	_ =	shalt  }
0x6a: {  	_ =	shalt  }
0x6b: {  	_ =	shalt  }
0x6c: {  	_ =	shalt  }
0x6d: {  	_ =	shalt  }
0x6e: {  	_ =	shalt  }
0x6f: {  	_ =	shalt  }
0x70: {  	_ =	shalt  }
0x71: {  	_ =	shalt  }
0x72: {  	_ =	shalt  }
0x73: {  	_ =	shalt  }
0x74: {  	_ =	shalt  }
0x75: {  	_ =	shalt  }
0x76: {  	_ =	shalt  }
0x77: {  	_ =	shalt  }
0x78: {  	_ =	shalt  }
0x79: {  	_ =	shalt  }
0x7a: {  	_ =	shalt  }
0x7b: {  	_ =	shalt  }
0x7c: {  	_ =	shalt  }
0x7d: {  	_ =	shalt  }
0x7e: {  	_ =	shalt  }
0x7f: {  	_ =	shalt  }
0x80: {  	_ =	shalt  }
0x81: {  	_ =	shalt  }
0x82: {  	_ =	shalt  }
0x83: {  	_ =	shalt  }
0x84: {  	_ =	shalt  }
0x85: {  	_ =	shalt  }
0x86: {  	_ =	shalt  }
0x87: {  	_ =	shalt  }
.Lfunc_end0:
.L_simem_size_0:
called_computation.1_lowered:
.L_overlay_start_0:
0x88: {  	s2 =	sld [smem:$0x3FD9]  }
0x89: {  	s3 =	sld [smem:$0x3FFE];
	_ =	sdelay $0x1  }
0x8a: {  	s1 =	srdreg.scid  }
0x8b: {  	s0 =	sand.u32 $0x1, s1  }
0x8c: {  	s17 =	sshll.u32 s0, $0xA;
	s2 =	sadd.s32 s3, s2  }
0x8d: {  	s2 =	sadd.s32 s2, s17  }
0x8e: {  	[smem:$0x3FC6] =	sst s2  }
0x8f: {  	_ = 	snop  }
0x90: {  	s2 =	sld [smem:$0x3FD0];
	(tm) =	ssettm $0x1  }
0x91: {  	s18 =	sld [smem:$0x3FFB];
	_ =	sdelay $0x3  }
0x92: {  	_ =	strace s18  }
0x93: {  	s3 =	sld [smem:$0x3FFC];
	_ =	sdelay $0x3  }
0x94: {  	_ =	strace s3  }
0x95: {  	s3 =	sld [smem:$0x3FFD];
	_ =	sdelay $0x3  }
0x96: {  	_ =	strace s3  }
0x97: {  	_ =	strace $0x8FFFFFFF  }
0x98: {  	s19 =	sld [smem:$0x3FDB];
	_ =	sdelay $0x1  }
0x99: {  	s4 =	simm.s32 $_scs_section_size  }
0x9a: {  	s5 =	simm.s32 $_size__tile_overlayer_lowered;
	s6 =	simm.s32 $_tile_overlayer_lowered  }
0x9b: {  	s22 =	simm.s32 $0x1BFF;
	s21 =	sshll.u32 s6, $0x1;
	s3 =	sadd.s32 s4, s19  }
0x9c: {  	s7 =	simm.s32 $0x0;
	s20 =	sshll.u32 s5, $0x1;
	s5 =	sadd.s32 s21, s3  }
0x9d: {  	[timem:s7], [sflag:s22] =	dma.local [hbm:s5], s20  }
0x9e: {  	_ =	swait.ge [sflag:s22], s20  }
0x9f: {  	s4 =	ssub.s32 $0x0, s20;
	[sflag:s22] =	ssyncset.done $0x0  }
0xa0: {  	[sflag:s22] =	ssyncadd.s32 s4;
	_ =	sdelay $0x1  }
0xa1: {  	s23 =	simm.s32 $0x1B8B  }
0xa2: {  	_ =	swait.ge [sflag:s23], $0x1  }
0xa3: {  	[sflag:s23] =	ssyncset.done $0x0  }
0xa4: {  	s25 =	simm.s32 $0x1B8E;
	s24 =	sld [smem:$0x3FFE];
	[sflag:s23] =	ssyncadd.s32 $0xFFFFFFFF  }
0xa5: {  	s26 =	simm.s32 $execute0_lowered;
	[smem:$0x3FD2] =	sst s25  }
0xa6: {  	s5 =	sshll.u32 s26, $0x1;
	_ =	strace $0x80000046;
	[dreg:$0x1] =	wrdreg $0xFFFFFFFF  }
0xa7: {  	s28 =	simm.s32 $_size_execute0_lowered;
	s3 =	sadd.s32 s3, s5;
	[dreg:$0x0] =	wrdreg $0x0  }
0xa8: {  	s5 =	sshll.u32 s28, $0x1;
	[dreg:$0x2] =	wrdreg s3  }
0xa9: {  	[dreg:$0x3] =	wrdreg s5  }
0xaa: {  	[dreg:$0x4] =	wrdreg $0xC0  }
0xab: {  	_ =	task [dreg:s7], $0x5FFFF  }
0xac: {  	[dreg:$0x1] =	wrdreg $0xFFFFFFFF  }
0xad: {  	[dreg:$0x0] =	wrdreg $0x60  }
0xae: {  	[dreg:$0x2] =	wrdreg s24  }
0xaf: {  	[dreg:$0x3] =	wrdreg s2  }
0xb0: {  	[dreg:$0x4] =	wrdreg $0xE5880  }
0xb1: {  	[dreg:$0x5] =	wrdreg $0x9  }
0xb2: {  	_ =	task.clear_ibuf [dreg:s7], $0x6FFFF;
	_ =	strace $0x90000046  }
0xb3: {  	s29 =	simm.s32 $0x9;
	_ =	strace $0x80000048  }
0xb4: {  	_ =	swait.ge [sflag:s29], $0x1  }
0xb5: {  	[sflag:s29] =	ssyncadd.s32 $0xFFFFFFFF  }
0xb6: {  	_ =	strace $0x90000048  }
0xb7: {  	_ =	sfence  }
0xb8: {  	s30 =	sld [smem:$0x0];
	_ =	sdelay $0x2  }
0xb9: {  	s31 =	sshll.u32 s1, $0xD;
	s1 =	sshrl.u32 s1, $0x2  }
0xba: {  	s3 =	sand.u32 $0x4000, s31;
	s1 =	sadd.s32 s1, s30  }
0xbb: {  	s0 =	sor.u32 s3, s0;
	s1 =	sshll.u32 s1, $0x11  }
0xbc: {  	s0 =	sor.u32 s1, s0  }
0xbd: {  	s0 =	sadd.s32 $0x8F2B, s0  }
0xbe: {  	[sflag:s0] =	ssyncadd.remote.s32 $0x1  }
0xbf: {  	_ =	sfence.sel $0xFFFF  }
0xc0: {  	[dreg:$0x0] =	wrdreg $0xFFFFFFFF;
	(pc) =	sbr.abs _section_cstart, $3  }
0xc1: {  	[dreg:$0x1] =	wrdreg $0xFFFFFFFF  }
0xc2: {  	_ =	task.clear_ibuf [dreg:s7], $0x2FFFF;
	_ =	strace $0x9FFFFFFF  }
0xc3: {  	(tm) =	ssettm $0x7FFFFFFF  }
tec
execute0_lowered:
.L_overlay_start_1:
0x0: {  	(tag) =	ssettag $0x1  }
0x1: {  	s4 =	rddreg [dreg:$0x0]  }
0x2: {  	s5 =	rddreg [dreg:$0x1]  }
0x3: {  	s1 =	rddreg [dreg:$0x2];
	s2 =	simm.s32 $0x0  }
0x4: {  	[smem:$0x7FF] =	sst s2;
	s8 =	sadd.s32 $0xE00, s4  }
0x5: {  	s22 =	simm.s32 $0x20;
	_ =	strace $0x80000047;
	[dreg:$0x4] =	wrdreg s8  }
0x6: {  	s23 =	simm.s32 $0xE568;
	[dreg:$0x6] =	wrdreg s22  }
0x7: {  	s24 =	simm.s32 $0x1000;
	[dreg:$0x7] =	wrdreg s23  }
0x8: {  	s25 =	simm.s32 $0x1068;
	[dreg:$0x8] =	wrdreg s24  }
0x9: {  	s26 =	simm.s32 $0x2340;
	[dreg:$0x9] =	wrdreg s25  }
0xa: {  	s31 =	simm.s32 $0x10D0;
	[dreg:$0xa] =	wrdreg s26  }
0xb: {  	s9 =	simm.s32 $0x11A0;
	[dreg:$0xb] =	wrdreg s31  }
0xc: {  	s10 =	simm.s32 $0x3600;
	[dreg:$0xf] =	wrdreg s9  }
0xd: {  	s11 =	simm.s32 $0x1208;
	[dreg:$0x10] =	wrdreg s10  }
0xe: {  	s12 =	simm.s32 $0x3C40;
	[dreg:$0x11] =	wrdreg s11  }
0xf: {  	s13 =	simm.s32 $0x1270;
	[dreg:$0x12] =	wrdreg s12  }
0x10: {  	s14 =	simm.s32 $0x4280;
	[dreg:$0x13] =	wrdreg s13  }
0x11: {  	s15 =	simm.s32 $0x12D8;
	[dreg:$0x14] =	wrdreg s14  }
0x12: {  	s16 =	simm.s32 $0x48C0;
	[dreg:$0x15] =	wrdreg s15  }
0x13: {  	s17 =	simm.s32 $0x1340;
	[dreg:$0x16] =	wrdreg s16  }
0x14: {  	s18 =	simm.s32 $0x4F00;
	[dreg:$0x17] =	wrdreg s17  }
0x15: {  	s19 =	simm.s32 $0x13A8;
	[dreg:$0x18] =	wrdreg s18  }
0x16: {  	s20 =	simm.s32 $0x5540;
	[dreg:$0x19] =	wrdreg s19  }
0x17: {  	s21 =	simm.s32 $0x1410;
	[dreg:$0x1a] =	wrdreg s20  }
0x18: {  	s0 =	srdreg.scid;
	s4 =	sadd.s32 $0xA00, s4;
	[dreg:$0x1b] =	wrdreg s21  }
0x19: {  	s3 =	stileid.u32;
	s8 =	simm.s32 $0x2FC0;
	[smem:$0x7ED] =	sst s4  }
0x1a: {  	s28 =	simm.s32 $0x1C98;
	s22 =	simm.s32 $0x5B80;
	[dreg:$0xe] =	wrdreg s8  }
0x1b: {  	s29 =	simm.s32 $0xDEC0;
	s23 =	simm.s32 $0x1478;
	[dreg:$0x1c] =	wrdreg s22  }
0x1c: {  	s30 =	simm.s32 $0x2;
	s24 =	simm.s32 $0x61C0;
	[dreg:$0x1d] =	wrdreg s23  }
0x1d: {  	s0 =	sand.u32 $0x1, s0;
	s25 =	simm.s32 $0x14E0;
	[dreg:$0x1e] =	wrdreg s24  }
0x1e: {  	s6 =	smul.u32 $0x32000, s3;
	s26 =	simm.s32 $0x6800;
	[dreg:$0x1f] =	wrdreg s25  }
0x1f: {  	p0 =	sne.s32 s3, $0x0;
	s31 =	simm.s32 $0x1548;
	[smem:$0x7E6] =	sst s26  }
0x20: {  	s7 =	smul.u32 $0x19000, s0;
	s9 =	simm.s32 $0x1618;
	[smem:$0x7E7] =	sst s31  }
0x21: {  	s10 =	simm.s32 $0x7AC0;
	s11 =	simm.s32 $0x1680;
	[smem:$0x7EB] =	sst s9  }
0x22: {  	s12 =	simm.s32 $0x8100;
	s13 =	ssub.s32 $0x2, s0;
	[smem:$0x7EC] =	sst s10  }
0x23: {  	s14 =	simm.s32 $0x16E8;
	s16 =	simm.s32 $0x8740;
	[smem:$0x7EE] =	sst s11  }
0x24: {  	s17 =	simm.s32 $0x1750;
	s18 =	sshll.u32 s3, $0xA;
	[smem:$0x7EF] =	sst s12  }
0x25: {  	s19 =	simm.s32 $0x8D80;
	s0 =	sshll.u32 s0, $0x9;
	[smem:$0x7F0] =	sst s14  }
0x26: {  	s20 =	simm.s32 $0x17B8;
	s3 =	simm.s32 $0x0;
	[smem:$0x7F1] =	sst s16  }
0x27: {  	s5 =	sadd.s32 s6, s5;
	s6 =	simm.s32 $0x2980;
	[smem:$0x7F2] =	sst s17  }
0x28: {  	s8 =	simm.s32 $0x7480;
	s15 =	sshrl.u32 s13, $0x1;
	[smem:$0x7F3] =	sst s19  }
0x29: {  	[smem:$0x7F5] =	sst s20;
	s22 =	simm.s32 $0x93C0;
	s0 =	sor.u32 s0, s18  }
0x2a: {  	s23 =	simm.s32 $0x1820;
	s24 =	simm.s32 $0x9A00;
	s25 =	simm.s32 $0x1888  }
0x2b: {  	s26 =	simm.s32 $0xA040;
	s31 =	simm.s32 $0x18F0;
	[dreg:$0xc] =	wrdreg s6  }
0x2c: {  	s9 =	simm.s32 $0x1D00;
	s10 =	simm.s32 $0xA680;
	[smem:$0x7EA] =	sst s8  }
0x2d: {  	s11 =	simm.s32 $0x1958;
	s12 =	simm.s32 $0xACC0;
	[smem:$0x7F6] =	sst s22  }
0x2e: {  	s14 =	simm.s32 $0xB300;
	s16 =	simm.s32 $0xB940;
	[smem:$0x7F8] =	sst s23  }
0x2f: {  	s17 =	simm.s32 $0x1A90;
	s18 =	simm.s32 $0xBF80;
	[smem:$0x7F9] =	sst s24  }
0x30: {  	v1 =	vlaneseq.u32;
	s19 =	simm.s32 $0x1AF8;
	s20 =	simm.s32 $0xC5C0;
	[smem:$0x7FB] =	sst s25  }
0x31: {  	v0 =	vmul.u32 $0x3, v1;
	s5 =	sadd.s32 s7, s5;
	s7 =	simm.s32 $0x1138;
	[smem:$0x7FC] =	sst s26  }
0x32: {  	s6 =	simm.s32 $0x6E40;
	s0 =	sor.u32 $0x10, s0;
	[smem:$0x7FD] =	sst s31  }
0x33: {  	v2 =	vadd.s32 $0x30, v0;
	[tilespmem:$0x1FFE0] =	vst v0;
	s8 =	simm.s32 $0x64;
	s22 =	simm.s32 $0xCC00;
	[dreg:$0x5] =	wrdreg s5  }
0x34: {  	s23 =	simm.s32 $0x1BC8;
	s24 =	simm.s32 $0xD240;
	[tilespmem:$0x1FF90] =	vst v2;
	v2 =	vadd.s32 $0x60, v0;
	[dreg:$0xd] =	wrdreg s7  }
0x35: {  	s25 =	simm.s32 $0x1C30;
	s26 =	simm.s32 $0xD880;
	[smem:$0x7E8] =	sst s6;
	[tilespmem:$0x1FFA0] =	vst v2;
	v2 =	vadd.s32 $0x90, v0  }
0x36: {  	s7 =	simm.s32 $0x15B0;
	s5 =	ssub.s32 s13, s15;
	[smem:$0x7F7] =	sst s0;
	[tilespmem:$0x1FFB0] =	vst v2;
	v2 =	vor.u32 $0xC0, v0  }
0x37: {  	s0 =	sshrl.u32 @!p0 s1, $0x3;
	s13 =	simm.s32 $0x19C0;
	[smem:$0x7E9] =	sst s7;
	[tilespmem:$0x1FFC0] =	vst v2;
	v2 =	vadd.s32 $0xF0, v0  }
0x38: {  	s15 =	simm.s32 $0x1A28;
	s21 =	smax.u32 s5, $0x1;
	[smem:$0x7FA] =	sst s0;
	v0 =	vadd.s32 $0xFC, v0;
	[tilespmem:$0x1FFD0] =	vst v2  }
0x39: {  	s7 =	simm.s32 $0x1;
	[smem:$0x7F4] =	sst s21;
	s21 =	simm.s32 $0x1B60;
	[tilespmem:$0x1FFF0] =	vst v0  }
.LBB2_1:
0x3a: {  	s0 =	sld [smem:$0x7ED]  }
0x3b: {  	s4 =	sld [smem:$0x7FA];
	_ =	sdelay $0x1  }
0x3c: {  	[smem:$0x7E5] =	sst s3;
	s3 =	simm.s32 @!p0 $0x1C02  }
0x3d: {  	[spmem:s4], [sflag:s3] =	dma.local @!p0 [hbm:s0], $0x258  }
0x3e: {  	s3 =	simm.s32 @!p0 $0x2  }
0x3f: {  	_ =	swait.ge @!p0 [sflag:s3], $0x258  }
0x40: {  	v0 =	vld [tilespmem:$0x1FFE0];
	_ =	sdelay $0x2  }
0x41: {  	[sflag:s3] =	ssyncset.done @!p0 $0x0  }
0x42: {  	[sflag:s3] =	ssyncadd.s32 @!p0 $0xFFFFFDA8  }
0x43: {  	[tilespmem:$0xE500] =	vst v0;
	v0 =	vld [tilespmem:$0x1FF90];
	_ =	sdelay $0x4  }
0x44: {  	[tilespmem:$0xE510] =	vst v0;
	v0 =	vld [tilespmem:$0x1FFA0];
	_ =	sdelay $0x4  }
0x45: {  	[tilespmem:$0xE520] =	vst v0;
	v0 =	vld [tilespmem:$0x1FFB0];
	_ =	sdelay $0x4  }
0x46: {  	[tilespmem:$0xE530] =	vst v0;
	v0 =	vld [tilespmem:$0x1FFC0];
	_ =	sdelay $0x4  }
0x47: {  	[tilespmem:$0xE540] =	vst v0;
	v0 =	vld [tilespmem:$0x1FFD0];
	_ =	sdelay $0x4  }
0x48: {  	[tilespmem:$0xE550] =	vst v0;
	v0 =	vld [tilespmem:$0x1FFF0];
	_ =	sdelay $0x4  }
0x49: {  	[tilespmem:$0xE554] =	vst v0  }
0x4a: {  	[bflag:$0x0] =	sbarrier.arrive $0xFFFF  }
0x4b: {  	s5 =	sld [smem:$0x7F7];
	_ =	sdelay $0x1  }
0x4c: {  	s3 =	simm.s32 $0x0  }
.LBB2_2:
0x4d: {  	s6 =	sadd.s32 $0xFFFFFFF0, s5  }
0x4e: {  	s4 =	rddreg [dreg:$0x4];
	v0 =	vor.u32 s6, v1  }
0x4f: {  	s0 =	rddreg [dreg:$0x6];
	[tilespmem:$0xE568] =	vst v0;
	v0 =	vor.u32 s5, v1  }
0x50: {  	s31 =	rddreg [dreg:$0x7];
	[tilespmem:$0xE578] =	vst v0  }
0x51: {  	[tilespmem:s2], [sflag:$0x1] =	stream.indirect.gather [hbm4b:s4+s0], $0x80, s31, s0, $0xb8;
	[tilespmem:$0xE6B8] =	vst v63  }
0x52: {  	_ =	swait.ge [sflag:s7], $0x1000  }
0x53: {  	[sflag:s7] =	ssyncset.done $0x0  }
0x54: {  	[sflag:s7] =	ssyncadd.s32 $0xFFFFF000  }
0x55: {  	v18 =	vld [tilespmem:$0x0]  }
0x56: {  	v19 =	vld [tilespmem:$0xE500]  }
0x57: {  	v24 =	vld [tilespmem:$0x10]  }
0x58: {  	v25 =	vld [tilespmem:$0xE510]  }
0x59: {  	v32 =	vld [tilespmem:$0x20]  }
0x5a: {  	v33 =	vld [tilespmem:$0xE520]  }
0x5b: {  	v40 =	vld [tilespmem:$0x30]  }
0x5c: {  	v41 =	vld [tilespmem:$0xE530]  }
0x5d: {  	v48 =	vld [tilespmem:$0x40]  }
0x5e: {  	v49 =	vld [tilespmem:$0xE540]  }
0x5f: {  	v56 =	vld [tilespmem:$0x50]  }
0x60: {  	v57 =	vld [tilespmem:$0xE550]  }
0x61: {  	v1 =	vld [tilespmem:$0x54]  }
0x62: {  	v0 =	vld [tilespmem:$0xE554]  }
0x63: {  	v3 =	vld [tilespmem:$0x80]  }
0x64: {  	v2 =	vld [tilespmem:$0xE500]  }
0x65: {  	v5 =	vld [tilespmem:$0x90]  }
0x66: {  	v4 =	vld [tilespmem:$0xE510]  }
0x67: {  	v7 =	vld [tilespmem:$0xA0]  }
0x68: {  	v6 =	vld [tilespmem:$0xE520]  }
0x69: {  	v9 =	vld [tilespmem:$0xB0]  }
0x6a: {  	v8 =	vld [tilespmem:$0xE530]  }
0x6b: {  	v11 =	vld [tilespmem:$0xC0]  }
0x6c: {  	v10 =	vld [tilespmem:$0xE540]  }
0x6d: {  	v13 =	vld [tilespmem:$0xD0]  }
0x6e: {  	v12 =	vld [tilespmem:$0xE550]  }
0x6f: {  	v15 =	vld [tilespmem:$0xD4]  }
0x70: {  	v14 =	vld [tilespmem:$0xE554]  }
0x71: {  	v17 =	vld [tilespmem:$0x100]  }
0x72: {  	v16 =	vld [tilespmem:$0xE500]  }
0x73: {  	v21 =	vld [tilespmem:$0x110]  }
0x74: {  	v20 =	vld [tilespmem:$0xE510]  }
0x75: {  	v23 =	vld [tilespmem:$0x120]  }
0x76: {  	v22 =	vld [tilespmem:$0xE520]  }
0x77: {  	v27 =	vld [tilespmem:$0x130]  }
0x78: {  	v26 =	vld [tilespmem:$0xE530]  }
0x79: {  	v29 =	vld [tilespmem:$0x140]  }
0x7a: {  	v28 =	vld [tilespmem:$0xE540]  }
0x7b: {  	v34 =	vld [tilespmem:$0x150]  }
0x7c: {  	v30 =	vld [tilespmem:$0xE550]  }
0x7d: {  	v36 =	vld [tilespmem:$0x154]  }
0x7e: {  	v31 =	vld [tilespmem:$0xE554]  }
0x7f: {  	v38 =	vld [tilespmem:$0x180]  }
0x80: {  	v35 =	vld [tilespmem:$0xE500]  }
0x81: {  	v42 =	vld [tilespmem:$0x190]  }
0x82: {  	v37 =	vld [tilespmem:$0xE510]  }
0x83: {  	v44 =	vld [tilespmem:$0x1A0]  }
0x84: {  	v39 =	vld [tilespmem:$0xE520]  }
0x85: {  	v45 =	vld [tilespmem:$0x1B0]  }
0x86: {  	v43 =	vld [tilespmem:$0xE530]  }
0x87: {  	v50 =	vld [tilespmem:$0x1C0]  }
0x88: {  	v46 =	vld [tilespmem:$0xE540]  }
0x89: {  	v52 =	vld [tilespmem:$0x1D0]  }
0x8a: {  	v47 =	vld [tilespmem:$0xE550]  }
0x8b: {  	v54 =	vld [tilespmem:$0x1D4]  }
0x8c: {  	v51 =	vld [tilespmem:$0xE554]  }
0x8d: {  	v58 =	vld [tilespmem:$0x200]  }
0x8e: {  	v61 =	vld [tilespmem:$0x230]  }
0x8f: {  	v53 =	vld [tilespmem:$0xE500]  }
0x90: {  	v60 =	vld [tilespmem:$0x210]  }
0x91: {  	v55 =	vld [tilespmem:$0xE510]  }
0x92: {  	v62 =	vld [tilespmem:$0x220]  }
0x93: {  	v59 =	vld [tilespmem:$0xE520];
	[tilespmem:$0x1F7D0] =	vst v61  }
0x94: {  	v63 =	vld [tilespmem:$0xE530]  }
0x95: {  	v61 =	vld [tilespmem:$0x240];
	_ =	sdelay $0x4  }
0x96: {  	[tilespmem:$0x1F7E0] =	vst v61;
	v61 =	vld [tilespmem:$0xE540];
	_ =	sdelay $0x4  }
0x97: {  	[tilespmem:$0x1F7F0] =	vst v61;
	v61 =	vld [tilespmem:$0x250];
	_ =	sdelay $0x4  }
0x98: {  	[tilespmem:$0x1F800] =	vst v61;
	v61 =	vld [tilespmem:$0xE550];
	_ =	sdelay $0x4  }
0x99: {  	[tilespmem:$0x1F810] =	vst v61;
	v61 =	vld [tilespmem:$0x254];
	_ =	sdelay $0x4  }
0x9a: {  	[tilespmem:$0x1F820] =	vst v61;
	v61 =	vld [tilespmem:$0xE554];
	_ =	sdelay $0x4  }
0x9b: {  	[tilespmem:$0x1F830] =	vst v61;
	v61 =	vld [tilespmem:$0x280];
	_ =	sdelay $0x4  }
0x9c: {  	[tilespmem:$0x1F840] =	vst v61;
	v61 =	vld [tilespmem:$0xE500];
	_ =	sdelay $0x4  }
0x9d: {  	[tilespmem:$0x1F850] =	vst v61;
	v61 =	vld [tilespmem:$0x290];
	_ =	sdelay $0x4  }
0x9e: {  	v24 =	vadd.s32 v24, v25;
	[tilespmem:$0x1F860] =	vst v61;
	v61 =	vld [tilespmem:$0xE510]  }
0x9f: {  	[tilespmem:$0x1010] =	vst v24;
	v24 =	vadd.s32 v32, v33  }
0xa0: {  	v32 =	vadd.s32 v40, v41;
	v40 =	vadd.s32 v48, v49;
	v48 =	vadd.s32 v56, v57  }
0xa1: {  	v0 =	vadd.s32 v1, v0;
	[tilespmem:$0x1050] =	vst v48  }
0xa2: {  	[tilespmem:$0x1054] =	vst v0  }
0xa3: {  	v0 =	vadd.s32 v3, v2;
	v2 =	vadd.s32 v42, v37;
	[tilespmem:$0x1F870] =	vst v61;
	v61 =	vld [tilespmem:$0x2A0]  }
0xa4: {  	[tilespmem:$0x1148] =	vst v2;
	v2 =	vadd.s32 v44, v39  }
0xa5: {  	[tilespmem:$0x1158] =	vst v2;
	v2 =	vadd.s32 v45, v43  }
0xa6: {  	[tilespmem:$0x1168] =	vst v2;
	v2 =	vadd.s32 v50, v46  }
0xa7: {  	[tilespmem:$0x1178] =	vst v2  }
0xa8: {  	v2 =	vadd.s32 v52, v47;
	[tilespmem:$0x1F880] =	vst v61;
	v61 =	vld [tilespmem:$0xE520]  }
0xa9: {  	[tilespmem:$0x1188] =	vst v2;
	v2 =	vadd.s32 v54, v51  }
0xaa: {  	[tilespmem:$0x118C] =	vst v2;
	v2 =	vadd.s32 v58, v53  }
0xab: {  	[tilespmem:$0x11A0] =	vst v2;
	v2 =	vadd.s32 v60, v55  }
0xac: {  	[tilespmem:$0x11B0] =	vst v2  }
0xad: {  	v2 =	vadd.s32 v62, v59;
	[tilespmem:$0x1F890] =	vst v61;
	v61 =	vld [tilespmem:$0x2B0]  }
0xae: {  	[tilespmem:$0x11C0] =	vst v2;
	v2 =	vld [tilespmem:$0x1F7D0];
	_ =	sdelay $0x3  }
0xaf: {  	[tilespmem:$0x1F8A0] =	vst v61;
	v61 =	vld [tilespmem:$0xE530]  }
0xb0: {  	v54 =	vld [tilespmem:$0x1F7F0];
	v2 =	vadd.s32 v2, v63  }
0xb1: {  	[tilespmem:$0x11D0] =	vst v2;
	v2 =	vld [tilespmem:$0x1F7E0];
	_ =	sdelay $0x2  }
0xb2: {  	[tilespmem:$0x1F8B0] =	vst v61;
	v61 =	vld [tilespmem:$0x2C0];
	_ =	sdelay $0x1  }
0xb3: {  	v55 =	vld [tilespmem:$0x1F810];
	v2 =	vadd.s32 v2, v54  }
0xb4: {  	[tilespmem:$0x11E0] =	vst v2;
	v2 =	vld [tilespmem:$0x1F800];
	_ =	sdelay $0x1  }
0xb5: {  	[tilespmem:$0x1F8C0] =	vst v61;
	v61 =	vld [tilespmem:$0xE540];
	_ =	sdelay $0x2  }
0xb6: {  	v2 =	vadd.s32 v2, v55  }
0xb7: {  	[tilespmem:$0x11F0] =	vst v2;
	v2 =	vld [tilespmem:$0x1F820]  }
0xb8: {  	[tilespmem:$0x1F8D0] =	vst v61;
	v61 =	vld [tilespmem:$0x2D0]  }
0xb9: {  	v58 =	vld [tilespmem:$0x1F830];
	_ =	sdelay $0x3  }
0xba: {  	[tilespmem:$0x1F8E0] =	vst v61;
	v61 =	vld [tilespmem:$0xE550]  }
0xbb: {  	v2 =	vadd.s32 v2, v58  }
0xbc: {  	[tilespmem:$0x11F4] =	vst v2;
	v2 =	vld [tilespmem:$0x1F840]  }
0xbd: {  	v59 =	vld [tilespmem:$0x1F850];
	_ =	sdelay $0x1  }
0xbe: {  	[tilespmem:$0x1F8F0] =	vst v61;
	v61 =	vld [tilespmem:$0x2D4];
	_ =	sdelay $0x1  }
0xbf: {  	[tilespmem:$0x1068] =	vst v0;
	v0 =	vadd.s32 v5, v4  }
0xc0: {  	[tilespmem:$0x1078] =	vst v0;
	v2 =	vadd.s32 v2, v59  }
0xc1: {  	[tilespmem:$0x1208] =	vst v2;
	v2 =	vld [tilespmem:$0x1F860]  }
0xc2: {  	v0 =	vadd.s32 v7, v6;
	[tilespmem:$0x1F900] =	vst v61;
	v61 =	vld [tilespmem:$0xE554]  }
0xc3: {  	[tilespmem:$0x1088] =	vst v0;
	v0 =	vadd.s32 v9, v8;
	v60 =	vld [tilespmem:$0x1F870]  }
0xc4: {  	[tilespmem:$0x1098] =	vst v0;
	v0 =	vadd.s32 v11, v10  }
0xc5: {  	[tilespmem:$0x10A8] =	vst v0;
	v0 =	vadd.s32 v13, v12  }
0xc6: {  	[tilespmem:$0x10B8] =	vst v0  }
0xc7: {  	v0 =	vadd.s32 v15, v14;
	[tilespmem:$0x1F910] =	vst v61;
	v61 =	vld [tilespmem:$0x300]  }
0xc8: {  	[tilespmem:$0x10BC] =	vst v0;
	v2 =	vadd.s32 v2, v60  }
0xc9: {  	v0 =	vadd.s32 v17, v16;
	[tilespmem:$0x1218] =	vst v2;
	v2 =	vld [tilespmem:$0x1F880]  }
0xca: {  	[tilespmem:$0x10D0] =	vst v0;
	v0 =	vadd.s32 v21, v20;
	v62 =	vld [tilespmem:$0x1F890]  }
0xcb: {  	[tilespmem:$0x10E0] =	vst v0  }
0xcc: {  	v0 =	vadd.s32 v23, v22;
	[tilespmem:$0x1F920] =	vst v61;
	v61 =	vld [tilespmem:$0xE500]  }
0xcd: {  	[tilespmem:$0x10F0] =	vst v0;
	v0 =	vadd.s32 v27, v26  }
0xce: {  	[tilespmem:$0x1100] =	vst v0;
	v0 =	vadd.s32 v29, v28  }
0xcf: {  	[tilespmem:$0x1110] =	vst v0;
	v2 =	vadd.s32 v2, v62  }
0xd0: {  	[tilespmem:$0x1228] =	vst v2;
	v2 =	vld [tilespmem:$0x1F8A0]  }
0xd1: {  	v0 =	vadd.s32 v34, v30;
	[tilespmem:$0x1F930] =	vst v61;
	v61 =	vld [tilespmem:$0x310]  }
0xd2: {  	[tilespmem:$0x1120] =	vst v0;
	v0 =	vadd.s32 v36, v31;
	v31 =	vld [tilespmem:$0x1F8B0];
	_ =	sdelay $0x3  }
0xd3: {  	[tilespmem:$0x1F940] =	vst v61;
	v61 =	vld [tilespmem:$0xE510]  }
0xd4: {  	v2 =	vadd.s32 v2, v31  }
0xd5: {  	[tilespmem:$0x1238] =	vst v2;
	v2 =	vld [tilespmem:$0x1F8C0]  }
0xd6: {  	v34 =	vld [tilespmem:$0x1F8D0];
	_ =	sdelay $0x1  }
0xd7: {  	[tilespmem:$0x1F950] =	vst v61;
	v61 =	vld [tilespmem:$0x320]  }
0xd8: {  	v1 =	vld [tilespmem:$0x420];
	_ =	sdelay $0x1  }
0xd9: {  	v2 =	vadd.s32 v2, v34  }
0xda: {  	[tilespmem:$0x1248] =	vst v2;
	v2 =	vld [tilespmem:$0x1F8E0]  }
0xdb: {  	[tilespmem:$0x1F960] =	vst v61;
	v61 =	vld [tilespmem:$0xE520]  }
0xdc: {  	[tilespmem:$0x1FB10] =	vst v1;
	v1 =	vadd.s32 v38, v35;
	v35 =	vld [tilespmem:$0x1F8F0];
	_ =	sdelay $0x3  }
0xdd: {  	[tilespmem:$0x1F970] =	vst v61;
	v61 =	vld [tilespmem:$0x330]  }
0xde: {  	v2 =	vadd.s32 v2, v35  }
0xdf: {  	[tilespmem:$0x1258] =	vst v2;
	v2 =	vld [tilespmem:$0x1F900]  }
0xe0: {  	v36 =	vld [tilespmem:$0x1F910];
	_ =	sdelay $0x1  }
0xe1: {  	[tilespmem:$0x1F980] =	vst v61;
	v61 =	vld [tilespmem:$0xE530];
	_ =	sdelay $0x2  }
0xe2: {  	v2 =	vadd.s32 v2, v36  }
0xe3: {  	[tilespmem:$0x125C] =	vst v2;
	v2 =	vld [tilespmem:$0x1F920]  }
0xe4: {  	[tilespmem:$0x1F990] =	vst v61;
	v61 =	vld [tilespmem:$0x340]  }
0xe5: {  	v37 =	vld [tilespmem:$0x1F930]  }
0xe6: {  	v25 =	vld [tilespmem:$0xE554]  }
0xe7: {  	v33 =	vld [tilespmem:$0xE500]  }
0xe8: {  	v41 =	vld [tilespmem:$0x410]  }
0xe9: {  	[tilespmem:$0x1F9A0] =	vst v61;
	v61 =	vld [tilespmem:$0xE540]  }
0xea: {  	v49 =	vld [tilespmem:$0xE510];
	v2 =	vadd.s32 v2, v37  }
0xeb: {  	[tilespmem:$0x1270] =	vst v2;
	v2 =	vld [tilespmem:$0x1F940]  }
0xec: {  	v38 =	vld [tilespmem:$0x1F950]  }
0xed: {  	v56 =	vld [tilespmem:$0xE550]  }
0xee: {  	[tilespmem:$0x1F9B0] =	vst v61;
	v61 =	vld [tilespmem:$0x350]  }
0xef: {  	v18 =	vadd.s32 v18, v19;
	v57 =	vld [tilespmem:$0x454]  }
0xf0: {  	[tilespmem:$0x1000] =	vst v18;
	v18 =	vld [tilespmem:$0xE500]  }
0xf1: {  	v19 =	vld [tilespmem:$0x490];
	v2 =	vadd.s32 v2, v38  }
0xf2: {  	[tilespmem:$0x1280] =	vst v2;
	v2 =	vld [tilespmem:$0x1F960]  }
0xf3: {  	[tilespmem:$0x1F9C0] =	vst v61;
	v61 =	vld [tilespmem:$0xE550]  }
0xf4: {  	v39 =	vld [tilespmem:$0x1F970]  }
0xf5: {  	[tilespmem:$0x1030] =	vst v32;
	v32 =	vld [tilespmem:$0xE520]  }
0xf6: {  	[tilespmem:$0x1040] =	vst v40;
	v40 =	vld [tilespmem:$0xE530]  }
0xf7: {  	v48 =	vld [tilespmem:$0xE540]  }
0xf8: {  	[tilespmem:$0x1F9D0] =	vst v61;
	v61 =	vld [tilespmem:$0x354]  }
0xf9: {  	[tilespmem:$0x1020] =	vst v24;
	v24 =	vld [tilespmem:$0xE554];
	v2 =	vadd.s32 v2, v39  }
0xfa: {  	[tilespmem:$0x1290] =	vst v2;
	v2 =	vld [tilespmem:$0x1F980]  }
0xfb: {  	v42 =	vld [tilespmem:$0x1F990]  }
0xfc: {  	v3 =	vld [tilespmem:$0xE530]  }
0xfd: {  	[tilespmem:$0x1F9E0] =	vst v61;
	v61 =	vld [tilespmem:$0xE554]  }
0xfe: {  	v4 =	vld [tilespmem:$0x4C0]  }
0xff: {  	v5 =	vld [tilespmem:$0xE540]  }
0x100: {  	v7 =	vld [tilespmem:$0x4A0];
	v2 =	vadd.s32 v2, v42  }
0x101: {  	[tilespmem:$0x12A0] =	vst v2;
	v2 =	vld [tilespmem:$0x1F9A0]  }
0x102: {  	[tilespmem:$0x1F9F0] =	vst v61;
	v61 =	vld [tilespmem:$0x380]  }
0x103: {  	v43 =	vld [tilespmem:$0x1F9B0]  }
0x104: {  	v6 =	vld [tilespmem:$0x4D0]  }
0x105: {  	[tilespmem:$0x1FAC0] =	vst v25;
	v25 =	vld [tilespmem:$0x400]  }
0x106: {  	[tilespmem:$0x1FAE0] =	vst v33;
	v33 =	vld [tilespmem:$0x430]  }
0x107: {  	[tilespmem:$0x1FA00] =	vst v61;
	v61 =	vld [tilespmem:$0xE500]  }
0x108: {  	[tilespmem:$0x1FAF0] =	vst v41;
	v41 =	vld [tilespmem:$0x440];
	v2 =	vadd.s32 v2, v43  }
0x109: {  	[tilespmem:$0x12B0] =	vst v2;
	v2 =	vld [tilespmem:$0x1F9C0]  }
0x10a: {  	v44 =	vld [tilespmem:$0x1F9D0]  }
0x10b: {  	[tilespmem:$0x1FB00] =	vst v49;
	v49 =	vld [tilespmem:$0x450]  }
0x10c: {  	[tilespmem:$0x1FA10] =	vst v61;
	v61 =	vld [tilespmem:$0x390]  }
0x10d: {  	v8 =	vld [tilespmem:$0xE550]  }
0x10e: {  	v9 =	vld [tilespmem:$0x4D4]  }
0x10f: {  	v10 =	vld [tilespmem:$0xE510];
	v2 =	vadd.s32 v2, v44  }
0x110: {  	[tilespmem:$0x12C0] =	vst v2;
	v2 =	vld [tilespmem:$0x1F9E0]  }
0x111: {  	[tilespmem:$0x1FA20] =	vst v61;
	v61 =	vld [tilespmem:$0xE510]  }
0x112: {  	v45 =	vld [tilespmem:$0x1F9F0]  }
0x113: {  	[tilespmem:$0x1138] =	vst v1;
	v1 =	vld [tilespmem:$0x4B0]  }
0x114: {  	v11 =	vld [tilespmem:$0xE554]  }
0x115: {  	v12 =	vld [tilespmem:$0x500]  }
0x116: {  	[tilespmem:$0x1FA30] =	vst v61;
	v61 =	vld [tilespmem:$0x3A0]  }
0x117: {  	v13 =	vld [tilespmem:$0xE500];
	v2 =	vadd.s32 v2, v45  }
0x118: {  	[tilespmem:$0x12C4] =	vst v2;
	v2 =	vld [tilespmem:$0x1FA00]  }
0x119: {  	v46 =	vld [tilespmem:$0x1FA10]  }
0x11a: {  	v14 =	vld [tilespmem:$0x510]  }
0x11b: {  	[tilespmem:$0x1FA40] =	vst v61;
	v61 =	vld [tilespmem:$0xE520]  }
0x11c: {  	v15 =	vld [tilespmem:$0xE510]  }
0x11d: {  	v16 =	vld [tilespmem:$0x520]  }
0x11e: {  	v17 =	vld [tilespmem:$0xE520];
	v2 =	vadd.s32 v2, v46  }
0x11f: {  	[tilespmem:$0x12D8] =	vst v2;
	v2 =	vld [tilespmem:$0x1FA20]  }
0x120: {  	[tilespmem:$0x1FA50] =	vst v61;
	v61 =	vld [tilespmem:$0x3B0]  }
0x121: {  	v47 =	vld [tilespmem:$0x1FA30]  }
0x122: {  	[tilespmem:$0x1FAD0] =	vst v25;
	v25 =	vld [tilespmem:$0x480]  }
0x123: {  	v20 =	vld [tilespmem:$0x530]  }
0x124: {  	v22 =	vld [tilespmem:$0x540]  }
0x125: {  	[tilespmem:$0x1FA60] =	vst v61;
	v61 =	vld [tilespmem:$0xE530]  }
0x126: {  	v23 =	vld [tilespmem:$0xE540];
	v2 =	vadd.s32 v2, v47  }
0x127: {  	[tilespmem:$0x12E8] =	vst v2;
	v2 =	vld [tilespmem:$0x1FA40]  }
0x128: {  	v50 =	vld [tilespmem:$0x1FA50]  }
0x129: {  	v26 =	vld [tilespmem:$0x550]  }
0x12a: {  	[tilespmem:$0x1FA70] =	vst v61;
	v61 =	vld [tilespmem:$0x3C0]  }
0x12b: {  	v27 =	vld [tilespmem:$0xE550]  }
0x12c: {  	v28 =	vld [tilespmem:$0x554]  }
0x12d: {  	[tilespmem:$0x1124] =	vst v0;
	v0 =	vld [tilespmem:$0xE520];
	v2 =	vadd.s32 v2, v50  }
0x12e: {  	[tilespmem:$0x12F8] =	vst v2;
	v2 =	vld [tilespmem:$0x1FA60]  }
0x12f: {  	[tilespmem:$0x1FA80] =	vst v61;
	v61 =	vld [tilespmem:$0xE540]  }
0x130: {  	v51 =	vld [tilespmem:$0x1FA70]  }
0x131: {  	v29 =	vld [tilespmem:$0xE554]  }
0x132: {  	v30 =	vld [tilespmem:$0x580]  }
0x133: {  	v63 =	vld [tilespmem:$0xE530]  }
0x134: {  	v0 =	vadd.s32 v7, v0;
	[tilespmem:$0x1FA90] =	vst v61;
	v61 =	vld [tilespmem:$0x3D0]  }
0x135: {  	v54 =	vld [tilespmem:$0x1FAE0];
	[tilespmem:$0x13C8] =	vst v0;
	v2 =	vadd.s32 v2, v51  }
0x136: {  	v0 =	vadd.s32 v1, v3;
	[tilespmem:$0x1308] =	vst v2;
	v2 =	vld [tilespmem:$0x1FA80]  }
0x137: {  	[tilespmem:$0x13D8] =	vst v0;
	v0 =	vadd.s32 v4, v5;
	v52 =	vld [tilespmem:$0x1FA90]  }
0x138: {  	v1 =	vld [tilespmem:$0x640];
	[tilespmem:$0x13E8] =	vst v0  }
0x139: {  	v0 =	vadd.s32 v6, v8;
	[tilespmem:$0x1FAA0] =	vst v61;
	v61 =	vld [tilespmem:$0xE550]  }
0x13a: {  	v3 =	vld [tilespmem:$0xE540];
	[tilespmem:$0x13F8] =	vst v0;
	v0 =	vadd.s32 v9, v11  }
0x13b: {  	v4 =	vld [tilespmem:$0x650];
	[tilespmem:$0x13FC] =	vst v0;
	v0 =	vadd.s32 v12, v13  }
0x13c: {  	v5 =	vld [tilespmem:$0xE550];
	[tilespmem:$0x1410] =	vst v0;
	v2 =	vadd.s32 v2, v52  }
0x13d: {  	v55 =	vld [tilespmem:$0x1FB00];
	[tilespmem:$0x1318] =	vst v2  }
0x13e: {  	v0 =	vadd.s32 v14, v15;
	v2 =	vld [tilespmem:$0x1FAA0];
	[tilespmem:$0x1FAB0] =	vst v61  }
0x13f: {  	[tilespmem:$0x1420] =	vst v0;
	v0 =	vadd.s32 v16, v17;
	v53 =	vld [tilespmem:$0x1FAB0]  }
0x140: {  	[tilespmem:$0x1430] =	vst v0;
	v0 =	vadd.s32 v20, v63;
	v63 =	vld [tilespmem:$0xE500]  }
0x141: {  	v58 =	vld [tilespmem:$0xE510]  }
0x142: {  	v59 =	vld [tilespmem:$0xE520]  }
0x143: {  	v60 =	vld [tilespmem:$0x654]  }
0x144: {  	v61 =	vld [tilespmem:$0x3D4];
	v2 =	vadd.s32 v2, v53  }
0x145: {  	[tilespmem:$0x1328] =	vst v2;
	v2 =	vld [tilespmem:$0x1FAC0]  }
0x146: {  	v62 =	vld [tilespmem:$0x680]  }
0x147: {  	v31 =	vld [tilespmem:$0xE500]  }
0x148: {  	v34 =	vld [tilespmem:$0x590]  }
0x149: {  	v35 =	vld [tilespmem:$0xE510]  }
0x14a: {  	v36 =	vld [tilespmem:$0x5A0];
	v2 =	vadd.s32 v61, v2  }
0x14b: {  	[tilespmem:$0x132C] =	vst v2;
	v2 =	vld [tilespmem:$0x1FAD0]  }
0x14c: {  	v37 =	vld [tilespmem:$0xE520]  }
0x14d: {  	v38 =	vld [tilespmem:$0x5B0]  }
0x14e: {  	v39 =	vld [tilespmem:$0xE530]  }
0x14f: {  	v42 =	vld [tilespmem:$0x5C0]  }
0x150: {  	v43 =	vld [tilespmem:$0xE540];
	v2 =	vadd.s32 v2, v54  }
0x151: {  	[tilespmem:$0x1340] =	vst v2;
	v2 =	vld [tilespmem:$0x1FAF0]  }
0x152: {  	v44 =	vld [tilespmem:$0x5D0]  }
0x153: {  	[tilespmem:$0x1440] =	vst v0;
	v0 =	vadd.s32 v22, v23;
	v45 =	vld [tilespmem:$0xE550]  }
0x154: {  	[tilespmem:$0x1450] =	vst v0;
	v0 =	vadd.s32 v26, v27;
	v46 =	vld [tilespmem:$0x5D4]  }
0x155: {  	[tilespmem:$0x1460] =	vst v0;
	v0 =	vadd.s32 v28, v29;
	v47 =	vld [tilespmem:$0xE554]  }
0x156: {  	[tilespmem:$0x1464] =	vst v0;
	v50 =	vld [tilespmem:$0xE520];
	v2 =	vadd.s32 v2, v55  }
0x157: {  	v0 =	vadd.s32 v30, v31;
	[tilespmem:$0x1350] =	vst v2;
	v2 =	vld [tilespmem:$0x1FB10]  }
0x158: {  	[tilespmem:$0x1478] =	vst v0;
	v0 =	vadd.s32 v34, v35;
	v51 =	vld [tilespmem:$0x6B0]  }
0x159: {  	[tilespmem:$0x1488] =	vst v0;
	v0 =	vadd.s32 v36, v37;
	v52 =	vld [tilespmem:$0xE530]  }
0x15a: {  	[tilespmem:$0x1498] =	vst v0;
	v0 =	vadd.s32 v38, v39;
	v53 =	vld [tilespmem:$0x6C0]  }
0x15b: {  	[tilespmem:$0x14A8] =	vst v0;
	v0 =	vadd.s32 v42, v43;
	v61 =	vld [tilespmem:$0xE554]  }
0x15c: {  	[tilespmem:$0x14B8] =	vst v0;
	v54 =	vld [tilespmem:$0xE540];
	v2 =	vadd.s32 v2, v32  }
0x15d: {  	v55 =	vld [tilespmem:$0x6D0];
	[tilespmem:$0x1360] =	vst v2;
	v2 =	vadd.s32 v33, v40  }
0x15e: {  	v32 =	vld [tilespmem:$0x600];
	[tilespmem:$0x1370] =	vst v2;
	v2 =	vadd.s32 v41, v48  }
0x15f: {  	v33 =	vld [tilespmem:$0xE500];
	[tilespmem:$0x1380] =	vst v2;
	v2 =	vadd.s32 v49, v56  }
0x160: {  	v40 =	vld [tilespmem:$0x610];
	[tilespmem:$0x1390] =	vst v2;
	v2 =	vadd.s32 v57, v24  }
0x161: {  	v24 =	vld [tilespmem:$0x620];
	[tilespmem:$0x1394] =	vst v2;
	v2 =	vadd.s32 v25, v18  }
0x162: {  	[tilespmem:$0x13A8] =	vst v2;
	v2 =	vadd.s32 v19, v10;
	v10 =	vld [tilespmem:$0x630]  }
0x163: {  	v0 =	vadd.s32 v44, v45;
	[tilespmem:$0x13B8] =	vst v2;
	v2 =	vld [tilespmem:$0xE530]  }
0x164: {  	[tilespmem:$0x14C8] =	vst v0;
	v0 =	vadd.s32 v46, v47;
	v48 =	vld [tilespmem:$0xE510]  }
0x165: {  	[tilespmem:$0x14CC] =	vst v0;
	v49 =	vld [tilespmem:$0x6A0];
	v0 =	vadd.s32 v32, v33  }
0x166: {  	v56 =	vld [tilespmem:$0xE550];
	[tilespmem:$0x14E0] =	vst v0;
	v0 =	vadd.s32 v40, v58  }
0x167: {  	v57 =	vld [tilespmem:$0x6D4];
	[tilespmem:$0x14F0] =	vst v0;
	v0 =	vadd.s32 v24, v59  }
0x168: {  	v25 =	vld [tilespmem:$0x690];
	[tilespmem:$0x1500] =	vst v0;
	v0 =	vadd.s32 v10, v2  }
0x169: {  	v58 =	vld [tilespmem:$0xE554];
	[tilespmem:$0x1510] =	vst v0;
	v0 =	vadd.s32 v1, v3  }
0x16a: {  	v59 =	vld [tilespmem:$0x700];
	[tilespmem:$0x1520] =	vst v0;
	v0 =	vadd.s32 v4, v5  }
0x16b: {  	v2 =	vld [tilespmem:$0xE500];
	[tilespmem:$0x1530] =	vst v0;
	v0 =	vadd.s32 v60, v61  }
0x16c: {  	v1 =	vld [tilespmem:$0x710];
	[tilespmem:$0x1534] =	vst v0;
	v0 =	vadd.s32 v62, v63  }
0x16d: {  	v3 =	vld [tilespmem:$0xE510];
	[tilespmem:$0x1548] =	vst v0;
	v0 =	vadd.s32 v25, v48  }
0x16e: {  	v60 =	vld [tilespmem:$0x720];
	[tilespmem:$0x1558] =	vst v0;
	v0 =	vadd.s32 v49, v50  }
0x16f: {  	v61 =	vld [tilespmem:$0xE520];
	[tilespmem:$0x1568] =	vst v0;
	v0 =	vadd.s32 v51, v52  }
0x170: {  	v62 =	vld [tilespmem:$0x730];
	[tilespmem:$0x1578] =	vst v0;
	v0 =	vadd.s32 v53, v54  }
0x171: {  	v63 =	vld [tilespmem:$0xE530];
	[tilespmem:$0x1588] =	vst v0;
	v0 =	vadd.s32 v55, v56  }
0x172: {  	[tilespmem:$0x1598] =	vst v0;
	v0 =	vadd.s32 v57, v58  }
0x173: {  	[tilespmem:$0x159C] =	vst v0;
	v0 =	vadd.s32 v59, v2  }
0x174: {  	[tilespmem:$0x15B0] =	vst v0;
	v0 =	vadd.s32 v1, v3  }
0x175: {  	[tilespmem:$0x15C0] =	vst v0;
	v0 =	vadd.s32 v60, v61  }
0x176: {  	[tilespmem:$0x15D0] =	vst v0;
	v0 =	vadd.s32 v62, v63;
	v63 =	vld [tilespmem:$0x9C0];
	_ =	sdelay $0x4  }
0x177: {  	[tilespmem:$0x1FB30] =	vst v63;
	v63 =	vld [tilespmem:$0xE540];
	_ =	sdelay $0x4  }
0x178: {  	[tilespmem:$0x1FB40] =	vst v63;
	v63 =	vld [tilespmem:$0x9D0];
	_ =	sdelay $0x4  }
0x179: {  	[tilespmem:$0x1FB50] =	vst v63;
	v63 =	vld [tilespmem:$0xE550];
	_ =	sdelay $0x4  }
0x17a: {  	[tilespmem:$0x1FB60] =	vst v63;
	v63 =	vld [tilespmem:$0x9D4];
	_ =	sdelay $0x4  }
0x17b: {  	[tilespmem:$0x1FB70] =	vst v63;
	v63 =	vld [tilespmem:$0xE554];
	_ =	sdelay $0x4  }
0x17c: {  	[tilespmem:$0x1FB80] =	vst v63;
	v63 =	vld [tilespmem:$0xA00];
	_ =	sdelay $0x4  }
0x17d: {  	[tilespmem:$0x1FB90] =	vst v63;
	v63 =	vld [tilespmem:$0xE500];
	_ =	sdelay $0x4  }
0x17e: {  	[tilespmem:$0x1FBA0] =	vst v63;
	v63 =	vld [tilespmem:$0xA10];
	_ =	sdelay $0x4  }
0x17f: {  	[tilespmem:$0x1FBB0] =	vst v63;
	v63 =	vld [tilespmem:$0xE510];
	_ =	sdelay $0x4  }
0x180: {  	[tilespmem:$0x1FBC0] =	vst v63;
	v63 =	vld [tilespmem:$0xA20];
	_ =	sdelay $0x4  }
0x181: {  	[tilespmem:$0x1FBD0] =	vst v63;
	v63 =	vld [tilespmem:$0xE520];
	_ =	sdelay $0x4  }
0x182: {  	[tilespmem:$0x1FBE0] =	vst v63;
	v63 =	vld [tilespmem:$0xA30];
	_ =	sdelay $0x4  }
0x183: {  	[tilespmem:$0x1FBF0] =	vst v63;
	v63 =	vld [tilespmem:$0xE530];
	_ =	sdelay $0x4  }
0x184: {  	[tilespmem:$0x1FC00] =	vst v63;
	v63 =	vld [tilespmem:$0xA40];
	_ =	sdelay $0x4  }
0x185: {  	[tilespmem:$0x1FC10] =	vst v63;
	v63 =	vld [tilespmem:$0xE540];
	_ =	sdelay $0x4  }
0x186: {  	[tilespmem:$0x1FC20] =	vst v63;
	v63 =	vld [tilespmem:$0xA50];
	_ =	sdelay $0x4  }
0x187: {  	[tilespmem:$0x1FC30] =	vst v63;
	v63 =	vld [tilespmem:$0xE550];
	_ =	sdelay $0x4  }
0x188: {  	[tilespmem:$0x1FC40] =	vst v63;
	v63 =	vld [tilespmem:$0xA54];
	_ =	sdelay $0x4  }
0x189: {  	[tilespmem:$0x1FC50] =	vst v63;
	v63 =	vld [tilespmem:$0xE554];
	_ =	sdelay $0x4  }
0x18a: {  	[tilespmem:$0x1FC60] =	vst v63;
	v63 =	vld [tilespmem:$0xA80];
	_ =	sdelay $0x4  }
0x18b: {  	[tilespmem:$0x1FC70] =	vst v63;
	v63 =	vld [tilespmem:$0xE500];
	_ =	sdelay $0x3  }
0x18c: {  	v21 =	vld [tilespmem:$0xE540]  }
0x18d: {  	[tilespmem:$0x1FC80] =	vst v63;
	v63 =	vld [tilespmem:$0xA90]  }
0x18e: {  	v7 =	vld [tilespmem:$0x7B0]  }
0x18f: {  	v6 =	vld [tilespmem:$0xE530]  }
0x190: {  	v8 =	vld [tilespmem:$0xE540]  }
0x191: {  	v9 =	vld [tilespmem:$0x7C0]  }
0x192: {  	[tilespmem:$0x1FC90] =	vst v63;
	v63 =	vld [tilespmem:$0xE510]  }
0x193: {  	v11 =	vld [tilespmem:$0xE554]  }
0x194: {  	v12 =	vld [tilespmem:$0x740]  }
0x195: {  	v13 =	vld [tilespmem:$0xE540]  }
0x196: {  	v14 =	vld [tilespmem:$0x750]  }
0x197: {  	[tilespmem:$0x1FCA0] =	vst v63;
	v63 =	vld [tilespmem:$0xAA0]  }
0x198: {  	v15 =	vld [tilespmem:$0xE550]  }
0x199: {  	v16 =	vld [tilespmem:$0x800]  }
0x19a: {  	v17 =	vld [tilespmem:$0xE520]  }
0x19b: {  	v20 =	vld [tilespmem:$0x820]  }
0x19c: {  	[tilespmem:$0x1FCB0] =	vst v63;
	v63 =	vld [tilespmem:$0xE520]  }
0x19d: {  	v22 =	vld [tilespmem:$0x830]  }
0x19e: {  	v23 =	vld [tilespmem:$0xE550]  }
0x19f: {  	v26 =	vld [tilespmem:$0xE510]  }
0x1a0: {  	v27 =	vld [tilespmem:$0xE520]  }
0x1a1: {  	[tilespmem:$0x1FCC0] =	vst v63;
	v63 =	vld [tilespmem:$0xAB0]  }
0x1a2: {  	v28 =	vld [tilespmem:$0xE530]  }
0x1a3: {  	v29 =	vld [tilespmem:$0xE540]  }
0x1a4: {  	v31 =	vld [tilespmem:$0x8C0]  }
0x1a5: {  	v30 =	vld [tilespmem:$0xE550]  }
0x1a6: {  	[tilespmem:$0x1FCD0] =	vst v63;
	v63 =	vld [tilespmem:$0xE530]  }
0x1a7: {  	v34 =	vld [tilespmem:$0x8B0]  }
0x1a8: {  	v35 =	vld [tilespmem:$0x8D4]  }
0x1a9: {  	v36 =	vld [tilespmem:$0xE500]  }
0x1aa: {  	v37 =	vld [tilespmem:$0xE510]  }
0x1ab: {  	[tilespmem:$0x1FCE0] =	vst v63;
	v63 =	vld [tilespmem:$0xAC0]  }
0x1ac: {  	v38 =	vld [tilespmem:$0x900]  }
0x1ad: {  	v39 =	vld [tilespmem:$0xE520]  }
0x1ae: {  	v42 =	vld [tilespmem:$0x890]  }
0x1af: {  	v43 =	vld [tilespmem:$0x8A0]  }
0x1b0: {  	[tilespmem:$0x1FCF0] =	vst v63;
	v63 =	vld [tilespmem:$0xE540]  }
0x1b1: {  	v44 =	vld [tilespmem:$0x920]  }
0x1b2: {  	v45 =	vld [tilespmem:$0x930]  }
0x1b3: {  	v46 =	vld [tilespmem:$0xE540]  }
0x1b4: {  	v47 =	vld [tilespmem:$0xE550]  }
0x1b5: {  	[tilespmem:$0x1FD00] =	vst v63;
	v63 =	vld [tilespmem:$0xAD0]  }
0x1b6: {  	v41 =	vld [tilespmem:$0xE530]  }
0x1b7: {  	v18 =	vld [tilespmem:$0x810]  }
0x1b8: {  	v19 =	vld [tilespmem:$0xE530]  }
0x1b9: {  	v33 =	vld [tilespmem:$0x8D0]  }
0x1ba: {  	[tilespmem:$0x1FD10] =	vst v63;
	v63 =	vld [tilespmem:$0xE550]  }
0x1bb: {  	v32 =	vld [tilespmem:$0xE554]  }
0x1bc: {  	v40 =	vld [tilespmem:$0x910]  }
0x1bd: {  	v24 =	vld [tilespmem:$0xE554]  }
0x1be: {  	v10 =	vld [tilespmem:$0xE550]  }
0x1bf: {  	[tilespmem:$0x1FD20] =	vst v63;
	v63 =	vld [tilespmem:$0xAD4]  }
0x1c0: {  	v5 =	vld [tilespmem:$0x7A0]  }
0x1c1: {  	v4 =	vld [tilespmem:$0xE520]  }
0x1c2: {  	v25 =	vld [tilespmem:$0xE500]  }
0x1c3: {  	v48 =	vld [tilespmem:$0x940]  }
0x1c4: {  	[tilespmem:$0x1FD30] =	vst v63;
	v63 =	vld [tilespmem:$0xE554]  }
0x1c5: {  	v50 =	vld [tilespmem:$0x950]  }
0x1c6: {  	v49 =	vld [tilespmem:$0xE554]  }
0x1c7: {  	v52 =	vld [tilespmem:$0x854]  }
0x1c8: {  	v51 =	vld [tilespmem:$0x880]  }
0x1c9: {  	[tilespmem:$0x1FD40] =	vst v63;
	v63 =	vld [tilespmem:$0xB00]  }
0x1ca: {  	v54 =	vld [tilespmem:$0x954]  }
0x1cb: {  	v53 =	vld [tilespmem:$0xE500]  }
0x1cc: {  	v56 =	vld [tilespmem:$0x840]  }
0x1cd: {  	v55 =	vld [tilespmem:$0x980]  }
0x1ce: {  	[tilespmem:$0x1FD50] =	vst v63;
	v63 =	vld [tilespmem:$0xE500]  }
0x1cf: {  	v57 =	vld [tilespmem:$0x850]  }
0x1d0: {  	v58 =	vld [tilespmem:$0xE510]  }
0x1d1: {  	v2 =	vld [tilespmem:$0x754]  }
0x1d2: {  	v59 =	vld [tilespmem:$0xE520]  }
0x1d3: {  	[tilespmem:$0x1FD60] =	vst v63;
	v63 =	vld [tilespmem:$0xB10]  }
0x1d4: {  	v1 =	vld [tilespmem:$0xE554]  }
0x1d5: {  	v3 =	vld [tilespmem:$0x790]  }
0x1d6: {  	v60 =	vld [tilespmem:$0x990]  }
0x1d7: {  	v61 =	vld [tilespmem:$0x9B0]  }
0x1d8: {  	[tilespmem:$0x1FD70] =	vst v63;
	v63 =	vld [tilespmem:$0xE510]  }
0x1d9: {  	v62 =	vld [tilespmem:$0x9A0]  }
0x1da: {  	[tilespmem:$0x15E0] =	vst v0;
	v0 =	vadd.s32 v12, v13;
	v12 =	vld [tilespmem:$0x7D0]  }
0x1db: {  	v13 =	vld [tilespmem:$0xE500]  }
0x1dc: {  	[tilespmem:$0x15F0] =	vst v0;
	v0 =	vadd.s32 v14, v15;
	v14 =	vld [tilespmem:$0x7D4]  }
0x1dd: {  	[tilespmem:$0x1FD80] =	vst v63;
	v63 =	vld [tilespmem:$0xB20]  }
0x1de: {  	[tilespmem:$0x1600] =	vst v0;
	v0 =	vadd.s32 v2, v1;
	v1 =	vld [tilespmem:$0x780]  }
0x1df: {  	[tilespmem:$0x1604] =	vst v0;
	v0 =	vld [tilespmem:$0xE500]  }
0x1e0: {  	v2 =	vld [tilespmem:$0xE510]  }
0x1e1: {  	v15 =	vld [tilespmem:$0xE510];
	[tilespmem:$0x1FB20] =	vst v61  }
0x1e2: {  	v61 =	vld [tilespmem:$0xE530];
	[tilespmem:$0x1FD90] =	vst v63  }
0x1e3: {  	v63 =	vld [tilespmem:$0xE520]  }
0x1e4: {  	v0 =	vadd.s32 v1, v0;
	v1 =	vld [tilespmem:$0xE554]  }
0x1e5: {  	[tilespmem:$0x1618] =	vst v0;
	v0 =	vadd.s32 v3, v2;
	v2 =	vld [tilespmem:$0xE530]  }
0x1e6: {  	v3 =	vld [tilespmem:$0xCC0]  }
0x1e7: {  	[tilespmem:$0x1628] =	vst v0;
	v0 =	vadd.s32 v5, v4;
	v4 =	vld [tilespmem:$0xE550]  }
0x1e8: {  	v5 =	vld [tilespmem:$0xCD4]  }
0x1e9: {  	[tilespmem:$0x1638] =	vst v0;
	v0 =	vadd.s32 v7, v6;
	v6 =	vld [tilespmem:$0xE554]  }
0x1ea: {  	v7 =	vld [tilespmem:$0xD00]  }
0x1eb: {  	[tilespmem:$0x1648] =	vst v0;
	v0 =	vadd.s32 v9, v8;
	v8 =	vld [tilespmem:$0xE500]  }
0x1ec: {  	v9 =	vld [tilespmem:$0xD10];
	[tilespmem:$0x1658] =	vst v0  }
0x1ed: {  	[tilespmem:$0x1FDA0] =	vst v63;
	v63 =	vld [tilespmem:$0xB30]  }
0x1ee: {  	v0 =	vadd.s32 v12, v10;
	[tilespmem:$0x1FEF0] =	vst v1;
	v1 =	vld [tilespmem:$0xC00]  }
0x1ef: {  	[tilespmem:$0x1668] =	vst v0;
	v0 =	vadd.s32 v14, v11;
	v14 =	vld [tilespmem:$0xE520]  }
0x1f0: {  	v11 =	vld [tilespmem:$0xCB0]  }
0x1f1: {  	[tilespmem:$0x166C] =	vst v0;
	v0 =	vadd.s32 v16, v13;
	v16 =	vadd.s32 v50, v47;
	v47 =	vld [tilespmem:$0x1FC50]  }
0x1f2: {  	v50 =	vld [tilespmem:$0x1FC80]  }
0x1f3: {  	[tilespmem:$0x1680] =	vst v0;
	v0 =	vadd.s32 v18, v15;
	v18 =	vadd.s32 v55, v53;
	v53 =	vld [tilespmem:$0x1FC90]  }
0x1f4: {  	v55 =	vld [tilespmem:$0x1FCB0]  }
0x1f5: {  	[tilespmem:$0x17B8] =	vst v18;
	v18 =	vld [tilespmem:$0xD40]  }
0x1f6: {  	[tilespmem:$0x1690] =	vst v0;
	v0 =	vadd.s32 v20, v17;
	v17 =	vadd.s32 v54, v49;
	v49 =	vld [tilespmem:$0x1FC70]  }
0x1f7: {  	v54 =	vld [tilespmem:$0x1FCA0]  }
0x1f8: {  	v20 =	vadd.s32 v62, v59;
	v59 =	vld [tilespmem:$0x1FCD0]  }
0x1f9: {  	[tilespmem:$0x17A0] =	vst v16;
	v62 =	vld [tilespmem:$0x1FD00]  }
0x1fa: {  	[tilespmem:$0x16A0] =	vst v0;
	v0 =	vadd.s32 v22, v19;
	v22 =	vld [tilespmem:$0xE510]  }
0x1fb: {  	[tilespmem:$0x17A4] =	vst v17;
	v17 =	vld [tilespmem:$0xE530]  }
0x1fc: {  	[tilespmem:$0x17D8] =	vst v20;
	v20 =	vld [tilespmem:$0xD50]  }
0x1fd: {  	v19 =	vadd.s32 v60, v58;
	v58 =	vld [tilespmem:$0x1FCC0]  }
0x1fe: {  	v60 =	vld [tilespmem:$0x1FCE0]  }
0x1ff: {  	[tilespmem:$0x1FDB0] =	vst v63;
	v63 =	vld [tilespmem:$0xE530]  }
0x200: {  	[tilespmem:$0x1FF00] =	vst v1;
	v1 =	vld [tilespmem:$0xE500]  }
0x201: {  	[tilespmem:$0x16B0] =	vst v0;
	v0 =	vadd.s32 v56, v21;
	v56 =	vld [tilespmem:$0xE540]  }
0x202: {  	v21 =	vld [tilespmem:$0x1FB20]  }
0x203: {  	[tilespmem:$0x17C8] =	vst v19;
	v19 =	vld [tilespmem:$0xE540]  }
0x204: {  	v2 =	vadd.s32 v11, v2;
	v11 =	vld [tilespmem:$0xE500]  }
0x205: {  	[tilespmem:$0x16C0] =	vst v0;
	v0 =	vadd.s32 v57, v23;
	v57 =	vld [tilespmem:$0xC50]  }
0x206: {  	v23 =	vld [tilespmem:$0xCA0]  }
0x207: {  	[tilespmem:$0x1A58] =	vst v2;
	v2 =	vld [tilespmem:$0xE90]  }
0x208: {  	[tilespmem:$0x16D0] =	vst v0;
	v0 =	vadd.s32 v52, v24;
	v52 =	vld [tilespmem:$0xE550]  }
0x209: {  	[tilespmem:$0x16D4] =	vst v0;
	v0 =	vadd.s32 v51, v25;
	v51 =	vld [tilespmem:$0xC54]  }
0x20a: {  	v25 =	vld [tilespmem:$0x1FB30]  }
0x20b: {  	[tilespmem:$0x16E8] =	vst v0;
	v0 =	vadd.s32 v42, v26;
	v42 =	vld [tilespmem:$0xE554]  }
0x20c: {  	v26 =	vld [tilespmem:$0x1FB40]  }
0x20d: {  	[tilespmem:$0x1FDC0] =	vst v63;
	v63 =	vld [tilespmem:$0xB40]  }
0x20e: {  	[tilespmem:$0x1FF10] =	vst v1;
	v1 =	vld [tilespmem:$0xC10]  }
0x20f: {  	[tilespmem:$0x16F8] =	vst v0;
	v0 =	vadd.s32 v43, v27;
	v43 =	vld [tilespmem:$0xC80]  }
0x210: {  	v27 =	vld [tilespmem:$0x1FB50]  }
0x211: {  	v24 =	vadd.s32 v21, v61;
	v21 =	vld [tilespmem:$0xE550]  }
0x212: {  	v61 =	vld [tilespmem:$0x1FCF0]  }
0x213: {  	[tilespmem:$0x1708] =	vst v0;
	v0 =	vadd.s32 v34, v28;
	v34 =	vld [tilespmem:$0xE500]  }
0x214: {  	v28 =	vld [tilespmem:$0x1FB60]  }
0x215: {  	[tilespmem:$0x17E8] =	vst v24;
	v24 =	vld [tilespmem:$0xD54]  }
0x216: {  	[tilespmem:$0x1718] =	vst v0;
	v0 =	vadd.s32 v31, v29;
	v31 =	vld [tilespmem:$0xC90]  }
0x217: {  	v29 =	vld [tilespmem:$0x1FB70]  }
0x218: {  	[tilespmem:$0x1728] =	vst v0;
	v0 =	vadd.s32 v33, v30;
	v30 =	vld [tilespmem:$0x1FB80]  }
0x219: {  	v33 =	vld [tilespmem:$0x1FBA0]  }
0x21a: {  	[tilespmem:$0x1738] =	vst v0;
	v0 =	vadd.s32 v35, v32;
	v32 =	vld [tilespmem:$0x1FB90]  }
0x21b: {  	v35 =	vld [tilespmem:$0x1FBB0]  }
0x21c: {  	v10 =	vadd.s32 v25, v26;
	v25 =	vld [tilespmem:$0xE554]  }
0x21d: {  	v26 =	vld [tilespmem:$0xD80]  }
0x21e: {  	[tilespmem:$0x1FDD0] =	vst v63;
	v63 =	vld [tilespmem:$0xE540]  }
0x21f: {  	[tilespmem:$0x1FF20] =	vst v1;
	v1 =	vld [tilespmem:$0xE510]  }
0x220: {  	[tilespmem:$0x17F8] =	vst v10;
	v10 =	vld [tilespmem:$0xE510]  }
0x221: {  	[tilespmem:$0x173C] =	vst v0;
	v0 =	vadd.s32 v38, v36;
	v36 =	vld [tilespmem:$0x1FBC0]  }
0x222: {  	v38 =	vld [tilespmem:$0x1FBE0]  }
0x223: {  	[tilespmem:$0x1750] =	vst v0;
	v0 =	vadd.s32 v40, v37;
	v37 =	vld [tilespmem:$0x1FBD0]  }
0x224: {  	v40 =	vld [tilespmem:$0x1FC00]  }
0x225: {  	v12 =	vadd.s32 v27, v28;
	v27 =	vld [tilespmem:$0xE500]  }
0x226: {  	v28 =	vld [tilespmem:$0xD90]  }
0x227: {  	v43 =	vadd.s32 v43, v34;
	v34 =	vld [tilespmem:$0xE54]  }
0x228: {  	[tilespmem:$0x1808] =	vst v12;
	v12 =	vld [tilespmem:$0xD20]  }
0x229: {  	[tilespmem:$0x1760] =	vst v0;
	v0 =	vadd.s32 v44, v39;
	v39 =	vld [tilespmem:$0x1FBF0]  }
0x22a: {  	v44 =	vld [tilespmem:$0x1FC20]  }
0x22b: {  	[tilespmem:$0x1A28] =	vst v43;
	v43 =	vld [tilespmem:$0xF20]  }
0x22c: {  	[tilespmem:$0x1770] =	vst v0;
	v0 =	vadd.s32 v45, v41;
	v41 =	vld [tilespmem:$0x1FC10]  }
0x22d: {  	v45 =	vld [tilespmem:$0x1FC30]  }
0x22e: {  	[tilespmem:$0x1FDE0] =	vst v63;
	v63 =	vld [tilespmem:$0xB50]  }
0x22f: {  	[tilespmem:$0x1FF30] =	vst v1;
	v1 =	vld [tilespmem:$0xC20]  }
0x230: {  	v13 =	vadd.s32 v29, v30;
	v29 =	vld [tilespmem:$0xE510]  }
0x231: {  	v30 =	vld [tilespmem:$0xDA0]  }
0x232: {  	[tilespmem:$0x1780] =	vst v0;
	v0 =	vld [tilespmem:$0xE540]  }
0x233: {  	[tilespmem:$0x1FDF0] =	vst v63;
	v63 =	vld [tilespmem:$0xE550]  }
0x234: {  	[tilespmem:$0x1FF40] =	vst v1;
	v1 =	vld [tilespmem:$0xE520]  }
0x235: {  	[tilespmem:$0x180C] =	vst v13;
	v13 =	vld [tilespmem:$0xE520]  }
0x236: {  	v15 =	vadd.s32 v32, v33;
	v32 =	vld [tilespmem:$0x1FD10]  }
0x237: {  	v33 =	vld [tilespmem:$0x1FD20]  }
0x238: {  	[tilespmem:$0x1FE00] =	vst v63;
	v63 =	vld [tilespmem:$0xB54]  }
0x239: {  	[tilespmem:$0x1FF50] =	vst v1;
	v1 =	vld [tilespmem:$0xC30]  }
0x23a: {  	[tilespmem:$0x1820] =	vst v15;
	v15 =	vld [tilespmem:$0xD30]  }
0x23b: {  	v16 =	vadd.s32 v35, v36;
	v35 =	vld [tilespmem:$0x1FD30]  }
0x23c: {  	v36 =	vld [tilespmem:$0x1FD40]  }
0x23d: {  	[tilespmem:$0x1FE10] =	vst v63;
	v63 =	vld [tilespmem:$0xE554]  }
0x23e: {  	[tilespmem:$0x1FF60] =	vst v1;
	v1 =	vld [tilespmem:$0xE530]  }
0x23f: {  	[tilespmem:$0x1830] =	vst v16;
	v16 =	vadd.s32 v37, v38;
	v37 =	vld [tilespmem:$0x1FD50]  }
0x240: {  	v38 =	vld [tilespmem:$0x1FD60]  }
0x241: {  	[tilespmem:$0x1840] =	vst v16;
	v16 =	vadd.s32 v39, v40;
	v39 =	vld [tilespmem:$0x1FD70]  }
0x242: {  	[tilespmem:$0x1FE20] =	vst v63;
	v63 =	vld [tilespmem:$0xB80]  }
0x243: {  	[tilespmem:$0x1FF70] =	vst v1;
	v1 =	vld [tilespmem:$0xC40]  }
0x244: {  	v40 =	vld [tilespmem:$0x1FD80]  }
0x245: {  	[tilespmem:$0x1850] =	vst v16;
	v16 =	vadd.s32 v41, v44;
	v41 =	vld [tilespmem:$0x1FD90]  }
0x246: {  	v44 =	vld [tilespmem:$0x1FDA0]  }
0x247: {  	[tilespmem:$0x1FE30] =	vst v63;
	v63 =	vld [tilespmem:$0xE500]  }
0x248: {  	[tilespmem:$0x1FF80] =	vst v1;
	v1 =	vadd.s32 v48, v46;
	v46 =	vld [tilespmem:$0x1FC40]  }
0x249: {  	v0 =	vadd.s32 v3, v0;
	v3 =	vld [tilespmem:$0xEA0]  }
0x24a: {  	v48 =	vld [tilespmem:$0x1FC60]  }
0x24b: {  	[tilespmem:$0x1790] =	vst v1;
	v1 =	vld [tilespmem:$0xCD0]  }
0x24c: {  	[tilespmem:$0x1FE40] =	vst v63;
	v63 =	vld [tilespmem:$0xB90]  }
0x24d: {  	[tilespmem:$0x1860] =	vst v16;
	v16 =	vadd.s32 v45, v46;
	v45 =	vld [tilespmem:$0x1FDB0]  }
0x24e: {  	[tilespmem:$0x1A68] =	vst v0;
	v46 =	vld [tilespmem:$0x1FDC0]  }
0x24f: {  	[tilespmem:$0x1870] =	vst v16;
	v16 =	vadd.s32 v47, v48;
	v47 =	vld [tilespmem:$0x1FDD0]  }
0x250: {  	v48 =	vld [tilespmem:$0x1FDE0];
	v0 =	vadd.s32 v1, v4;
	[tilespmem:$0x1874] =	vst v16  }
0x251: {  	v1 =	vld [tilespmem:$0xE510];
	v16 =	vadd.s32 v49, v50;
	[tilespmem:$0x1A78] =	vst v0  }
0x252: {  	v49 =	vld [tilespmem:$0x1FDF0];
	v0 =	vadd.s32 v5, v6;
	[tilespmem:$0x1888] =	vst v16  }
0x253: {  	v50 =	vld [tilespmem:$0x1FE00];
	v16 =	vadd.s32 v53, v54;
	[tilespmem:$0x1A7C] =	vst v0  }
0x254: {  	v53 =	vld [tilespmem:$0x1FE10];
	v0 =	vadd.s32 v7, v8;
	[tilespmem:$0x1898] =	vst v16  }
0x255: {  	v54 =	vld [tilespmem:$0x1FE20];
	[tilespmem:$0x1A90] =	vst v0  }
0x256: {  	v16 =	vadd.s32 v55, v58;
	v55 =	vld [tilespmem:$0x1FE30];
	[tilespmem:$0x1FE50] =	vst v63  }
0x257: {  	v58 =	vld [tilespmem:$0x1FE40];
	v0 =	vadd.s32 v9, v10;
	[tilespmem:$0x18A8] =	vst v16  }
0x258: {  	v63 =	vld [tilespmem:$0xE510];
	v16 =	vadd.s32 v59, v60;
	[tilespmem:$0x1AA0] =	vst v0  }
0x259: {  	[tilespmem:$0x18B8] =	vst v16;
	v16 =	vadd.s32 v61, v62;
	v59 =	vld [tilespmem:$0x1FE50]  }
0x25a: {  	v0 =	vadd.s32 v12, v13;
	[tilespmem:$0x18C8] =	vst v16;
	v16 =	vadd.s32 v32, v33;
	v32 =	vld [tilespmem:$0xE520]  }
0x25b: {  	[tilespmem:$0x1AB0] =	vst v0;
	v33 =	vld [tilespmem:$0xDB0]  }
0x25c: {  	[tilespmem:$0x18D8] =	vst v16;
	v16 =	vadd.s32 v35, v36;
	v35 =	vld [tilespmem:$0xE530]  }
0x25d: {  	v0 =	vadd.s32 v15, v17;
	[tilespmem:$0x1FE60] =	vst v63;
	v63 =	vld [tilespmem:$0xBA0]  }
0x25e: {  	[tilespmem:$0x1AC0] =	vst v0;
	v36 =	vld [tilespmem:$0xDC0]  }
0x25f: {  	v0 =	vadd.s32 v18, v19;
	[tilespmem:$0x18DC] =	vst v16;
	v16 =	vadd.s32 v37, v38;
	v37 =	vld [tilespmem:$0xE540]  }
0x260: {  	[tilespmem:$0x1AD0] =	vst v0;
	v38 =	vld [tilespmem:$0xDD0]  }
0x261: {  	[tilespmem:$0x18F0] =	vst v16;
	v16 =	vadd.s32 v39, v40;
	v39 =	vld [tilespmem:$0xE550]  }
0x262: {  	v0 =	vadd.s32 v20, v21;
	[tilespmem:$0x1FE70] =	vst v63;
	v63 =	vld [tilespmem:$0xE520]  }
0x263: {  	[tilespmem:$0x1AE0] =	vst v0;
	v0 =	vadd.s32 v24, v25;
	v40 =	vld [tilespmem:$0xDD4]  }
0x264: {  	[tilespmem:$0x1AE4] =	vst v0;
	v60 =	vld [tilespmem:$0x1FE60]  }
0x265: {  	v0 =	vadd.s32 v26, v27;
	[tilespmem:$0x1900] =	vst v16;
	v16 =	vadd.s32 v41, v44;
	v41 =	vld [tilespmem:$0xE554]  }
0x266: {  	v44 =	vld [tilespmem:$0xE00];
	[tilespmem:$0x1AF8] =	vst v0  }
0x267: {  	[tilespmem:$0x1FE80] =	vst v63;
	v63 =	vld [tilespmem:$0xBB0]  }
0x268: {  	v0 =	vadd.s32 v28, v29;
	[tilespmem:$0x1910] =	vst v16;
	v16 =	vadd.s32 v45, v46;
	v45 =	vld [tilespmem:$0xE500]  }
0x269: {  	v46 =	vld [tilespmem:$0xE10];
	[tilespmem:$0x1B08] =	vst v0  }
0x26a: {  	v0 =	vadd.s32 v30, v32;
	v32 =	vld [tilespmem:$0xF00];
	[tilespmem:$0x1920] =	vst v16  }
0x26b: {  	v16 =	vadd.s32 v47, v48;
	v47 =	vld [tilespmem:$0xE510];
	[tilespmem:$0x1B18] =	vst v0  }
0x26c: {  	[tilespmem:$0x1FE90] =	vst v63;
	v63 =	vld [tilespmem:$0xE530]  }
0x26d: {  	v0 =	vadd.s32 v33, v35;
	v35 =	vld [tilespmem:$0xE500];
	[tilespmem:$0x1930] =	vst v16  }
0x26e: {  	[tilespmem:$0x1B28] =	vst v0;
	v0 =	vadd.s32 v36, v37;
	v37 =	vld [tilespmem:$0xF10]  }
0x26f: {  	v16 =	vadd.s32 v49, v50;
	[tilespmem:$0x1B38] =	vst v0;
	v0 =	vadd.s32 v38, v39;
	v39 =	vld [tilespmem:$0xE510]  }
0x270: {  	[tilespmem:$0x1940] =	vst v16;
	v61 =	vld [tilespmem:$0x1FE70]  }
0x271: {  	v16 =	vadd.s32 v53, v54;
	[tilespmem:$0x1FEA0] =	vst v63;
	v63 =	vld [tilespmem:$0xBC0]  }
0x272: {  	[tilespmem:$0x1944] =	vst v16;
	v16 =	vadd.s32 v55, v58;
	v58 =	vld [tilespmem:$0x1FEF0]  }
0x273: {  	[tilespmem:$0x1958] =	vst v16;
	v16 =	vadd.s32 v59, v60;
	v59 =	vld [tilespmem:$0x1FF00]  }
0x274: {  	v60 =	vld [tilespmem:$0x1FF10]  }
0x275: {  	[tilespmem:$0x1B48] =	vst v0;
	v62 =	vld [tilespmem:$0x1FE80]  }
0x276: {  	v0 =	vadd.s32 v40, v41;
	[tilespmem:$0x1FEB0] =	vst v63;
	v63 =	vld [tilespmem:$0xE540]  }
0x277: {  	[tilespmem:$0x1B4C] =	vst v0;
	v0 =	vadd.s32 v44, v45;
	v45 =	vld [tilespmem:$0xE520]  }
0x278: {  	[tilespmem:$0x1B60] =	vst v0;
	v0 =	vadd.s32 v46, v47;
	v47 =	vld [tilespmem:$0xF30]  }
0x279: {  	v48 =	vld [tilespmem:$0x1FE90]  }
0x27a: {  	[tilespmem:$0x1968] =	vst v16;
	v16 =	vadd.s32 v61, v62;
	v61 =	vld [tilespmem:$0x1FF20]  }
0x27b: {  	[tilespmem:$0x1FEC0] =	vst v63;
	v63 =	vld [tilespmem:$0xBD0]  }
0x27c: {  	v49 =	vld [tilespmem:$0x1FEA0]  }
0x27d: {  	v50 =	vld [tilespmem:$0x1FEB0]  }
0x27e: {  	v53 =	vld [tilespmem:$0x1FEC0]  }
0x27f: {  	v62 =	vld [tilespmem:$0x1FF30]  }
0x280: {  	[tilespmem:$0x1FED0] =	vst v63;
	v63 =	vld [tilespmem:$0xE550]  }
0x281: {  	[tilespmem:$0x1978] =	vst v16;
	v16 =	vadd.s32 v48, v49;
	v48 =	vld [tilespmem:$0xE20]  }
0x282: {  	v49 =	vld [tilespmem:$0xE520]  }
0x283: {  	[tilespmem:$0x1988] =	vst v16;
	v16 =	vadd.s32 v50, v53;
	v50 =	vld [tilespmem:$0xE30]  }
0x284: {  	v53 =	vld [tilespmem:$0xE530]  }
0x285: {  	v54 =	vld [tilespmem:$0x1FED0];
	[tilespmem:$0x1FEE0] =	vst v63  }
0x286: {  	v55 =	vld [tilespmem:$0x1FEE0]  }
0x287: {  	[tilespmem:$0x1B70] =	vst v0;
	v0 =	vadd.s32 v48, v49;
	v49 =	vld [tilespmem:$0xE530]  }
0x288: {  	v63 =	vld [tilespmem:$0xBD4]  }
0x289: {  	[tilespmem:$0x1B80] =	vst v0;
	v0 =	vadd.s32 v50, v53;
	v50 =	vld [tilespmem:$0xF40]  }
0x28a: {  	v53 =	vld [tilespmem:$0xE550]  }
0x28b: {  	[tilespmem:$0x1998] =	vst v16;
	v16 =	vadd.s32 v54, v55;
	v54 =	vld [tilespmem:$0xE40]  }
0x28c: {  	v55 =	vld [tilespmem:$0xE540]  }
0x28d: {  	[tilespmem:$0x19A8] =	vst v16;
	v16 =	vadd.s32 v63, v58;
	v63 =	vld [tilespmem:$0x1FF40]  }
0x28e: {  	v58 =	vld [tilespmem:$0x1FF50]  }
0x28f: {  	[tilespmem:$0x19AC] =	vst v16;
	v16 =	vadd.s32 v59, v60;
	v59 =	vld [tilespmem:$0x1FF60]  }
0x290: {  	v60 =	vld [tilespmem:$0x1FF70]  }
0x291: {  	[tilespmem:$0x19C0] =	vst v16;
	v16 =	vadd.s32 v61, v62;
	v61 =	vld [tilespmem:$0x1FF80]  }
0x292: {  	v62 =	vadd.s32 v57, v52;
	v52 =	vld [tilespmem:$0xE50]  }
0x293: {  	v57 =	vld [tilespmem:$0xEB0]  }
0x294: {  	[tilespmem:$0x1A10] =	vst v62;
	v62 =	vld [tilespmem:$0xE550]  }
0x295: {  	[tilespmem:$0x1B90] =	vst v0;
	v0 =	vadd.s32 v54, v55;
	v54 =	vld [tilespmem:$0xF54]  }
0x296: {  	v55 =	vld [tilespmem:$0xF90]  }
0x297: {  	[tilespmem:$0x19D0] =	vst v16;
	v16 =	vadd.s32 v63, v58;
	v63 =	vadd.s32 v51, v42;
	v42 =	vld [tilespmem:$0xE550]  }
0x298: {  	v14 =	vadd.s32 v23, v14;
	v51 =	vadd.s32 v31, v22;
	v22 =	vld [tilespmem:$0xE554]  }
0x299: {  	[tilespmem:$0x1A48] =	vst v14;
	v58 =	vld [tilespmem:$0xE530]  }
0x29a: {  	v31 =	vld [tilespmem:$0xE554];
	[tilespmem:$0x19E0] =	vst v16;
	v16 =	vadd.s32 v59, v60  }
0x29b: {  	v59 =	vld [tilespmem:$0xEC0];
	[tilespmem:$0x19F0] =	vst v16;
	v16 =	vadd.s32 v61, v56  }
0x29c: {  	[tilespmem:$0x1A00] =	vst v16;
	v16 =	vld [tilespmem:$0xE80]  }
0x29d: {  	[tilespmem:$0x1BA0] =	vst v0;
	v60 =	vld [tilespmem:$0xE540]  }
0x29e: {  	[tilespmem:$0x1A14] =	vst v63;
	v56 =	vld [tilespmem:$0xE520]  }
0x29f: {  	[tilespmem:$0x1A38] =	vst v51;
	v63 =	vld [tilespmem:$0xED4];
	v0 =	vadd.s32 v52, v42  }
0x2a0: {  	v51 =	vld [tilespmem:$0xE540];
	[tilespmem:$0x1BB0] =	vst v0;
	v0 =	vadd.s32 v34, v22  }
0x2a1: {  	v61 =	vld [tilespmem:$0xED0];
	[tilespmem:$0x1BB4] =	vst v0;
	v0 =	vadd.s32 v16, v11  }
0x2a2: {  	v52 =	vld [tilespmem:$0xF50];
	[tilespmem:$0x1BC8] =	vst v0;
	v0 =	vadd.s32 v2, v1  }
0x2a3: {  	v1 =	vld [tilespmem:$0xE554];
	[tilespmem:$0x1BD8] =	vst v0;
	v0 =	vadd.s32 v3, v56  }
0x2a4: {  	v2 =	vld [tilespmem:$0xF80];
	[tilespmem:$0x1BE8] =	vst v0;
	v0 =	vadd.s32 v57, v58  }
0x2a5: {  	v3 =	vld [tilespmem:$0xE500];
	[tilespmem:$0x1BF8] =	vst v0;
	v0 =	vadd.s32 v59, v60  }
0x2a6: {  	v56 =	vld [tilespmem:$0xE510];
	[tilespmem:$0x1C08] =	vst v0;
	v0 =	vadd.s32 v61, v62  }
0x2a7: {  	v57 =	vld [tilespmem:$0xFA0];
	[tilespmem:$0x1C18] =	vst v0;
	v0 =	vadd.s32 v63, v31  }
0x2a8: {  	v58 =	vld [tilespmem:$0xE520];
	[tilespmem:$0x1C1C] =	vst v0;
	v0 =	vadd.s32 v32, v35  }
0x2a9: {  	v59 =	vld [tilespmem:$0xFB0];
	[tilespmem:$0x1C30] =	vst v0;
	v0 =	vadd.s32 v37, v39  }
0x2aa: {  	v60 =	vld [tilespmem:$0xE530];
	[tilespmem:$0x1C40] =	vst v0;
	v0 =	vadd.s32 v43, v45  }
0x2ab: {  	v61 =	vld [tilespmem:$0xFC0];
	[tilespmem:$0x1C50] =	vst v0;
	v0 =	vadd.s32 v47, v49  }
0x2ac: {  	v62 =	vld [tilespmem:$0xE540];
	[tilespmem:$0x1C60] =	vst v0;
	v0 =	vadd.s32 v50, v51  }
0x2ad: {  	v63 =	vld [tilespmem:$0xFD0];
	[tilespmem:$0x1C70] =	vst v0;
	v0 =	vadd.s32 v52, v53  }
0x2ae: {  	[tilespmem:$0x1C80] =	vst v0;
	v0 =	vadd.s32 v54, v1;
	v1 =	vld [tilespmem:$0xE550]  }
0x2af: {  	[tilespmem:$0x1C84] =	vst v0;
	v0 =	vadd.s32 v2, v3;
	v2 =	vld [tilespmem:$0xFD4]  }
0x2b0: {  	v3 =	vld [tilespmem:$0xE554];
	[tilespmem:$0x1C98] =	vst v0;
	v0 =	vadd.s32 v55, v56  }
0x2b1: {  	[tilespmem:$0x1CA8] =	vst v0;
	v0 =	vadd.s32 v57, v58  }
0x2b2: {  	[tilespmem:$0x1CB8] =	vst v0;
	v0 =	vadd.s32 v59, v60  }
0x2b3: {  	s4 =	rddreg [dreg:$0x8];
	[tilespmem:$0x1CC8] =	vst v0;
	v0 =	vadd.s32 v61, v62  }
0x2b4: {  	s6 =	rddreg [dreg:$0x9];
	[tilespmem:$0x1CD8] =	vst v0;
	v0 =	vadd.s32 v63, v1  }
0x2b5: {  	s31 =	rddreg [dreg:$0xa];
	[tilespmem:$0x1CE8] =	vst v0;
	v0 =	vadd.s32 v2, v3  }
0x2b6: {  	s0 =	rddreg [dreg:$0xb];
	[tilespmem:$0x1CEC] =	vst v0  }
0x2b7: {  	[tilespmem:s9], [sflag:$0x1] =	stream.indirect.gather [spmem:s1], $0x10, s4, s8, $0xb8;
	[tilespmem:$0xE6B8] =	vst v63  }
0x2b8: {  	s4 =	rddreg [dreg:$0xc]  }
0x2b9: {  	[tilespmem:s31], [sflag:$0x1] =	stream.indirect.gather [spmem:s1], $0x10, s6, s8, $0xb8;
	[tilespmem:$0xE6B8] =	vst v63  }
0x2ba: {  	s6 =	rddreg [dreg:$0xd]  }
0x2bb: {  	s31 =	rddreg [dreg:$0xe]  }
0x2bc: {  	[tilespmem:s4], [sflag:$0x1] =	stream.indirect.gather [spmem:s1], $0x10, s0, s8, $0xb8;
	[tilespmem:$0xE6B8] =	vst v63  }
0x2bd: {  	s0 =	rddreg [dreg:$0xf]  }
0x2be: {  	s4 =	rddreg [dreg:$0x10]  }
0x2bf: {  	[tilespmem:s31], [sflag:$0x1] =	stream.indirect.gather [spmem:s1], $0x10, s6, s8, $0xb8;
	[tilespmem:$0xE6B8] =	vst v63  }
0x2c0: {  	s6 =	rddreg [dreg:$0x11]  }
0x2c1: {  	s31 =	rddreg [dreg:$0x12]  }
0x2c2: {  	[tilespmem:s4], [sflag:$0x1] =	stream.indirect.gather [spmem:s1], $0x10, s0, s8, $0xb8;
	[tilespmem:$0xE6B8] =	vst v63  }
0x2c3: {  	s0 =	rddreg [dreg:$0x13]  }
0x2c4: {  	s4 =	rddreg [dreg:$0x14]  }
0x2c5: {  	[tilespmem:s31], [sflag:$0x1] =	stream.indirect.gather [spmem:s1], $0x10, s6, s8, $0xb8;
	[tilespmem:$0xE6B8] =	vst v63  }
0x2c6: {  	s6 =	rddreg [dreg:$0x15]  }
0x2c7: {  	s31 =	rddreg [dreg:$0x16]  }
0x2c8: {  	[tilespmem:s4], [sflag:$0x1] =	stream.indirect.gather [spmem:s1], $0x10, s0, s8, $0xb8;
	[tilespmem:$0xE6B8] =	vst v63  }
0x2c9: {  	s0 =	rddreg [dreg:$0x17]  }
0x2ca: {  	s4 =	rddreg [dreg:$0x18]  }
0x2cb: {  	[tilespmem:s31], [sflag:$0x1] =	stream.indirect.gather [spmem:s1], $0x10, s6, s8, $0xb8;
	[tilespmem:$0xE6B8] =	vst v63  }
0x2cc: {  	s6 =	rddreg [dreg:$0x19]  }
0x2cd: {  	s31 =	rddreg [dreg:$0x1a]  }
0x2ce: {  	[tilespmem:s4], [sflag:$0x1] =	stream.indirect.gather [spmem:s1], $0x10, s0, s8, $0xb8;
	[tilespmem:$0xE6B8] =	vst v63  }
0x2cf: {  	s0 =	rddreg [dreg:$0x1b]  }
0x2d0: {  	s4 =	rddreg [dreg:$0x1c]  }
0x2d1: {  	[tilespmem:s31], [sflag:$0x1] =	stream.indirect.gather [spmem:s1], $0x10, s6, s8, $0xb8;
	[tilespmem:$0xE6B8] =	vst v63  }
0x2d2: {  	s6 =	rddreg [dreg:$0x1d]  }
0x2d3: {  	s31 =	rddreg [dreg:$0x1e]  }
0x2d4: {  	[tilespmem:s4], [sflag:$0x1] =	stream.indirect.gather [spmem:s1], $0x10, s0, s8, $0xb8;
	[tilespmem:$0xE6B8] =	vst v63  }
0x2d5: {  	s0 =	rddreg [dreg:$0x1f]  }
0x2d6: {  	s4 =	sld [smem:$0x7E6]  }
0x2d7: {  	[tilespmem:s31], [sflag:$0x1] =	stream.indirect.gather [spmem:s1], $0x10, s6, s8, $0xb8;
	[tilespmem:$0xE6B8] =	vst v63  }
0x2d8: {  	s6 =	sld [smem:$0x7E7]  }
0x2d9: {  	s31 =	sld [smem:$0x7E8]  }
0x2da: {  	[tilespmem:s4], [sflag:$0x1] =	stream.indirect.gather [spmem:s1], $0x10, s0, s8, $0xb8;
	[tilespmem:$0xE6B8] =	vst v63  }
0x2db: {  	s0 =	sld [smem:$0x7E9]  }
0x2dc: {  	s4 =	sld [smem:$0x7EA]  }
0x2dd: {  	[tilespmem:s31], [sflag:$0x1] =	stream.indirect.gather [spmem:s1], $0x10, s6, s8, $0xb8;
	[tilespmem:$0xE6B8] =	vst v63  }
0x2de: {  	s6 =	sld [smem:$0x7EB]  }
0x2df: {  	s31 =	sld [smem:$0x7EC]  }
0x2e0: {  	[tilespmem:s4], [sflag:$0x1] =	stream.indirect.gather [spmem:s1], $0x10, s0, s8, $0xb8;
	[tilespmem:$0xE6B8] =	vst v63  }
0x2e1: {  	s0 =	sld [smem:$0x7EE]  }
0x2e2: {  	s4 =	sld [smem:$0x7EF]  }
0x2e3: {  	[tilespmem:s31], [sflag:$0x1] =	stream.indirect.gather [spmem:s1], $0x10, s6, s8, $0xb8;
	[tilespmem:$0xE6B8] =	vst v63  }
0x2e4: {  	s6 =	sld [smem:$0x7F0]  }
0x2e5: {  	s31 =	sld [smem:$0x7F1]  }
0x2e6: {  	[tilespmem:s4], [sflag:$0x1] =	stream.indirect.gather [spmem:s1], $0x10, s0, s8, $0xb8;
	[tilespmem:$0xE6B8] =	vst v63  }
0x2e7: {  	s0 =	sld [smem:$0x7F2]  }
0x2e8: {  	s4 =	sld [smem:$0x7F3]  }
0x2e9: {  	[tilespmem:s31], [sflag:$0x1] =	stream.indirect.gather [spmem:s1], $0x10, s6, s8, $0xb8;
	[tilespmem:$0xE6B8] =	vst v63  }
0x2ea: {  	s6 =	sld [smem:$0x7F5]  }
0x2eb: {  	s31 =	sld [smem:$0x7F6]  }
0x2ec: {  	[tilespmem:s4], [sflag:$0x1] =	stream.indirect.gather [spmem:s1], $0x10, s0, s8, $0xb8;
	[tilespmem:$0xE6B8] =	vst v63  }
0x2ed: {  	s0 =	sld [smem:$0x7F8]  }
0x2ee: {  	s4 =	sld [smem:$0x7F9]  }
0x2ef: {  	[tilespmem:s31], [sflag:$0x1] =	stream.indirect.gather [spmem:s1], $0x10, s6, s8, $0xb8;
	[tilespmem:$0xE6B8] =	vst v63  }
0x2f0: {  	s6 =	sld [smem:$0x7FB]  }
0x2f1: {  	s31 =	sld [smem:$0x7FC]  }
0x2f2: {  	[tilespmem:s4], [sflag:$0x1] =	stream.indirect.gather [spmem:s1], $0x10, s0, s8, $0xb8;
	[tilespmem:$0xE6B8] =	vst v63  }
0x2f3: {  	s4 =	sld [smem:$0x7FD]  }
0x2f4: {  	[tilespmem:s31], [sflag:$0x1] =	stream.indirect.gather [spmem:s1], $0x10, s6, s8, $0xb8;
	[tilespmem:$0xE6B8] =	vst v63  }
0x2f5: {  	_ = 	snop  }
0x2f6: {  	[tilespmem:s10], [sflag:$0x1] =	stream.indirect.gather [spmem:s1], $0x10, s4, s8, $0xb8;
	[tilespmem:$0xE6B8] =	vst v63  }
0x2f7: {  	_ = 	snop  }
0x2f8: {  	[tilespmem:s12], [sflag:$0x1] =	stream.indirect.gather [spmem:s1], $0x10, s11, s8, $0xb8;
	[tilespmem:$0xE6B8] =	vst v63  }
0x2f9: {  	_ = 	snop  }
0x2fa: {  	[tilespmem:s14], [sflag:$0x1] =	stream.indirect.gather [spmem:s1], $0x10, s13, s8, $0xb8;
	[tilespmem:$0xE6B8] =	vst v63  }
0x2fb: {  	_ = 	snop  }
0x2fc: {  	[tilespmem:s16], [sflag:$0x1] =	stream.indirect.gather [spmem:s1], $0x10, s15, s8, $0xb8;
	[tilespmem:$0xE6B8] =	vst v63  }
0x2fd: {  	_ = 	snop  }
0x2fe: {  	[tilespmem:s18], [sflag:$0x1] =	stream.indirect.gather [spmem:s1], $0x10, s17, s8, $0xb8;
	[tilespmem:$0xE6B8] =	vst v63  }
0x2ff: {  	_ = 	snop  }
0x300: {  	[tilespmem:s20], [sflag:$0x1] =	stream.indirect.gather [spmem:s1], $0x10, s19, s8, $0xb8;
	[tilespmem:$0xE6B8] =	vst v63  }
0x301: {  	_ = 	snop  }
0x302: {  	[tilespmem:s22], [sflag:$0x1] =	stream.indirect.gather [spmem:s1], $0x10, s21, s8, $0xb8;
	[tilespmem:$0xE6B8] =	vst v63  }
0x303: {  	_ = 	snop  }
0x304: {  	[tilespmem:s24], [sflag:$0x1] =	stream.indirect.gather [spmem:s1], $0x10, s23, s8, $0xb8;
	[tilespmem:$0xE6B8] =	vst v63  }
0x305: {  	_ = 	snop  }
0x306: {  	[tilespmem:s26], [sflag:$0x1] =	stream.indirect.gather [spmem:s1], $0x10, s25, s8, $0xb8;
	[tilespmem:$0xE6B8] =	vst v63  }
0x307: {  	_ = 	snop  }
0x308: {  	[tilespmem:s29], [sflag:$0x1] =	stream.indirect.gather [spmem:s1], $0x10, s28, s8, $0xb8;
	[tilespmem:$0xE6B8] =	vst v63  }
0x309: {  	_ =	swait.ge [sflag:s7], $0x640  }
0x30a: {  	[sflag:s7] =	ssyncset.done $0x0  }
0x30b: {  	[sflag:s7] =	ssyncadd.s32 $0xFFFFF9C0  }
0x30c: {  	_ =	swait.ge [sflag:s7], $0x640  }
0x30d: {  	[sflag:s7] =	ssyncset.done $0x0  }
0x30e: {  	[sflag:s7] =	ssyncadd.s32 $0xFFFFF9C0  }
0x30f: {  	_ =	swait.ge [sflag:s7], $0x640  }
0x310: {  	[sflag:s7] =	ssyncset.done $0x0  }
0x311: {  	[sflag:s7] =	ssyncadd.s32 $0xFFFFF9C0  }
0x312: {  	_ =	swait.ge [sflag:s7], $0x640  }
0x313: {  	[sflag:s7] =	ssyncset.done $0x0  }
0x314: {  	[sflag:s7] =	ssyncadd.s32 $0xFFFFF9C0  }
0x315: {  	_ =	swait.ge [sflag:s7], $0x640  }
0x316: {  	[sflag:s7] =	ssyncset.done $0x0  }
0x317: {  	[sflag:s7] =	ssyncadd.s32 $0xFFFFF9C0  }
0x318: {  	_ =	swait.ge [sflag:s7], $0x640  }
0x319: {  	[sflag:s7] =	ssyncset.done $0x0  }
0x31a: {  	[sflag:s7] =	ssyncadd.s32 $0xFFFFF9C0  }
0x31b: {  	_ =	swait.ge [sflag:s7], $0x640  }
0x31c: {  	[sflag:s7] =	ssyncset.done $0x0  }
0x31d: {  	[sflag:s7] =	ssyncadd.s32 $0xFFFFF9C0  }
0x31e: {  	_ =	swait.ge [sflag:s7], $0x640  }
0x31f: {  	[sflag:s7] =	ssyncset.done $0x0  }
0x320: {  	[sflag:s7] =	ssyncadd.s32 $0xFFFFF9C0  }
0x321: {  	_ =	swait.ge [sflag:s7], $0x640  }
0x322: {  	[sflag:s7] =	ssyncset.done $0x0  }
0x323: {  	[sflag:s7] =	ssyncadd.s32 $0xFFFFF9C0  }
0x324: {  	_ =	swait.ge [sflag:s7], $0x640  }
0x325: {  	[sflag:s7] =	ssyncset.done $0x0  }
0x326: {  	[sflag:s7] =	ssyncadd.s32 $0xFFFFF9C0  }
0x327: {  	_ =	swait.ge [sflag:s7], $0x640  }
0x328: {  	[sflag:s7] =	ssyncset.done $0x0  }
0x329: {  	[sflag:s7] =	ssyncadd.s32 $0xFFFFF9C0  }
0x32a: {  	_ =	swait.ge [sflag:s7], $0x640  }
0x32b: {  	[sflag:s7] =	ssyncset.done $0x0  }
0x32c: {  	[sflag:s7] =	ssyncadd.s32 $0xFFFFF9C0  }
0x32d: {  	_ =	swait.ge [sflag:s7], $0x640  }
0x32e: {  	[sflag:s7] =	ssyncset.done $0x0  }
0x32f: {  	[sflag:s7] =	ssyncadd.s32 $0xFFFFF9C0  }
0x330: {  	_ =	swait.ge [sflag:s7], $0x640  }
0x331: {  	[sflag:s7] =	ssyncset.done $0x0  }
0x332: {  	[sflag:s7] =	ssyncadd.s32 $0xFFFFF9C0  }
0x333: {  	_ =	swait.ge [sflag:s7], $0x640  }
0x334: {  	[sflag:s7] =	ssyncset.done $0x0  }
0x335: {  	[sflag:s7] =	ssyncadd.s32 $0xFFFFF9C0  }
0x336: {  	_ =	swait.ge [sflag:s7], $0x640  }
0x337: {  	[sflag:s7] =	ssyncset.done $0x0  }
0x338: {  	[sflag:s7] =	ssyncadd.s32 $0xFFFFF9C0  }
0x339: {  	_ =	swait.ge [sflag:s7], $0x640  }
0x33a: {  	[sflag:s7] =	ssyncset.done $0x0  }
0x33b: {  	[sflag:s7] =	ssyncadd.s32 $0xFFFFF9C0  }
0x33c: {  	_ =	swait.ge [sflag:s7], $0x640  }
0x33d: {  	[sflag:s7] =	ssyncset.done $0x0  }
0x33e: {  	[sflag:s7] =	ssyncadd.s32 $0xFFFFF9C0  }
0x33f: {  	_ =	swait.ge [sflag:s7], $0x640  }
0x340: {  	[sflag:s7] =	ssyncset.done $0x0  }
0x341: {  	[sflag:s7] =	ssyncadd.s32 $0xFFFFF9C0  }
0x342: {  	_ =	swait.ge [sflag:s7], $0x640  }
0x343: {  	[sflag:s7] =	ssyncset.done $0x0  }
0x344: {  	[sflag:s7] =	ssyncadd.s32 $0xFFFFF9C0  }
0x345: {  	_ =	swait.ge [sflag:s7], $0x640  }
0x346: {  	[sflag:s7] =	ssyncset.done $0x0  }
0x347: {  	[sflag:s7] =	ssyncadd.s32 $0xFFFFF9C0  }
0x348: {  	_ =	swait.ge [sflag:s7], $0x640  }
0x349: {  	[sflag:s7] =	ssyncset.done $0x0  }
0x34a: {  	[sflag:s7] =	ssyncadd.s32 $0xFFFFF9C0  }
0x34b: {  	_ =	swait.ge [sflag:s7], $0x640  }
0x34c: {  	[sflag:s7] =	ssyncset.done $0x0  }
0x34d: {  	[sflag:s7] =	ssyncadd.s32 $0xFFFFF9C0  }
0x34e: {  	_ =	swait.ge [sflag:s7], $0x640  }
0x34f: {  	[sflag:s7] =	ssyncset.done $0x0  }
0x350: {  	[sflag:s7] =	ssyncadd.s32 $0xFFFFF9C0  }
0x351: {  	_ =	swait.ge [sflag:s7], $0x640  }
0x352: {  	[sflag:s7] =	ssyncset.done $0x0  }
0x353: {  	[sflag:s7] =	ssyncadd.s32 $0xFFFFF9C0  }
0x354: {  	_ =	swait.ge [sflag:s7], $0x640  }
0x355: {  	[sflag:s7] =	ssyncset.done $0x0  }
0x356: {  	[sflag:s7] =	ssyncadd.s32 $0xFFFFF9C0  }
0x357: {  	_ =	swait.ge [sflag:s7], $0x640  }
0x358: {  	[sflag:s7] =	ssyncset.done $0x0  }
0x359: {  	[sflag:s7] =	ssyncadd.s32 $0xFFFFF9C0  }
0x35a: {  	_ =	swait.ge [sflag:s7], $0x640  }
0x35b: {  	[sflag:s7] =	ssyncset.done $0x0  }
0x35c: {  	[sflag:s7] =	ssyncadd.s32 $0xFFFFF9C0  }
0x35d: {  	_ =	swait.ge [sflag:s7], $0x640  }
0x35e: {  	[sflag:s7] =	ssyncset.done $0x0  }
0x35f: {  	[sflag:s7] =	ssyncadd.s32 $0xFFFFF9C0  }
0x360: {  	_ =	swait.ge [sflag:s7], $0x640  }
0x361: {  	[sflag:s7] =	ssyncset.done $0x0  }
0x362: {  	[sflag:s7] =	ssyncadd.s32 $0xFFFFF9C0  }
0x363: {  	_ =	swait.ge [sflag:s7], $0x640  }
0x364: {  	[sflag:s7] =	ssyncset.done $0x0  }
0x365: {  	[sflag:s7] =	ssyncadd.s32 $0xFFFFF9C0  }
0x366: {  	_ =	swait.ge [sflag:s7], $0x640  }
0x367: {  	p1 =	sne.s32 s3, $0x17700;
	s31 =	rddreg [dreg:$0x5];
	[sflag:s7] =	ssyncset.done $0x0  }
.Ltmp0:
0x368: {  	[sflag:s7] =	ssyncadd.s32 $0xFFFFF9C0;
	s0 =	sadd.s32 s3, s31;
	(pc) =	sbr.rel @p1 .LBB2_2-.Ltmp0, $4  }
0x369: {  	[hbm4b:s0+s2] =	stream.linear.scatter [tilespmem:s9], [sflag:$0x2], $0xC800, $0x38;
	[tilespmem:$0xE6B8] =	vst v63  }
0x36a: {  	_ =	swait.ge [sflag:s30], $0xC800  }
0x36b: {  	[sflag:s30] =	ssyncset.done $0x0  }
0x36c: {  	s5 =	sadd.s32 $0x20, s5;
	v1 =	vlaneseq.u32;
	s3 =	sadd.s32 $0x1900, s3;
	[sflag:s30] =	ssyncadd.s32 $0xFFFF3800  }
0x36d: {  	s3 =	sld [smem:$0x7E5]  }
0x36e: {  	s0 =	sld [smem:$0x7F4];
	_ =	sdelay $0x1  }
0x36f: {  	s3 =	sadd.s32 $0x1, s3  }
0x370: {  	p1 =	sne.s32 s3, s0  }
.Ltmp1:
0x371: {  	_ = 	snop;
	(pc) =	sbr.rel @p1 .LBB2_1-.Ltmp1, $1  }
0x372: {  	_ =	sdelay $0x3  }
0x373: {  	_ =	sfence.sel $0x180000  }
0x374: {  	[bflag:$0x0] =	sbarrier.arrive $0xFFFF  }
0x375: {  	_ =	strace $0x90000047  }
0x376: {  	[bflag:$0x2] =	sbarrier.arrive $0xFFFF  }
0x377: {  	s0 =	rddreg [dreg:$0x3]  }
0x378: {  	s0 =	sadd.s32 @!p0 $0x100000, s0  }
0x379: {  	[sflag:s0] =	ssyncadd.tile.s32 @!p0 $0x1;
	_ =	shalt  }
.Lfunc_end2:
_tile_overlayer_lowered:
.L_overlay_start_2:
0x37a: {  	(tag) =	ssettag $0x2  }
0x37b: {  	s0 =	rddreg [dreg:$0x0];
	s2 =	stileid.u32  }
0x37c: {  	s1 =	rddreg [dreg:$0x1];
	p0 =	sne.s32 s2, $0x0  }
0x37d: {  	s3 =	rddreg [dreg:$0x2];
	[bflag:$0x3] =	sbarrier.arrive $0xFFFF;
	s2 =	simm.s32 @!p0 $0x1C02  }
0x37e: {  	[timem:s3], [sflag:s2] =	dma.local @!p0 [hbm:s0], s1  }
0x37f: {  	s0 =	simm.s32 @!p0 $0x2  }
0x380: {  	_ =	swait.ge @!p0 [sflag:s0], s1  }
0x381: {  	s1 =	ssub.s32 @!p0 $0x0, s1;
	[sflag:s0] =	ssyncset.done @!p0 $0x0  }
0x382: {  	[sflag:s0] =	ssyncadd.s32 @!p0 s1  }
0x383: {  	[bflag:$0x3] =	sbarrier.arrive $0xFFFF  }
0x384: {  	_ =	shalt  }

// kernel: sparse-core-data-format-call.cloned.1.call-start
scs
called_computation_lowered:
.L_overlay_start_0:
0x0: {  	s2 =	sld [smem:$0x3FD9]  }
0x1: {  	s3 =	sld [smem:$0x3FFE];
	_ =	sdelay $0x1  }
0x2: {  	s1 =	srdreg.scid  }
0x3: {  	s0 =	sand.u32 $0x1, s1  }
0x4: {  	s18 =	sshll.u32 s0, $0xA;
	s2 =	sadd.s32 s3, s2  }
0x5: {  	s2 =	sadd.s32 s2, s18  }
0x6: {  	[smem:$0x3FC6] =	sst s2  }
0x7: {  	_ = 	snop  }
0x8: {  	s2 =	sld [smem:$0x3FD0];
	(tm) =	ssettm $0x1  }
0x9: {  	s19 =	sld [smem:$0x3FFB];
	_ =	sdelay $0x3  }
0xa: {  	_ =	strace s19  }
0xb: {  	s3 =	sld [smem:$0x3FFC];
	_ =	sdelay $0x3  }
0xc: {  	_ =	strace s3  }
0xd: {  	s3 =	sld [smem:$0x3FFD];
	_ =	sdelay $0x3  }
0xe: {  	_ =	strace s3  }
0xf: {  	_ =	strace $0x8FFFFFFF  }
0x10: {  	s20 =	sld [smem:$0x3FDB];
	_ =	sdelay $0x1  }
0x11: {  	s4 =	simm.s32 $_scs_section_size  }
0x12: {  	s5 =	simm.s32 $_size__tile_overlayer_lowered;
	s6 =	simm.s32 $_tile_overlayer_lowered  }
0x13: {  	s23 =	simm.s32 $0x1BFF;
	s22 =	sshll.u32 s6, $0x1;
	s3 =	sadd.s32 s4, s20  }
0x14: {  	s7 =	simm.s32 $0x0;
	s21 =	sshll.u32 s5, $0x1;
	s5 =	sadd.s32 s22, s3  }
0x15: {  	[timem:s7], [sflag:s23] =	dma.local [hbm:s5], s21  }
0x16: {  	_ =	swait.ge [sflag:s23], s21  }
0x17: {  	s4 =	ssub.s32 $0x0, s21;
	[sflag:s23] =	ssyncset.done $0x0  }
0x18: {  	[sflag:s23] =	ssyncadd.s32 s4;
	_ =	sdelay $0x1  }
0x19: {  	s24 =	simm.s32 $0x1B8B  }
0x1a: {  	_ =	swait.ge [sflag:s24], $0x1  }
0x1b: {  	[sflag:s24] =	ssyncset.done $0x0  }
0x1c: {  	s26 =	simm.s32 $0x1B8E;
	s25 =	sld [smem:$0x3FFE];
	[sflag:s24] =	ssyncadd.s32 $0xFFFFFFFF  }
0x1d: {  	s27 =	simm.s32 $execute0_lowered;
	[smem:$0x3FD2] =	sst s26  }
0x1e: {  	s5 =	sshll.u32 s27, $0x1;
	_ =	strace $0x80000049;
	[dreg:$0x1] =	wrdreg $0xFFFFFFFF  }
0x1f: {  	s28 =	simm.s32 $_size_execute0_lowered;
	s3 =	sadd.s32 s3, s5;
	[dreg:$0x0] =	wrdreg $0x0  }
0x20: {  	s5 =	sshll.u32 s28, $0x1;
	[dreg:$0x2] =	wrdreg s3  }
0x21: {  	[dreg:$0x3] =	wrdreg s5  }
0x22: {  	[dreg:$0x4] =	wrdreg $0xC0  }
0x23: {  	_ =	task [dreg:s7], $0x5FFFF  }
0x24: {  	[dreg:$0x1] =	wrdreg $0xFFFFFFFF  }
0x25: {  	[dreg:$0x0] =	wrdreg $0x60  }
0x26: {  	[dreg:$0x2] =	wrdreg s25  }
0x27: {  	[dreg:$0x3] =	wrdreg s2  }
0x28: {  	[dreg:$0x4] =	wrdreg $0x9  }
0x29: {  	_ =	task.clear_ibuf [dreg:s7], $0x5FFFF;
	_ =	strace $0x90000049  }
0x2a: {  	s29 =	simm.s32 $0x9;
	_ =	strace $0x8000004B  }
0x2b: {  	_ =	swait.ge [sflag:s29], $0x1  }
0x2c: {  	[sflag:s29] =	ssyncadd.s32 $0xFFFFFFFF  }
0x2d: {  	_ =	strace $0x9000004B  }
0x2e: {  	_ =	sfence  }
0x2f: {  	s30 =	sld [smem:$0x0];
	_ =	sdelay $0x2  }
0x30: {  	s31 =	sshll.u32 s1, $0xD;
	s1 =	sshrl.u32 s1, $0x2  }
0x31: {  	s3 =	sand.u32 $0x4000, s31;
	s1 =	sadd.s32 s1, s30  }
0x32: {  	s0 =	sor.u32 s3, s0;
	s1 =	sshll.u32 s1, $0x11  }
0x33: {  	s0 =	sor.u32 s1, s0  }
0x34: {  	s0 =	sadd.s32 $0x8F2B, s0  }
0x35: {  	[sflag:s0] =	ssyncadd.remote.s32 $0x1  }
0x36: {  	_ =	sfence.sel $0xFFFF  }
0x37: {  	[dreg:$0x0] =	wrdreg $0xFFFFFFFF;
	(pc) =	sbr.abs _section_cstart, $3  }
0x38: {  	[dreg:$0x1] =	wrdreg $0xFFFFFFFF  }
0x39: {  	_ =	task.clear_ibuf [dreg:s7], $0x2FFFF;
	_ =	strace $0x9FFFFFFF  }
0x3a: {  	(tm) =	ssettm $0x7FFFFFFF  }
0x3b: {  	_ =	shalt  }
tec
execute0_lowered:
.L_overlay_start_1:
0x0: {  	(tag) =	ssettag $0x1  }
0x1: {  	s0 =	srdreg.scid  }
0x2: {  	s1 =	sshll.u32 s0, $0x4  }
0x3: {  	s0 =	stileid.u32;
	s1 =	sand.u32 $0x10, s1  }
0x4: {  	s1 =	sor.u32 s0, s1  }
0x5: {  	s6 =	rddreg [dreg:$0x0];
	s4 =	simm.s32 $0x1;
	s2 =	sshll.u32 s1, $0x7  }
0x6: {  	s7 =	simm.s32 $0x2;
	s12 =	simm.s32 $0x0;
	s1 =	ssub.s32 $0x4000, s2  }
0x7: {  	s8 =	simm.s32 $0x20000;
	s13 =	simm.s32 $0x0;
	s3 =	sand.u32 $0xF80, s1  }
0x8: {  	s9 =	simm.s32 $0x0;
	s5 =	sshrl.u32 s1, $0xC;
	p0 =	sne.s32 s3, $0x0  }
.Ltmp0:
0x9: {  	s1 =	rddreg [dreg:$0x2];
	s4 =	simm.s32 @!p0 $0x0;
	(pc) =	sbr.rel .LBB1_1-.Ltmp0, $4  }
0xa: {  	s11 =	simm.s32 $0x0;
	s3 =	rddreg [dreg:$0x1];
	s5 =	sadd.s32 s4, s5  }
0xb: {  	_ =	strace $0x8000004A;
	s4 =	simm.s32 $0x1;
	s5 =	smul.u32 $0x64, s5  }
0xc: {  	s6 =	sadd.s32 $0xA00, s6;
	s10 =	smov.u32 s2;
	[sflag:s4] =	ssyncpa.u1 $0x0  }
0xd: {  	p0 =	por $0x0, $0x0;
	[sflag:s7] =	ssyncpa.u1 $0x0;
	s7 =	sor.u32 $0x1, s5  }
.LBB1_4:
0xe: {  	s16 =	sshll.u32 s13, $0x3;
	s17 =	sand.u32 $0x78, s13  }
0xf: {  	s30 =	sand.u32 $0x7800, s13;
	s12 =	sshll.u32 s12, $0xF;
	s16 =	sand.u32 $0x3C00, s16  }
0x10: {  	s31 =	sand.u32 $0x7, s13;
	s16 =	sor.u32 s17, s16;
	s17 =	sadd.s32 s3, s30  }
0x11: {  	s13 =	sshll.u32 s31, $0x12;
	s16 =	sshrl.u32 s16, $0x3;
	s12 =	sadd.s32 s12, s17  }
0x12: {  	[tilespmem:s15+$0x0 ss:$0x81] =	vst.msk $0xffff, v1;
	s13 =	sor.u32 $0x400, s13;
	s12 =	sadd.s32 s16, s12  }
0x13: {  	[hbm4b:s12+s13] =	stream.strided.scatter [tilespmem:s14], [sflag:$0x2], $0x800, s8, s13, $0x20;
	[tilespmem:$0x2020] =	vst v63  }
.LBB1_5:
0x14: {  	s14 =	sadd.s32 $0x1, s9  }
0x15: {  	s12 =	sadd.s32 $0x1000, s10;
	s16 =	smov.u32 s10;
	p2 =	sgt.s32 s14, $0x63  }
0x16: {  	s16 =	smov.u32 @p2 s12  }
0x17: {  	s14 =	simm.s32 @p2 $0x0;
	p2 =	sgt.s32 s16, $0x3FFF  }
0x18: {  	s16 =	smov.u32 @p2 s2;
	p2 =	sne.s32 s11, s7  }
.Ltmp1:
0x19: {  	p1 =	slt.u32 s11, $0x2;
	(pc) =	sbr.rel @!p2 .LBB1_6-.Ltmp1, $4  }
0x1a: {  	s15 =	simm.s32 @!p1 $0x2  }
0x1b: {  	s13 =	smov.u32 s10;
	p0 =	por !p0, !p0;
	_ =	swait.ge @!p1 [sflag:s15], $0x800  }
0x1c: {  	s12 =	smov.u32 s9;
	[sflag:s15] =	ssyncset.done @!p1 $0x0;
	s9 =	smov.u32 s14  }
0x1d: {  	s11 =	sadd.s32 $0x1, s11;
	[sflag:s15] =	ssyncadd.s32 @!p1 $0xFFFFF800;
	s10 =	smov.u32 s16  }
.LBB1_1:
0x1e: {  	p1 =	sge.u32 s11, s5  }
0x1f: {  	s14 =	sand.u32 @!p1 $0x1FFFFFF, s9  }
0x20: {  	s15 =	smulhi.u32 @!p1 $0x2762763, s14;
	_ =	sdelay $0x1  }
0x21: {  	s15 =	smul.u32 @!p1 $0x68, s15  }
0x22: {  	s16 =	sxor.u32 @!p1 $0xFFFFFFFF, s11;
	s17 =	smul.u32 @!p1 $0x680, s10  }
0x23: {  	s31 =	sadd.s32 $0xFFFFFFFF, s11;
	s16 =	sshll.u32 @!p1 s16, $0xB;
	s14 =	ssub.s32 @!p1 s14, s15  }
0x24: {  	s15 =	sand.u32 @!p1 $0x800, s16;
	s16 =	sadd.s32 @!p1 s6, s17;
	s14 =	sshll.u32 @!p1 s14, $0x4  }
0x25: {  	s17 =	simm.s32 @!p1 $0x3400;
	s14 =	sadd.s32 @!p1 s14, s16;
	s16 =	simm.s32 @!p1 $0x10  }
0x26: {  	[tilespmem:s15], [sflag:$0x1] =	stream.strided.gather @!p1 [hbm4b:s14+s16], $0x800, s17, s16, $0x38;
	[tilespmem:$0x2020] =	vst v63  }
0x27: {  	p1 =	sge.u32 s31, s5  }
.Ltmp2:
0x28: {  	_ = 	snop;
	(pc) =	sbr.rel @p1 .LBB1_5-.Ltmp2, $1  }
0x29: {  	_ =	sdelay $0x3  }
0x2a: {  	s14 =	simm.s32 $0x1  }
0x2b: {  	s14 =	simm.s32 @!p0 $0x0  }
0x2c: {  	s15 =	sshll.u32 s14, $0xB  }
0x2d: {  	v0 =	vmov s15;
	_ =	sdelay $0x1  }
0x2e: {  	_ =	swait.ge [sflag:s4], $0x800  }
0x2f: {  	s31 =	sand.u32 $0x1, s11;
	[sflag:s4] =	ssyncset.done $0x0  }
0x30: {  	s17 =	simm.s32 $0x0;
	s14 =	smul.u32 $0x2040, s14;
	[sflag:s4] =	ssyncadd.s32 $0xFFFFF800  }
0x31: {  	s15 =	smul.u32 $0x2040, s31;
	v1 =	vld.idx.msk [tilespmem:v0+s17+$0x0 ss:$0x1], $0xffff;
	_ =	sdelay $0x1  }
0x32: {  	s14 =	sshrl.u32 s14, $0x2;
	s16 =	sshrl.u32 s15, $0x2  }
0x33: {  	s15 =	sor.u32 $0x1000, s14;
	s14 =	sor.u32 $0x1000, s16;
	s16 =	simm.s32 $0x40  }
.LBB1_3:
0x34: {  	s17 =	sshra.s32 s16, $0x2;
	p1 =	sne.s32 s16, $0x1FC0;
	s16 =	sadd.s32 $0x40, s16  }
.Ltmp3:
0x35: {  	[tilespmem:s15+$0x0 ss:$0x81] =	vst.msk $0xffff, v1;
	v1 =	vld.idx.msk [tilespmem:v0+s17+$0x0 ss:$0x1], $0xffff;
	(pc) =	sbr.rel @p1 .LBB1_3-.Ltmp3, $2  }
0x36: {  	_ =	sdelay $0x2  }
0x37: {  	s15 =	sadd.s32 $0x1, s15  }
.Ltmp4:
0x38: {  	_ = 	snop;
	(pc) =	sbr.rel .LBB1_4-.Ltmp4, $1  }
0x39: {  	_ =	sdelay $0x3  }
.LBB1_6:
0x3a: {  	_ =	sfence.sel $0x180000  }
0x3b: {  	s2 =	simm.s32 $0x1;
	[bflag:$0x0] =	sbarrier.arrive $0xFFFF  }
0x3c: {  	s31 =	simm.s32 $0x2;
	[sflag:s2] =	ssyncpa.u1 $0x1  }
0x3d: {  	[sflag:s31] =	ssyncpa.u1 $0x1  }
0x3e: {  	p0 =	sne.s32 s0, $0x0;
	_ =	strace $0x9000004A  }
0x3f: {  	s0 =	sadd.s32 @!p0 $0x100000, s1;
	[bflag:$0x2] =	sbarrier.arrive $0xFFFF  }
0x40: {  	[sflag:s0] =	ssyncadd.tile.s32 @!p0 $0x1;
	_ =	shalt  }
.Lfunc_end1:
_tile_overlayer_lowered:
.L_overlay_start_2:
0x41: {  	(tag) =	ssettag $0x2  }
0x42: {  	s0 =	rddreg [dreg:$0x0];
	s2 =	stileid.u32  }
0x43: {  	s1 =	rddreg [dreg:$0x1];
	p0 =	sne.s32 s2, $0x0  }
0x44: {  	s3 =	rddreg [dreg:$0x2];
	[bflag:$0x3] =	sbarrier.arrive $0xFFFF;
	s2 =	simm.s32 @!p0 $0x1C01  }
0x45: {  	[timem:s3], [sflag:s2] =	dma.local @!p0 [hbm:s0], s1  }
0x46: {  	s0 =	simm.s32 @!p0 $0x1  }
0x47: {  	_ =	swait.ge @!p0 [sflag:s0], s1  }
0x48: {  	s1 =	ssub.s32 @!p0 $0x0, s1;
	[sflag:s0] =	ssyncset.done @!p0 $0x0  }
0x49: {  	[sflag:s0] =	ssyncadd.s32 @!p0 s1  }
0x4a: {  	[bflag:$0x3] =	sbarrier.arrive $0xFFFF  }
0x4b: {  	_ =	shalt  }

</sc_bundles>
